<compile_context>
chip_gen: v7x
topology: tpu7x:2x2x1
jax: 0.10.2.dev20260603
libtpu: 0.0.44.dev20260713+nightly
codegen_flags: <defaults>
</compile_context>

<pallas_src>
import functools

import jax
import jax.numpy as jnp
from jax import lax
from jax.experimental import pallas as pl
from jax.experimental.pallas import tpu as pltpu
from jax.experimental.pallas import tpu_sc as plsc

N = 10000
E = 320000
D = 128
DH = 64
DG = 16

NC = 2
NS = 16
B = 80
EPT = E // NS
NB = EPT // B
NP = 10240
S = 6
F = 4

_ROWBLK = 2000
_GRID = N // _ROWBLK
_PB = _ROWBLK // 2


def _make_sc_agg(with_deg):
  mesh = plsc.VectorSubcoreMesh(
      core_axis_name="c", subcore_axis_name="s", num_cores=NC, num_subcores=NS)

  out_type = [jax.ShapeDtypeStruct((NC, NP, DH), jnp.float32)]
  scratch = [
      pltpu.VMEM((NB, B), jnp.int32),
      pltpu.VMEM((NB, B), jnp.int32),
      [pltpu.VMEM((B, DH), jnp.float32) for _ in range(S)],
      [pltpu.SemaphoreType.DMA for _ in range(S)],
      [pltpu.SemaphoreType.DMA for _ in range(S)],
      pltpu.VMEM((64, DH), jnp.float32),
      pltpu.VMEM_SHARED((NP, DH), jnp.float32),
  ]
  if with_deg:
    out_type.append(jax.ShapeDtypeStruct((NC, NP, DH), jnp.float32))
    scratch += [
        pltpu.VMEM((B, DG), jnp.float32),
        pltpu.VMEM((64, DG), jnp.float32),
        pltpu.VMEM((64, DG), jnp.float32),
        pltpu.VMEM_SHARED((NP, DG), jnp.float32),
        pltpu.SemaphoreType.DMA,
    ]

  @functools.partial(
      pl.kernel,
      out_type=tuple(out_type) if with_deg else out_type[0],
      mesh=mesh,
      compiler_params=pltpu.CompilerParams(use_tc_tiling_on_sc=False),
      scratch_types=scratch,
  )
  def agg(*refs):
    if with_deg:
      (h2_hbm, eidx_hbm, onesz_hbm, out_hbm, dbc_hbm,
       src_v, dst_v, rows, gsems, ssems, zbuf, acc,
       ones_v, zdeg_v, dback, degacc, dsem) = refs
    else:
      (h2_hbm, eidx_hbm, out_hbm,
       src_v, dst_v, rows, gsems, ssems, zbuf, acc) = refs

    c = lax.axis_index("c")
    s = lax.axis_index("s")

    z16 = jnp.zeros((16,), jnp.float32)

    def zrow(i, carry):
      for j in range(DH // 16):
        zbuf[i, pl.ds(j * 16, 16)] = z16
      return carry

    lax.fori_loop(0, 64, zrow, 0)
    if with_deg:
      pltpu.sync_copy(onesz_hbm.at[0], ones_v)
      pltpu.sync_copy(onesz_hbm.at[1, pl.ds(0, 64)], zdeg_v)
    for j in range(10):
      r = s * 640 + j * 64
      pltpu.sync_copy(zbuf, acc.at[pl.ds(r, 64)])
      if with_deg:
        pltpu.sync_copy(zdeg_v, degacc.at[pl.ds(r, 64)])
    plsc.subcore_barrier()

    pltpu.sync_copy(eidx_hbm.at[0, s], src_v)
    pltpu.sync_copy(eidx_hbm.at[1, s], dst_v)

    def tx(i, carry):
      for j in range(B // 16):
        sl = (i, pl.ds(j * 16, 16))
        src_v[sl] = src_v[sl] * 2 + c
      return carry

    lax.fori_loop(0, NB, tx, 0)

    if with_deg:
      dlo = c * (NB // 2)
      dhi = (c + 1) * (NB // 2)

    def visit(i, r, guard_ssem):
      r2 = (r + F) % S
      wait_sc = lambda: pltpu.make_async_copy(
          rows[r2], acc.at[dst_v.at[i + F - S]], ssems[r2]).wait()
      if guard_ssem:
        pl.when(i + F - S >= 0)(wait_sc)
      else:
        wait_sc()
      pltpu.async_copy(h2_hbm.at[src_v.at[i + F]], rows[r2], gsems[r2])
      pltpu.make_async_copy(h2_hbm.at[src_v.at[i]], rows[r], gsems[r]).wait()
      pltpu.async_copy(rows[r], acc.at[dst_v.at[i]], ssems[r], add=True)
      if with_deg:
        def _fire_deg(i=i):
          pltpu.async_copy(ones_v, degacc.at[dst_v.at[i]], dsem, add=True)

        pl.when((i >= dlo) & (i < dhi))(_fire_deg)

    for j in range(F):
      pltpu.async_copy(h2_hbm.at[src_v.at[j]], rows[j], gsems[j])

    nloop = (NB - F) // S

    def body(g, carry):
      for r in range(S):
        visit(S * g + r, r, guard_ssem=True)
      return carry

    lax.fori_loop(0, nloop, body, 0)

    for i in range(S * nloop, NB):
      r = i % S
      pltpu.make_async_copy(h2_hbm.at[src_v.at[i]], rows[r], gsems[r]).wait()
      pltpu.async_copy(rows[r], acc.at[dst_v.at[i]], ssems[r], add=True)
      if with_deg:
        def _fire_deg(i=i):
          pltpu.async_copy(ones_v, degacc.at[dst_v.at[i]], dsem, add=True)

        pl.when((i >= dlo) & (i < dhi))(_fire_deg)

    for j in range(S * nloop + F - S, NB):
      rj = j % S
      pltpu.make_async_copy(rows[rj], acc.at[dst_v.at[j]], ssems[rj]).wait()

    if with_deg:
      def ddrain(i, carry):
        pltpu.make_async_copy(ones_v, degacc.at[dst_v.at[i]], dsem).wait()
        return carry

      lax.fori_loop(dlo, dhi, ddrain, 0)

    plsc.subcore_barrier()

    for j in range(10):
      r = s * 640 + j * 64
      pltpu.sync_copy(acc.at[pl.ds(r, 64)], out_hbm.at[c, pl.ds(r, 64)])
      if with_deg:
        pltpu.sync_copy(degacc.at[pl.ds(r, 64)], dback)

        def rrow(i, carry):
          v = dback[i, pl.ds(0, 16)]
          for k in range(DH // 16):
            zbuf[i, pl.ds(k * 16, 16)] = v
          return carry

        lax.fori_loop(0, 64, rrow, 0)
        pltpu.sync_copy(zbuf, dbc_hbm.at[c, pl.ds(r, 64)])

  return agg


_sc_agg_deg = _make_sc_agg(True)
_sc_agg = _make_sc_agg(False)


def _tc_pre(x_ref, w_ref, b_ref, xs_ref, xn_ref):
  y = jnp.dot(x_ref[...], w_ref[...], preferred_element_type=jnp.float32)
  xs_ref[...] = y[:, :D] + b_ref[...]
  xn_ref[...] = y[:, D:]


def _tc_mid(xs_ref, p0_ref, p1_ref, d0_ref, d1_ref, w_ref, b_ref,
            xs2_ref, xn2_ref):
  p0 = p0_ref[0]
  p1 = p1_ref[0]
  rd = 1.0 / jnp.maximum(d0_ref[0] + d1_ref[0], 1.0)
  neigh = jnp.concatenate(
      [p0[:, :DH], p1[:, :DH], p0[:, DH:], p1[:, DH:]], axis=1)
  rd2 = jnp.concatenate(
      [rd[:, :DH], rd[:, :DH], rd[:, DH:], rd[:, DH:]], axis=1)
  h1 = jnp.maximum(xs_ref[...] + neigh * rd2, 0.0)
  w = w_ref[...]
  ye = jnp.dot(h1[:, :D], w, preferred_element_type=jnp.float32)
  yo = jnp.dot(h1[:, D:], w, preferred_element_type=jnp.float32)
  xs2_ref[...] = jnp.concatenate([ye[:, :D], yo[:, :D]], axis=1) + b_ref[...]
  xn2_ref[...] = jnp.concatenate([ye[:, D:], yo[:, D:]], axis=1)


def _tc_post(xs2_ref, q0_ref, q1_ref, d0_ref, d1_ref, out_ref):
  q0 = q0_ref[0]
  q1 = q1_ref[0]
  rd = 1.0 / jnp.maximum(d0_ref[0] + d1_ref[0], 1.0)
  neigh = jnp.concatenate(
      [q0[:, :DH], q1[:, :DH], q0[:, DH:], q1[:, DH:]], axis=1)
  rd2 = jnp.concatenate(
      [rd[:, :DH], rd[:, :DH], rd[:, DH:], rd[:, DH:]], axis=1)
  out_ref[...] = xs2_ref[...] + neigh * rd2


def _row_spec(cols):
  return pl.BlockSpec((_ROWBLK, cols), lambda i: (i, 0))


def _prow_spec(cols):
  return pl.BlockSpec((_PB, cols), lambda i: (i, 0))


def _pair_spec(core):
  return pl.BlockSpec((1, _PB, D), lambda i, c=core: (c, i, 0))


_W_SPEC = pl.BlockSpec((D, 2 * D), lambda i: (0, 0))
_W2_SPEC = pl.BlockSpec((2 * D, 4 * D), lambda i: (0, 0))
_B_SPEC = pl.BlockSpec((1, D), lambda i: (0, 0))
_B2_SPEC = pl.BlockSpec((1, 2 * D), lambda i: (0, 0))


def kernel(x, edge_index, W_self1, W_neigh1, b1, W_self2, W_neigh2, b2):
  eidx = edge_index.reshape(2, NS, NB, B)
  w1 = jnp.concatenate([W_self1, W_neigh1], axis=1)
  w2 = jnp.concatenate([W_self2, W_neigh2], axis=1)
  b1r = b1.reshape(1, D)
  b2r = jnp.concatenate([b2, b2]).reshape(1, 2 * D)
  onesz = jnp.stack([jnp.ones((B, DG), jnp.float32),
                     jnp.zeros((B, DG), jnp.float32)])

  xs1, xn1 = pl.pallas_call(
      _tc_pre,
      grid=(_GRID,),
      in_specs=[_row_spec(D), _W_SPEC, _B_SPEC],
      out_specs=[_row_spec(D), _row_spec(D)],
      out_shape=[
          jax.ShapeDtypeStruct((N, D), jnp.float32),
          jax.ShapeDtypeStruct((N, D), jnp.float32),
      ],
  )(x, w1, b1r)

  p, dbc = _sc_agg_deg(xn1.reshape(2 * N, DH), eidx, onesz)
  pp = p.reshape(NC, NP // 2, D)
  dbp = dbc.reshape(NC, NP // 2, D)
  xs1p = xs1.reshape(N // 2, 2 * D)

  xs2p, xn2p = pl.pallas_call(
      _tc_mid,
      grid=(_GRID,),
      in_specs=[_prow_spec(2 * D), _pair_spec(0), _pair_spec(1),
                _pair_spec(0), _pair_spec(1), _W_SPEC, _B2_SPEC],
      out_specs=[_prow_spec(2 * D), _prow_spec(2 * D)],
      out_shape=[
          jax.ShapeDtypeStruct((N // 2, 2 * D), jnp.float32),
          jax.ShapeDtypeStruct((N // 2, 2 * D), jnp.float32),
      ],
  )(xs1p, pp, pp, dbp, dbp, w2, b2r)

  q = _sc_agg(xn2p.reshape(2 * N, DH), eidx)
  qq = q.reshape(NC, NP // 2, D)

  outp = pl.pallas_call(
      _tc_post,
      grid=(_GRID,),
      in_specs=[_prow_spec(2 * D), _pair_spec(0), _pair_spec(1),
                _pair_spec(0), _pair_spec(1)],
      out_specs=_prow_spec(2 * D),
      out_shape=jax.ShapeDtypeStruct((N // 2, 2 * D), jnp.float32),
  )(xs2p, qq, qq, dbp, dbp)

  return outp.reshape(N, D)

# --- scband reference (transcript-rebuilt; emitter-appended) ---
"""Pipeline reference for scband-graph-sage-17016660426784 (READ-ONLY COPY).

The authoritative reference and input builder live on the scoring server;
editing this copy changes nothing except your own understanding.
"""

import jax, jax.numpy as jnp
import numpy as np

N = 10000
E = 320000
D = 128


def setup_inputs(seed: int = 0) -> dict:
    key = jax.random.key(seed)
    ks = jax.random.split(key, 8)
    x = jax.random.normal(ks[0], (N, D), dtype=jnp.float32)
    edge_index = jax.random.randint(ks[1], (2, E), 0, N, dtype=jnp.int32)
    scale = 1.0 / np.sqrt(D)
    W_self1 = jax.random.normal(ks[2], (D, D), dtype=jnp.float32) * scale
    W_neigh1 = jax.random.normal(ks[3], (D, D), dtype=jnp.float32) * scale
    b1 = jnp.zeros((D,), dtype=jnp.float32)
    W_self2 = jax.random.normal(ks[4], (D, D), dtype=jnp.float32) * scale
    W_neigh2 = jax.random.normal(ks[5], (D, D), dtype=jnp.float32) * scale
    b2 = jnp.zeros((D,), dtype=jnp.float32)
    return {"x": x, "edge_index": edge_index, "W_self1": W_self1, "W_neigh1": W_neigh1, "b1": b1, "W_self2": W_self2, "W_neigh2": W_neigh2, "b2": b2}


def _sage_layer(h, src, dst, W_self, W_neigh, b, apply_relu):
    # DGL SAGEConv 'mean' aggregator: mean over in-neighbors (messages src -> dst)
    msg = h[src]  # gather [E, D]
    agg = jax.ops.segment_sum(msg, dst, num_segments=N)  # scatter-add [N, D]
    deg = jax.ops.segment_sum(jnp.ones((src.shape[0], 1), dtype=h.dtype), dst, num_segments=N)
    h_neigh = agg / jnp.maximum(deg, 1.0)
    out = h @ W_self + h_neigh @ W_neigh + b
    if apply_relu:
        out = jax.nn.relu(out)
    return out


def reference(x, edge_index, W_self1, W_neigh1, b1, W_self2, W_neigh2, b2):
    src = edge_index[0]
    dst = edge_index[1]
    h = _sage_layer(x, src, dst, W_self1, W_neigh1, b1, True)
    # dropout p=0.0 -> identity (eval semantics)
    h = _sage_layer(h, src, dst, W_self2, W_neigh2, b2, False)
    return h

if __name__ == "__main__":
    import jax
    _d = setup_inputs()
    print(jax.jit(kernel)(*tuple(_d.values())))

</pallas_src>

<mosaic_0001>
#map = affine_map<(d0, d1) -> (0, 0)>
#map1 = affine_map<(d0, d1) -> (0, 0, 0, 0)>
#map2 = affine_map<(d0, d1) -> (0, 0, 0)>
module attributes {stable_mosaic.version = 14 : i64} {
  func.func @agg(%arg0: i32, %arg1: i32, %arg2: memref<20000x64xf32, #tpu.memory_space<hbm>>, %arg3: memref<2x16x250x80xi32, #tpu.memory_space<hbm>>, %arg4: memref<2x10240x64xf32, #tpu.memory_space<hbm>>, %arg5: memref<250x80xi32, #tpu.memory_space<vmem>>, %arg6: memref<250x80xi32, #tpu.memory_space<vmem>>, %arg7: memref<80x64xf32, #tpu.memory_space<vmem>>, %arg8: memref<80x64xf32, #tpu.memory_space<vmem>>, %arg9: memref<80x64xf32, #tpu.memory_space<vmem>>, %arg10: memref<80x64xf32, #tpu.memory_space<vmem>>, %arg11: memref<80x64xf32, #tpu.memory_space<vmem>>, %arg12: memref<80x64xf32, #tpu.memory_space<vmem>>, %arg13: memref<!tpu.dma_semaphore, #tpu.memory_space<semaphore_mem>>, %arg14: memref<!tpu.dma_semaphore, #tpu.memory_space<semaphore_mem>>, %arg15: memref<!tpu.dma_semaphore, #tpu.memory_space<semaphore_mem>>, %arg16: memref<!tpu.dma_semaphore, #tpu.memory_space<semaphore_mem>>, %arg17: memref<!tpu.dma_semaphore, #tpu.memory_space<semaphore_mem>>, %arg18: memref<!tpu.dma_semaphore, #tpu.memory_space<semaphore_mem>>, %arg19: memref<!tpu.dma_semaphore, #tpu.memory_space<semaphore_mem>>, %arg20: memref<!tpu.dma_semaphore, #tpu.memory_space<semaphore_mem>>, %arg21: memref<!tpu.dma_semaphore, #tpu.memory_space<semaphore_mem>>, %arg22: memref<!tpu.dma_semaphore, #tpu.memory_space<semaphore_mem>>, %arg23: memref<!tpu.dma_semaphore, #tpu.memory_space<semaphore_mem>>, %arg24: memref<!tpu.dma_semaphore, #tpu.memory_space<semaphore_mem>>, %arg25: memref<64x64xf32, #tpu.memory_space<vmem>>, %arg26: memref<10240x64xf32, #tpu.memory_space<vmem_shared>>) attributes {dimension_semantics = [#tpu.dimension_semantics<core_parallel>, #tpu.dimension_semantics<subcore_parallel>], iteration_bounds = array<i64: 2, 16>, scalar_prefetch = 0 : i64, scratch_operands = 22 : i64, tpu.core_type = #tpu.core_type<sc_vector_subcore>, window_params = [{transform_indices = #map}, {transform_indices = #map1}, {transform_indices = #map2}]} {
    %broadcast_in_dim3A = arith.constant 0.000000e+00 : f32
    %broadcast_in_dim3A_0 = vector.broadcast %broadcast_in_dim3A : f32 to vector<16xf32>
    %scan3A = arith.constant 0 : i32
    %scan3A_1 = arith.constant 0 : i32
    %scan3A_2 = arith.constant 64 : i32
    %scan3A_3 = arith.addi %scan3A_1, %scan3A_2 : i32
    %scan3A_4 = arith.constant 1 : i32
    scf.for %scan3A_222 = %scan3A_1 to %scan3A_3 step %scan3A_4  : i32 {
      %swap3A = arith.index_cast %scan3A_222 : i32 to index
      %swap3A_223 = arith.constant 0 : index
      %swap3A_224 = tpu.vector_load %arg25[%swap3A, %swap3A_223] {strides = array<i32>} : memref<64x64xf32, #tpu.memory_space<vmem>>, vector<1x16xf32>,
      %swap3A_225 = vector.shape_cast %swap3A_224 : vector<1x16xf32> to vector<16xf32>
      %swap3A_226 = vector.shape_cast %broadcast_in_dim3A_0 : vector<16xf32> to vector<1x16xf32>
      tpu.vector_store %arg25[%swap3A, %swap3A_223], %swap3A_226 {strides = array<i32>} : memref<64x64xf32, #tpu.memory_space<vmem>>, vector<1x16xf32>,
      %swap3A_227 = arith.index_cast %scan3A_222 : i32 to index
      %swap3A_228 = arith.constant 16 : index
      %swap3A_229 = tpu.vector_load %arg25[%swap3A_227, %swap3A_228] {strides = array<i32>} : memref<64x64xf32, #tpu.memory_space<vmem>>, vector<1x16xf32>,
      %swap3A_230 = vector.shape_cast %swap3A_229 : vector<1x16xf32> to vector<16xf32>
      %swap3A_231 = vector.shape_cast %broadcast_in_dim3A_0 : vector<16xf32> to vector<1x16xf32>
      tpu.vector_store %arg25[%swap3A_227, %swap3A_228], %swap3A_231 {strides = array<i32>} : memref<64x64xf32, #tpu.memory_space<vmem>>, vector<1x16xf32>,
      %swap3A_232 = arith.index_cast %scan3A_222 : i32 to index
      %swap3A_233 = arith.constant 32 : index
      %swap3A_234 = tpu.vector_load %arg25[%swap3A_232, %swap3A_233] {strides = array<i32>} : memref<64x64xf32, #tpu.memory_space<vmem>>, vector<1x16xf32>,
      %swap3A_235 = vector.shape_cast %swap3A_234 : vector<1x16xf32> to vector<16xf32>
      %swap3A_236 = vector.shape_cast %broadcast_in_dim3A_0 : vector<16xf32> to vector<1x16xf32>
      tpu.vector_store %arg25[%swap3A_232, %swap3A_233], %swap3A_236 {strides = array<i32>} : memref<64x64xf32, #tpu.memory_space<vmem>>, vector<1x16xf32>,
      %swap3A_237 = arith.index_cast %scan3A_222 : i32 to index
      %swap3A_238 = arith.constant 48 : index
      %swap3A_239 = tpu.vector_load %arg25[%swap3A_237, %swap3A_238] {strides = array<i32>} : memref<64x64xf32, #tpu.memory_space<vmem>>, vector<1x16xf32>,
      %swap3A_240 = vector.shape_cast %swap3A_239 : vector<1x16xf32> to vector<16xf32>
      %swap3A_241 = vector.shape_cast %broadcast_in_dim3A_0 : vector<16xf32> to vector<1x16xf32>
      tpu.vector_store %arg25[%swap3A_237, %swap3A_238], %swap3A_241 {strides = array<i32>} : memref<64x64xf32, #tpu.memory_space<vmem>>, vector<1x16xf32>,
    }
    %scan3A_5 = arith.constant 64 : i32
    %mul3A = arith.constant 640 : i32
    %mul3A_6 = arith.muli %arg1, %mul3A : i32
    %add3A = arith.constant 0 : i32
    %add3A_7 = arith.addi %mul3A_6, %add3A : i32
    "tpu.region"() ({
      %run_scoped3A_222 = tpu.sem_alloc : memref<!tpu.dma_semaphore, #tpu.memory_space<semaphore_mem>>
      %dma_start3A_223 = arith.constant 0 : i32
      %dma_start3A_224 = tpu.memref_slice %arg26[%add3A_7, %dma_start3A_223] : memref<10240x64xf32, #tpu.memory_space<vmem_shared>> -> memref<64x64xf32, #tpu.memory_space<vmem_shared>>
      %dma_start3A_225 = arith.constant 0 : i32
      %dma_start3A_226 = tpu.memref_slice %arg26[%add3A_7, %dma_start3A_225] : memref<10240x64xf32, #tpu.memory_space<vmem_shared>> -> memref<64x64xf32, #tpu.memory_space<vmem_shared>>
      tpu.enqueue_dma source(%arg25 : memref<64x64xf32, #tpu.memory_space<vmem>>) target(%dma_start3A_226 : memref<64x64xf32, #tpu.memory_space<vmem_shared>>) target_semaphore(%run_scoped3A_222 : memref<!tpu.dma_semaphore, #tpu.memory_space<semaphore_mem>>)
      %dma_wait3A_227 = arith.constant 0 : i32
      %dma_wait3A_228 = tpu.memref_slice %arg26[%add3A_7, %dma_wait3A_227] : memref<10240x64xf32, #tpu.memory_space<vmem_shared>> -> memref<64x64xf32, #tpu.memory_space<vmem_shared>>
      %dma_wait3A_229 = arith.constant 0 : i32
      %dma_wait3A_230 = tpu.memref_slice %arg26[%add3A_7, %dma_wait3A_229] : memref<10240x64xf32, #tpu.memory_space<vmem_shared>> -> memref<64x64xf32, #tpu.memory_space<vmem_shared>>
      tpu.wait_dma2 semaphore(%run_scoped3A_222 : memref<!tpu.dma_semaphore, #tpu.memory_space<semaphore_mem>>) src(%arg25 : memref<64x64xf32, #tpu.memory_space<vmem>>) dst(%dma_wait3A_230 : memref<64x64xf32, #tpu.memory_space<vmem_shared>>)
      tpu.yield
    }) : () -> ()
    %mul3A_8 = arith.constant 640 : i32
    %mul3A_9 = arith.muli %arg1, %mul3A_8 : i32
    %add3A_10 = arith.constant 64 : i32
    %add3A_11 = arith.addi %mul3A_9, %add3A_10 : i32
    "tpu.region"() ({
      %run_scoped3A_222 = tpu.sem_alloc : memref<!tpu.dma_semaphore, #tpu.memory_space<semaphore_mem>>
      %dma_start3A_223 = arith.constant 0 : i32
      %dma_start3A_224 = tpu.memref_slice %arg26[%add3A_11, %dma_start3A_223] : memref<10240x64xf32, #tpu.memory_space<vmem_shared>> -> memref<64x64xf32, #tpu.memory_space<vmem_shared>>
      %dma_start3A_225 = arith.constant 0 : i32
      %dma_start3A_226 = tpu.memref_slice %arg26[%add3A_11, %dma_start3A_225] : memref<10240x64xf32, #tpu.memory_space<vmem_shared>> -> memref<64x64xf32, #tpu.memory_space<vmem_shared>>
      tpu.enqueue_dma source(%arg25 : memref<64x64xf32, #tpu.memory_space<vmem>>) target(%dma_start3A_226 : memref<64x64xf32, #tpu.memory_space<vmem_shared>>) target_semaphore(%run_scoped3A_222 : memref<!tpu.dma_semaphore, #tpu.memory_space<semaphore_mem>>)
      %dma_wait3A_227 = arith.constant 0 : i32
      %dma_wait3A_228 = tpu.memref_slice %arg26[%add3A_11, %dma_wait3A_227] : memref<10240x64xf32, #tpu.memory_space<vmem_shared>> -> memref<64x64xf32, #tpu.memory_space<vmem_shared>>
      %dma_wait3A_229 = arith.constant 0 : i32
      %dma_wait3A_230 = tpu.memref_slice %arg26[%add3A_11, %dma_wait3A_229] : memref<10240x64xf32, #tpu.memory_space<vmem_shared>> -> memref<64x64xf32, #tpu.memory_space<vmem_shared>>
      tpu.wait_dma2 semaphore(%run_scoped3A_222 : memref<!tpu.dma_semaphore, #tpu.memory_space<semaphore_mem>>) src(%arg25 : memref<64x64xf32, #tpu.memory_space<vmem>>) dst(%dma_wait3A_230 : memref<64x64xf32, #tpu.memory_space<vmem_shared>>)
      tpu.yield
    }) : () -> ()
    %mul3A_12 = arith.constant 640 : i32
    %mul3A_13 = arith.muli %arg1, %mul3A_12 : i32
    %add3A_14 = arith.constant 128 : i32
    %add3A_15 = arith.addi %mul3A_13, %add3A_14 : i32
    "tpu.region"() ({
      %run_scoped3A_222 = tpu.sem_alloc : memref<!tpu.dma_semaphore, #tpu.memory_space<semaphore_mem>>
      %dma_start3A_223 = arith.constant 0 : i32
      %dma_start3A_224 = tpu.memref_slice %arg26[%add3A_15, %dma_start3A_223] : memref<10240x64xf32, #tpu.memory_space<vmem_shared>> -> memref<64x64xf32, #tpu.memory_space<vmem_shared>>
      %dma_start3A_225 = arith.constant 0 : i32
      %dma_start3A_226 = tpu.memref_slice %arg26[%add3A_15, %dma_start3A_225] : memref<10240x64xf32, #tpu.memory_space<vmem_shared>> -> memref<64x64xf32, #tpu.memory_space<vmem_shared>>
      tpu.enqueue_dma source(%arg25 : memref<64x64xf32, #tpu.memory_space<vmem>>) target(%dma_start3A_226 : memref<64x64xf32, #tpu.memory_space<vmem_shared>>) target_semaphore(%run_scoped3A_222 : memref<!tpu.dma_semaphore, #tpu.memory_space<semaphore_mem>>)
      %dma_wait3A_227 = arith.constant 0 : i32
      %dma_wait3A_228 = tpu.memref_slice %arg26[%add3A_15, %dma_wait3A_227] : memref<10240x64xf32, #tpu.memory_space<vmem_shared>> -> memref<64x64xf32, #tpu.memory_space<vmem_shared>>
      %dma_wait3A_229 = arith.constant 0 : i32
      %dma_wait3A_230 = tpu.memref_slice %arg26[%add3A_15, %dma_wait3A_229] : memref<10240x64xf32, #tpu.memory_space<vmem_shared>> -> memref<64x64xf32, #tpu.memory_space<vmem_shared>>
      tpu.wait_dma2 semaphore(%run_scoped3A_222 : memref<!tpu.dma_semaphore, #tpu.memory_space<semaphore_mem>>) src(%arg25 : memref<64x64xf32, #tpu.memory_space<vmem>>) dst(%dma_wait3A_230 : memref<64x64xf32, #tpu.memory_space<vmem_shared>>)
      tpu.yield
    }) : () -> ()
    %mul3A_16 = arith.constant 640 : i32
    %mul3A_17 = arith.muli %arg1, %mul3A_16 : i32
    %add3A_18 = arith.constant 192 : i32
    %add3A_19 = arith.addi %mul3A_17, %add3A_18 : i32
    "tpu.region"() ({
      %run_scoped3A_222 = tpu.sem_alloc : memref<!tpu.dma_semaphore, #tpu.memory_space<semaphore_mem>>
      %dma_start3A_223 = arith.constant 0 : i32
      %dma_start3A_224 = tpu.memref_slice %arg26[%add3A_19, %dma_start3A_223] : memref<10240x64xf32, #tpu.memory_space<vmem_shared>> -> memref<64x64xf32, #tpu.memory_space<vmem_shared>>
      %dma_start3A_225 = arith.constant 0 : i32
      %dma_start3A_226 = tpu.memref_slice %arg26[%add3A_19, %dma_start3A_225] : memref<10240x64xf32, #tpu.memory_space<vmem_shared>> -> memref<64x64xf32, #tpu.memory_space<vmem_shared>>
      tpu.enqueue_dma source(%arg25 : memref<64x64xf32, #tpu.memory_space<vmem>>) target(%dma_start3A_226 : memref<64x64xf32, #tpu.memory_space<vmem_shared>>) target_semaphore(%run_scoped3A_222 : memref<!tpu.dma_semaphore, #tpu.memory_space<semaphore_mem>>)
      %dma_wait3A_227 = arith.constant 0 : i32
      %dma_wait3A_228 = tpu.memref_slice %arg26[%add3A_19, %dma_wait3A_227] : memref<10240x64xf32, #tpu.memory_space<vmem_shared>> -> memref<64x64xf32, #tpu.memory_space<vmem_shared>>
      %dma_wait3A_229 = arith.constant 0 : i32
      %dma_wait3A_230 = tpu.memref_slice %arg26[%add3A_19, %dma_wait3A_229] : memref<10240x64xf32, #tpu.memory_space<vmem_shared>> -> memref<64x64xf32, #tpu.memory_space<vmem_shared>>
      tpu.wait_dma2 semaphore(%run_scoped3A_222 : memref<!tpu.dma_semaphore, #tpu.memory_space<semaphore_mem>>) src(%arg25 : memref<64x64xf32, #tpu.memory_space<vmem>>) dst(%dma_wait3A_230 : memref<64x64xf32, #tpu.memory_space<vmem_shared>>)
      tpu.yield
    }) : () -> ()
    %mul3A_20 = arith.constant 640 : i32
    %mul3A_21 = arith.muli %arg1, %mul3A_20 : i32
    %add3A_22 = arith.constant 256 : i32
    %add3A_23 = arith.addi %mul3A_21, %add3A_22 : i32
    "tpu.region"() ({
      %run_scoped3A_222 = tpu.sem_alloc : memref<!tpu.dma_semaphore, #tpu.memory_space<semaphore_mem>>
      %dma_start3A_223 = arith.constant 0 : i32
      %dma_start3A_224 = tpu.memref_slice %arg26[%add3A_23, %dma_start3A_223] : memref<10240x64xf32, #tpu.memory_space<vmem_shared>> -> memref<64x64xf32, #tpu.memory_space<vmem_shared>>
      %dma_start3A_225 = arith.constant 0 : i32
      %dma_start3A_226 = tpu.memref_slice %arg26[%add3A_23, %dma_start3A_225] : memref<10240x64xf32, #tpu.memory_space<vmem_shared>> -> memref<64x64xf32, #tpu.memory_space<vmem_shared>>
      tpu.enqueue_dma source(%arg25 : memref<64x64xf32, #tpu.memory_space<vmem>>) target(%dma_start3A_226 : memref<64x64xf32, #tpu.memory_space<vmem_shared>>) target_semaphore(%run_scoped3A_222 : memref<!tpu.dma_semaphore, #tpu.memory_space<semaphore_mem>>)
      %dma_wait3A_227 = arith.constant 0 : i32
      %dma_wait3A_228 = tpu.memref_slice %arg26[%add3A_23, %dma_wait3A_227] : memref<10240x64xf32, #tpu.memory_space<vmem_shared>> -> memref<64x64xf32, #tpu.memory_space<vmem_shared>>
      %dma_wait3A_229 = arith.constant 0 : i32
      %dma_wait3A_230 = tpu.memref_slice %arg26[%add3A_23, %dma_wait3A_229] : memref<10240x64xf32, #tpu.memory_space<vmem_shared>> -> memref<64x64xf32, #tpu.memory_space<vmem_shared>>
      tpu.wait_dma2 semaphore(%run_scoped3A_222 : memref<!tpu.dma_semaphore, #tpu.memory_space<semaphore_mem>>) src(%arg25 : memref<64x64xf32, #tpu.memory_space<vmem>>) dst(%dma_wait3A_230 : memref<64x64xf32, #tpu.memory_space<vmem_shared>>)
      tpu.yield
    }) : () -> ()
    %mul3A_24 = arith.constant 640 : i32
    %mul3A_25 = arith.muli %arg1, %mul3A_24 : i32
    %add3A_26 = arith.constant 320 : i32
    %add3A_27 = arith.addi %mul3A_25, %add3A_26 : i32
    "tpu.region"() ({
      %run_scoped3A_222 = tpu.sem_alloc : memref<!tpu.dma_semaphore, #tpu.memory_space<semaphore_mem>>
      %dma_start3A_223 = arith.constant 0 : i32
      %dma_start3A_224 = tpu.memref_slice %arg26[%add3A_27, %dma_start3A_223] : memref<10240x64xf32, #tpu.memory_space<vmem_shared>> -> memref<64x64xf32, #tpu.memory_space<vmem_shared>>
      %dma_start3A_225 = arith.constant 0 : i32
      %dma_start3A_226 = tpu.memref_slice %arg26[%add3A_27, %dma_start3A_225] : memref<10240x64xf32, #tpu.memory_space<vmem_shared>> -> memref<64x64xf32, #tpu.memory_space<vmem_shared>>
      tpu.enqueue_dma source(%arg25 : memref<64x64xf32, #tpu.memory_space<vmem>>) target(%dma_start3A_226 : memref<64x64xf32, #tpu.memory_space<vmem_shared>>) target_semaphore(%run_scoped3A_222 : memref<!tpu.dma_semaphore, #tpu.memory_space<semaphore_mem>>)
      %dma_wait3A_227 = arith.constant 0 : i32
      %dma_wait3A_228 = tpu.memref_slice %arg26[%add3A_27, %dma_wait3A_227] : memref<10240x64xf32, #tpu.memory_space<vmem_shared>> -> memref<64x64xf32, #tpu.memory_space<vmem_shared>>
      %dma_wait3A_229 = arith.constant 0 : i32
      %dma_wait3A_230 = tpu.memref_slice %arg26[%add3A_27, %dma_wait3A_229] : memref<10240x64xf32, #tpu.memory_space<vmem_shared>> -> memref<64x64xf32, #tpu.memory_space<vmem_shared>>
      tpu.wait_dma2 semaphore(%run_scoped3A_222 : memref<!tpu.dma_semaphore, #tpu.memory_space<semaphore_mem>>) src(%arg25 : memref<64x64xf32, #tpu.memory_space<vmem>>) dst(%dma_wait3A_230 : memref<64x64xf32, #tpu.memory_space<vmem_shared>>)
      tpu.yield
    }) : () -> ()
    %mul3A_28 = arith.constant 640 : i32
    %mul3A_29 = arith.muli %arg1, %mul3A_28 : i32
    %add3A_30 = arith.constant 384 : i32
    %add3A_31 = arith.addi %mul3A_29, %add3A_30 : i32
    "tpu.region"() ({
      %run_scoped3A_222 = tpu.sem_alloc : memref<!tpu.dma_semaphore, #tpu.memory_space<semaphore_mem>>
      %dma_start3A_223 = arith.constant 0 : i32
      %dma_start3A_224 = tpu.memref_slice %arg26[%add3A_31, %dma_start3A_223] : memref<10240x64xf32, #tpu.memory_space<vmem_shared>> -> memref<64x64xf32, #tpu.memory_space<vmem_shared>>
      %dma_start3A_225 = arith.constant 0 : i32
      %dma_start3A_226 = tpu.memref_slice %arg26[%add3A_31, %dma_start3A_225] : memref<10240x64xf32, #tpu.memory_space<vmem_shared>> -> memref<64x64xf32, #tpu.memory_space<vmem_shared>>
      tpu.enqueue_dma source(%arg25 : memref<64x64xf32, #tpu.memory_space<vmem>>) target(%dma_start3A_226 : memref<64x64xf32, #tpu.memory_space<vmem_shared>>) target_semaphore(%run_scoped3A_222 : memref<!tpu.dma_semaphore, #tpu.memory_space<semaphore_mem>>)
      %dma_wait3A_227 = arith.constant 0 : i32
      %dma_wait3A_228 = tpu.memref_slice %arg26[%add3A_31, %dma_wait3A_227] : memref<10240x64xf32, #tpu.memory_space<vmem_shared>> -> memref<64x64xf32, #tpu.memory_space<vmem_shared>>
      %dma_wait3A_229 = arith.constant 0 : i32
      %dma_wait3A_230 = tpu.memref_slice %arg26[%add3A_31, %dma_wait3A_229] : memref<10240x64xf32, #tpu.memory_space<vmem_shared>> -> memref<64x64xf32, #tpu.memory_space<vmem_shared>>
      tpu.wait_dma2 semaphore(%run_scoped3A_222 : memref<!tpu.dma_semaphore, #tpu.memory_space<semaphore_mem>>) src(%arg25 : memref<64x64xf32, #tpu.memory_space<vmem>>) dst(%dma_wait3A_230 : memref<64x64xf32, #tpu.memory_space<vmem_shared>>)
      tpu.yield
    }) : () -> ()
    %mul3A_32 = arith.constant 640 : i32
    %mul3A_33 = arith.muli %arg1, %mul3A_32 : i32
    %add3A_34 = arith.constant 448 : i32
    %add3A_35 = arith.addi %mul3A_33, %add3A_34 : i32
    "tpu.region"() ({
      %run_scoped3A_222 = tpu.sem_alloc : memref<!tpu.dma_semaphore, #tpu.memory_space<semaphore_mem>>
      %dma_start3A_223 = arith.constant 0 : i32
      %dma_start3A_224 = tpu.memref_slice %arg26[%add3A_35, %dma_start3A_223] : memref<10240x64xf32, #tpu.memory_space<vmem_shared>> -> memref<64x64xf32, #tpu.memory_space<vmem_shared>>
      %dma_start3A_225 = arith.constant 0 : i32
      %dma_start3A_226 = tpu.memref_slice %arg26[%add3A_35, %dma_start3A_225] : memref<10240x64xf32, #tpu.memory_space<vmem_shared>> -> memref<64x64xf32, #tpu.memory_space<vmem_shared>>
      tpu.enqueue_dma source(%arg25 : memref<64x64xf32, #tpu.memory_space<vmem>>) target(%dma_start3A_226 : memref<64x64xf32, #tpu.memory_space<vmem_shared>>) target_semaphore(%run_scoped3A_222 : memref<!tpu.dma_semaphore, #tpu.memory_space<semaphore_mem>>)
      %dma_wait3A_227 = arith.constant 0 : i32
      %dma_wait3A_228 = tpu.memref_slice %arg26[%add3A_35, %dma_wait3A_227] : memref<10240x64xf32, #tpu.memory_space<vmem_shared>> -> memref<64x64xf32, #tpu.memory_space<vmem_shared>>
      %dma_wait3A_229 = arith.constant 0 : i32
      %dma_wait3A_230 = tpu.memref_slice %arg26[%add3A_35, %dma_wait3A_229] : memref<10240x64xf32, #tpu.memory_space<vmem_shared>> -> memref<64x64xf32, #tpu.memory_space<vmem_shared>>
      tpu.wait_dma2 semaphore(%run_scoped3A_222 : memref<!tpu.dma_semaphore, #tpu.memory_space<semaphore_mem>>) src(%arg25 : memref<64x64xf32, #tpu.memory_space<vmem>>) dst(%dma_wait3A_230 : memref<64x64xf32, #tpu.memory_space<vmem_shared>>)
      tpu.yield
    }) : () -> ()
    %mul3A_36 = arith.constant 640 : i32
    %mul3A_37 = arith.muli %arg1, %mul3A_36 : i32
    %add3A_38 = arith.constant 512 : i32
    %add3A_39 = arith.addi %mul3A_37, %add3A_38 : i32
    "tpu.region"() ({
      %run_scoped3A_222 = tpu.sem_alloc : memref<!tpu.dma_semaphore, #tpu.memory_space<semaphore_mem>>
      %dma_start3A_223 = arith.constant 0 : i32
      %dma_start3A_224 = tpu.memref_slice %arg26[%add3A_39, %dma_start3A_223] : memref<10240x64xf32, #tpu.memory_space<vmem_shared>> -> memref<64x64xf32, #tpu.memory_space<vmem_shared>>
      %dma_start3A_225 = arith.constant 0 : i32
      %dma_start3A_226 = tpu.memref_slice %arg26[%add3A_39, %dma_start3A_225] : memref<10240x64xf32, #tpu.memory_space<vmem_shared>> -> memref<64x64xf32, #tpu.memory_space<vmem_shared>>
      tpu.enqueue_dma source(%arg25 : memref<64x64xf32, #tpu.memory_space<vmem>>) target(%dma_start3A_226 : memref<64x64xf32, #tpu.memory_space<vmem_shared>>) target_semaphore(%run_scoped3A_222 : memref<!tpu.dma_semaphore, #tpu.memory_space<semaphore_mem>>)
      %dma_wait3A_227 = arith.constant 0 : i32
      %dma_wait3A_228 = tpu.memref_slice %arg26[%add3A_39, %dma_wait3A_227] : memref<10240x64xf32, #tpu.memory_space<vmem_shared>> -> memref<64x64xf32, #tpu.memory_space<vmem_shared>>
      %dma_wait3A_229 = arith.constant 0 : i32
      %dma_wait3A_230 = tpu.memref_slice %arg26[%add3A_39, %dma_wait3A_229] : memref<10240x64xf32, #tpu.memory_space<vmem_shared>> -> memref<64x64xf32, #tpu.memory_space<vmem_shared>>
      tpu.wait_dma2 semaphore(%run_scoped3A_222 : memref<!tpu.dma_semaphore, #tpu.memory_space<semaphore_mem>>) src(%arg25 : memref<64x64xf32, #tpu.memory_space<vmem>>) dst(%dma_wait3A_230 : memref<64x64xf32, #tpu.memory_space<vmem_shared>>)
      tpu.yield
    }) : () -> ()
    %mul3A_40 = arith.constant 640 : i32
    %mul3A_41 = arith.muli %arg1, %mul3A_40 : i32
    %add3A_42 = arith.constant 576 : i32
    %add3A_43 = arith.addi %mul3A_41, %add3A_42 : i32
    "tpu.region"() ({
      %run_scoped3A_222 = tpu.sem_alloc : memref<!tpu.dma_semaphore, #tpu.memory_space<semaphore_mem>>
      %dma_start3A_223 = arith.constant 0 : i32
      %dma_start3A_224 = tpu.memref_slice %arg26[%add3A_43, %dma_start3A_223] : memref<10240x64xf32, #tpu.memory_space<vmem_shared>> -> memref<64x64xf32, #tpu.memory_space<vmem_shared>>
      %dma_start3A_225 = arith.constant 0 : i32
      %dma_start3A_226 = tpu.memref_slice %arg26[%add3A_43, %dma_start3A_225] : memref<10240x64xf32, #tpu.memory_space<vmem_shared>> -> memref<64x64xf32, #tpu.memory_space<vmem_shared>>
      tpu.enqueue_dma source(%arg25 : memref<64x64xf32, #tpu.memory_space<vmem>>) target(%dma_start3A_226 : memref<64x64xf32, #tpu.memory_space<vmem_shared>>) target_semaphore(%run_scoped3A_222 : memref<!tpu.dma_semaphore, #tpu.memory_space<semaphore_mem>>)
      %dma_wait3A_227 = arith.constant 0 : i32
      %dma_wait3A_228 = tpu.memref_slice %arg26[%add3A_43, %dma_wait3A_227] : memref<10240x64xf32, #tpu.memory_space<vmem_shared>> -> memref<64x64xf32, #tpu.memory_space<vmem_shared>>
      %dma_wait3A_229 = arith.constant 0 : i32
      %dma_wait3A_230 = tpu.memref_slice %arg26[%add3A_43, %dma_wait3A_229] : memref<10240x64xf32, #tpu.memory_space<vmem_shared>> -> memref<64x64xf32, #tpu.memory_space<vmem_shared>>
      tpu.wait_dma2 semaphore(%run_scoped3A_222 : memref<!tpu.dma_semaphore, #tpu.memory_space<semaphore_mem>>) src(%arg25 : memref<64x64xf32, #tpu.memory_space<vmem>>) dst(%dma_wait3A_230 : memref<64x64xf32, #tpu.memory_space<vmem_shared>>)
      tpu.yield
    }) : () -> ()
    %barrier3A = arith.constant 0 : index
    tpu.barrier barrier_id(%barrier3A)
    %run_scoped3A = arith.constant 0 : i32
    "tpu.region"() ({
      %run_scoped3A_222 = tpu.sem_alloc : memref<!tpu.dma_semaphore, #tpu.memory_space<semaphore_mem>>
      %dma_start3A_223 = arith.constant 0 : i32
      %dma_start3A_224 = arith.constant 0 : i32
      %dma_start3A_225 = tpu.memref_slice %arg3[%run_scoped3A, %arg1, %dma_start3A_223, %dma_start3A_224] : memref<2x16x250x80xi32, #tpu.memory_space<hbm>> -> memref<1x1x250x80xi32, #tpu.memory_space<hbm>>
      %dma_start3A_226 = tpu.memref_squeeze %dma_start3A_225 : memref<1x1x250x80xi32, #tpu.memory_space<hbm>> -> memref<250x80xi32, #tpu.memory_space<hbm>>
      %dma_start3A_227 = arith.constant 0 : i32
      %dma_start3A_228 = arith.constant 0 : i32
      %dma_start3A_229 = tpu.memref_slice %arg3[%run_scoped3A, %arg1, %dma_start3A_227, %dma_start3A_228] : memref<2x16x250x80xi32, #tpu.memory_space<hbm>> -> memref<1x1x250x80xi32, #tpu.memory_space<hbm>>
      %dma_start3A_230 = tpu.memref_squeeze %dma_start3A_229 : memref<1x1x250x80xi32, #tpu.memory_space<hbm>> -> memref<250x80xi32, #tpu.memory_space<hbm>>
      tpu.enqueue_dma source(%dma_start3A_230 : memref<250x80xi32, #tpu.memory_space<hbm>>) target(%arg5 : memref<250x80xi32, #tpu.memory_space<vmem>>) target_semaphore(%run_scoped3A_222 : memref<!tpu.dma_semaphore, #tpu.memory_space<semaphore_mem>>)
      %dma_wait3A_231 = arith.constant 0 : i32
      %dma_wait3A_232 = arith.constant 0 : i32
      %dma_wait3A_233 = tpu.memref_slice %arg3[%run_scoped3A, %arg1, %dma_wait3A_231, %dma_wait3A_232] : memref<2x16x250x80xi32, #tpu.memory_space<hbm>> -> memref<1x1x250x80xi32, #tpu.memory_space<hbm>>
      %dma_wait3A_234 = tpu.memref_squeeze %dma_wait3A_233 : memref<1x1x250x80xi32, #tpu.memory_space<hbm>> -> memref<250x80xi32, #tpu.memory_space<hbm>>
      %dma_wait3A_235 = arith.constant 0 : i32
      %dma_wait3A_236 = arith.constant 0 : i32
      %dma_wait3A_237 = tpu.memref_slice %arg3[%run_scoped3A, %arg1, %dma_wait3A_235, %dma_wait3A_236] : memref<2x16x250x80xi32, #tpu.memory_space<hbm>> -> memref<1x1x250x80xi32, #tpu.memory_space<hbm>>
      %dma_wait3A_238 = tpu.memref_squeeze %dma_wait3A_237 : memref<1x1x250x80xi32, #tpu.memory_space<hbm>> -> memref<250x80xi32, #tpu.memory_space<hbm>>
      tpu.wait_dma2 semaphore(%run_scoped3A_222 : memref<!tpu.dma_semaphore, #tpu.memory_space<semaphore_mem>>) src(%dma_wait3A_238 : memref<250x80xi32, #tpu.memory_space<hbm>>) dst(%arg5 : memref<250x80xi32, #tpu.memory_space<vmem>>)
      tpu.yield
    }) : () -> ()
    %run_scoped3A_44 = arith.constant 1 : i32
    "tpu.region"() ({
      %run_scoped3A_222 = tpu.sem_alloc : memref<!tpu.dma_semaphore, #tpu.memory_space<semaphore_mem>>
      %dma_start3A_223 = arith.constant 0 : i32
      %dma_start3A_224 = arith.constant 0 : i32
      %dma_start3A_225 = tpu.memref_slice %arg3[%run_scoped3A_44, %arg1, %dma_start3A_223, %dma_start3A_224] : memref<2x16x250x80xi32, #tpu.memory_space<hbm>> -> memref<1x1x250x80xi32, #tpu.memory_space<hbm>>
      %dma_start3A_226 = tpu.memref_squeeze %dma_start3A_225 : memref<1x1x250x80xi32, #tpu.memory_space<hbm>> -> memref<250x80xi32, #tpu.memory_space<hbm>>
      %dma_start3A_227 = arith.constant 0 : i32
      %dma_start3A_228 = arith.constant 0 : i32
      %dma_start3A_229 = tpu.memref_slice %arg3[%run_scoped3A_44, %arg1, %dma_start3A_227, %dma_start3A_228] : memref<2x16x250x80xi32, #tpu.memory_space<hbm>> -> memref<1x1x250x80xi32, #tpu.memory_space<hbm>>
      %dma_start3A_230 = tpu.memref_squeeze %dma_start3A_229 : memref<1x1x250x80xi32, #tpu.memory_space<hbm>> -> memref<250x80xi32, #tpu.memory_space<hbm>>
      tpu.enqueue_dma source(%dma_start3A_230 : memref<250x80xi32, #tpu.memory_space<hbm>>) target(%arg6 : memref<250x80xi32, #tpu.memory_space<vmem>>) target_semaphore(%run_scoped3A_222 : memref<!tpu.dma_semaphore, #tpu.memory_space<semaphore_mem>>)
      %dma_wait3A_231 = arith.constant 0 : i32
      %dma_wait3A_232 = arith.constant 0 : i32
      %dma_wait3A_233 = tpu.memref_slice %arg3[%run_scoped3A_44, %arg1, %dma_wait3A_231, %dma_wait3A_232] : memref<2x16x250x80xi32, #tpu.memory_space<hbm>> -> memref<1x1x250x80xi32, #tpu.memory_space<hbm>>
      %dma_wait3A_234 = tpu.memref_squeeze %dma_wait3A_233 : memref<1x1x250x80xi32, #tpu.memory_space<hbm>> -> memref<250x80xi32, #tpu.memory_space<hbm>>
      %dma_wait3A_235 = arith.constant 0 : i32
      %dma_wait3A_236 = arith.constant 0 : i32
      %dma_wait3A_237 = tpu.memref_slice %arg3[%run_scoped3A_44, %arg1, %dma_wait3A_235, %dma_wait3A_236] : memref<2x16x250x80xi32, #tpu.memory_space<hbm>> -> memref<1x1x250x80xi32, #tpu.memory_space<hbm>>
      %dma_wait3A_238 = tpu.memref_squeeze %dma_wait3A_237 : memref<1x1x250x80xi32, #tpu.memory_space<hbm>> -> memref<250x80xi32, #tpu.memory_space<hbm>>
      tpu.wait_dma2 semaphore(%run_scoped3A_222 : memref<!tpu.dma_semaphore, #tpu.memory_space<semaphore_mem>>) src(%dma_wait3A_238 : memref<250x80xi32, #tpu.memory_space<hbm>>) dst(%arg6 : memref<250x80xi32, #tpu.memory_space<vmem>>)
      tpu.yield
    }) : () -> ()
    %scan3A_45 = arith.constant 0 : i32
    %scan3A_46 = arith.constant 0 : i32
    %scan3A_47 = arith.constant 250 : i32
    %scan3A_48 = arith.addi %scan3A_46, %scan3A_47 : i32
    %scan3A_49 = arith.constant 1 : i32
    scf.for %scan3A_222 = %scan3A_46 to %scan3A_48 step %scan3A_49  : i32 {
      %get3A = arith.index_cast %scan3A_222 : i32 to index
      %get3A_223 = arith.constant 0 : index
      %get3A_224 = tpu.vector_load %arg5[%get3A, %get3A_223] {strides = array<i32>} : memref<250x80xi32, #tpu.memory_space<vmem>>, vector<1x16xi32>,
      %get3A_225 = vector.shape_cast %get3A_224 : vector<1x16xi32> to vector<16xi32>
      %mul3A_226 = arith.constant 2 : i32
      %mul3A_227 = vector.broadcast %mul3A_226 : i32 to vector<16xi32>
      %mul3A_228 = arith.muli %get3A_225, %mul3A_227 : vector<16xi32>
      %add3A_229 = vector.broadcast %arg0 : i32 to vector<16xi32>
      %add3A_230 = arith.addi %mul3A_228, %add3A_229 : vector<16xi32>
      %swap3A = arith.index_cast %scan3A_222 : i32 to index
      %swap3A_231 = arith.constant 0 : index
      %swap3A_232 = tpu.vector_load %arg5[%swap3A, %swap3A_231] {strides = array<i32>} : memref<250x80xi32, #tpu.memory_space<vmem>>, vector<1x16xi32>,
      %swap3A_233 = vector.shape_cast %swap3A_232 : vector<1x16xi32> to vector<16xi32>
      %swap3A_234 = vector.shape_cast %add3A_230 : vector<16xi32> to vector<1x16xi32>
      tpu.vector_store %arg5[%swap3A, %swap3A_231], %swap3A_234 {strides = array<i32>} : memref<250x80xi32, #tpu.memory_space<vmem>>, vector<1x16xi32>,
      %get3A_235 = arith.index_cast %scan3A_222 : i32 to index
      %get3A_236 = arith.constant 16 : index
      %get3A_237 = tpu.vector_load %arg5[%get3A_235, %get3A_236] {strides = array<i32>} : memref<250x80xi32, #tpu.memory_space<vmem>>, vector<1x16xi32>,
      %get3A_238 = vector.shape_cast %get3A_237 : vector<1x16xi32> to vector<16xi32>
      %mul3A_239 = arith.constant 2 : i32
      %mul3A_240 = vector.broadcast %mul3A_239 : i32 to vector<16xi32>
      %mul3A_241 = arith.muli %get3A_238, %mul3A_240 : vector<16xi32>
      %add3A_242 = vector.broadcast %arg0 : i32 to vector<16xi32>
      %add3A_243 = arith.addi %mul3A_241, %add3A_242 : vector<16xi32>
      %swap3A_244 = arith.index_cast %scan3A_222 : i32 to index
      %swap3A_245 = arith.constant 16 : index
      %swap3A_246 = tpu.vector_load %arg5[%swap3A_244, %swap3A_245] {strides = array<i32>} : memref<250x80xi32, #tpu.memory_space<vmem>>, vector<1x16xi32>,
      %swap3A_247 = vector.shape_cast %swap3A_246 : vector<1x16xi32> to vector<16xi32>
      %swap3A_248 = vector.shape_cast %add3A_243 : vector<16xi32> to vector<1x16xi32>
      tpu.vector_store %arg5[%swap3A_244, %swap3A_245], %swap3A_248 {strides = array<i32>} : memref<250x80xi32, #tpu.memory_space<vmem>>, vector<1x16xi32>,
      %get3A_249 = arith.index_cast %scan3A_222 : i32 to index
      %get3A_250 = arith.constant 32 : index
      %get3A_251 = tpu.vector_load %arg5[%get3A_249, %get3A_250] {strides = array<i32>} : memref<250x80xi32, #tpu.memory_space<vmem>>, vector<1x16xi32>,
      %get3A_252 = vector.shape_cast %get3A_251 : vector<1x16xi32> to vector<16xi32>
      %mul3A_253 = arith.constant 2 : i32
      %mul3A_254 = vector.broadcast %mul3A_253 : i32 to vector<16xi32>
      %mul3A_255 = arith.muli %get3A_252, %mul3A_254 : vector<16xi32>
      %add3A_256 = vector.broadcast %arg0 : i32 to vector<16xi32>
      %add3A_257 = arith.addi %mul3A_255, %add3A_256 : vector<16xi32>
      %swap3A_258 = arith.index_cast %scan3A_222 : i32 to index
      %swap3A_259 = arith.constant 32 : index
      %swap3A_260 = tpu.vector_load %arg5[%swap3A_258, %swap3A_259] {strides = array<i32>} : memref<250x80xi32, #tpu.memory_space<vmem>>, vector<1x16xi32>,
      %swap3A_261 = vector.shape_cast %swap3A_260 : vector<1x16xi32> to vector<16xi32>
      %swap3A_262 = vector.shape_cast %add3A_257 : vector<16xi32> to vector<1x16xi32>
      tpu.vector_store %arg5[%swap3A_258, %swap3A_259], %swap3A_262 {strides = array<i32>} : memref<250x80xi32, #tpu.memory_space<vmem>>, vector<1x16xi32>,
      %get3A_263 = arith.index_cast %scan3A_222 : i32 to index
      %get3A_264 = arith.constant 48 : index
      %get3A_265 = tpu.vector_load %arg5[%get3A_263, %get3A_264] {strides = array<i32>} : memref<250x80xi32, #tpu.memory_space<vmem>>, vector<1x16xi32>,
      %get3A_266 = vector.shape_cast %get3A_265 : vector<1x16xi32> to vector<16xi32>
      %mul3A_267 = arith.constant 2 : i32
      %mul3A_268 = vector.broadcast %mul3A_267 : i32 to vector<16xi32>
      %mul3A_269 = arith.muli %get3A_266, %mul3A_268 : vector<16xi32>
      %add3A_270 = vector.broadcast %arg0 : i32 to vector<16xi32>
      %add3A_271 = arith.addi %mul3A_269, %add3A_270 : vector<16xi32>
      %swap3A_272 = arith.index_cast %scan3A_222 : i32 to index
      %swap3A_273 = arith.constant 48 : index
      %swap3A_274 = tpu.vector_load %arg5[%swap3A_272, %swap3A_273] {strides = array<i32>} : memref<250x80xi32, #tpu.memory_space<vmem>>, vector<1x16xi32>,
      %swap3A_275 = vector.shape_cast %swap3A_274 : vector<1x16xi32> to vector<16xi32>
      %swap3A_276 = vector.shape_cast %add3A_271 : vector<16xi32> to vector<1x16xi32>
      tpu.vector_store %arg5[%swap3A_272, %swap3A_273], %swap3A_276 {strides = array<i32>} : memref<250x80xi32, #tpu.memory_space<vmem>>, vector<1x16xi32>,
      %get3A_277 = arith.index_cast %scan3A_222 : i32 to index
      %get3A_278 = arith.constant 64 : index
      %get3A_279 = tpu.vector_load %arg5[%get3A_277, %get3A_278] {strides = array<i32>} : memref<250x80xi32, #tpu.memory_space<vmem>>, vector<1x16xi32>,
      %get3A_280 = vector.shape_cast %get3A_279 : vector<1x16xi32> to vector<16xi32>
      %mul3A_281 = arith.constant 2 : i32
      %mul3A_282 = vector.broadcast %mul3A_281 : i32 to vector<16xi32>
      %mul3A_283 = arith.muli %get3A_280, %mul3A_282 : vector<16xi32>
      %add3A_284 = vector.broadcast %arg0 : i32 to vector<16xi32>
      %add3A_285 = arith.addi %mul3A_283, %add3A_284 : vector<16xi32>
      %swap3A_286 = arith.index_cast %scan3A_222 : i32 to index
      %swap3A_287 = arith.constant 64 : index
      %swap3A_288 = tpu.vector_load %arg5[%swap3A_286, %swap3A_287] {strides = array<i32>} : memref<250x80xi32, #tpu.memory_space<vmem>>, vector<1x16xi32>,
      %swap3A_289 = vector.shape_cast %swap3A_288 : vector<1x16xi32> to vector<16xi32>
      %swap3A_290 = vector.shape_cast %add3A_285 : vector<16xi32> to vector<1x16xi32>
      tpu.vector_store %arg5[%swap3A_286, %swap3A_287], %swap3A_290 {strides = array<i32>} : memref<250x80xi32, #tpu.memory_space<vmem>>, vector<1x16xi32>,
    }
    %scan3A_50 = arith.constant 250 : i32
    %dma_start3A = arith.constant 0 : i32
    %dma_start3A_51 = arith.constant 0 : i32
    %dma_start3A_52 = tpu.memref_slice %arg5[%dma_start3A, %dma_start3A_51] : memref<250x80xi32, #tpu.memory_space<vmem>> -> memref<1x80xi32, #tpu.memory_space<vmem>>
    %dma_start3A_53 = tpu.memref_squeeze %dma_start3A_52 : memref<1x80xi32, #tpu.memory_space<vmem>> -> memref<80xi32, #tpu.memory_space<vmem>>
    %dma_start3A_54 = arith.constant 0 : i32
    %dma_start3A_55 = arith.constant 0 : i32
    %dma_start3A_56 = tpu.memref_slice %arg2[%dma_start3A_54, %dma_start3A_55] : memref<20000x64xf32, #tpu.memory_space<hbm>> -> memref<20000x64xf32, #tpu.memory_space<hbm>>
    tpu.enqueue_indirect_dma source(%dma_start3A_56 : memref<20000x64xf32, #tpu.memory_space<hbm>>) target(%arg7 : memref<80x64xf32, #tpu.memory_space<vmem>>) offsets(%dma_start3A_53 : memref<80xi32, #tpu.memory_space<vmem>>) semaphore(%arg13 : memref<!tpu.dma_semaphore, #tpu.memory_space<semaphore_mem>>)
    %dma_start3A_57 = arith.constant 1 : i32
    %dma_start3A_58 = arith.constant 0 : i32
    %dma_start3A_59 = tpu.memref_slice %arg5[%dma_start3A_57, %dma_start3A_58] : memref<250x80xi32, #tpu.memory_space<vmem>> -> memref<1x80xi32, #tpu.memory_space<vmem>>
    %dma_start3A_60 = tpu.memref_squeeze %dma_start3A_59 : memref<1x80xi32, #tpu.memory_space<vmem>> -> memref<80xi32, #tpu.memory_space<vmem>>
    %dma_start3A_61 = arith.constant 0 : i32
    %dma_start3A_62 = arith.constant 0 : i32
    %dma_start3A_63 = tpu.memref_slice %arg2[%dma_start3A_61, %dma_start3A_62] : memref<20000x64xf32, #tpu.memory_space<hbm>> -> memref<20000x64xf32, #tpu.memory_space<hbm>>
    tpu.enqueue_indirect_dma source(%dma_start3A_63 : memref<20000x64xf32, #tpu.memory_space<hbm>>) target(%arg8 : memref<80x64xf32, #tpu.memory_space<vmem>>) offsets(%dma_start3A_60 : memref<80xi32, #tpu.memory_space<vmem>>) semaphore(%arg14 : memref<!tpu.dma_semaphore, #tpu.memory_space<semaphore_mem>>)
    %dma_start3A_64 = arith.constant 2 : i32
    %dma_start3A_65 = arith.constant 0 : i32
    %dma_start3A_66 = tpu.memref_slice %arg5[%dma_start3A_64, %dma_start3A_65] : memref<250x80xi32, #tpu.memory_space<vmem>> -> memref<1x80xi32, #tpu.memory_space<vmem>>
    %dma_start3A_67 = tpu.memref_squeeze %dma_start3A_66 : memref<1x80xi32, #tpu.memory_space<vmem>> -> memref<80xi32, #tpu.memory_space<vmem>>
    %dma_start3A_68 = arith.constant 0 : i32
    %dma_start3A_69 = arith.constant 0 : i32
    %dma_start3A_70 = tpu.memref_slice %arg2[%dma_start3A_68, %dma_start3A_69] : memref<20000x64xf32, #tpu.memory_space<hbm>> -> memref<20000x64xf32, #tpu.memory_space<hbm>>
    tpu.enqueue_indirect_dma source(%dma_start3A_70 : memref<20000x64xf32, #tpu.memory_space<hbm>>) target(%arg9 : memref<80x64xf32, #tpu.memory_space<vmem>>) offsets(%dma_start3A_67 : memref<80xi32, #tpu.memory_space<vmem>>) semaphore(%arg15 : memref<!tpu.dma_semaphore, #tpu.memory_space<semaphore_mem>>)
    %dma_start3A_71 = arith.constant 3 : i32
    %dma_start3A_72 = arith.constant 0 : i32
    %dma_start3A_73 = tpu.memref_slice %arg5[%dma_start3A_71, %dma_start3A_72] : memref<250x80xi32, #tpu.memory_space<vmem>> -> memref<1x80xi32, #tpu.memory_space<vmem>>
    %dma_start3A_74 = tpu.memref_squeeze %dma_start3A_73 : memref<1x80xi32, #tpu.memory_space<vmem>> -> memref<80xi32, #tpu.memory_space<vmem>>
    %dma_start3A_75 = arith.constant 0 : i32
    %dma_start3A_76 = arith.constant 0 : i32
    %dma_start3A_77 = tpu.memref_slice %arg2[%dma_start3A_75, %dma_start3A_76] : memref<20000x64xf32, #tpu.memory_space<hbm>> -> memref<20000x64xf32, #tpu.memory_space<hbm>>
    tpu.enqueue_indirect_dma source(%dma_start3A_77 : memref<20000x64xf32, #tpu.memory_space<hbm>>) target(%arg10 : memref<80x64xf32, #tpu.memory_space<vmem>>) offsets(%dma_start3A_74 : memref<80xi32, #tpu.memory_space<vmem>>) semaphore(%arg16 : memref<!tpu.dma_semaphore, #tpu.memory_space<semaphore_mem>>)
    %scan3A_78 = arith.constant 0 : i32
    %scan3A_79 = arith.constant 0 : i32
    %scan3A_80 = arith.constant 41 : i32
    %scan3A_81 = arith.addi %scan3A_79, %scan3A_80 : i32
    %scan3A_82 = arith.constant 1 : i32
    scf.for %scan3A_222 = %scan3A_79 to %scan3A_81 step %scan3A_82  : i32 {
      %mul3A_223 = arith.constant 6 : i32
      %mul3A_224 = arith.muli %mul3A_223, %scan3A_222 : i32
      %add3A_225 = arith.constant 0 : i32
      %add3A_226 = arith.addi %mul3A_224, %add3A_225 : i32
      %add3A_227 = arith.constant 4 : i32
      %add3A_228 = arith.addi %add3A_226, %add3A_227 : i32
      %sub3A = arith.constant 6 : i32
      %sub3A_229 = arith.subi %add3A_228, %sub3A : i32
      %ge3A = arith.constant 0 : i32
      %ge3A_230 = arith.cmpi sge, %sub3A_229, %ge3A : i32
      %convert_element_type3A = arith.extui %ge3A_230 : i1 to i32
      %cond3A = arith.constant 0 : i32
      %cond3A_231 = arith.cmpi ne, %convert_element_type3A, %cond3A : i32
      scf.if %cond3A_231 {
        %add3A_417 = arith.constant 4 : i32
        %add3A_418 = arith.addi %add3A_226, %add3A_417 : i32
        %sub3A_419 = arith.constant 6 : i32
        %sub3A_420 = arith.subi %add3A_418, %sub3A_419 : i32
        %dma_wait3A_421 = arith.constant 0 : i32
        %dma_wait3A_422 = tpu.memref_slice %arg6[%sub3A_420, %dma_wait3A_421] : memref<250x80xi32, #tpu.memory_space<vmem>> -> memref<1x80xi32, #tpu.memory_space<vmem>>
        %dma_wait3A_423 = tpu.memref_squeeze %dma_wait3A_422 : memref<1x80xi32, #tpu.memory_space<vmem>> -> memref<80xi32, #tpu.memory_space<vmem>>
        %dma_wait3A_424 = arith.constant 0 : i32
        %dma_wait3A_425 = arith.constant 0 : i32
        %dma_wait3A_426 = tpu.memref_slice %arg26[%dma_wait3A_424, %dma_wait3A_425] : memref<10240x64xf32, #tpu.memory_space<vmem_shared>> -> memref<10240x64xf32, #tpu.memory_space<vmem_shared>>
        tpu.wait_indirect_dma semaphore(%arg23 : memref<!tpu.dma_semaphore, #tpu.memory_space<semaphore_mem>>) src(%arg11 : memref<80x64xf32, #tpu.memory_space<vmem>>) dst(%dma_wait3A_426 : memref<10240x64xf32, #tpu.memory_space<vmem_shared>>)
      } else {
      }
      %add3A_232 = arith.constant 4 : i32
      %add3A_233 = arith.addi %add3A_226, %add3A_232 : i32
      %dma_start3A_234 = arith.constant 0 : i32
      %dma_start3A_235 = tpu.memref_slice %arg5[%add3A_233, %dma_start3A_234] : memref<250x80xi32, #tpu.memory_space<vmem>> -> memref<1x80xi32, #tpu.memory_space<vmem>>
      %dma_start3A_236 = tpu.memref_squeeze %dma_start3A_235 : memref<1x80xi32, #tpu.memory_space<vmem>> -> memref<80xi32, #tpu.memory_space<vmem>>
      %dma_start3A_237 = arith.constant 0 : i32
      %dma_start3A_238 = arith.constant 0 : i32
      %dma_start3A_239 = tpu.memref_slice %arg2[%dma_start3A_237, %dma_start3A_238] : memref<20000x64xf32, #tpu.memory_space<hbm>> -> memref<20000x64xf32, #tpu.memory_space<hbm>>
      tpu.enqueue_indirect_dma source(%dma_start3A_239 : memref<20000x64xf32, #tpu.memory_space<hbm>>) target(%arg11 : memref<80x64xf32, #tpu.memory_space<vmem>>) offsets(%dma_start3A_236 : memref<80xi32, #tpu.memory_space<vmem>>) semaphore(%arg17 : memref<!tpu.dma_semaphore, #tpu.memory_space<semaphore_mem>>)
      %dma_wait3A_240 = arith.constant 0 : i32
      %dma_wait3A_241 = tpu.memref_slice %arg5[%add3A_226, %dma_wait3A_240] : memref<250x80xi32, #tpu.memory_space<vmem>> -> memref<1x80xi32, #tpu.memory_space<vmem>>
      %dma_wait3A_242 = tpu.memref_squeeze %dma_wait3A_241 : memref<1x80xi32, #tpu.memory_space<vmem>> -> memref<80xi32, #tpu.memory_space<vmem>>
      %dma_wait3A_243 = arith.constant 0 : i32
      %dma_wait3A_244 = arith.constant 0 : i32
      %dma_wait3A_245 = tpu.memref_slice %arg2[%dma_wait3A_243, %dma_wait3A_244] : memref<20000x64xf32, #tpu.memory_space<hbm>> -> memref<20000x64xf32, #tpu.memory_space<hbm>>
      tpu.wait_indirect_dma semaphore(%arg13 : memref<!tpu.dma_semaphore, #tpu.memory_space<semaphore_mem>>) src(%dma_wait3A_245 : memref<20000x64xf32, #tpu.memory_space<hbm>>) dst(%arg7 : memref<80x64xf32, #tpu.memory_space<vmem>>)
      %dma_start3A_246 = arith.constant 0 : i32
      %dma_start3A_247 = tpu.memref_slice %arg6[%add3A_226, %dma_start3A_246] : memref<250x80xi32, #tpu.memory_space<vmem>> -> memref<1x80xi32, #tpu.memory_space<vmem>>
      %dma_start3A_248 = tpu.memref_squeeze %dma_start3A_247 : memref<1x80xi32, #tpu.memory_space<vmem>> -> memref<80xi32, #tpu.memory_space<vmem>>
      %dma_start3A_249 = arith.constant 0 : i32
      %dma_start3A_250 = arith.constant 0 : i32
      %dma_start3A_251 = tpu.memref_slice %arg26[%dma_start3A_249, %dma_start3A_250] : memref<10240x64xf32, #tpu.memory_space<vmem_shared>> -> memref<10240x64xf32, #tpu.memory_space<vmem_shared>>
      tpu.enqueue_indirect_dma source(%arg7 : memref<80x64xf32, #tpu.memory_space<vmem>>) target(%dma_start3A_251 : memref<10240x64xf32, #tpu.memory_space<vmem_shared>>) offsets(%dma_start3A_248 : memref<80xi32, #tpu.memory_space<vmem>>) semaphore(%arg19 : memref<!tpu.dma_semaphore, #tpu.memory_space<semaphore_mem>>) {add = true}
      %mul3A_252 = arith.constant 6 : i32
      %mul3A_253 = arith.muli %mul3A_252, %scan3A_222 : i32
      %add3A_254 = arith.constant 1 : i32
      %add3A_255 = arith.addi %mul3A_253, %add3A_254 : i32
      %add3A_256 = arith.constant 4 : i32
      %add3A_257 = arith.addi %add3A_255, %add3A_256 : i32
      %sub3A_258 = arith.constant 6 : i32
      %sub3A_259 = arith.subi %add3A_257, %sub3A_258 : i32
      %ge3A_260 = arith.constant 0 : i32
      %ge3A_261 = arith.cmpi sge, %sub3A_259, %ge3A_260 : i32
      %convert_element_type3A_262 = arith.extui %ge3A_261 : i1 to i32
      %cond3A_263 = arith.constant 0 : i32
      %cond3A_264 = arith.cmpi ne, %convert_element_type3A_262, %cond3A_263 : i32
      scf.if %cond3A_264 {
        %add3A_417 = arith.constant 4 : i32
        %add3A_418 = arith.addi %add3A_255, %add3A_417 : i32
        %sub3A_419 = arith.constant 6 : i32
        %sub3A_420 = arith.subi %add3A_418, %sub3A_419 : i32
        %dma_wait3A_421 = arith.constant 0 : i32
        %dma_wait3A_422 = tpu.memref_slice %arg6[%sub3A_420, %dma_wait3A_421] : memref<250x80xi32, #tpu.memory_space<vmem>> -> memref<1x80xi32, #tpu.memory_space<vmem>>
        %dma_wait3A_423 = tpu.memref_squeeze %dma_wait3A_422 : memref<1x80xi32, #tpu.memory_space<vmem>> -> memref<80xi32, #tpu.memory_space<vmem>>
        %dma_wait3A_424 = arith.constant 0 : i32
        %dma_wait3A_425 = arith.constant 0 : i32
        %dma_wait3A_426 = tpu.memref_slice %arg26[%dma_wait3A_424, %dma_wait3A_425] : memref<10240x64xf32, #tpu.memory_space<vmem_shared>> -> memref<10240x64xf32, #tpu.memory_space<vmem_shared>>
        tpu.wait_indirect_dma semaphore(%arg24 : memref<!tpu.dma_semaphore, #tpu.memory_space<semaphore_mem>>) src(%arg12 : memref<80x64xf32, #tpu.memory_space<vmem>>) dst(%dma_wait3A_426 : memref<10240x64xf32, #tpu.memory_space<vmem_shared>>)
      } else {
      }
      %add3A_265 = arith.constant 4 : i32
      %add3A_266 = arith.addi %add3A_255, %add3A_265 : i32
      %dma_start3A_267 = arith.constant 0 : i32
      %dma_start3A_268 = tpu.memref_slice %arg5[%add3A_266, %dma_start3A_267] : memref<250x80xi32, #tpu.memory_space<vmem>> -> memref<1x80xi32, #tpu.memory_space<vmem>>
      %dma_start3A_269 = tpu.memref_squeeze %dma_start3A_268 : memref<1x80xi32, #tpu.memory_space<vmem>> -> memref<80xi32, #tpu.memory_space<vmem>>
      %dma_start3A_270 = arith.constant 0 : i32
      %dma_start3A_271 = arith.constant 0 : i32
      %dma_start3A_272 = tpu.memref_slice %arg2[%dma_start3A_270, %dma_start3A_271] : memref<20000x64xf32, #tpu.memory_space<hbm>> -> memref<20000x64xf32, #tpu.memory_space<hbm>>
      tpu.enqueue_indirect_dma source(%dma_start3A_272 : memref<20000x64xf32, #tpu.memory_space<hbm>>) target(%arg12 : memref<80x64xf32, #tpu.memory_space<vmem>>) offsets(%dma_start3A_269 : memref<80xi32, #tpu.memory_space<vmem>>) semaphore(%arg18 : memref<!tpu.dma_semaphore, #tpu.memory_space<semaphore_mem>>)
      %dma_wait3A_273 = arith.constant 0 : i32
      %dma_wait3A_274 = tpu.memref_slice %arg5[%add3A_255, %dma_wait3A_273] : memref<250x80xi32, #tpu.memory_space<vmem>> -> memref<1x80xi32, #tpu.memory_space<vmem>>
      %dma_wait3A_275 = tpu.memref_squeeze %dma_wait3A_274 : memref<1x80xi32, #tpu.memory_space<vmem>> -> memref<80xi32, #tpu.memory_space<vmem>>
      %dma_wait3A_276 = arith.constant 0 : i32
      %dma_wait3A_277 = arith.constant 0 : i32
      %dma_wait3A_278 = tpu.memref_slice %arg2[%dma_wait3A_276, %dma_wait3A_277] : memref<20000x64xf32, #tpu.memory_space<hbm>> -> memref<20000x64xf32, #tpu.memory_space<hbm>>
      tpu.wait_indirect_dma semaphore(%arg14 : memref<!tpu.dma_semaphore, #tpu.memory_space<semaphore_mem>>) src(%dma_wait3A_278 : memref<20000x64xf32, #tpu.memory_space<hbm>>) dst(%arg8 : memref<80x64xf32, #tpu.memory_space<vmem>>)
      %dma_start3A_279 = arith.constant 0 : i32
      %dma_start3A_280 = tpu.memref_slice %arg6[%add3A_255, %dma_start3A_279] : memref<250x80xi32, #tpu.memory_space<vmem>> -> memref<1x80xi32, #tpu.memory_space<vmem>>
      %dma_start3A_281 = tpu.memref_squeeze %dma_start3A_280 : memref<1x80xi32, #tpu.memory_space<vmem>> -> memref<80xi32, #tpu.memory_space<vmem>>
      %dma_start3A_282 = arith.constant 0 : i32
      %dma_start3A_283 = arith.constant 0 : i32
      %dma_start3A_284 = tpu.memref_slice %arg26[%dma_start3A_282, %dma_start3A_283] : memref<10240x64xf32, #tpu.memory_space<vmem_shared>> -> memref<10240x64xf32, #tpu.memory_space<vmem_shared>>
      tpu.enqueue_indirect_dma source(%arg8 : memref<80x64xf32, #tpu.memory_space<vmem>>) target(%dma_start3A_284 : memref<10240x64xf32, #tpu.memory_space<vmem_shared>>) offsets(%dma_start3A_281 : memref<80xi32, #tpu.memory_space<vmem>>) semaphore(%arg20 : memref<!tpu.dma_semaphore, #tpu.memory_space<semaphore_mem>>) {add = true}
      %mul3A_285 = arith.constant 6 : i32
      %mul3A_286 = arith.muli %mul3A_285, %scan3A_222 : i32
      %add3A_287 = arith.constant 2 : i32
      %add3A_288 = arith.addi %mul3A_286, %add3A_287 : i32
      %add3A_289 = arith.constant 4 : i32
      %add3A_290 = arith.addi %add3A_288, %add3A_289 : i32
      %sub3A_291 = arith.constant 6 : i32
      %sub3A_292 = arith.subi %add3A_290, %sub3A_291 : i32
      %ge3A_293 = arith.constant 0 : i32
      %ge3A_294 = arith.cmpi sge, %sub3A_292, %ge3A_293 : i32
      %convert_element_type3A_295 = arith.extui %ge3A_294 : i1 to i32
      %cond3A_296 = arith.constant 0 : i32
      %cond3A_297 = arith.cmpi ne, %convert_element_type3A_295, %cond3A_296 : i32
      scf.if %cond3A_297 {
        %add3A_417 = arith.constant 4 : i32
        %add3A_418 = arith.addi %add3A_288, %add3A_417 : i32
        %sub3A_419 = arith.constant 6 : i32
        %sub3A_420 = arith.subi %add3A_418, %sub3A_419 : i32
        %dma_wait3A_421 = arith.constant 0 : i32
        %dma_wait3A_422 = tpu.memref_slice %arg6[%sub3A_420, %dma_wait3A_421] : memref<250x80xi32, #tpu.memory_space<vmem>> -> memref<1x80xi32, #tpu.memory_space<vmem>>
        %dma_wait3A_423 = tpu.memref_squeeze %dma_wait3A_422 : memref<1x80xi32, #tpu.memory_space<vmem>> -> memref<80xi32, #tpu.memory_space<vmem>>
        %dma_wait3A_424 = arith.constant 0 : i32
        %dma_wait3A_425 = arith.constant 0 : i32
        %dma_wait3A_426 = tpu.memref_slice %arg26[%dma_wait3A_424, %dma_wait3A_425] : memref<10240x64xf32, #tpu.memory_space<vmem_shared>> -> memref<10240x64xf32, #tpu.memory_space<vmem_shared>>
        tpu.wait_indirect_dma semaphore(%arg19 : memref<!tpu.dma_semaphore, #tpu.memory_space<semaphore_mem>>) src(%arg7 : memref<80x64xf32, #tpu.memory_space<vmem>>) dst(%dma_wait3A_426 : memref<10240x64xf32, #tpu.memory_space<vmem_shared>>)
      } else {
      }
      %add3A_298 = arith.constant 4 : i32
      %add3A_299 = arith.addi %add3A_288, %add3A_298 : i32
      %dma_start3A_300 = arith.constant 0 : i32
      %dma_start3A_301 = tpu.memref_slice %arg5[%add3A_299, %dma_start3A_300] : memref<250x80xi32, #tpu.memory_space<vmem>> -> memref<1x80xi32, #tpu.memory_space<vmem>>
      %dma_start3A_302 = tpu.memref_squeeze %dma_start3A_301 : memref<1x80xi32, #tpu.memory_space<vmem>> -> memref<80xi32, #tpu.memory_space<vmem>>
      %dma_start3A_303 = arith.constant 0 : i32
      %dma_start3A_304 = arith.constant 0 : i32
      %dma_start3A_305 = tpu.memref_slice %arg2[%dma_start3A_303, %dma_start3A_304] : memref<20000x64xf32, #tpu.memory_space<hbm>> -> memref<20000x64xf32, #tpu.memory_space<hbm>>
      tpu.enqueue_indirect_dma source(%dma_start3A_305 : memref<20000x64xf32, #tpu.memory_space<hbm>>) target(%arg7 : memref<80x64xf32, #tpu.memory_space<vmem>>) offsets(%dma_start3A_302 : memref<80xi32, #tpu.memory_space<vmem>>) semaphore(%arg13 : memref<!tpu.dma_semaphore, #tpu.memory_space<semaphore_mem>>)
      %dma_wait3A_306 = arith.constant 0 : i32
      %dma_wait3A_307 = tpu.memref_slice %arg5[%add3A_288, %dma_wait3A_306] : memref<250x80xi32, #tpu.memory_space<vmem>> -> memref<1x80xi32, #tpu.memory_space<vmem>>
      %dma_wait3A_308 = tpu.memref_squeeze %dma_wait3A_307 : memref<1x80xi32, #tpu.memory_space<vmem>> -> memref<80xi32, #tpu.memory_space<vmem>>
      %dma_wait3A_309 = arith.constant 0 : i32
      %dma_wait3A_310 = arith.constant 0 : i32
      %dma_wait3A_311 = tpu.memref_slice %arg2[%dma_wait3A_309, %dma_wait3A_310] : memref<20000x64xf32, #tpu.memory_space<hbm>> -> memref<20000x64xf32, #tpu.memory_space<hbm>>
      tpu.wait_indirect_dma semaphore(%arg15 : memref<!tpu.dma_semaphore, #tpu.memory_space<semaphore_mem>>) src(%dma_wait3A_311 : memref<20000x64xf32, #tpu.memory_space<hbm>>) dst(%arg9 : memref<80x64xf32, #tpu.memory_space<vmem>>)
      %dma_start3A_312 = arith.constant 0 : i32
      %dma_start3A_313 = tpu.memref_slice %arg6[%add3A_288, %dma_start3A_312] : memref<250x80xi32, #tpu.memory_space<vmem>> -> memref<1x80xi32, #tpu.memory_space<vmem>>
      %dma_start3A_314 = tpu.memref_squeeze %dma_start3A_313 : memref<1x80xi32, #tpu.memory_space<vmem>> -> memref<80xi32, #tpu.memory_space<vmem>>
      %dma_start3A_315 = arith.constant 0 : i32
      %dma_start3A_316 = arith.constant 0 : i32
      %dma_start3A_317 = tpu.memref_slice %arg26[%dma_start3A_315, %dma_start3A_316] : memref<10240x64xf32, #tpu.memory_space<vmem_shared>> -> memref<10240x64xf32, #tpu.memory_space<vmem_shared>>
      tpu.enqueue_indirect_dma source(%arg9 : memref<80x64xf32, #tpu.memory_space<vmem>>) target(%dma_start3A_317 : memref<10240x64xf32, #tpu.memory_space<vmem_shared>>) offsets(%dma_start3A_314 : memref<80xi32, #tpu.memory_space<vmem>>) semaphore(%arg21 : memref<!tpu.dma_semaphore, #tpu.memory_space<semaphore_mem>>) {add = true}
      %mul3A_318 = arith.constant 6 : i32
      %mul3A_319 = arith.muli %mul3A_318, %scan3A_222 : i32
      %add3A_320 = arith.constant 3 : i32
      %add3A_321 = arith.addi %mul3A_319, %add3A_320 : i32
      %add3A_322 = arith.constant 4 : i32
      %add3A_323 = arith.addi %add3A_321, %add3A_322 : i32
      %sub3A_324 = arith.constant 6 : i32
      %sub3A_325 = arith.subi %add3A_323, %sub3A_324 : i32
      %ge3A_326 = arith.constant 0 : i32
      %ge3A_327 = arith.cmpi sge, %sub3A_325, %ge3A_326 : i32
      %convert_element_type3A_328 = arith.extui %ge3A_327 : i1 to i32
      %cond3A_329 = arith.constant 0 : i32
      %cond3A_330 = arith.cmpi ne, %convert_element_type3A_328, %cond3A_329 : i32
      scf.if %cond3A_330 {
        %add3A_417 = arith.constant 4 : i32
        %add3A_418 = arith.addi %add3A_321, %add3A_417 : i32
        %sub3A_419 = arith.constant 6 : i32
        %sub3A_420 = arith.subi %add3A_418, %sub3A_419 : i32
        %dma_wait3A_421 = arith.constant 0 : i32
        %dma_wait3A_422 = tpu.memref_slice %arg6[%sub3A_420, %dma_wait3A_421] : memref<250x80xi32, #tpu.memory_space<vmem>> -> memref<1x80xi32, #tpu.memory_space<vmem>>
        %dma_wait3A_423 = tpu.memref_squeeze %dma_wait3A_422 : memref<1x80xi32, #tpu.memory_space<vmem>> -> memref<80xi32, #tpu.memory_space<vmem>>
        %dma_wait3A_424 = arith.constant 0 : i32
        %dma_wait3A_425 = arith.constant 0 : i32
        %dma_wait3A_426 = tpu.memref_slice %arg26[%dma_wait3A_424, %dma_wait3A_425] : memref<10240x64xf32, #tpu.memory_space<vmem_shared>> -> memref<10240x64xf32, #tpu.memory_space<vmem_shared>>
        tpu.wait_indirect_dma semaphore(%arg20 : memref<!tpu.dma_semaphore, #tpu.memory_space<semaphore_mem>>) src(%arg8 : memref<80x64xf32, #tpu.memory_space<vmem>>) dst(%dma_wait3A_426 : memref<10240x64xf32, #tpu.memory_space<vmem_shared>>)
      } else {
      }
      %add3A_331 = arith.constant 4 : i32
      %add3A_332 = arith.addi %add3A_321, %add3A_331 : i32
      %dma_start3A_333 = arith.constant 0 : i32
      %dma_start3A_334 = tpu.memref_slice %arg5[%add3A_332, %dma_start3A_333] : memref<250x80xi32, #tpu.memory_space<vmem>> -> memref<1x80xi32, #tpu.memory_space<vmem>>
      %dma_start3A_335 = tpu.memref_squeeze %dma_start3A_334 : memref<1x80xi32, #tpu.memory_space<vmem>> -> memref<80xi32, #tpu.memory_space<vmem>>
      %dma_start3A_336 = arith.constant 0 : i32
      %dma_start3A_337 = arith.constant 0 : i32
      %dma_start3A_338 = tpu.memref_slice %arg2[%dma_start3A_336, %dma_start3A_337] : memref<20000x64xf32, #tpu.memory_space<hbm>> -> memref<20000x64xf32, #tpu.memory_space<hbm>>
      tpu.enqueue_indirect_dma source(%dma_start3A_338 : memref<20000x64xf32, #tpu.memory_space<hbm>>) target(%arg8 : memref<80x64xf32, #tpu.memory_space<vmem>>) offsets(%dma_start3A_335 : memref<80xi32, #tpu.memory_space<vmem>>) semaphore(%arg14 : memref<!tpu.dma_semaphore, #tpu.memory_space<semaphore_mem>>)
      %dma_wait3A_339 = arith.constant 0 : i32
      %dma_wait3A_340 = tpu.memref_slice %arg5[%add3A_321, %dma_wait3A_339] : memref<250x80xi32, #tpu.memory_space<vmem>> -> memref<1x80xi32, #tpu.memory_space<vmem>>
      %dma_wait3A_341 = tpu.memref_squeeze %dma_wait3A_340 : memref<1x80xi32, #tpu.memory_space<vmem>> -> memref<80xi32, #tpu.memory_space<vmem>>
      %dma_wait3A_342 = arith.constant 0 : i32
      %dma_wait3A_343 = arith.constant 0 : i32
      %dma_wait3A_344 = tpu.memref_slice %arg2[%dma_wait3A_342, %dma_wait3A_343] : memref<20000x64xf32, #tpu.memory_space<hbm>> -> memref<20000x64xf32, #tpu.memory_space<hbm>>
      tpu.wait_indirect_dma semaphore(%arg16 : memref<!tpu.dma_semaphore, #tpu.memory_space<semaphore_mem>>) src(%dma_wait3A_344 : memref<20000x64xf32, #tpu.memory_space<hbm>>) dst(%arg10 : memref<80x64xf32, #tpu.memory_space<vmem>>)
      %dma_start3A_345 = arith.constant 0 : i32
      %dma_start3A_346 = tpu.memref_slice %arg6[%add3A_321, %dma_start3A_345] : memref<250x80xi32, #tpu.memory_space<vmem>> -> memref<1x80xi32, #tpu.memory_space<vmem>>
      %dma_start3A_347 = tpu.memref_squeeze %dma_start3A_346 : memref<1x80xi32, #tpu.memory_space<vmem>> -> memref<80xi32, #tpu.memory_space<vmem>>
      %dma_start3A_348 = arith.constant 0 : i32
      %dma_start3A_349 = arith.constant 0 : i32
      %dma_start3A_350 = tpu.memref_slice %arg26[%dma_start3A_348, %dma_start3A_349] : memref<10240x64xf32, #tpu.memory_space<vmem_shared>> -> memref<10240x64xf32, #tpu.memory_space<vmem_shared>>
      tpu.enqueue_indirect_dma source(%arg10 : memref<80x64xf32, #tpu.memory_space<vmem>>) target(%dma_start3A_350 : memref<10240x64xf32, #tpu.memory_space<vmem_shared>>) offsets(%dma_start3A_347 : memref<80xi32, #tpu.memory_space<vmem>>) semaphore(%arg22 : memref<!tpu.dma_semaphore, #tpu.memory_space<semaphore_mem>>) {add = true}
      %mul3A_351 = arith.constant 6 : i32
      %mul3A_352 = arith.muli %mul3A_351, %scan3A_222 : i32
      %add3A_353 = arith.constant 4 : i32
      %add3A_354 = arith.addi %mul3A_352, %add3A_353 : i32
      %add3A_355 = arith.constant 4 : i32
      %add3A_356 = arith.addi %add3A_354, %add3A_355 : i32
      %sub3A_357 = arith.constant 6 : i32
      %sub3A_358 = arith.subi %add3A_356, %sub3A_357 : i32
      %ge3A_359 = arith.constant 0 : i32
      %ge3A_360 = arith.cmpi sge, %sub3A_358, %ge3A_359 : i32
      %convert_element_type3A_361 = arith.extui %ge3A_360 : i1 to i32
      %cond3A_362 = arith.constant 0 : i32
      %cond3A_363 = arith.cmpi ne, %convert_element_type3A_361, %cond3A_362 : i32
      scf.if %cond3A_363 {
        %add3A_417 = arith.constant 4 : i32
        %add3A_418 = arith.addi %add3A_354, %add3A_417 : i32
        %sub3A_419 = arith.constant 6 : i32
        %sub3A_420 = arith.subi %add3A_418, %sub3A_419 : i32
        %dma_wait3A_421 = arith.constant 0 : i32
        %dma_wait3A_422 = tpu.memref_slice %arg6[%sub3A_420, %dma_wait3A_421] : memref<250x80xi32, #tpu.memory_space<vmem>> -> memref<1x80xi32, #tpu.memory_space<vmem>>
        %dma_wait3A_423 = tpu.memref_squeeze %dma_wait3A_422 : memref<1x80xi32, #tpu.memory_space<vmem>> -> memref<80xi32, #tpu.memory_space<vmem>>
        %dma_wait3A_424 = arith.constant 0 : i32
        %dma_wait3A_425 = arith.constant 0 : i32
        %dma_wait3A_426 = tpu.memref_slice %arg26[%dma_wait3A_424, %dma_wait3A_425] : memref<10240x64xf32, #tpu.memory_space<vmem_shared>> -> memref<10240x64xf32, #tpu.memory_space<vmem_shared>>
        tpu.wait_indirect_dma semaphore(%arg21 : memref<!tpu.dma_semaphore, #tpu.memory_space<semaphore_mem>>) src(%arg9 : memref<80x64xf32, #tpu.memory_space<vmem>>) dst(%dma_wait3A_426 : memref<10240x64xf32, #tpu.memory_space<vmem_shared>>)
      } else {
      }
      %add3A_364 = arith.constant 4 : i32
      %add3A_365 = arith.addi %add3A_354, %add3A_364 : i32
      %dma_start3A_366 = arith.constant 0 : i32
      %dma_start3A_367 = tpu.memref_slice %arg5[%add3A_365, %dma_start3A_366] : memref<250x80xi32, #tpu.memory_space<vmem>> -> memref<1x80xi32, #tpu.memory_space<vmem>>
      %dma_start3A_368 = tpu.memref_squeeze %dma_start3A_367 : memref<1x80xi32, #tpu.memory_space<vmem>> -> memref<80xi32, #tpu.memory_space<vmem>>
      %dma_start3A_369 = arith.constant 0 : i32
      %dma_start3A_370 = arith.constant 0 : i32
      %dma_start3A_371 = tpu.memref_slice %arg2[%dma_start3A_369, %dma_start3A_370] : memref<20000x64xf32, #tpu.memory_space<hbm>> -> memref<20000x64xf32, #tpu.memory_space<hbm>>
      tpu.enqueue_indirect_dma source(%dma_start3A_371 : memref<20000x64xf32, #tpu.memory_space<hbm>>) target(%arg9 : memref<80x64xf32, #tpu.memory_space<vmem>>) offsets(%dma_start3A_368 : memref<80xi32, #tpu.memory_space<vmem>>) semaphore(%arg15 : memref<!tpu.dma_semaphore, #tpu.memory_space<semaphore_mem>>)
      %dma_wait3A_372 = arith.constant 0 : i32
      %dma_wait3A_373 = tpu.memref_slice %arg5[%add3A_354, %dma_wait3A_372] : memref<250x80xi32, #tpu.memory_space<vmem>> -> memref<1x80xi32, #tpu.memory_space<vmem>>
      %dma_wait3A_374 = tpu.memref_squeeze %dma_wait3A_373 : memref<1x80xi32, #tpu.memory_space<vmem>> -> memref<80xi32, #tpu.memory_space<vmem>>
      %dma_wait3A_375 = arith.constant 0 : i32
      %dma_wait3A_376 = arith.constant 0 : i32
      %dma_wait3A_377 = tpu.memref_slice %arg2[%dma_wait3A_375, %dma_wait3A_376] : memref<20000x64xf32, #tpu.memory_space<hbm>> -> memref<20000x64xf32, #tpu.memory_space<hbm>>
      tpu.wait_indirect_dma semaphore(%arg17 : memref<!tpu.dma_semaphore, #tpu.memory_space<semaphore_mem>>) src(%dma_wait3A_377 : memref<20000x64xf32, #tpu.memory_space<hbm>>) dst(%arg11 : memref<80x64xf32, #tpu.memory_space<vmem>>)
      %dma_start3A_378 = arith.constant 0 : i32
      %dma_start3A_379 = tpu.memref_slice %arg6[%add3A_354, %dma_start3A_378] : memref<250x80xi32, #tpu.memory_space<vmem>> -> memref<1x80xi32, #tpu.memory_space<vmem>>
      %dma_start3A_380 = tpu.memref_squeeze %dma_start3A_379 : memref<1x80xi32, #tpu.memory_space<vmem>> -> memref<80xi32, #tpu.memory_space<vmem>>
      %dma_start3A_381 = arith.constant 0 : i32
      %dma_start3A_382 = arith.constant 0 : i32
      %dma_start3A_383 = tpu.memref_slice %arg26[%dma_start3A_381, %dma_start3A_382] : memref<10240x64xf32, #tpu.memory_space<vmem_shared>> -> memref<10240x64xf32, #tpu.memory_space<vmem_shared>>
      tpu.enqueue_indirect_dma source(%arg11 : memref<80x64xf32, #tpu.memory_space<vmem>>) target(%dma_start3A_383 : memref<10240x64xf32, #tpu.memory_space<vmem_shared>>) offsets(%dma_start3A_380 : memref<80xi32, #tpu.memory_space<vmem>>) semaphore(%arg23 : memref<!tpu.dma_semaphore, #tpu.memory_space<semaphore_mem>>) {add = true}
      %mul3A_384 = arith.constant 6 : i32
      %mul3A_385 = arith.muli %mul3A_384, %scan3A_222 : i32
      %add3A_386 = arith.constant 5 : i32
      %add3A_387 = arith.addi %mul3A_385, %add3A_386 : i32
      %add3A_388 = arith.constant 4 : i32
      %add3A_389 = arith.addi %add3A_387, %add3A_388 : i32
      %sub3A_390 = arith.constant 6 : i32
      %sub3A_391 = arith.subi %add3A_389, %sub3A_390 : i32
      %ge3A_392 = arith.constant 0 : i32
      %ge3A_393 = arith.cmpi sge, %sub3A_391, %ge3A_392 : i32
      %convert_element_type3A_394 = arith.extui %ge3A_393 : i1 to i32
      %cond3A_395 = arith.constant 0 : i32
      %cond3A_396 = arith.cmpi ne, %convert_element_type3A_394, %cond3A_395 : i32
      scf.if %cond3A_396 {
        %add3A_417 = arith.constant 4 : i32
        %add3A_418 = arith.addi %add3A_387, %add3A_417 : i32
        %sub3A_419 = arith.constant 6 : i32
        %sub3A_420 = arith.subi %add3A_418, %sub3A_419 : i32
        %dma_wait3A_421 = arith.constant 0 : i32
        %dma_wait3A_422 = tpu.memref_slice %arg6[%sub3A_420, %dma_wait3A_421] : memref<250x80xi32, #tpu.memory_space<vmem>> -> memref<1x80xi32, #tpu.memory_space<vmem>>
        %dma_wait3A_423 = tpu.memref_squeeze %dma_wait3A_422 : memref<1x80xi32, #tpu.memory_space<vmem>> -> memref<80xi32, #tpu.memory_space<vmem>>
        %dma_wait3A_424 = arith.constant 0 : i32
        %dma_wait3A_425 = arith.constant 0 : i32
        %dma_wait3A_426 = tpu.memref_slice %arg26[%dma_wait3A_424, %dma_wait3A_425] : memref<10240x64xf32, #tpu.memory_space<vmem_shared>> -> memref<10240x64xf32, #tpu.memory_space<vmem_shared>>
        tpu.wait_indirect_dma semaphore(%arg22 : memref<!tpu.dma_semaphore, #tpu.memory_space<semaphore_mem>>) src(%arg10 : memref<80x64xf32, #tpu.memory_space<vmem>>) dst(%dma_wait3A_426 : memref<10240x64xf32, #tpu.memory_space<vmem_shared>>)
      } else {
      }
      %add3A_397 = arith.constant 4 : i32
      %add3A_398 = arith.addi %add3A_387, %add3A_397 : i32
      %dma_start3A_399 = arith.constant 0 : i32
      %dma_start3A_400 = tpu.memref_slice %arg5[%add3A_398, %dma_start3A_399] : memref<250x80xi32, #tpu.memory_space<vmem>> -> memref<1x80xi32, #tpu.memory_space<vmem>>
      %dma_start3A_401 = tpu.memref_squeeze %dma_start3A_400 : memref<1x80xi32, #tpu.memory_space<vmem>> -> memref<80xi32, #tpu.memory_space<vmem>>
      %dma_start3A_402 = arith.constant 0 : i32
      %dma_start3A_403 = arith.constant 0 : i32
      %dma_start3A_404 = tpu.memref_slice %arg2[%dma_start3A_402, %dma_start3A_403] : memref<20000x64xf32, #tpu.memory_space<hbm>> -> memref<20000x64xf32, #tpu.memory_space<hbm>>
      tpu.enqueue_indirect_dma source(%dma_start3A_404 : memref<20000x64xf32, #tpu.memory_space<hbm>>) target(%arg10 : memref<80x64xf32, #tpu.memory_space<vmem>>) offsets(%dma_start3A_401 : memref<80xi32, #tpu.memory_space<vmem>>) semaphore(%arg16 : memref<!tpu.dma_semaphore, #tpu.memory_space<semaphore_mem>>)
      %dma_wait3A_405 = arith.constant 0 : i32
      %dma_wait3A_406 = tpu.memref_slice %arg5[%add3A_387, %dma_wait3A_405] : memref<250x80xi32, #tpu.memory_space<vmem>> -> memref<1x80xi32, #tpu.memory_space<vmem>>
      %dma_wait3A_407 = tpu.memref_squeeze %dma_wait3A_406 : memref<1x80xi32, #tpu.memory_space<vmem>> -> memref<80xi32, #tpu.memory_space<vmem>>
      %dma_wait3A_408 = arith.constant 0 : i32
      %dma_wait3A_409 = arith.constant 0 : i32
      %dma_wait3A_410 = tpu.memref_slice %arg2[%dma_wait3A_408, %dma_wait3A_409] : memref<20000x64xf32, #tpu.memory_space<hbm>> -> memref<20000x64xf32, #tpu.memory_space<hbm>>
      tpu.wait_indirect_dma semaphore(%arg18 : memref<!tpu.dma_semaphore, #tpu.memory_space<semaphore_mem>>) src(%dma_wait3A_410 : memref<20000x64xf32, #tpu.memory_space<hbm>>) dst(%arg12 : memref<80x64xf32, #tpu.memory_space<vmem>>)
      %dma_start3A_411 = arith.constant 0 : i32
      %dma_start3A_412 = tpu.memref_slice %arg6[%add3A_387, %dma_start3A_411] : memref<250x80xi32, #tpu.memory_space<vmem>> -> memref<1x80xi32, #tpu.memory_space<vmem>>
      %dma_start3A_413 = tpu.memref_squeeze %dma_start3A_412 : memref<1x80xi32, #tpu.memory_space<vmem>> -> memref<80xi32, #tpu.memory_space<vmem>>
      %dma_start3A_414 = arith.constant 0 : i32
      %dma_start3A_415 = arith.constant 0 : i32
      %dma_start3A_416 = tpu.memref_slice %arg26[%dma_start3A_414, %dma_start3A_415] : memref<10240x64xf32, #tpu.memory_space<vmem_shared>> -> memref<10240x64xf32, #tpu.memory_space<vmem_shared>>
      tpu.enqueue_indirect_dma source(%arg12 : memref<80x64xf32, #tpu.memory_space<vmem>>) target(%dma_start3A_416 : memref<10240x64xf32, #tpu.memory_space<vmem_shared>>) offsets(%dma_start3A_413 : memref<80xi32, #tpu.memory_space<vmem>>) semaphore(%arg24 : memref<!tpu.dma_semaphore, #tpu.memory_space<semaphore_mem>>) {add = true}
    }
    %scan3A_83 = arith.constant 41 : i32
    %dma_wait3A = arith.constant 246 : i32
    %dma_wait3A_84 = arith.constant 0 : i32
    %dma_wait3A_85 = tpu.memref_slice %arg5[%dma_wait3A, %dma_wait3A_84] : memref<250x80xi32, #tpu.memory_space<vmem>> -> memref<1x80xi32, #tpu.memory_space<vmem>>
    %dma_wait3A_86 = tpu.memref_squeeze %dma_wait3A_85 : memref<1x80xi32, #tpu.memory_space<vmem>> -> memref<80xi32, #tpu.memory_space<vmem>>
    %dma_wait3A_87 = arith.constant 0 : i32
    %dma_wait3A_88 = arith.constant 0 : i32
    %dma_wait3A_89 = tpu.memref_slice %arg2[%dma_wait3A_87, %dma_wait3A_88] : memref<20000x64xf32, #tpu.memory_space<hbm>> -> memref<20000x64xf32, #tpu.memory_space<hbm>>
    tpu.wait_indirect_dma semaphore(%arg13 : memref<!tpu.dma_semaphore, #tpu.memory_space<semaphore_mem>>) src(%dma_wait3A_89 : memref<20000x64xf32, #tpu.memory_space<hbm>>) dst(%arg7 : memref<80x64xf32, #tpu.memory_space<vmem>>)
    %dma_start3A_90 = arith.constant 246 : i32
    %dma_start3A_91 = arith.constant 0 : i32
    %dma_start3A_92 = tpu.memref_slice %arg6[%dma_start3A_90, %dma_start3A_91] : memref<250x80xi32, #tpu.memory_space<vmem>> -> memref<1x80xi32, #tpu.memory_space<vmem>>
    %dma_start3A_93 = tpu.memref_squeeze %dma_start3A_92 : memref<1x80xi32, #tpu.memory_space<vmem>> -> memref<80xi32, #tpu.memory_space<vmem>>
    %dma_start3A_94 = arith.constant 0 : i32
    %dma_start3A_95 = arith.constant 0 : i32
    %dma_start3A_96 = tpu.memref_slice %arg26[%dma_start3A_94, %dma_start3A_95] : memref<10240x64xf32, #tpu.memory_space<vmem_shared>> -> memref<10240x64xf32, #tpu.memory_space<vmem_shared>>
    tpu.enqueue_indirect_dma source(%arg7 : memref<80x64xf32, #tpu.memory_space<vmem>>) target(%dma_start3A_96 : memref<10240x64xf32, #tpu.memory_space<vmem_shared>>) offsets(%dma_start3A_93 : memref<80xi32, #tpu.memory_space<vmem>>) semaphore(%arg19 : memref<!tpu.dma_semaphore, #tpu.memory_space<semaphore_mem>>) {add = true}
    %dma_wait3A_97 = arith.constant 247 : i32
    %dma_wait3A_98 = arith.constant 0 : i32
    %dma_wait3A_99 = tpu.memref_slice %arg5[%dma_wait3A_97, %dma_wait3A_98] : memref<250x80xi32, #tpu.memory_space<vmem>> -> memref<1x80xi32, #tpu.memory_space<vmem>>
    %dma_wait3A_100 = tpu.memref_squeeze %dma_wait3A_99 : memref<1x80xi32, #tpu.memory_space<vmem>> -> memref<80xi32, #tpu.memory_space<vmem>>
    %dma_wait3A_101 = arith.constant 0 : i32
    %dma_wait3A_102 = arith.constant 0 : i32
    %dma_wait3A_103 = tpu.memref_slice %arg2[%dma_wait3A_101, %dma_wait3A_102] : memref<20000x64xf32, #tpu.memory_space<hbm>> -> memref<20000x64xf32, #tpu.memory_space<hbm>>
    tpu.wait_indirect_dma semaphore(%arg14 : memref<!tpu.dma_semaphore, #tpu.memory_space<semaphore_mem>>) src(%dma_wait3A_103 : memref<20000x64xf32, #tpu.memory_space<hbm>>) dst(%arg8 : memref<80x64xf32, #tpu.memory_space<vmem>>)
    %dma_start3A_104 = arith.constant 247 : i32
    %dma_start3A_105 = arith.constant 0 : i32
    %dma_start3A_106 = tpu.memref_slice %arg6[%dma_start3A_104, %dma_start3A_105] : memref<250x80xi32, #tpu.memory_space<vmem>> -> memref<1x80xi32, #tpu.memory_space<vmem>>
    %dma_start3A_107 = tpu.memref_squeeze %dma_start3A_106 : memref<1x80xi32, #tpu.memory_space<vmem>> -> memref<80xi32, #tpu.memory_space<vmem>>
    %dma_start3A_108 = arith.constant 0 : i32
    %dma_start3A_109 = arith.constant 0 : i32
    %dma_start3A_110 = tpu.memref_slice %arg26[%dma_start3A_108, %dma_start3A_109] : memref<10240x64xf32, #tpu.memory_space<vmem_shared>> -> memref<10240x64xf32, #tpu.memory_space<vmem_shared>>
    tpu.enqueue_indirect_dma source(%arg8 : memref<80x64xf32, #tpu.memory_space<vmem>>) target(%dma_start3A_110 : memref<10240x64xf32, #tpu.memory_space<vmem_shared>>) offsets(%dma_start3A_107 : memref<80xi32, #tpu.memory_space<vmem>>) semaphore(%arg20 : memref<!tpu.dma_semaphore, #tpu.memory_space<semaphore_mem>>) {add = true}
    %dma_wait3A_111 = arith.constant 248 : i32
    %dma_wait3A_112 = arith.constant 0 : i32
    %dma_wait3A_113 = tpu.memref_slice %arg5[%dma_wait3A_111, %dma_wait3A_112] : memref<250x80xi32, #tpu.memory_space<vmem>> -> memref<1x80xi32, #tpu.memory_space<vmem>>
    %dma_wait3A_114 = tpu.memref_squeeze %dma_wait3A_113 : memref<1x80xi32, #tpu.memory_space<vmem>> -> memref<80xi32, #tpu.memory_space<vmem>>
    %dma_wait3A_115 = arith.constant 0 : i32
    %dma_wait3A_116 = arith.constant 0 : i32
    %dma_wait3A_117 = tpu.memref_slice %arg2[%dma_wait3A_115, %dma_wait3A_116] : memref<20000x64xf32, #tpu.memory_space<hbm>> -> memref<20000x64xf32, #tpu.memory_space<hbm>>
    tpu.wait_indirect_dma semaphore(%arg15 : memref<!tpu.dma_semaphore, #tpu.memory_space<semaphore_mem>>) src(%dma_wait3A_117 : memref<20000x64xf32, #tpu.memory_space<hbm>>) dst(%arg9 : memref<80x64xf32, #tpu.memory_space<vmem>>)
    %dma_start3A_118 = arith.constant 248 : i32
    %dma_start3A_119 = arith.constant 0 : i32
    %dma_start3A_120 = tpu.memref_slice %arg6[%dma_start3A_118, %dma_start3A_119] : memref<250x80xi32, #tpu.memory_space<vmem>> -> memref<1x80xi32, #tpu.memory_space<vmem>>
    %dma_start3A_121 = tpu.memref_squeeze %dma_start3A_120 : memref<1x80xi32, #tpu.memory_space<vmem>> -> memref<80xi32, #tpu.memory_space<vmem>>
    %dma_start3A_122 = arith.constant 0 : i32
    %dma_start3A_123 = arith.constant 0 : i32
    %dma_start3A_124 = tpu.memref_slice %arg26[%dma_start3A_122, %dma_start3A_123] : memref<10240x64xf32, #tpu.memory_space<vmem_shared>> -> memref<10240x64xf32, #tpu.memory_space<vmem_shared>>
    tpu.enqueue_indirect_dma source(%arg9 : memref<80x64xf32, #tpu.memory_space<vmem>>) target(%dma_start3A_124 : memref<10240x64xf32, #tpu.memory_space<vmem_shared>>) offsets(%dma_start3A_121 : memref<80xi32, #tpu.memory_space<vmem>>) semaphore(%arg21 : memref<!tpu.dma_semaphore, #tpu.memory_space<semaphore_mem>>) {add = true}
    %dma_wait3A_125 = arith.constant 249 : i32
    %dma_wait3A_126 = arith.constant 0 : i32
    %dma_wait3A_127 = tpu.memref_slice %arg5[%dma_wait3A_125, %dma_wait3A_126] : memref<250x80xi32, #tpu.memory_space<vmem>> -> memref<1x80xi32, #tpu.memory_space<vmem>>
    %dma_wait3A_128 = tpu.memref_squeeze %dma_wait3A_127 : memref<1x80xi32, #tpu.memory_space<vmem>> -> memref<80xi32, #tpu.memory_space<vmem>>
    %dma_wait3A_129 = arith.constant 0 : i32
    %dma_wait3A_130 = arith.constant 0 : i32
    %dma_wait3A_131 = tpu.memref_slice %arg2[%dma_wait3A_129, %dma_wait3A_130] : memref<20000x64xf32, #tpu.memory_space<hbm>> -> memref<20000x64xf32, #tpu.memory_space<hbm>>
    tpu.wait_indirect_dma semaphore(%arg16 : memref<!tpu.dma_semaphore, #tpu.memory_space<semaphore_mem>>) src(%dma_wait3A_131 : memref<20000x64xf32, #tpu.memory_space<hbm>>) dst(%arg10 : memref<80x64xf32, #tpu.memory_space<vmem>>)
    %dma_start3A_132 = arith.constant 249 : i32
    %dma_start3A_133 = arith.constant 0 : i32
    %dma_start3A_134 = tpu.memref_slice %arg6[%dma_start3A_132, %dma_start3A_133] : memref<250x80xi32, #tpu.memory_space<vmem>> -> memref<1x80xi32, #tpu.memory_space<vmem>>
    %dma_start3A_135 = tpu.memref_squeeze %dma_start3A_134 : memref<1x80xi32, #tpu.memory_space<vmem>> -> memref<80xi32, #tpu.memory_space<vmem>>
    %dma_start3A_136 = arith.constant 0 : i32
    %dma_start3A_137 = arith.constant 0 : i32
    %dma_start3A_138 = tpu.memref_slice %arg26[%dma_start3A_136, %dma_start3A_137] : memref<10240x64xf32, #tpu.memory_space<vmem_shared>> -> memref<10240x64xf32, #tpu.memory_space<vmem_shared>>
    tpu.enqueue_indirect_dma source(%arg10 : memref<80x64xf32, #tpu.memory_space<vmem>>) target(%dma_start3A_138 : memref<10240x64xf32, #tpu.memory_space<vmem_shared>>) offsets(%dma_start3A_135 : memref<80xi32, #tpu.memory_space<vmem>>) semaphore(%arg22 : memref<!tpu.dma_semaphore, #tpu.memory_space<semaphore_mem>>) {add = true}
    %dma_wait3A_139 = arith.constant 244 : i32
    %dma_wait3A_140 = arith.constant 0 : i32
    %dma_wait3A_141 = tpu.memref_slice %arg6[%dma_wait3A_139, %dma_wait3A_140] : memref<250x80xi32, #tpu.memory_space<vmem>> -> memref<1x80xi32, #tpu.memory_space<vmem>>
    %dma_wait3A_142 = tpu.memref_squeeze %dma_wait3A_141 : memref<1x80xi32, #tpu.memory_space<vmem>> -> memref<80xi32, #tpu.memory_space<vmem>>
    %dma_wait3A_143 = arith.constant 0 : i32
    %dma_wait3A_144 = arith.constant 0 : i32
    %dma_wait3A_145 = tpu.memref_slice %arg26[%dma_wait3A_143, %dma_wait3A_144] : memref<10240x64xf32, #tpu.memory_space<vmem_shared>> -> memref<10240x64xf32, #tpu.memory_space<vmem_shared>>
    tpu.wait_indirect_dma semaphore(%arg23 : memref<!tpu.dma_semaphore, #tpu.memory_space<semaphore_mem>>) src(%arg11 : memref<80x64xf32, #tpu.memory_space<vmem>>) dst(%dma_wait3A_145 : memref<10240x64xf32, #tpu.memory_space<vmem_shared>>)
    %dma_wait3A_146 = arith.constant 245 : i32
    %dma_wait3A_147 = arith.constant 0 : i32
    %dma_wait3A_148 = tpu.memref_slice %arg6[%dma_wait3A_146, %dma_wait3A_147] : memref<250x80xi32, #tpu.memory_space<vmem>> -> memref<1x80xi32, #tpu.memory_space<vmem>>
    %dma_wait3A_149 = tpu.memref_squeeze %dma_wait3A_148 : memref<1x80xi32, #tpu.memory_space<vmem>> -> memref<80xi32, #tpu.memory_space<vmem>>
    %dma_wait3A_150 = arith.constant 0 : i32
    %dma_wait3A_151 = arith.constant 0 : i32
    %dma_wait3A_152 = tpu.memref_slice %arg26[%dma_wait3A_150, %dma_wait3A_151] : memref<10240x64xf32, #tpu.memory_space<vmem_shared>> -> memref<10240x64xf32, #tpu.memory_space<vmem_shared>>
    tpu.wait_indirect_dma semaphore(%arg24 : memref<!tpu.dma_semaphore, #tpu.memory_space<semaphore_mem>>) src(%arg12 : memref<80x64xf32, #tpu.memory_space<vmem>>) dst(%dma_wait3A_152 : memref<10240x64xf32, #tpu.memory_space<vmem_shared>>)
    %dma_wait3A_153 = arith.constant 246 : i32
    %dma_wait3A_154 = arith.constant 0 : i32
    %dma_wait3A_155 = tpu.memref_slice %arg6[%dma_wait3A_153, %dma_wait3A_154] : memref<250x80xi32, #tpu.memory_space<vmem>> -> memref<1x80xi32, #tpu.memory_space<vmem>>
    %dma_wait3A_156 = tpu.memref_squeeze %dma_wait3A_155 : memref<1x80xi32, #tpu.memory_space<vmem>> -> memref<80xi32, #tpu.memory_space<vmem>>
    %dma_wait3A_157 = arith.constant 0 : i32
    %dma_wait3A_158 = arith.constant 0 : i32
    %dma_wait3A_159 = tpu.memref_slice %arg26[%dma_wait3A_157, %dma_wait3A_158] : memref<10240x64xf32, #tpu.memory_space<vmem_shared>> -> memref<10240x64xf32, #tpu.memory_space<vmem_shared>>
    tpu.wait_indirect_dma semaphore(%arg19 : memref<!tpu.dma_semaphore, #tpu.memory_space<semaphore_mem>>) src(%arg7 : memref<80x64xf32, #tpu.memory_space<vmem>>) dst(%dma_wait3A_159 : memref<10240x64xf32, #tpu.memory_space<vmem_shared>>)
    %dma_wait3A_160 = arith.constant 247 : i32
    %dma_wait3A_161 = arith.constant 0 : i32
    %dma_wait3A_162 = tpu.memref_slice %arg6[%dma_wait3A_160, %dma_wait3A_161] : memref<250x80xi32, #tpu.memory_space<vmem>> -> memref<1x80xi32, #tpu.memory_space<vmem>>
    %dma_wait3A_163 = tpu.memref_squeeze %dma_wait3A_162 : memref<1x80xi32, #tpu.memory_space<vmem>> -> memref<80xi32, #tpu.memory_space<vmem>>
    %dma_wait3A_164 = arith.constant 0 : i32
    %dma_wait3A_165 = arith.constant 0 : i32
    %dma_wait3A_166 = tpu.memref_slice %arg26[%dma_wait3A_164, %dma_wait3A_165] : memref<10240x64xf32, #tpu.memory_space<vmem_shared>> -> memref<10240x64xf32, #tpu.memory_space<vmem_shared>>
    tpu.wait_indirect_dma semaphore(%arg20 : memref<!tpu.dma_semaphore, #tpu.memory_space<semaphore_mem>>) src(%arg8 : memref<80x64xf32, #tpu.memory_space<vmem>>) dst(%dma_wait3A_166 : memref<10240x64xf32, #tpu.memory_space<vmem_shared>>)
    %dma_wait3A_167 = arith.constant 248 : i32
    %dma_wait3A_168 = arith.constant 0 : i32
    %dma_wait3A_169 = tpu.memref_slice %arg6[%dma_wait3A_167, %dma_wait3A_168] : memref<250x80xi32, #tpu.memory_space<vmem>> -> memref<1x80xi32, #tpu.memory_space<vmem>>
    %dma_wait3A_170 = tpu.memref_squeeze %dma_wait3A_169 : memref<1x80xi32, #tpu.memory_space<vmem>> -> memref<80xi32, #tpu.memory_space<vmem>>
    %dma_wait3A_171 = arith.constant 0 : i32
    %dma_wait3A_172 = arith.constant 0 : i32
    %dma_wait3A_173 = tpu.memref_slice %arg26[%dma_wait3A_171, %dma_wait3A_172] : memref<10240x64xf32, #tpu.memory_space<vmem_shared>> -> memref<10240x64xf32, #tpu.memory_space<vmem_shared>>
    tpu.wait_indirect_dma semaphore(%arg21 : memref<!tpu.dma_semaphore, #tpu.memory_space<semaphore_mem>>) src(%arg9 : memref<80x64xf32, #tpu.memory_space<vmem>>) dst(%dma_wait3A_173 : memref<10240x64xf32, #tpu.memory_space<vmem_shared>>)
    %dma_wait3A_174 = arith.constant 249 : i32
    %dma_wait3A_175 = arith.constant 0 : i32
    %dma_wait3A_176 = tpu.memref_slice %arg6[%dma_wait3A_174, %dma_wait3A_175] : memref<250x80xi32, #tpu.memory_space<vmem>> -> memref<1x80xi32, #tpu.memory_space<vmem>>
    %dma_wait3A_177 = tpu.memref_squeeze %dma_wait3A_176 : memref<1x80xi32, #tpu.memory_space<vmem>> -> memref<80xi32, #tpu.memory_space<vmem>>
    %dma_wait3A_178 = arith.constant 0 : i32
    %dma_wait3A_179 = arith.constant 0 : i32
    %dma_wait3A_180 = tpu.memref_slice %arg26[%dma_wait3A_178, %dma_wait3A_179] : memref<10240x64xf32, #tpu.memory_space<vmem_shared>> -> memref<10240x64xf32, #tpu.memory_space<vmem_shared>>
    tpu.wait_indirect_dma semaphore(%arg22 : memref<!tpu.dma_semaphore, #tpu.memory_space<semaphore_mem>>) src(%arg10 : memref<80x64xf32, #tpu.memory_space<vmem>>) dst(%dma_wait3A_180 : memref<10240x64xf32, #tpu.memory_space<vmem_shared>>)
    %barrier3A_181 = arith.constant 0 : index
    tpu.barrier barrier_id(%barrier3A_181)
    %mul3A_182 = arith.constant 640 : i32
    %mul3A_183 = arith.muli %arg1, %mul3A_182 : i32
    %add3A_184 = arith.constant 0 : i32
    %add3A_185 = arith.addi %mul3A_183, %add3A_184 : i32
    "tpu.region"() ({
      %run_scoped3A_222 = tpu.sem_alloc : memref<!tpu.dma_semaphore, #tpu.memory_space<semaphore_mem>>
      %dma_start3A_223 = arith.constant 0 : i32
      %dma_start3A_224 = tpu.memref_slice %arg4[%arg0, %add3A_185, %dma_start3A_223] : memref<2x10240x64xf32, #tpu.memory_space<hbm>> -> memref<1x64x64xf32, #tpu.memory_space<hbm>>
      %dma_start3A_225 = tpu.memref_squeeze %dma_start3A_224 : memref<1x64x64xf32, #tpu.memory_space<hbm>> -> memref<64x64xf32, #tpu.memory_space<hbm>>
      %dma_start3A_226 = arith.constant 0 : i32
      %dma_start3A_227 = tpu.memref_slice %arg26[%add3A_185, %dma_start3A_226] : memref<10240x64xf32, #tpu.memory_space<vmem_shared>> -> memref<64x64xf32, #tpu.memory_space<vmem_shared>>
      tpu.enqueue_dma source(%dma_start3A_227 : memref<64x64xf32, #tpu.memory_space<vmem_shared>>) target(%dma_start3A_225 : memref<64x64xf32, #tpu.memory_space<hbm>>) target_semaphore(%run_scoped3A_222 : memref<!tpu.dma_semaphore, #tpu.memory_space<semaphore_mem>>)
      %dma_wait3A_228 = arith.constant 0 : i32
      %dma_wait3A_229 = tpu.memref_slice %arg4[%arg0, %add3A_185, %dma_wait3A_228] : memref<2x10240x64xf32, #tpu.memory_space<hbm>> -> memref<1x64x64xf32, #tpu.memory_space<hbm>>
      %dma_wait3A_230 = tpu.memref_squeeze %dma_wait3A_229 : memref<1x64x64xf32, #tpu.memory_space<hbm>> -> memref<64x64xf32, #tpu.memory_space<hbm>>
      %dma_wait3A_231 = arith.constant 0 : i32
      %dma_wait3A_232 = tpu.memref_slice %arg26[%add3A_185, %dma_wait3A_231] : memref<10240x64xf32, #tpu.memory_space<vmem_shared>> -> memref<64x64xf32, #tpu.memory_space<vmem_shared>>
      tpu.wait_dma2 semaphore(%run_scoped3A_222 : memref<!tpu.dma_semaphore, #tpu.memory_space<semaphore_mem>>) src(%dma_wait3A_232 : memref<64x64xf32, #tpu.memory_space<vmem_shared>>) dst(%dma_wait3A_230 : memref<64x64xf32, #tpu.memory_space<hbm>>)
      tpu.yield
    }) : () -> ()
    %mul3A_186 = arith.constant 640 : i32
    %mul3A_187 = arith.muli %arg1, %mul3A_186 : i32
    %add3A_188 = arith.constant 64 : i32
    %add3A_189 = arith.addi %mul3A_187, %add3A_188 : i32
    "tpu.region"() ({
      %run_scoped3A_222 = tpu.sem_alloc : memref<!tpu.dma_semaphore, #tpu.memory_space<semaphore_mem>>
      %dma_start3A_223 = arith.constant 0 : i32
      %dma_start3A_224 = tpu.memref_slice %arg4[%arg0, %add3A_189, %dma_start3A_223] : memref<2x10240x64xf32, #tpu.memory_space<hbm>> -> memref<1x64x64xf32, #tpu.memory_space<hbm>>
      %dma_start3A_225 = tpu.memref_squeeze %dma_start3A_224 : memref<1x64x64xf32, #tpu.memory_space<hbm>> -> memref<64x64xf32, #tpu.memory_space<hbm>>
      %dma_start3A_226 = arith.constant 0 : i32
      %dma_start3A_227 = tpu.memref_slice %arg26[%add3A_189, %dma_start3A_226] : memref<10240x64xf32, #tpu.memory_space<vmem_shared>> -> memref<64x64xf32, #tpu.memory_space<vmem_shared>>
      tpu.enqueue_dma source(%dma_start3A_227 : memref<64x64xf32, #tpu.memory_space<vmem_shared>>) target(%dma_start3A_225 : memref<64x64xf32, #tpu.memory_space<hbm>>) target_semaphore(%run_scoped3A_222 : memref<!tpu.dma_semaphore, #tpu.memory_space<semaphore_mem>>)
      %dma_wait3A_228 = arith.constant 0 : i32
      %dma_wait3A_229 = tpu.memref_slice %arg4[%arg0, %add3A_189, %dma_wait3A_228] : memref<2x10240x64xf32, #tpu.memory_space<hbm>> -> memref<1x64x64xf32, #tpu.memory_space<hbm>>
      %dma_wait3A_230 = tpu.memref_squeeze %dma_wait3A_229 : memref<1x64x64xf32, #tpu.memory_space<hbm>> -> memref<64x64xf32, #tpu.memory_space<hbm>>
      %dma_wait3A_231 = arith.constant 0 : i32
      %dma_wait3A_232 = tpu.memref_slice %arg26[%add3A_189, %dma_wait3A_231] : memref<10240x64xf32, #tpu.memory_space<vmem_shared>> -> memref<64x64xf32, #tpu.memory_space<vmem_shared>>
      tpu.wait_dma2 semaphore(%run_scoped3A_222 : memref<!tpu.dma_semaphore, #tpu.memory_space<semaphore_mem>>) src(%dma_wait3A_232 : memref<64x64xf32, #tpu.memory_space<vmem_shared>>) dst(%dma_wait3A_230 : memref<64x64xf32, #tpu.memory_space<hbm>>)
      tpu.yield
    }) : () -> ()
    %mul3A_190 = arith.constant 640 : i32
    %mul3A_191 = arith.muli %arg1, %mul3A_190 : i32
    %add3A_192 = arith.constant 128 : i32
    %add3A_193 = arith.addi %mul3A_191, %add3A_192 : i32
    "tpu.region"() ({
      %run_scoped3A_222 = tpu.sem_alloc : memref<!tpu.dma_semaphore, #tpu.memory_space<semaphore_mem>>
      %dma_start3A_223 = arith.constant 0 : i32
      %dma_start3A_224 = tpu.memref_slice %arg4[%arg0, %add3A_193, %dma_start3A_223] : memref<2x10240x64xf32, #tpu.memory_space<hbm>> -> memref<1x64x64xf32, #tpu.memory_space<hbm>>
      %dma_start3A_225 = tpu.memref_squeeze %dma_start3A_224 : memref<1x64x64xf32, #tpu.memory_space<hbm>> -> memref<64x64xf32, #tpu.memory_space<hbm>>
      %dma_start3A_226 = arith.constant 0 : i32
      %dma_start3A_227 = tpu.memref_slice %arg26[%add3A_193, %dma_start3A_226] : memref<10240x64xf32, #tpu.memory_space<vmem_shared>> -> memref<64x64xf32, #tpu.memory_space<vmem_shared>>
      tpu.enqueue_dma source(%dma_start3A_227 : memref<64x64xf32, #tpu.memory_space<vmem_shared>>) target(%dma_start3A_225 : memref<64x64xf32, #tpu.memory_space<hbm>>) target_semaphore(%run_scoped3A_222 : memref<!tpu.dma_semaphore, #tpu.memory_space<semaphore_mem>>)
      %dma_wait3A_228 = arith.constant 0 : i32
      %dma_wait3A_229 = tpu.memref_slice %arg4[%arg0, %add3A_193, %dma_wait3A_228] : memref<2x10240x64xf32, #tpu.memory_space<hbm>> -> memref<1x64x64xf32, #tpu.memory_space<hbm>>
      %dma_wait3A_230 = tpu.memref_squeeze %dma_wait3A_229 : memref<1x64x64xf32, #tpu.memory_space<hbm>> -> memref<64x64xf32, #tpu.memory_space<hbm>>
      %dma_wait3A_231 = arith.constant 0 : i32
      %dma_wait3A_232 = tpu.memref_slice %arg26[%add3A_193, %dma_wait3A_231] : memref<10240x64xf32, #tpu.memory_space<vmem_shared>> -> memref<64x64xf32, #tpu.memory_space<vmem_shared>>
      tpu.wait_dma2 semaphore(%run_scoped3A_222 : memref<!tpu.dma_semaphore, #tpu.memory_space<semaphore_mem>>) src(%dma_wait3A_232 : memref<64x64xf32, #tpu.memory_space<vmem_shared>>) dst(%dma_wait3A_230 : memref<64x64xf32, #tpu.memory_space<hbm>>)
      tpu.yield
    }) : () -> ()
    %mul3A_194 = arith.constant 640 : i32
    %mul3A_195 = arith.muli %arg1, %mul3A_194 : i32
    %add3A_196 = arith.constant 192 : i32
    %add3A_197 = arith.addi %mul3A_195, %add3A_196 : i32
    "tpu.region"() ({
      %run_scoped3A_222 = tpu.sem_alloc : memref<!tpu.dma_semaphore, #tpu.memory_space<semaphore_mem>>
      %dma_start3A_223 = arith.constant 0 : i32
      %dma_start3A_224 = tpu.memref_slice %arg4[%arg0, %add3A_197, %dma_start3A_223] : memref<2x10240x64xf32, #tpu.memory_space<hbm>> -> memref<1x64x64xf32, #tpu.memory_space<hbm>>
      %dma_start3A_225 = tpu.memref_squeeze %dma_start3A_224 : memref<1x64x64xf32, #tpu.memory_space<hbm>> -> memref<64x64xf32, #tpu.memory_space<hbm>>
      %dma_start3A_226 = arith.constant 0 : i32
      %dma_start3A_227 = tpu.memref_slice %arg26[%add3A_197, %dma_start3A_226] : memref<10240x64xf32, #tpu.memory_space<vmem_shared>> -> memref<64x64xf32, #tpu.memory_space<vmem_shared>>
      tpu.enqueue_dma source(%dma_start3A_227 : memref<64x64xf32, #tpu.memory_space<vmem_shared>>) target(%dma_start3A_225 : memref<64x64xf32, #tpu.memory_space<hbm>>) target_semaphore(%run_scoped3A_222 : memref<!tpu.dma_semaphore, #tpu.memory_space<semaphore_mem>>)
      %dma_wait3A_228 = arith.constant 0 : i32
      %dma_wait3A_229 = tpu.memref_slice %arg4[%arg0, %add3A_197, %dma_wait3A_228] : memref<2x10240x64xf32, #tpu.memory_space<hbm>> -> memref<1x64x64xf32, #tpu.memory_space<hbm>>
      %dma_wait3A_230 = tpu.memref_squeeze %dma_wait3A_229 : memref<1x64x64xf32, #tpu.memory_space<hbm>> -> memref<64x64xf32, #tpu.memory_space<hbm>>
      %dma_wait3A_231 = arith.constant 0 : i32
      %dma_wait3A_232 = tpu.memref_slice %arg26[%add3A_197, %dma_wait3A_231] : memref<10240x64xf32, #tpu.memory_space<vmem_shared>> -> memref<64x64xf32, #tpu.memory_space<vmem_shared>>
      tpu.wait_dma2 semaphore(%run_scoped3A_222 : memref<!tpu.dma_semaphore, #tpu.memory_space<semaphore_mem>>) src(%dma_wait3A_232 : memref<64x64xf32, #tpu.memory_space<vmem_shared>>) dst(%dma_wait3A_230 : memref<64x64xf32, #tpu.memory_space<hbm>>)
      tpu.yield
    }) : () -> ()
    %mul3A_198 = arith.constant 640 : i32
    %mul3A_199 = arith.muli %arg1, %mul3A_198 : i32
    %add3A_200 = arith.constant 256 : i32
    %add3A_201 = arith.addi %mul3A_199, %add3A_200 : i32
    "tpu.region"() ({
      %run_scoped3A_222 = tpu.sem_alloc : memref<!tpu.dma_semaphore, #tpu.memory_space<semaphore_mem>>
      %dma_start3A_223 = arith.constant 0 : i32
      %dma_start3A_224 = tpu.memref_slice %arg4[%arg0, %add3A_201, %dma_start3A_223] : memref<2x10240x64xf32, #tpu.memory_space<hbm>> -> memref<1x64x64xf32, #tpu.memory_space<hbm>>
      %dma_start3A_225 = tpu.memref_squeeze %dma_start3A_224 : memref<1x64x64xf32, #tpu.memory_space<hbm>> -> memref<64x64xf32, #tpu.memory_space<hbm>>
      %dma_start3A_226 = arith.constant 0 : i32
      %dma_start3A_227 = tpu.memref_slice %arg26[%add3A_201, %dma_start3A_226] : memref<10240x64xf32, #tpu.memory_space<vmem_shared>> -> memref<64x64xf32, #tpu.memory_space<vmem_shared>>
      tpu.enqueue_dma source(%dma_start3A_227 : memref<64x64xf32, #tpu.memory_space<vmem_shared>>) target(%dma_start3A_225 : memref<64x64xf32, #tpu.memory_space<hbm>>) target_semaphore(%run_scoped3A_222 : memref<!tpu.dma_semaphore, #tpu.memory_space<semaphore_mem>>)
      %dma_wait3A_228 = arith.constant 0 : i32
      %dma_wait3A_229 = tpu.memref_slice %arg4[%arg0, %add3A_201, %dma_wait3A_228] : memref<2x10240x64xf32, #tpu.memory_space<hbm>> -> memref<1x64x64xf32, #tpu.memory_space<hbm>>
      %dma_wait3A_230 = tpu.memref_squeeze %dma_wait3A_229 : memref<1x64x64xf32, #tpu.memory_space<hbm>> -> memref<64x64xf32, #tpu.memory_space<hbm>>
      %dma_wait3A_231 = arith.constant 0 : i32
      %dma_wait3A_232 = tpu.memref_slice %arg26[%add3A_201, %dma_wait3A_231] : memref<10240x64xf32, #tpu.memory_space<vmem_shared>> -> memref<64x64xf32, #tpu.memory_space<vmem_shared>>
      tpu.wait_dma2 semaphore(%run_scoped3A_222 : memref<!tpu.dma_semaphore, #tpu.memory_space<semaphore_mem>>) src(%dma_wait3A_232 : memref<64x64xf32, #tpu.memory_space<vmem_shared>>) dst(%dma_wait3A_230 : memref<64x64xf32, #tpu.memory_space<hbm>>)
      tpu.yield
    }) : () -> ()
    %mul3A_202 = arith.constant 640 : i32
    %mul3A_203 = arith.muli %arg1, %mul3A_202 : i32
    %add3A_204 = arith.constant 320 : i32
    %add3A_205 = arith.addi %mul3A_203, %add3A_204 : i32
    "tpu.region"() ({
      %run_scoped3A_222 = tpu.sem_alloc : memref<!tpu.dma_semaphore, #tpu.memory_space<semaphore_mem>>
      %dma_start3A_223 = arith.constant 0 : i32
      %dma_start3A_224 = tpu.memref_slice %arg4[%arg0, %add3A_205, %dma_start3A_223] : memref<2x10240x64xf32, #tpu.memory_space<hbm>> -> memref<1x64x64xf32, #tpu.memory_space<hbm>>
      %dma_start3A_225 = tpu.memref_squeeze %dma_start3A_224 : memref<1x64x64xf32, #tpu.memory_space<hbm>> -> memref<64x64xf32, #tpu.memory_space<hbm>>
      %dma_start3A_226 = arith.constant 0 : i32
      %dma_start3A_227 = tpu.memref_slice %arg26[%add3A_205, %dma_start3A_226] : memref<10240x64xf32, #tpu.memory_space<vmem_shared>> -> memref<64x64xf32, #tpu.memory_space<vmem_shared>>
      tpu.enqueue_dma source(%dma_start3A_227 : memref<64x64xf32, #tpu.memory_space<vmem_shared>>) target(%dma_start3A_225 : memref<64x64xf32, #tpu.memory_space<hbm>>) target_semaphore(%run_scoped3A_222 : memref<!tpu.dma_semaphore, #tpu.memory_space<semaphore_mem>>)
      %dma_wait3A_228 = arith.constant 0 : i32
      %dma_wait3A_229 = tpu.memref_slice %arg4[%arg0, %add3A_205, %dma_wait3A_228] : memref<2x10240x64xf32, #tpu.memory_space<hbm>> -> memref<1x64x64xf32, #tpu.memory_space<hbm>>
      %dma_wait3A_230 = tpu.memref_squeeze %dma_wait3A_229 : memref<1x64x64xf32, #tpu.memory_space<hbm>> -> memref<64x64xf32, #tpu.memory_space<hbm>>
      %dma_wait3A_231 = arith.constant 0 : i32
      %dma_wait3A_232 = tpu.memref_slice %arg26[%add3A_205, %dma_wait3A_231] : memref<10240x64xf32, #tpu.memory_space<vmem_shared>> -> memref<64x64xf32, #tpu.memory_space<vmem_shared>>
      tpu.wait_dma2 semaphore(%run_scoped3A_222 : memref<!tpu.dma_semaphore, #tpu.memory_space<semaphore_mem>>) src(%dma_wait3A_232 : memref<64x64xf32, #tpu.memory_space<vmem_shared>>) dst(%dma_wait3A_230 : memref<64x64xf32, #tpu.memory_space<hbm>>)
      tpu.yield
    }) : () -> ()
    %mul3A_206 = arith.constant 640 : i32
    %mul3A_207 = arith.muli %arg1, %mul3A_206 : i32
    %add3A_208 = arith.constant 384 : i32
    %add3A_209 = arith.addi %mul3A_207, %add3A_208 : i32
    "tpu.region"() ({
      %run_scoped3A_222 = tpu.sem_alloc : memref<!tpu.dma_semaphore, #tpu.memory_space<semaphore_mem>>
      %dma_start3A_223 = arith.constant 0 : i32
      %dma_start3A_224 = tpu.memref_slice %arg4[%arg0, %add3A_209, %dma_start3A_223] : memref<2x10240x64xf32, #tpu.memory_space<hbm>> -> memref<1x64x64xf32, #tpu.memory_space<hbm>>
      %dma_start3A_225 = tpu.memref_squeeze %dma_start3A_224 : memref<1x64x64xf32, #tpu.memory_space<hbm>> -> memref<64x64xf32, #tpu.memory_space<hbm>>
      %dma_start3A_226 = arith.constant 0 : i32
      %dma_start3A_227 = tpu.memref_slice %arg26[%add3A_209, %dma_start3A_226] : memref<10240x64xf32, #tpu.memory_space<vmem_shared>> -> memref<64x64xf32, #tpu.memory_space<vmem_shared>>
      tpu.enqueue_dma source(%dma_start3A_227 : memref<64x64xf32, #tpu.memory_space<vmem_shared>>) target(%dma_start3A_225 : memref<64x64xf32, #tpu.memory_space<hbm>>) target_semaphore(%run_scoped3A_222 : memref<!tpu.dma_semaphore, #tpu.memory_space<semaphore_mem>>)
      %dma_wait3A_228 = arith.constant 0 : i32
      %dma_wait3A_229 = tpu.memref_slice %arg4[%arg0, %add3A_209, %dma_wait3A_228] : memref<2x10240x64xf32, #tpu.memory_space<hbm>> -> memref<1x64x64xf32, #tpu.memory_space<hbm>>
      %dma_wait3A_230 = tpu.memref_squeeze %dma_wait3A_229 : memref<1x64x64xf32, #tpu.memory_space<hbm>> -> memref<64x64xf32, #tpu.memory_space<hbm>>
      %dma_wait3A_231 = arith.constant 0 : i32
      %dma_wait3A_232 = tpu.memref_slice %arg26[%add3A_209, %dma_wait3A_231] : memref<10240x64xf32, #tpu.memory_space<vmem_shared>> -> memref<64x64xf32, #tpu.memory_space<vmem_shared>>
      tpu.wait_dma2 semaphore(%run_scoped3A_222 : memref<!tpu.dma_semaphore, #tpu.memory_space<semaphore_mem>>) src(%dma_wait3A_232 : memref<64x64xf32, #tpu.memory_space<vmem_shared>>) dst(%dma_wait3A_230 : memref<64x64xf32, #tpu.memory_space<hbm>>)
      tpu.yield
    }) : () -> ()
    %mul3A_210 = arith.constant 640 : i32
    %mul3A_211 = arith.muli %arg1, %mul3A_210 : i32
    %add3A_212 = arith.constant 448 : i32
    %add3A_213 = arith.addi %mul3A_211, %add3A_212 : i32
    "tpu.region"() ({
      %run_scoped3A_222 = tpu.sem_alloc : memref<!tpu.dma_semaphore, #tpu.memory_space<semaphore_mem>>
      %dma_start3A_223 = arith.constant 0 : i32
      %dma_start3A_224 = tpu.memref_slice %arg4[%arg0, %add3A_213, %dma_start3A_223] : memref<2x10240x64xf32, #tpu.memory_space<hbm>> -> memref<1x64x64xf32, #tpu.memory_space<hbm>>
      %dma_start3A_225 = tpu.memref_squeeze %dma_start3A_224 : memref<1x64x64xf32, #tpu.memory_space<hbm>> -> memref<64x64xf32, #tpu.memory_space<hbm>>
      %dma_start3A_226 = arith.constant 0 : i32
      %dma_start3A_227 = tpu.memref_slice %arg26[%add3A_213, %dma_start3A_226] : memref<10240x64xf32, #tpu.memory_space<vmem_shared>> -> memref<64x64xf32, #tpu.memory_space<vmem_shared>>
      tpu.enqueue_dma source(%dma_start3A_227 : memref<64x64xf32, #tpu.memory_space<vmem_shared>>) target(%dma_start3A_225 : memref<64x64xf32, #tpu.memory_space<hbm>>) target_semaphore(%run_scoped3A_222 : memref<!tpu.dma_semaphore, #tpu.memory_space<semaphore_mem>>)
      %dma_wait3A_228 = arith.constant 0 : i32
      %dma_wait3A_229 = tpu.memref_slice %arg4[%arg0, %add3A_213, %dma_wait3A_228] : memref<2x10240x64xf32, #tpu.memory_space<hbm>> -> memref<1x64x64xf32, #tpu.memory_space<hbm>>
      %dma_wait3A_230 = tpu.memref_squeeze %dma_wait3A_229 : memref<1x64x64xf32, #tpu.memory_space<hbm>> -> memref<64x64xf32, #tpu.memory_space<hbm>>
      %dma_wait3A_231 = arith.constant 0 : i32
      %dma_wait3A_232 = tpu.memref_slice %arg26[%add3A_213, %dma_wait3A_231] : memref<10240x64xf32, #tpu.memory_space<vmem_shared>> -> memref<64x64xf32, #tpu.memory_space<vmem_shared>>
      tpu.wait_dma2 semaphore(%run_scoped3A_222 : memref<!tpu.dma_semaphore, #tpu.memory_space<semaphore_mem>>) src(%dma_wait3A_232 : memref<64x64xf32, #tpu.memory_space<vmem_shared>>) dst(%dma_wait3A_230 : memref<64x64xf32, #tpu.memory_space<hbm>>)
      tpu.yield
    }) : () -> ()
    %mul3A_214 = arith.constant 640 : i32
    %mul3A_215 = arith.muli %arg1, %mul3A_214 : i32
    %add3A_216 = arith.constant 512 : i32
    %add3A_217 = arith.addi %mul3A_215, %add3A_216 : i32
    "tpu.region"() ({
      %run_scoped3A_222 = tpu.sem_alloc : memref<!tpu.dma_semaphore, #tpu.memory_space<semaphore_mem>>
      %dma_start3A_223 = arith.constant 0 : i32
      %dma_start3A_224 = tpu.memref_slice %arg4[%arg0, %add3A_217, %dma_start3A_223] : memref<2x10240x64xf32, #tpu.memory_space<hbm>> -> memref<1x64x64xf32, #tpu.memory_space<hbm>>
      %dma_start3A_225 = tpu.memref_squeeze %dma_start3A_224 : memref<1x64x64xf32, #tpu.memory_space<hbm>> -> memref<64x64xf32, #tpu.memory_space<hbm>>
      %dma_start3A_226 = arith.constant 0 : i32
      %dma_start3A_227 = tpu.memref_slice %arg26[%add3A_217, %dma_start3A_226] : memref<10240x64xf32, #tpu.memory_space<vmem_shared>> -> memref<64x64xf32, #tpu.memory_space<vmem_shared>>
      tpu.enqueue_dma source(%dma_start3A_227 : memref<64x64xf32, #tpu.memory_space<vmem_shared>>) target(%dma_start3A_225 : memref<64x64xf32, #tpu.memory_space<hbm>>) target_semaphore(%run_scoped3A_222 : memref<!tpu.dma_semaphore, #tpu.memory_space<semaphore_mem>>)
      %dma_wait3A_228 = arith.constant 0 : i32
      %dma_wait3A_229 = tpu.memref_slice %arg4[%arg0, %add3A_217, %dma_wait3A_228] : memref<2x10240x64xf32, #tpu.memory_space<hbm>> -> memref<1x64x64xf32, #tpu.memory_space<hbm>>
      %dma_wait3A_230 = tpu.memref_squeeze %dma_wait3A_229 : memref<1x64x64xf32, #tpu.memory_space<hbm>> -> memref<64x64xf32, #tpu.memory_space<hbm>>
      %dma_wait3A_231 = arith.constant 0 : i32
      %dma_wait3A_232 = tpu.memref_slice %arg26[%add3A_217, %dma_wait3A_231] : memref<10240x64xf32, #tpu.memory_space<vmem_shared>> -> memref<64x64xf32, #tpu.memory_space<vmem_shared>>
      tpu.wait_dma2 semaphore(%run_scoped3A_222 : memref<!tpu.dma_semaphore, #tpu.memory_space<semaphore_mem>>) src(%dma_wait3A_232 : memref<64x64xf32, #tpu.memory_space<vmem_shared>>) dst(%dma_wait3A_230 : memref<64x64xf32, #tpu.memory_space<hbm>>)
      tpu.yield
    }) : () -> ()
    %mul3A_218 = arith.constant 640 : i32
    %mul3A_219 = arith.muli %arg1, %mul3A_218 : i32
    %add3A_220 = arith.constant 576 : i32
    %add3A_221 = arith.addi %mul3A_219, %add3A_220 : i32
    "tpu.region"() ({
      %run_scoped3A_222 = tpu.sem_alloc : memref<!tpu.dma_semaphore, #tpu.memory_space<semaphore_mem>>
      %dma_start3A_223 = arith.constant 0 : i32
      %dma_start3A_224 = tpu.memref_slice %arg4[%arg0, %add3A_221, %dma_start3A_223] : memref<2x10240x64xf32, #tpu.memory_space<hbm>> -> memref<1x64x64xf32, #tpu.memory_space<hbm>>
      %dma_start3A_225 = tpu.memref_squeeze %dma_start3A_224 : memref<1x64x64xf32, #tpu.memory_space<hbm>> -> memref<64x64xf32, #tpu.memory_space<hbm>>
      %dma_start3A_226 = arith.constant 0 : i32
      %dma_start3A_227 = tpu.memref_slice %arg26[%add3A_221, %dma_start3A_226] : memref<10240x64xf32, #tpu.memory_space<vmem_shared>> -> memref<64x64xf32, #tpu.memory_space<vmem_shared>>
      tpu.enqueue_dma source(%dma_start3A_227 : memref<64x64xf32, #tpu.memory_space<vmem_shared>>) target(%dma_start3A_225 : memref<64x64xf32, #tpu.memory_space<hbm>>) target_semaphore(%run_scoped3A_222 : memref<!tpu.dma_semaphore, #tpu.memory_space<semaphore_mem>>)
      %dma_wait3A_228 = arith.constant 0 : i32
      %dma_wait3A_229 = tpu.memref_slice %arg4[%arg0, %add3A_221, %dma_wait3A_228] : memref<2x10240x64xf32, #tpu.memory_space<hbm>> -> memref<1x64x64xf32, #tpu.memory_space<hbm>>
      %dma_wait3A_230 = tpu.memref_squeeze %dma_wait3A_229 : memref<1x64x64xf32, #tpu.memory_space<hbm>> -> memref<64x64xf32, #tpu.memory_space<hbm>>
      %dma_wait3A_231 = arith.constant 0 : i32
      %dma_wait3A_232 = tpu.memref_slice %arg26[%add3A_221, %dma_wait3A_231] : memref<10240x64xf32, #tpu.memory_space<vmem_shared>> -> memref<64x64xf32, #tpu.memory_space<vmem_shared>>
      tpu.wait_dma2 semaphore(%run_scoped3A_222 : memref<!tpu.dma_semaphore, #tpu.memory_space<semaphore_mem>>) src(%dma_wait3A_232 : memref<64x64xf32, #tpu.memory_space<vmem_shared>>) dst(%dma_wait3A_230 : memref<64x64xf32, #tpu.memory_space<hbm>>)
      tpu.yield
    }) : () -> ()
    return
  }
}

#map = affine_map<(d0, d1) -> (0, 0)>
#map1 = affine_map<(d0, d1) -> (0, 0, 0, 0)>
#map2 = affine_map<(d0, d1) -> (0, 0, 0)>
module attributes {stable_mosaic.version = 14 : i64} {
  func.func @agg(%arg0: i32, %arg1: i32, %arg2: memref<20000x64xf32, #tpu.memory_space<hbm>>, %arg3: memref<2x16x250x80xi32, #tpu.memory_space<hbm>>, %arg4: memref<2x80x16xf32, #tpu.memory_space<hbm>>, %arg5: memref<2x10240x64xf32, #tpu.memory_space<hbm>>, %arg6: memref<2x10240x64xf32, #tpu.memory_space<hbm>>, %arg7: memref<250x80xi32, #tpu.memory_space<vmem>>, %arg8: memref<250x80xi32, #tpu.memory_space<vmem>>, %arg9: memref<80x64xf32, #tpu.memory_space<vmem>>, %arg10: memref<80x64xf32, #tpu.memory_space<vmem>>, %arg11: memref<80x64xf32, #tpu.memory_space<vmem>>, %arg12: memref<80x64xf32, #tpu.memory_space<vmem>>, %arg13: memref<80x64xf32, #tpu.memory_space<vmem>>, %arg14: memref<80x64xf32, #tpu.memory_space<vmem>>, %arg15: memref<!tpu.dma_semaphore, #tpu.memory_space<semaphore_mem>>, %arg16: memref<!tpu.dma_semaphore, #tpu.memory_space<semaphore_mem>>, %arg17: memref<!tpu.dma_semaphore, #tpu.memory_space<semaphore_mem>>, %arg18: memref<!tpu.dma_semaphore, #tpu.memory_space<semaphore_mem>>, %arg19: memref<!tpu.dma_semaphore, #tpu.memory_space<semaphore_mem>>, %arg20: memref<!tpu.dma_semaphore, #tpu.memory_space<semaphore_mem>>, %arg21: memref<!tpu.dma_semaphore, #tpu.memory_space<semaphore_mem>>, %arg22: memref<!tpu.dma_semaphore, #tpu.memory_space<semaphore_mem>>, %arg23: memref<!tpu.dma_semaphore, #tpu.memory_space<semaphore_mem>>, %arg24: memref<!tpu.dma_semaphore, #tpu.memory_space<semaphore_mem>>, %arg25: memref<!tpu.dma_semaphore, #tpu.memory_space<semaphore_mem>>, %arg26: memref<!tpu.dma_semaphore, #tpu.memory_space<semaphore_mem>>, %arg27: memref<64x64xf32, #tpu.memory_space<vmem>>, %arg28: memref<10240x64xf32, #tpu.memory_space<vmem_shared>>, %arg29: memref<80x16xf32, #tpu.memory_space<vmem>>, %arg30: memref<64x16xf32, #tpu.memory_space<vmem>>, %arg31: memref<64x16xf32, #tpu.memory_space<vmem>>, %arg32: memref<10240x16xf32, #tpu.memory_space<vmem_shared>>, %arg33: memref<!tpu.dma_semaphore, #tpu.memory_space<semaphore_mem>>) attributes {dimension_semantics = [#tpu.dimension_semantics<core_parallel>, #tpu.dimension_semantics<subcore_parallel>], iteration_bounds = array<i64: 2, 16>, scalar_prefetch = 0 : i64, scratch_operands = 27 : i64, tpu.core_type = #tpu.core_type<sc_vector_subcore>, window_params = [{transform_indices = #map}, {transform_indices = #map1}, {transform_indices = #map2}, {transform_indices = #map2}, {transform_indices = #map2}]} {
    %broadcast_in_dim3A = arith.constant 0.000000e+00 : f32
    %broadcast_in_dim3A_0 = vector.broadcast %broadcast_in_dim3A : f32 to vector<16xf32>
    %scan3A = arith.constant 0 : i32
    %scan3A_1 = arith.constant 0 : i32
    %scan3A_2 = arith.constant 64 : i32
    %scan3A_3 = arith.addi %scan3A_1, %scan3A_2 : i32
    %scan3A_4 = arith.constant 1 : i32
    scf.for %scan3A_325 = %scan3A_1 to %scan3A_3 step %scan3A_4  : i32 {
      %swap3A = arith.index_cast %scan3A_325 : i32 to index
      %swap3A_326 = arith.constant 0 : index
      %swap3A_327 = tpu.vector_load %arg27[%swap3A, %swap3A_326] {strides = array<i32>} : memref<64x64xf32, #tpu.memory_space<vmem>>, vector<1x16xf32>,
      %swap3A_328 = vector.shape_cast %swap3A_327 : vector<1x16xf32> to vector<16xf32>
      %swap3A_329 = vector.shape_cast %broadcast_in_dim3A_0 : vector<16xf32> to vector<1x16xf32>
      tpu.vector_store %arg27[%swap3A, %swap3A_326], %swap3A_329 {strides = array<i32>} : memref<64x64xf32, #tpu.memory_space<vmem>>, vector<1x16xf32>,
      %swap3A_330 = arith.index_cast %scan3A_325 : i32 to index
      %swap3A_331 = arith.constant 16 : index
      %swap3A_332 = tpu.vector_load %arg27[%swap3A_330, %swap3A_331] {strides = array<i32>} : memref<64x64xf32, #tpu.memory_space<vmem>>, vector<1x16xf32>,
      %swap3A_333 = vector.shape_cast %swap3A_332 : vector<1x16xf32> to vector<16xf32>
      %swap3A_334 = vector.shape_cast %broadcast_in_dim3A_0 : vector<16xf32> to vector<1x16xf32>
      tpu.vector_store %arg27[%swap3A_330, %swap3A_331], %swap3A_334 {strides = array<i32>} : memref<64x64xf32, #tpu.memory_space<vmem>>, vector<1x16xf32>,
      %swap3A_335 = arith.index_cast %scan3A_325 : i32 to index
      %swap3A_336 = arith.constant 32 : index
      %swap3A_337 = tpu.vector_load %arg27[%swap3A_335, %swap3A_336] {strides = array<i32>} : memref<64x64xf32, #tpu.memory_space<vmem>>, vector<1x16xf32>,
      %swap3A_338 = vector.shape_cast %swap3A_337 : vector<1x16xf32> to vector<16xf32>
      %swap3A_339 = vector.shape_cast %broadcast_in_dim3A_0 : vector<16xf32> to vector<1x16xf32>
      tpu.vector_store %arg27[%swap3A_335, %swap3A_336], %swap3A_339 {strides = array<i32>} : memref<64x64xf32, #tpu.memory_space<vmem>>, vector<1x16xf32>,
      %swap3A_340 = arith.index_cast %scan3A_325 : i32 to index
      %swap3A_341 = arith.constant 48 : index
      %swap3A_342 = tpu.vector_load %arg27[%swap3A_340, %swap3A_341] {strides = array<i32>} : memref<64x64xf32, #tpu.memory_space<vmem>>, vector<1x16xf32>,
      %swap3A_343 = vector.shape_cast %swap3A_342 : vector<1x16xf32> to vector<16xf32>
      %swap3A_344 = vector.shape_cast %broadcast_in_dim3A_0 : vector<16xf32> to vector<1x16xf32>
      tpu.vector_store %arg27[%swap3A_340, %swap3A_341], %swap3A_344 {strides = array<i32>} : memref<64x64xf32, #tpu.memory_space<vmem>>, vector<1x16xf32>,
    }
    %scan3A_5 = arith.constant 64 : i32
    %run_scoped3A = arith.constant 0 : i32
    "tpu.region"() ({
      %run_scoped3A_325 = tpu.sem_alloc : memref<!tpu.dma_semaphore, #tpu.memory_space<semaphore_mem>>
      %dma_start3A_326 = arith.constant 0 : i32
      %dma_start3A_327 = arith.constant 0 : i32
      %dma_start3A_328 = tpu.memref_slice %arg4[%run_scoped3A, %dma_start3A_326, %dma_start3A_327] : memref<2x80x16xf32, #tpu.memory_space<hbm>> -> memref<1x80x16xf32, #tpu.memory_space<hbm>>
      %dma_start3A_329 = tpu.memref_squeeze %dma_start3A_328 : memref<1x80x16xf32, #tpu.memory_space<hbm>> -> memref<80x16xf32, #tpu.memory_space<hbm>>
      %dma_start3A_330 = arith.constant 0 : i32
      %dma_start3A_331 = arith.constant 0 : i32
      %dma_start3A_332 = tpu.memref_slice %arg4[%run_scoped3A, %dma_start3A_330, %dma_start3A_331] : memref<2x80x16xf32, #tpu.memory_space<hbm>> -> memref<1x80x16xf32, #tpu.memory_space<hbm>>
      %dma_start3A_333 = tpu.memref_squeeze %dma_start3A_332 : memref<1x80x16xf32, #tpu.memory_space<hbm>> -> memref<80x16xf32, #tpu.memory_space<hbm>>
      tpu.enqueue_dma source(%dma_start3A_333 : memref<80x16xf32, #tpu.memory_space<hbm>>) target(%arg29 : memref<80x16xf32, #tpu.memory_space<vmem>>) target_semaphore(%run_scoped3A_325 : memref<!tpu.dma_semaphore, #tpu.memory_space<semaphore_mem>>)
      %dma_wait3A_334 = arith.constant 0 : i32
      %dma_wait3A_335 = arith.constant 0 : i32
      %dma_wait3A_336 = tpu.memref_slice %arg4[%run_scoped3A, %dma_wait3A_334, %dma_wait3A_335] : memref<2x80x16xf32, #tpu.memory_space<hbm>> -> memref<1x80x16xf32, #tpu.memory_space<hbm>>
      %dma_wait3A_337 = tpu.memref_squeeze %dma_wait3A_336 : memref<1x80x16xf32, #tpu.memory_space<hbm>> -> memref<80x16xf32, #tpu.memory_space<hbm>>
      %dma_wait3A_338 = arith.constant 0 : i32
      %dma_wait3A_339 = arith.constant 0 : i32
      %dma_wait3A_340 = tpu.memref_slice %arg4[%run_scoped3A, %dma_wait3A_338, %dma_wait3A_339] : memref<2x80x16xf32, #tpu.memory_space<hbm>> -> memref<1x80x16xf32, #tpu.memory_space<hbm>>
      %dma_wait3A_341 = tpu.memref_squeeze %dma_wait3A_340 : memref<1x80x16xf32, #tpu.memory_space<hbm>> -> memref<80x16xf32, #tpu.memory_space<hbm>>
      tpu.wait_dma2 semaphore(%run_scoped3A_325 : memref<!tpu.dma_semaphore, #tpu.memory_space<semaphore_mem>>) src(%dma_wait3A_341 : memref<80x16xf32, #tpu.memory_space<hbm>>) dst(%arg29 : memref<80x16xf32, #tpu.memory_space<vmem>>)
      tpu.yield
    }) : () -> ()
    %run_scoped3A_6 = arith.constant 1 : i32
    "tpu.region"() ({
      %run_scoped3A_325 = tpu.sem_alloc : memref<!tpu.dma_semaphore, #tpu.memory_space<semaphore_mem>>
      %dma_start3A_326 = arith.constant 0 : i32
      %dma_start3A_327 = arith.constant 0 : i32
      %dma_start3A_328 = tpu.memref_slice %arg4[%run_scoped3A_6, %dma_start3A_326, %dma_start3A_327] : memref<2x80x16xf32, #tpu.memory_space<hbm>> -> memref<1x64x16xf32, #tpu.memory_space<hbm>>
      %dma_start3A_329 = tpu.memref_squeeze %dma_start3A_328 : memref<1x64x16xf32, #tpu.memory_space<hbm>> -> memref<64x16xf32, #tpu.memory_space<hbm>>
      %dma_start3A_330 = arith.constant 0 : i32
      %dma_start3A_331 = arith.constant 0 : i32
      %dma_start3A_332 = tpu.memref_slice %arg4[%run_scoped3A_6, %dma_start3A_330, %dma_start3A_331] : memref<2x80x16xf32, #tpu.memory_space<hbm>> -> memref<1x64x16xf32, #tpu.memory_space<hbm>>
      %dma_start3A_333 = tpu.memref_squeeze %dma_start3A_332 : memref<1x64x16xf32, #tpu.memory_space<hbm>> -> memref<64x16xf32, #tpu.memory_space<hbm>>
      tpu.enqueue_dma source(%dma_start3A_333 : memref<64x16xf32, #tpu.memory_space<hbm>>) target(%arg30 : memref<64x16xf32, #tpu.memory_space<vmem>>) target_semaphore(%run_scoped3A_325 : memref<!tpu.dma_semaphore, #tpu.memory_space<semaphore_mem>>)
      %dma_wait3A_334 = arith.constant 0 : i32
      %dma_wait3A_335 = arith.constant 0 : i32
      %dma_wait3A_336 = tpu.memref_slice %arg4[%run_scoped3A_6, %dma_wait3A_334, %dma_wait3A_335] : memref<2x80x16xf32, #tpu.memory_space<hbm>> -> memref<1x64x16xf32, #tpu.memory_space<hbm>>
      %dma_wait3A_337 = tpu.memref_squeeze %dma_wait3A_336 : memref<1x64x16xf32, #tpu.memory_space<hbm>> -> memref<64x16xf32, #tpu.memory_space<hbm>>
      %dma_wait3A_338 = arith.constant 0 : i32
      %dma_wait3A_339 = arith.constant 0 : i32
      %dma_wait3A_340 = tpu.memref_slice %arg4[%run_scoped3A_6, %dma_wait3A_338, %dma_wait3A_339] : memref<2x80x16xf32, #tpu.memory_space<hbm>> -> memref<1x64x16xf32, #tpu.memory_space<hbm>>
      %dma_wait3A_341 = tpu.memref_squeeze %dma_wait3A_340 : memref<1x64x16xf32, #tpu.memory_space<hbm>> -> memref<64x16xf32, #tpu.memory_space<hbm>>
      tpu.wait_dma2 semaphore(%run_scoped3A_325 : memref<!tpu.dma_semaphore, #tpu.memory_space<semaphore_mem>>) src(%dma_wait3A_341 : memref<64x16xf32, #tpu.memory_space<hbm>>) dst(%arg30 : memref<64x16xf32, #tpu.memory_space<vmem>>)
      tpu.yield
    }) : () -> ()
    %mul3A = arith.constant 640 : i32
    %mul3A_7 = arith.muli %arg1, %mul3A : i32
    %add3A = arith.constant 0 : i32
    %add3A_8 = arith.addi %mul3A_7, %add3A : i32
    "tpu.region"() ({
      %run_scoped3A_325 = tpu.sem_alloc : memref<!tpu.dma_semaphore, #tpu.memory_space<semaphore_mem>>
      %dma_start3A_326 = arith.constant 0 : i32
      %dma_start3A_327 = tpu.memref_slice %arg28[%add3A_8, %dma_start3A_326] : memref<10240x64xf32, #tpu.memory_space<vmem_shared>> -> memref<64x64xf32, #tpu.memory_space<vmem_shared>>
      %dma_start3A_328 = arith.constant 0 : i32
      %dma_start3A_329 = tpu.memref_slice %arg28[%add3A_8, %dma_start3A_328] : memref<10240x64xf32, #tpu.memory_space<vmem_shared>> -> memref<64x64xf32, #tpu.memory_space<vmem_shared>>
      tpu.enqueue_dma source(%arg27 : memref<64x64xf32, #tpu.memory_space<vmem>>) target(%dma_start3A_329 : memref<64x64xf32, #tpu.memory_space<vmem_shared>>) target_semaphore(%run_scoped3A_325 : memref<!tpu.dma_semaphore, #tpu.memory_space<semaphore_mem>>)
      %dma_wait3A_330 = arith.constant 0 : i32
      %dma_wait3A_331 = tpu.memref_slice %arg28[%add3A_8, %dma_wait3A_330] : memref<10240x64xf32, #tpu.memory_space<vmem_shared>> -> memref<64x64xf32, #tpu.memory_space<vmem_shared>>
      %dma_wait3A_332 = arith.constant 0 : i32
      %dma_wait3A_333 = tpu.memref_slice %arg28[%add3A_8, %dma_wait3A_332] : memref<10240x64xf32, #tpu.memory_space<vmem_shared>> -> memref<64x64xf32, #tpu.memory_space<vmem_shared>>
      tpu.wait_dma2 semaphore(%run_scoped3A_325 : memref<!tpu.dma_semaphore, #tpu.memory_space<semaphore_mem>>) src(%arg27 : memref<64x64xf32, #tpu.memory_space<vmem>>) dst(%dma_wait3A_333 : memref<64x64xf32, #tpu.memory_space<vmem_shared>>)
      tpu.yield
    }) : () -> ()
    "tpu.region"() ({
      %run_scoped3A_325 = tpu.sem_alloc : memref<!tpu.dma_semaphore, #tpu.memory_space<semaphore_mem>>
      %dma_start3A_326 = arith.constant 0 : i32
      %dma_start3A_327 = tpu.memref_slice %arg32[%add3A_8, %dma_start3A_326] : memref<10240x16xf32, #tpu.memory_space<vmem_shared>> -> memref<64x16xf32, #tpu.memory_space<vmem_shared>>
      %dma_start3A_328 = arith.constant 0 : i32
      %dma_start3A_329 = tpu.memref_slice %arg32[%add3A_8, %dma_start3A_328] : memref<10240x16xf32, #tpu.memory_space<vmem_shared>> -> memref<64x16xf32, #tpu.memory_space<vmem_shared>>
      tpu.enqueue_dma source(%arg30 : memref<64x16xf32, #tpu.memory_space<vmem>>) target(%dma_start3A_329 : memref<64x16xf32, #tpu.memory_space<vmem_shared>>) target_semaphore(%run_scoped3A_325 : memref<!tpu.dma_semaphore, #tpu.memory_space<semaphore_mem>>)
      %dma_wait3A_330 = arith.constant 0 : i32
      %dma_wait3A_331 = tpu.memref_slice %arg32[%add3A_8, %dma_wait3A_330] : memref<10240x16xf32, #tpu.memory_space<vmem_shared>> -> memref<64x16xf32, #tpu.memory_space<vmem_shared>>
      %dma_wait3A_332 = arith.constant 0 : i32
      %dma_wait3A_333 = tpu.memref_slice %arg32[%add3A_8, %dma_wait3A_332] : memref<10240x16xf32, #tpu.memory_space<vmem_shared>> -> memref<64x16xf32, #tpu.memory_space<vmem_shared>>
      tpu.wait_dma2 semaphore(%run_scoped3A_325 : memref<!tpu.dma_semaphore, #tpu.memory_space<semaphore_mem>>) src(%arg30 : memref<64x16xf32, #tpu.memory_space<vmem>>) dst(%dma_wait3A_333 : memref<64x16xf32, #tpu.memory_space<vmem_shared>>)
      tpu.yield
    }) : () -> ()
    %mul3A_9 = arith.constant 640 : i32
    %mul3A_10 = arith.muli %arg1, %mul3A_9 : i32
    %add3A_11 = arith.constant 64 : i32
    %add3A_12 = arith.addi %mul3A_10, %add3A_11 : i32
    "tpu.region"() ({
      %run_scoped3A_325 = tpu.sem_alloc : memref<!tpu.dma_semaphore, #tpu.memory_space<semaphore_mem>>
      %dma_start3A_326 = arith.constant 0 : i32
      %dma_start3A_327 = tpu.memref_slice %arg28[%add3A_12, %dma_start3A_326] : memref<10240x64xf32, #tpu.memory_space<vmem_shared>> -> memref<64x64xf32, #tpu.memory_space<vmem_shared>>
      %dma_start3A_328 = arith.constant 0 : i32
      %dma_start3A_329 = tpu.memref_slice %arg28[%add3A_12, %dma_start3A_328] : memref<10240x64xf32, #tpu.memory_space<vmem_shared>> -> memref<64x64xf32, #tpu.memory_space<vmem_shared>>
      tpu.enqueue_dma source(%arg27 : memref<64x64xf32, #tpu.memory_space<vmem>>) target(%dma_start3A_329 : memref<64x64xf32, #tpu.memory_space<vmem_shared>>) target_semaphore(%run_scoped3A_325 : memref<!tpu.dma_semaphore, #tpu.memory_space<semaphore_mem>>)
      %dma_wait3A_330 = arith.constant 0 : i32
      %dma_wait3A_331 = tpu.memref_slice %arg28[%add3A_12, %dma_wait3A_330] : memref<10240x64xf32, #tpu.memory_space<vmem_shared>> -> memref<64x64xf32, #tpu.memory_space<vmem_shared>>
      %dma_wait3A_332 = arith.constant 0 : i32
      %dma_wait3A_333 = tpu.memref_slice %arg28[%add3A_12, %dma_wait3A_332] : memref<10240x64xf32, #tpu.memory_space<vmem_shared>> -> memref<64x64xf32, #tpu.memory_space<vmem_shared>>
      tpu.wait_dma2 semaphore(%run_scoped3A_325 : memref<!tpu.dma_semaphore, #tpu.memory_space<semaphore_mem>>) src(%arg27 : memref<64x64xf32, #tpu.memory_space<vmem>>) dst(%dma_wait3A_333 : memref<64x64xf32, #tpu.memory_space<vmem_shared>>)
      tpu.yield
    }) : () -> ()
    "tpu.region"() ({
      %run_scoped3A_325 = tpu.sem_alloc : memref<!tpu.dma_semaphore, #tpu.memory_space<semaphore_mem>>
      %dma_start3A_326 = arith.constant 0 : i32
      %dma_start3A_327 = tpu.memref_slice %arg32[%add3A_12, %dma_start3A_326] : memref<10240x16xf32, #tpu.memory_space<vmem_shared>> -> memref<64x16xf32, #tpu.memory_space<vmem_shared>>
      %dma_start3A_328 = arith.constant 0 : i32
      %dma_start3A_329 = tpu.memref_slice %arg32[%add3A_12, %dma_start3A_328] : memref<10240x16xf32, #tpu.memory_space<vmem_shared>> -> memref<64x16xf32, #tpu.memory_space<vmem_shared>>
      tpu.enqueue_dma source(%arg30 : memref<64x16xf32, #tpu.memory_space<vmem>>) target(%dma_start3A_329 : memref<64x16xf32, #tpu.memory_space<vmem_shared>>) target_semaphore(%run_scoped3A_325 : memref<!tpu.dma_semaphore, #tpu.memory_space<semaphore_mem>>)
      %dma_wait3A_330 = arith.constant 0 : i32
      %dma_wait3A_331 = tpu.memref_slice %arg32[%add3A_12, %dma_wait3A_330] : memref<10240x16xf32, #tpu.memory_space<vmem_shared>> -> memref<64x16xf32, #tpu.memory_space<vmem_shared>>
      %dma_wait3A_332 = arith.constant 0 : i32
      %dma_wait3A_333 = tpu.memref_slice %arg32[%add3A_12, %dma_wait3A_332] : memref<10240x16xf32, #tpu.memory_space<vmem_shared>> -> memref<64x16xf32, #tpu.memory_space<vmem_shared>>
      tpu.wait_dma2 semaphore(%run_scoped3A_325 : memref<!tpu.dma_semaphore, #tpu.memory_space<semaphore_mem>>) src(%arg30 : memref<64x16xf32, #tpu.memory_space<vmem>>) dst(%dma_wait3A_333 : memref<64x16xf32, #tpu.memory_space<vmem_shared>>)
      tpu.yield
    }) : () -> ()
    %mul3A_13 = arith.constant 640 : i32
    %mul3A_14 = arith.muli %arg1, %mul3A_13 : i32
    %add3A_15 = arith.constant 128 : i32
    %add3A_16 = arith.addi %mul3A_14, %add3A_15 : i32
    "tpu.region"() ({
      %run_scoped3A_325 = tpu.sem_alloc : memref<!tpu.dma_semaphore, #tpu.memory_space<semaphore_mem>>
      %dma_start3A_326 = arith.constant 0 : i32
      %dma_start3A_327 = tpu.memref_slice %arg28[%add3A_16, %dma_start3A_326] : memref<10240x64xf32, #tpu.memory_space<vmem_shared>> -> memref<64x64xf32, #tpu.memory_space<vmem_shared>>
      %dma_start3A_328 = arith.constant 0 : i32
      %dma_start3A_329 = tpu.memref_slice %arg28[%add3A_16, %dma_start3A_328] : memref<10240x64xf32, #tpu.memory_space<vmem_shared>> -> memref<64x64xf32, #tpu.memory_space<vmem_shared>>
      tpu.enqueue_dma source(%arg27 : memref<64x64xf32, #tpu.memory_space<vmem>>) target(%dma_start3A_329 : memref<64x64xf32, #tpu.memory_space<vmem_shared>>) target_semaphore(%run_scoped3A_325 : memref<!tpu.dma_semaphore, #tpu.memory_space<semaphore_mem>>)
      %dma_wait3A_330 = arith.constant 0 : i32
      %dma_wait3A_331 = tpu.memref_slice %arg28[%add3A_16, %dma_wait3A_330] : memref<10240x64xf32, #tpu.memory_space<vmem_shared>> -> memref<64x64xf32, #tpu.memory_space<vmem_shared>>
      %dma_wait3A_332 = arith.constant 0 : i32
      %dma_wait3A_333 = tpu.memref_slice %arg28[%add3A_16, %dma_wait3A_332] : memref<10240x64xf32, #tpu.memory_space<vmem_shared>> -> memref<64x64xf32, #tpu.memory_space<vmem_shared>>
      tpu.wait_dma2 semaphore(%run_scoped3A_325 : memref<!tpu.dma_semaphore, #tpu.memory_space<semaphore_mem>>) src(%arg27 : memref<64x64xf32, #tpu.memory_space<vmem>>) dst(%dma_wait3A_333 : memref<64x64xf32, #tpu.memory_space<vmem_shared>>)
      tpu.yield
    }) : () -> ()
    "tpu.region"() ({
      %run_scoped3A_325 = tpu.sem_alloc : memref<!tpu.dma_semaphore, #tpu.memory_space<semaphore_mem>>
      %dma_start3A_326 = arith.constant 0 : i32
      %dma_start3A_327 = tpu.memref_slice %arg32[%add3A_16, %dma_start3A_326] : memref<10240x16xf32, #tpu.memory_space<vmem_shared>> -> memref<64x16xf32, #tpu.memory_space<vmem_shared>>
      %dma_start3A_328 = arith.constant 0 : i32
      %dma_start3A_329 = tpu.memref_slice %arg32[%add3A_16, %dma_start3A_328] : memref<10240x16xf32, #tpu.memory_space<vmem_shared>> -> memref<64x16xf32, #tpu.memory_space<vmem_shared>>
      tpu.enqueue_dma source(%arg30 : memref<64x16xf32, #tpu.memory_space<vmem>>) target(%dma_start3A_329 : memref<64x16xf32, #tpu.memory_space<vmem_shared>>) target_semaphore(%run_scoped3A_325 : memref<!tpu.dma_semaphore, #tpu.memory_space<semaphore_mem>>)
      %dma_wait3A_330 = arith.constant 0 : i32
      %dma_wait3A_331 = tpu.memref_slice %arg32[%add3A_16, %dma_wait3A_330] : memref<10240x16xf32, #tpu.memory_space<vmem_shared>> -> memref<64x16xf32, #tpu.memory_space<vmem_shared>>
      %dma_wait3A_332 = arith.constant 0 : i32
      %dma_wait3A_333 = tpu.memref_slice %arg32[%add3A_16, %dma_wait3A_332] : memref<10240x16xf32, #tpu.memory_space<vmem_shared>> -> memref<64x16xf32, #tpu.memory_space<vmem_shared>>
      tpu.wait_dma2 semaphore(%run_scoped3A_325 : memref<!tpu.dma_semaphore, #tpu.memory_space<semaphore_mem>>) src(%arg30 : memref<64x16xf32, #tpu.memory_space<vmem>>) dst(%dma_wait3A_333 : memref<64x16xf32, #tpu.memory_space<vmem_shared>>)
      tpu.yield
    }) : () -> ()
    %mul3A_17 = arith.constant 640 : i32
    %mul3A_18 = arith.muli %arg1, %mul3A_17 : i32
    %add3A_19 = arith.constant 192 : i32
    %add3A_20 = arith.addi %mul3A_18, %add3A_19 : i32
    "tpu.region"() ({
      %run_scoped3A_325 = tpu.sem_alloc : memref<!tpu.dma_semaphore, #tpu.memory_space<semaphore_mem>>
      %dma_start3A_326 = arith.constant 0 : i32
      %dma_start3A_327 = tpu.memref_slice %arg28[%add3A_20, %dma_start3A_326] : memref<10240x64xf32, #tpu.memory_space<vmem_shared>> -> memref<64x64xf32, #tpu.memory_space<vmem_shared>>
      %dma_start3A_328 = arith.constant 0 : i32
      %dma_start3A_329 = tpu.memref_slice %arg28[%add3A_20, %dma_start3A_328] : memref<10240x64xf32, #tpu.memory_space<vmem_shared>> -> memref<64x64xf32, #tpu.memory_space<vmem_shared>>
      tpu.enqueue_dma source(%arg27 : memref<64x64xf32, #tpu.memory_space<vmem>>) target(%dma_start3A_329 : memref<64x64xf32, #tpu.memory_space<vmem_shared>>) target_semaphore(%run_scoped3A_325 : memref<!tpu.dma_semaphore, #tpu.memory_space<semaphore_mem>>)
      %dma_wait3A_330 = arith.constant 0 : i32
      %dma_wait3A_331 = tpu.memref_slice %arg28[%add3A_20, %dma_wait3A_330] : memref<10240x64xf32, #tpu.memory_space<vmem_shared>> -> memref<64x64xf32, #tpu.memory_space<vmem_shared>>
      %dma_wait3A_332 = arith.constant 0 : i32
      %dma_wait3A_333 = tpu.memref_slice %arg28[%add3A_20, %dma_wait3A_332] : memref<10240x64xf32, #tpu.memory_space<vmem_shared>> -> memref<64x64xf32, #tpu.memory_space<vmem_shared>>
      tpu.wait_dma2 semaphore(%run_scoped3A_325 : memref<!tpu.dma_semaphore, #tpu.memory_space<semaphore_mem>>) src(%arg27 : memref<64x64xf32, #tpu.memory_space<vmem>>) dst(%dma_wait3A_333 : memref<64x64xf32, #tpu.memory_space<vmem_shared>>)
      tpu.yield
    }) : () -> ()
    "tpu.region"() ({
      %run_scoped3A_325 = tpu.sem_alloc : memref<!tpu.dma_semaphore, #tpu.memory_space<semaphore_mem>>
      %dma_start3A_326 = arith.constant 0 : i32
      %dma_start3A_327 = tpu.memref_slice %arg32[%add3A_20, %dma_start3A_326] : memref<10240x16xf32, #tpu.memory_space<vmem_shared>> -> memref<64x16xf32, #tpu.memory_space<vmem_shared>>
      %dma_start3A_328 = arith.constant 0 : i32
      %dma_start3A_329 = tpu.memref_slice %arg32[%add3A_20, %dma_start3A_328] : memref<10240x16xf32, #tpu.memory_space<vmem_shared>> -> memref<64x16xf32, #tpu.memory_space<vmem_shared>>
      tpu.enqueue_dma source(%arg30 : memref<64x16xf32, #tpu.memory_space<vmem>>) target(%dma_start3A_329 : memref<64x16xf32, #tpu.memory_space<vmem_shared>>) target_semaphore(%run_scoped3A_325 : memref<!tpu.dma_semaphore, #tpu.memory_space<semaphore_mem>>)
      %dma_wait3A_330 = arith.constant 0 : i32
      %dma_wait3A_331 = tpu.memref_slice %arg32[%add3A_20, %dma_wait3A_330] : memref<10240x16xf32, #tpu.memory_space<vmem_shared>> -> memref<64x16xf32, #tpu.memory_space<vmem_shared>>
      %dma_wait3A_332 = arith.constant 0 : i32
      %dma_wait3A_333 = tpu.memref_slice %arg32[%add3A_20, %dma_wait3A_332] : memref<10240x16xf32, #tpu.memory_space<vmem_shared>> -> memref<64x16xf32, #tpu.memory_space<vmem_shared>>
      tpu.wait_dma2 semaphore(%run_scoped3A_325 : memref<!tpu.dma_semaphore, #tpu.memory_space<semaphore_mem>>) src(%arg30 : memref<64x16xf32, #tpu.memory_space<vmem>>) dst(%dma_wait3A_333 : memref<64x16xf32, #tpu.memory_space<vmem_shared>>)
      tpu.yield
    }) : () -> ()
    %mul3A_21 = arith.constant 640 : i32
    %mul3A_22 = arith.muli %arg1, %mul3A_21 : i32
    %add3A_23 = arith.constant 256 : i32
    %add3A_24 = arith.addi %mul3A_22, %add3A_23 : i32
    "tpu.region"() ({
      %run_scoped3A_325 = tpu.sem_alloc : memref<!tpu.dma_semaphore, #tpu.memory_space<semaphore_mem>>
      %dma_start3A_326 = arith.constant 0 : i32
      %dma_start3A_327 = tpu.memref_slice %arg28[%add3A_24, %dma_start3A_326] : memref<10240x64xf32, #tpu.memory_space<vmem_shared>> -> memref<64x64xf32, #tpu.memory_space<vmem_shared>>
      %dma_start3A_328 = arith.constant 0 : i32
      %dma_start3A_329 = tpu.memref_slice %arg28[%add3A_24, %dma_start3A_328] : memref<10240x64xf32, #tpu.memory_space<vmem_shared>> -> memref<64x64xf32, #tpu.memory_space<vmem_shared>>
      tpu.enqueue_dma source(%arg27 : memref<64x64xf32, #tpu.memory_space<vmem>>) target(%dma_start3A_329 : memref<64x64xf32, #tpu.memory_space<vmem_shared>>) target_semaphore(%run_scoped3A_325 : memref<!tpu.dma_semaphore, #tpu.memory_space<semaphore_mem>>)
      %dma_wait3A_330 = arith.constant 0 : i32
      %dma_wait3A_331 = tpu.memref_slice %arg28[%add3A_24, %dma_wait3A_330] : memref<10240x64xf32, #tpu.memory_space<vmem_shared>> -> memref<64x64xf32, #tpu.memory_space<vmem_shared>>
      %dma_wait3A_332 = arith.constant 0 : i32
      %dma_wait3A_333 = tpu.memref_slice %arg28[%add3A_24, %dma_wait3A_332] : memref<10240x64xf32, #tpu.memory_space<vmem_shared>> -> memref<64x64xf32, #tpu.memory_space<vmem_shared>>
      tpu.wait_dma2 semaphore(%run_scoped3A_325 : memref<!tpu.dma_semaphore, #tpu.memory_space<semaphore_mem>>) src(%arg27 : memref<64x64xf32, #tpu.memory_space<vmem>>) dst(%dma_wait3A_333 : memref<64x64xf32, #tpu.memory_space<vmem_shared>>)
      tpu.yield
    }) : () -> ()
    "tpu.region"() ({
      %run_scoped3A_325 = tpu.sem_alloc : memref<!tpu.dma_semaphore, #tpu.memory_space<semaphore_mem>>
      %dma_start3A_326 = arith.constant 0 : i32
      %dma_start3A_327 = tpu.memref_slice %arg32[%add3A_24, %dma_start3A_326] : memref<10240x16xf32, #tpu.memory_space<vmem_shared>> -> memref<64x16xf32, #tpu.memory_space<vmem_shared>>
      %dma_start3A_328 = arith.constant 0 : i32
      %dma_start3A_329 = tpu.memref_slice %arg32[%add3A_24, %dma_start3A_328] : memref<10240x16xf32, #tpu.memory_space<vmem_shared>> -> memref<64x16xf32, #tpu.memory_space<vmem_shared>>
      tpu.enqueue_dma source(%arg30 : memref<64x16xf32, #tpu.memory_space<vmem>>) target(%dma_start3A_329 : memref<64x16xf32, #tpu.memory_space<vmem_shared>>) target_semaphore(%run_scoped3A_325 : memref<!tpu.dma_semaphore, #tpu.memory_space<semaphore_mem>>)
      %dma_wait3A_330 = arith.constant 0 : i32
      %dma_wait3A_331 = tpu.memref_slice %arg32[%add3A_24, %dma_wait3A_330] : memref<10240x16xf32, #tpu.memory_space<vmem_shared>> -> memref<64x16xf32, #tpu.memory_space<vmem_shared>>
      %dma_wait3A_332 = arith.constant 0 : i32
      %dma_wait3A_333 = tpu.memref_slice %arg32[%add3A_24, %dma_wait3A_332] : memref<10240x16xf32, #tpu.memory_space<vmem_shared>> -> memref<64x16xf32, #tpu.memory_space<vmem_shared>>
      tpu.wait_dma2 semaphore(%run_scoped3A_325 : memref<!tpu.dma_semaphore, #tpu.memory_space<semaphore_mem>>) src(%arg30 : memref<64x16xf32, #tpu.memory_space<vmem>>) dst(%dma_wait3A_333 : memref<64x16xf32, #tpu.memory_space<vmem_shared>>)
      tpu.yield
    }) : () -> ()
    %mul3A_25 = arith.constant 640 : i32
    %mul3A_26 = arith.muli %arg1, %mul3A_25 : i32
    %add3A_27 = arith.constant 320 : i32
    %add3A_28 = arith.addi %mul3A_26, %add3A_27 : i32
    "tpu.region"() ({
      %run_scoped3A_325 = tpu.sem_alloc : memref<!tpu.dma_semaphore, #tpu.memory_space<semaphore_mem>>
      %dma_start3A_326 = arith.constant 0 : i32
      %dma_start3A_327 = tpu.memref_slice %arg28[%add3A_28, %dma_start3A_326] : memref<10240x64xf32, #tpu.memory_space<vmem_shared>> -> memref<64x64xf32, #tpu.memory_space<vmem_shared>>
      %dma_start3A_328 = arith.constant 0 : i32
      %dma_start3A_329 = tpu.memref_slice %arg28[%add3A_28, %dma_start3A_328] : memref<10240x64xf32, #tpu.memory_space<vmem_shared>> -> memref<64x64xf32, #tpu.memory_space<vmem_shared>>
      tpu.enqueue_dma source(%arg27 : memref<64x64xf32, #tpu.memory_space<vmem>>) target(%dma_start3A_329 : memref<64x64xf32, #tpu.memory_space<vmem_shared>>) target_semaphore(%run_scoped3A_325 : memref<!tpu.dma_semaphore, #tpu.memory_space<semaphore_mem>>)
      %dma_wait3A_330 = arith.constant 0 : i32
      %dma_wait3A_331 = tpu.memref_slice %arg28[%add3A_28, %dma_wait3A_330] : memref<10240x64xf32, #tpu.memory_space<vmem_shared>> -> memref<64x64xf32, #tpu.memory_space<vmem_shared>>
      %dma_wait3A_332 = arith.constant 0 : i32
      %dma_wait3A_333 = tpu.memref_slice %arg28[%add3A_28, %dma_wait3A_332] : memref<10240x64xf32, #tpu.memory_space<vmem_shared>> -> memref<64x64xf32, #tpu.memory_space<vmem_shared>>
      tpu.wait_dma2 semaphore(%run_scoped3A_325 : memref<!tpu.dma_semaphore, #tpu.memory_space<semaphore_mem>>) src(%arg27 : memref<64x64xf32, #tpu.memory_space<vmem>>) dst(%dma_wait3A_333 : memref<64x64xf32, #tpu.memory_space<vmem_shared>>)
      tpu.yield
    }) : () -> ()
    "tpu.region"() ({
      %run_scoped3A_325 = tpu.sem_alloc : memref<!tpu.dma_semaphore, #tpu.memory_space<semaphore_mem>>
      %dma_start3A_326 = arith.constant 0 : i32
      %dma_start3A_327 = tpu.memref_slice %arg32[%add3A_28, %dma_start3A_326] : memref<10240x16xf32, #tpu.memory_space<vmem_shared>> -> memref<64x16xf32, #tpu.memory_space<vmem_shared>>
      %dma_start3A_328 = arith.constant 0 : i32
      %dma_start3A_329 = tpu.memref_slice %arg32[%add3A_28, %dma_start3A_328] : memref<10240x16xf32, #tpu.memory_space<vmem_shared>> -> memref<64x16xf32, #tpu.memory_space<vmem_shared>>
      tpu.enqueue_dma source(%arg30 : memref<64x16xf32, #tpu.memory_space<vmem>>) target(%dma_start3A_329 : memref<64x16xf32, #tpu.memory_space<vmem_shared>>) target_semaphore(%run_scoped3A_325 : memref<!tpu.dma_semaphore, #tpu.memory_space<semaphore_mem>>)
      %dma_wait3A_330 = arith.constant 0 : i32
      %dma_wait3A_331 = tpu.memref_slice %arg32[%add3A_28, %dma_wait3A_330] : memref<10240x16xf32, #tpu.memory_space<vmem_shared>> -> memref<64x16xf32, #tpu.memory_space<vmem_shared>>
      %dma_wait3A_332 = arith.constant 0 : i32
      %dma_wait3A_333 = tpu.memref_slice %arg32[%add3A_28, %dma_wait3A_332] : memref<10240x16xf32, #tpu.memory_space<vmem_shared>> -> memref<64x16xf32, #tpu.memory_space<vmem_shared>>
      tpu.wait_dma2 semaphore(%run_scoped3A_325 : memref<!tpu.dma_semaphore, #tpu.memory_space<semaphore_mem>>) src(%arg30 : memref<64x16xf32, #tpu.memory_space<vmem>>) dst(%dma_wait3A_333 : memref<64x16xf32, #tpu.memory_space<vmem_shared>>)
      tpu.yield
    }) : () -> ()
    %mul3A_29 = arith.constant 640 : i32
    %mul3A_30 = arith.muli %arg1, %mul3A_29 : i32
    %add3A_31 = arith.constant 384 : i32
    %add3A_32 = arith.addi %mul3A_30, %add3A_31 : i32
    "tpu.region"() ({
      %run_scoped3A_325 = tpu.sem_alloc : memref<!tpu.dma_semaphore, #tpu.memory_space<semaphore_mem>>
      %dma_start3A_326 = arith.constant 0 : i32
      %dma_start3A_327 = tpu.memref_slice %arg28[%add3A_32, %dma_start3A_326] : memref<10240x64xf32, #tpu.memory_space<vmem_shared>> -> memref<64x64xf32, #tpu.memory_space<vmem_shared>>
      %dma_start3A_328 = arith.constant 0 : i32
      %dma_start3A_329 = tpu.memref_slice %arg28[%add3A_32, %dma_start3A_328] : memref<10240x64xf32, #tpu.memory_space<vmem_shared>> -> memref<64x64xf32, #tpu.memory_space<vmem_shared>>
      tpu.enqueue_dma source(%arg27 : memref<64x64xf32, #tpu.memory_space<vmem>>) target(%dma_start3A_329 : memref<64x64xf32, #tpu.memory_space<vmem_shared>>) target_semaphore(%run_scoped3A_325 : memref<!tpu.dma_semaphore, #tpu.memory_space<semaphore_mem>>)
      %dma_wait3A_330 = arith.constant 0 : i32
      %dma_wait3A_331 = tpu.memref_slice %arg28[%add3A_32, %dma_wait3A_330] : memref<10240x64xf32, #tpu.memory_space<vmem_shared>> -> memref<64x64xf32, #tpu.memory_space<vmem_shared>>
      %dma_wait3A_332 = arith.constant 0 : i32
      %dma_wait3A_333 = tpu.memref_slice %arg28[%add3A_32, %dma_wait3A_332] : memref<10240x64xf32, #tpu.memory_space<vmem_shared>> -> memref<64x64xf32, #tpu.memory_space<vmem_shared>>
      tpu.wait_dma2 semaphore(%run_scoped3A_325 : memref<!tpu.dma_semaphore, #tpu.memory_space<semaphore_mem>>) src(%arg27 : memref<64x64xf32, #tpu.memory_space<vmem>>) dst(%dma_wait3A_333 : memref<64x64xf32, #tpu.memory_space<vmem_shared>>)
      tpu.yield
    }) : () -> ()
    "tpu.region"() ({
      %run_scoped3A_325 = tpu.sem_alloc : memref<!tpu.dma_semaphore, #tpu.memory_space<semaphore_mem>>
      %dma_start3A_326 = arith.constant 0 : i32
      %dma_start3A_327 = tpu.memref_slice %arg32[%add3A_32, %dma_start3A_326] : memref<10240x16xf32, #tpu.memory_space<vmem_shared>> -> memref<64x16xf32, #tpu.memory_space<vmem_shared>>
      %dma_start3A_328 = arith.constant 0 : i32
      %dma_start3A_329 = tpu.memref_slice %arg32[%add3A_32, %dma_start3A_328] : memref<10240x16xf32, #tpu.memory_space<vmem_shared>> -> memref<64x16xf32, #tpu.memory_space<vmem_shared>>
      tpu.enqueue_dma source(%arg30 : memref<64x16xf32, #tpu.memory_space<vmem>>) target(%dma_start3A_329 : memref<64x16xf32, #tpu.memory_space<vmem_shared>>) target_semaphore(%run_scoped3A_325 : memref<!tpu.dma_semaphore, #tpu.memory_space<semaphore_mem>>)
      %dma_wait3A_330 = arith.constant 0 : i32
      %dma_wait3A_331 = tpu.memref_slice %arg32[%add3A_32, %dma_wait3A_330] : memref<10240x16xf32, #tpu.memory_space<vmem_shared>> -> memref<64x16xf32, #tpu.memory_space<vmem_shared>>
      %dma_wait3A_332 = arith.constant 0 : i32
      %dma_wait3A_333 = tpu.memref_slice %arg32[%add3A_32, %dma_wait3A_332] : memref<10240x16xf32, #tpu.memory_space<vmem_shared>> -> memref<64x16xf32, #tpu.memory_space<vmem_shared>>
      tpu.wait_dma2 semaphore(%run_scoped3A_325 : memref<!tpu.dma_semaphore, #tpu.memory_space<semaphore_mem>>) src(%arg30 : memref<64x16xf32, #tpu.memory_space<vmem>>) dst(%dma_wait3A_333 : memref<64x16xf32, #tpu.memory_space<vmem_shared>>)
      tpu.yield
    }) : () -> ()
    %mul3A_33 = arith.constant 640 : i32
    %mul3A_34 = arith.muli %arg1, %mul3A_33 : i32
    %add3A_35 = arith.constant 448 : i32
    %add3A_36 = arith.addi %mul3A_34, %add3A_35 : i32
    "tpu.region"() ({
      %run_scoped3A_325 = tpu.sem_alloc : memref<!tpu.dma_semaphore, #tpu.memory_space<semaphore_mem>>
      %dma_start3A_326 = arith.constant 0 : i32
      %dma_start3A_327 = tpu.memref_slice %arg28[%add3A_36, %dma_start3A_326] : memref<10240x64xf32, #tpu.memory_space<vmem_shared>> -> memref<64x64xf32, #tpu.memory_space<vmem_shared>>
      %dma_start3A_328 = arith.constant 0 : i32
      %dma_start3A_329 = tpu.memref_slice %arg28[%add3A_36, %dma_start3A_328] : memref<10240x64xf32, #tpu.memory_space<vmem_shared>> -> memref<64x64xf32, #tpu.memory_space<vmem_shared>>
      tpu.enqueue_dma source(%arg27 : memref<64x64xf32, #tpu.memory_space<vmem>>) target(%dma_start3A_329 : memref<64x64xf32, #tpu.memory_space<vmem_shared>>) target_semaphore(%run_scoped3A_325 : memref<!tpu.dma_semaphore, #tpu.memory_space<semaphore_mem>>)
      %dma_wait3A_330 = arith.constant 0 : i32
      %dma_wait3A_331 = tpu.memref_slice %arg28[%add3A_36, %dma_wait3A_330] : memref<10240x64xf32, #tpu.memory_space<vmem_shared>> -> memref<64x64xf32, #tpu.memory_space<vmem_shared>>
      %dma_wait3A_332 = arith.constant 0 : i32
      %dma_wait3A_333 = tpu.memref_slice %arg28[%add3A_36, %dma_wait3A_332] : memref<10240x64xf32, #tpu.memory_space<vmem_shared>> -> memref<64x64xf32, #tpu.memory_space<vmem_shared>>
      tpu.wait_dma2 semaphore(%run_scoped3A_325 : memref<!tpu.dma_semaphore, #tpu.memory_space<semaphore_mem>>) src(%arg27 : memref<64x64xf32, #tpu.memory_space<vmem>>) dst(%dma_wait3A_333 : memref<64x64xf32, #tpu.memory_space<vmem_shared>>)
      tpu.yield
    }) : () -> ()
    "tpu.region"() ({
      %run_scoped3A_325 = tpu.sem_alloc : memref<!tpu.dma_semaphore, #tpu.memory_space<semaphore_mem>>
      %dma_start3A_326 = arith.constant 0 : i32
      %dma_start3A_327 = tpu.memref_slice %arg32[%add3A_36, %dma_start3A_326] : memref<10240x16xf32, #tpu.memory_space<vmem_shared>> -> memref<64x16xf32, #tpu.memory_space<vmem_shared>>
      %dma_start3A_328 = arith.constant 0 : i32
      %dma_start3A_329 = tpu.memref_slice %arg32[%add3A_36, %dma_start3A_328] : memref<10240x16xf32, #tpu.memory_space<vmem_shared>> -> memref<64x16xf32, #tpu.memory_space<vmem_shared>>
      tpu.enqueue_dma source(%arg30 : memref<64x16xf32, #tpu.memory_space<vmem>>) target(%dma_start3A_329 : memref<64x16xf32, #tpu.memory_space<vmem_shared>>) target_semaphore(%run_scoped3A_325 : memref<!tpu.dma_semaphore, #tpu.memory_space<semaphore_mem>>)
      %dma_wait3A_330 = arith.constant 0 : i32
      %dma_wait3A_331 = tpu.memref_slice %arg32[%add3A_36, %dma_wait3A_330] : memref<10240x16xf32, #tpu.memory_space<vmem_shared>> -> memref<64x16xf32, #tpu.memory_space<vmem_shared>>
      %dma_wait3A_332 = arith.constant 0 : i32
      %dma_wait3A_333 = tpu.memref_slice %arg32[%add3A_36, %dma_wait3A_332] : memref<10240x16xf32, #tpu.memory_space<vmem_shared>> -> memref<64x16xf32, #tpu.memory_space<vmem_shared>>
      tpu.wait_dma2 semaphore(%run_scoped3A_325 : memref<!tpu.dma_semaphore, #tpu.memory_space<semaphore_mem>>) src(%arg30 : memref<64x16xf32, #tpu.memory_space<vmem>>) dst(%dma_wait3A_333 : memref<64x16xf32, #tpu.memory_space<vmem_shared>>)
      tpu.yield
    }) : () -> ()
    %mul3A_37 = arith.constant 640 : i32
    %mul3A_38 = arith.muli %arg1, %mul3A_37 : i32
    %add3A_39 = arith.constant 512 : i32
    %add3A_40 = arith.addi %mul3A_38, %add3A_39 : i32
    "tpu.region"() ({
      %run_scoped3A_325 = tpu.sem_alloc : memref<!tpu.dma_semaphore, #tpu.memory_space<semaphore_mem>>
      %dma_start3A_326 = arith.constant 0 : i32
      %dma_start3A_327 = tpu.memref_slice %arg28[%add3A_40, %dma_start3A_326] : memref<10240x64xf32, #tpu.memory_space<vmem_shared>> -> memref<64x64xf32, #tpu.memory_space<vmem_shared>>
      %dma_start3A_328 = arith.constant 0 : i32
      %dma_start3A_329 = tpu.memref_slice %arg28[%add3A_40, %dma_start3A_328] : memref<10240x64xf32, #tpu.memory_space<vmem_shared>> -> memref<64x64xf32, #tpu.memory_space<vmem_shared>>
      tpu.enqueue_dma source(%arg27 : memref<64x64xf32, #tpu.memory_space<vmem>>) target(%dma_start3A_329 : memref<64x64xf32, #tpu.memory_space<vmem_shared>>) target_semaphore(%run_scoped3A_325 : memref<!tpu.dma_semaphore, #tpu.memory_space<semaphore_mem>>)
      %dma_wait3A_330 = arith.constant 0 : i32
      %dma_wait3A_331 = tpu.memref_slice %arg28[%add3A_40, %dma_wait3A_330] : memref<10240x64xf32, #tpu.memory_space<vmem_shared>> -> memref<64x64xf32, #tpu.memory_space<vmem_shared>>
      %dma_wait3A_332 = arith.constant 0 : i32
      %dma_wait3A_333 = tpu.memref_slice %arg28[%add3A_40, %dma_wait3A_332] : memref<10240x64xf32, #tpu.memory_space<vmem_shared>> -> memref<64x64xf32, #tpu.memory_space<vmem_shared>>
      tpu.wait_dma2 semaphore(%run_scoped3A_325 : memref<!tpu.dma_semaphore, #tpu.memory_space<semaphore_mem>>) src(%arg27 : memref<64x64xf32, #tpu.memory_space<vmem>>) dst(%dma_wait3A_333 : memref<64x64xf32, #tpu.memory_space<vmem_shared>>)
      tpu.yield
    }) : () -> ()
    "tpu.region"() ({
      %run_scoped3A_325 = tpu.sem_alloc : memref<!tpu.dma_semaphore, #tpu.memory_space<semaphore_mem>>
      %dma_start3A_326 = arith.constant 0 : i32
      %dma_start3A_327 = tpu.memref_slice %arg32[%add3A_40, %dma_start3A_326] : memref<10240x16xf32, #tpu.memory_space<vmem_shared>> -> memref<64x16xf32, #tpu.memory_space<vmem_shared>>
      %dma_start3A_328 = arith.constant 0 : i32
      %dma_start3A_329 = tpu.memref_slice %arg32[%add3A_40, %dma_start3A_328] : memref<10240x16xf32, #tpu.memory_space<vmem_shared>> -> memref<64x16xf32, #tpu.memory_space<vmem_shared>>
      tpu.enqueue_dma source(%arg30 : memref<64x16xf32, #tpu.memory_space<vmem>>) target(%dma_start3A_329 : memref<64x16xf32, #tpu.memory_space<vmem_shared>>) target_semaphore(%run_scoped3A_325 : memref<!tpu.dma_semaphore, #tpu.memory_space<semaphore_mem>>)
      %dma_wait3A_330 = arith.constant 0 : i32
      %dma_wait3A_331 = tpu.memref_slice %arg32[%add3A_40, %dma_wait3A_330] : memref<10240x16xf32, #tpu.memory_space<vmem_shared>> -> memref<64x16xf32, #tpu.memory_space<vmem_shared>>
      %dma_wait3A_332 = arith.constant 0 : i32
      %dma_wait3A_333 = tpu.memref_slice %arg32[%add3A_40, %dma_wait3A_332] : memref<10240x16xf32, #tpu.memory_space<vmem_shared>> -> memref<64x16xf32, #tpu.memory_space<vmem_shared>>
      tpu.wait_dma2 semaphore(%run_scoped3A_325 : memref<!tpu.dma_semaphore, #tpu.memory_space<semaphore_mem>>) src(%arg30 : memref<64x16xf32, #tpu.memory_space<vmem>>) dst(%dma_wait3A_333 : memref<64x16xf32, #tpu.memory_space<vmem_shared>>)
      tpu.yield
    }) : () -> ()
    %mul3A_41 = arith.constant 640 : i32
    %mul3A_42 = arith.muli %arg1, %mul3A_41 : i32
    %add3A_43 = arith.constant 576 : i32
    %add3A_44 = arith.addi %mul3A_42, %add3A_43 : i32
    "tpu.region"() ({
      %run_scoped3A_325 = tpu.sem_alloc : memref<!tpu.dma_semaphore, #tpu.memory_space<semaphore_mem>>
      %dma_start3A_326 = arith.constant 0 : i32
      %dma_start3A_327 = tpu.memref_slice %arg28[%add3A_44, %dma_start3A_326] : memref<10240x64xf32, #tpu.memory_space<vmem_shared>> -> memref<64x64xf32, #tpu.memory_space<vmem_shared>>
      %dma_start3A_328 = arith.constant 0 : i32
      %dma_start3A_329 = tpu.memref_slice %arg28[%add3A_44, %dma_start3A_328] : memref<10240x64xf32, #tpu.memory_space<vmem_shared>> -> memref<64x64xf32, #tpu.memory_space<vmem_shared>>
      tpu.enqueue_dma source(%arg27 : memref<64x64xf32, #tpu.memory_space<vmem>>) target(%dma_start3A_329 : memref<64x64xf32, #tpu.memory_space<vmem_shared>>) target_semaphore(%run_scoped3A_325 : memref<!tpu.dma_semaphore, #tpu.memory_space<semaphore_mem>>)
      %dma_wait3A_330 = arith.constant 0 : i32
      %dma_wait3A_331 = tpu.memref_slice %arg28[%add3A_44, %dma_wait3A_330] : memref<10240x64xf32, #tpu.memory_space<vmem_shared>> -> memref<64x64xf32, #tpu.memory_space<vmem_shared>>
      %dma_wait3A_332 = arith.constant 0 : i32
      %dma_wait3A_333 = tpu.memref_slice %arg28[%add3A_44, %dma_wait3A_332] : memref<10240x64xf32, #tpu.memory_space<vmem_shared>> -> memref<64x64xf32, #tpu.memory_space<vmem_shared>>
      tpu.wait_dma2 semaphore(%run_scoped3A_325 : memref<!tpu.dma_semaphore, #tpu.memory_space<semaphore_mem>>) src(%arg27 : memref<64x64xf32, #tpu.memory_space<vmem>>) dst(%dma_wait3A_333 : memref<64x64xf32, #tpu.memory_space<vmem_shared>>)
      tpu.yield
    }) : () -> ()
    "tpu.region"() ({
      %run_scoped3A_325 = tpu.sem_alloc : memref<!tpu.dma_semaphore, #tpu.memory_space<semaphore_mem>>
      %dma_start3A_326 = arith.constant 0 : i32
      %dma_start3A_327 = tpu.memref_slice %arg32[%add3A_44, %dma_start3A_326] : memref<10240x16xf32, #tpu.memory_space<vmem_shared>> -> memref<64x16xf32, #tpu.memory_space<vmem_shared>>
      %dma_start3A_328 = arith.constant 0 : i32
      %dma_start3A_329 = tpu.memref_slice %arg32[%add3A_44, %dma_start3A_328] : memref<10240x16xf32, #tpu.memory_space<vmem_shared>> -> memref<64x16xf32, #tpu.memory_space<vmem_shared>>
      tpu.enqueue_dma source(%arg30 : memref<64x16xf32, #tpu.memory_space<vmem>>) target(%dma_start3A_329 : memref<64x16xf32, #tpu.memory_space<vmem_shared>>) target_semaphore(%run_scoped3A_325 : memref<!tpu.dma_semaphore, #tpu.memory_space<semaphore_mem>>)
      %dma_wait3A_330 = arith.constant 0 : i32
      %dma_wait3A_331 = tpu.memref_slice %arg32[%add3A_44, %dma_wait3A_330] : memref<10240x16xf32, #tpu.memory_space<vmem_shared>> -> memref<64x16xf32, #tpu.memory_space<vmem_shared>>
      %dma_wait3A_332 = arith.constant 0 : i32
      %dma_wait3A_333 = tpu.memref_slice %arg32[%add3A_44, %dma_wait3A_332] : memref<10240x16xf32, #tpu.memory_space<vmem_shared>> -> memref<64x16xf32, #tpu.memory_space<vmem_shared>>
      tpu.wait_dma2 semaphore(%run_scoped3A_325 : memref<!tpu.dma_semaphore, #tpu.memory_space<semaphore_mem>>) src(%arg30 : memref<64x16xf32, #tpu.memory_space<vmem>>) dst(%dma_wait3A_333 : memref<64x16xf32, #tpu.memory_space<vmem_shared>>)
      tpu.yield
    }) : () -> ()
    %barrier3A = arith.constant 0 : index
    tpu.barrier barrier_id(%barrier3A)
    %run_scoped3A_45 = arith.constant 0 : i32
    "tpu.region"() ({
      %run_scoped3A_325 = tpu.sem_alloc : memref<!tpu.dma_semaphore, #tpu.memory_space<semaphore_mem>>
      %dma_start3A_326 = arith.constant 0 : i32
      %dma_start3A_327 = arith.constant 0 : i32
      %dma_start3A_328 = tpu.memref_slice %arg3[%run_scoped3A_45, %arg1, %dma_start3A_326, %dma_start3A_327] : memref<2x16x250x80xi32, #tpu.memory_space<hbm>> -> memref<1x1x250x80xi32, #tpu.memory_space<hbm>>
      %dma_start3A_329 = tpu.memref_squeeze %dma_start3A_328 : memref<1x1x250x80xi32, #tpu.memory_space<hbm>> -> memref<250x80xi32, #tpu.memory_space<hbm>>
      %dma_start3A_330 = arith.constant 0 : i32
      %dma_start3A_331 = arith.constant 0 : i32
      %dma_start3A_332 = tpu.memref_slice %arg3[%run_scoped3A_45, %arg1, %dma_start3A_330, %dma_start3A_331] : memref<2x16x250x80xi32, #tpu.memory_space<hbm>> -> memref<1x1x250x80xi32, #tpu.memory_space<hbm>>
      %dma_start3A_333 = tpu.memref_squeeze %dma_start3A_332 : memref<1x1x250x80xi32, #tpu.memory_space<hbm>> -> memref<250x80xi32, #tpu.memory_space<hbm>>
      tpu.enqueue_dma source(%dma_start3A_333 : memref<250x80xi32, #tpu.memory_space<hbm>>) target(%arg7 : memref<250x80xi32, #tpu.memory_space<vmem>>) target_semaphore(%run_scoped3A_325 : memref<!tpu.dma_semaphore, #tpu.memory_space<semaphore_mem>>)
      %dma_wait3A_334 = arith.constant 0 : i32
      %dma_wait3A_335 = arith.constant 0 : i32
      %dma_wait3A_336 = tpu.memref_slice %arg3[%run_scoped3A_45, %arg1, %dma_wait3A_334, %dma_wait3A_335] : memref<2x16x250x80xi32, #tpu.memory_space<hbm>> -> memref<1x1x250x80xi32, #tpu.memory_space<hbm>>
      %dma_wait3A_337 = tpu.memref_squeeze %dma_wait3A_336 : memref<1x1x250x80xi32, #tpu.memory_space<hbm>> -> memref<250x80xi32, #tpu.memory_space<hbm>>
      %dma_wait3A_338 = arith.constant 0 : i32
      %dma_wait3A_339 = arith.constant 0 : i32
      %dma_wait3A_340 = tpu.memref_slice %arg3[%run_scoped3A_45, %arg1, %dma_wait3A_338, %dma_wait3A_339] : memref<2x16x250x80xi32, #tpu.memory_space<hbm>> -> memref<1x1x250x80xi32, #tpu.memory_space<hbm>>
      %dma_wait3A_341 = tpu.memref_squeeze %dma_wait3A_340 : memref<1x1x250x80xi32, #tpu.memory_space<hbm>> -> memref<250x80xi32, #tpu.memory_space<hbm>>
      tpu.wait_dma2 semaphore(%run_scoped3A_325 : memref<!tpu.dma_semaphore, #tpu.memory_space<semaphore_mem>>) src(%dma_wait3A_341 : memref<250x80xi32, #tpu.memory_space<hbm>>) dst(%arg7 : memref<250x80xi32, #tpu.memory_space<vmem>>)
      tpu.yield
    }) : () -> ()
    %run_scoped3A_46 = arith.constant 1 : i32
    "tpu.region"() ({
      %run_scoped3A_325 = tpu.sem_alloc : memref<!tpu.dma_semaphore, #tpu.memory_space<semaphore_mem>>
      %dma_start3A_326 = arith.constant 0 : i32
      %dma_start3A_327 = arith.constant 0 : i32
      %dma_start3A_328 = tpu.memref_slice %arg3[%run_scoped3A_46, %arg1, %dma_start3A_326, %dma_start3A_327] : memref<2x16x250x80xi32, #tpu.memory_space<hbm>> -> memref<1x1x250x80xi32, #tpu.memory_space<hbm>>
      %dma_start3A_329 = tpu.memref_squeeze %dma_start3A_328 : memref<1x1x250x80xi32, #tpu.memory_space<hbm>> -> memref<250x80xi32, #tpu.memory_space<hbm>>
      %dma_start3A_330 = arith.constant 0 : i32
      %dma_start3A_331 = arith.constant 0 : i32
      %dma_start3A_332 = tpu.memref_slice %arg3[%run_scoped3A_46, %arg1, %dma_start3A_330, %dma_start3A_331] : memref<2x16x250x80xi32, #tpu.memory_space<hbm>> -> memref<1x1x250x80xi32, #tpu.memory_space<hbm>>
      %dma_start3A_333 = tpu.memref_squeeze %dma_start3A_332 : memref<1x1x250x80xi32, #tpu.memory_space<hbm>> -> memref<250x80xi32, #tpu.memory_space<hbm>>
      tpu.enqueue_dma source(%dma_start3A_333 : memref<250x80xi32, #tpu.memory_space<hbm>>) target(%arg8 : memref<250x80xi32, #tpu.memory_space<vmem>>) target_semaphore(%run_scoped3A_325 : memref<!tpu.dma_semaphore, #tpu.memory_space<semaphore_mem>>)
      %dma_wait3A_334 = arith.constant 0 : i32
      %dma_wait3A_335 = arith.constant 0 : i32
      %dma_wait3A_336 = tpu.memref_slice %arg3[%run_scoped3A_46, %arg1, %dma_wait3A_334, %dma_wait3A_335] : memref<2x16x250x80xi32, #tpu.memory_space<hbm>> -> memref<1x1x250x80xi32, #tpu.memory_space<hbm>>
      %dma_wait3A_337 = tpu.memref_squeeze %dma_wait3A_336 : memref<1x1x250x80xi32, #tpu.memory_space<hbm>> -> memref<250x80xi32, #tpu.memory_space<hbm>>
      %dma_wait3A_338 = arith.constant 0 : i32
      %dma_wait3A_339 = arith.constant 0 : i32
      %dma_wait3A_340 = tpu.memref_slice %arg3[%run_scoped3A_46, %arg1, %dma_wait3A_338, %dma_wait3A_339] : memref<2x16x250x80xi32, #tpu.memory_space<hbm>> -> memref<1x1x250x80xi32, #tpu.memory_space<hbm>>
      %dma_wait3A_341 = tpu.memref_squeeze %dma_wait3A_340 : memref<1x1x250x80xi32, #tpu.memory_space<hbm>> -> memref<250x80xi32, #tpu.memory_space<hbm>>
      tpu.wait_dma2 semaphore(%run_scoped3A_325 : memref<!tpu.dma_semaphore, #tpu.memory_space<semaphore_mem>>) src(%dma_wait3A_341 : memref<250x80xi32, #tpu.memory_space<hbm>>) dst(%arg8 : memref<250x80xi32, #tpu.memory_space<vmem>>)
      tpu.yield
    }) : () -> ()
    %scan3A_47 = arith.constant 0 : i32
    %scan3A_48 = arith.constant 0 : i32
    %scan3A_49 = arith.constant 250 : i32
    %scan3A_50 = arith.addi %scan3A_48, %scan3A_49 : i32
    %scan3A_51 = arith.constant 1 : i32
    scf.for %scan3A_325 = %scan3A_48 to %scan3A_50 step %scan3A_51  : i32 {
      %get3A = arith.index_cast %scan3A_325 : i32 to index
      %get3A_326 = arith.constant 0 : index
      %get3A_327 = tpu.vector_load %arg7[%get3A, %get3A_326] {strides = array<i32>} : memref<250x80xi32, #tpu.memory_space<vmem>>, vector<1x16xi32>,
      %get3A_328 = vector.shape_cast %get3A_327 : vector<1x16xi32> to vector<16xi32>
      %mul3A_329 = arith.constant 2 : i32
      %mul3A_330 = vector.broadcast %mul3A_329 : i32 to vector<16xi32>
      %mul3A_331 = arith.muli %get3A_328, %mul3A_330 : vector<16xi32>
      %add3A_332 = vector.broadcast %arg0 : i32 to vector<16xi32>
      %add3A_333 = arith.addi %mul3A_331, %add3A_332 : vector<16xi32>
      %swap3A = arith.index_cast %scan3A_325 : i32 to index
      %swap3A_334 = arith.constant 0 : index
      %swap3A_335 = tpu.vector_load %arg7[%swap3A, %swap3A_334] {strides = array<i32>} : memref<250x80xi32, #tpu.memory_space<vmem>>, vector<1x16xi32>,
      %swap3A_336 = vector.shape_cast %swap3A_335 : vector<1x16xi32> to vector<16xi32>
      %swap3A_337 = vector.shape_cast %add3A_333 : vector<16xi32> to vector<1x16xi32>
      tpu.vector_store %arg7[%swap3A, %swap3A_334], %swap3A_337 {strides = array<i32>} : memref<250x80xi32, #tpu.memory_space<vmem>>, vector<1x16xi32>,
      %get3A_338 = arith.index_cast %scan3A_325 : i32 to index
      %get3A_339 = arith.constant 16 : index
      %get3A_340 = tpu.vector_load %arg7[%get3A_338, %get3A_339] {strides = array<i32>} : memref<250x80xi32, #tpu.memory_space<vmem>>, vector<1x16xi32>,
      %get3A_341 = vector.shape_cast %get3A_340 : vector<1x16xi32> to vector<16xi32>
      %mul3A_342 = arith.constant 2 : i32
      %mul3A_343 = vector.broadcast %mul3A_342 : i32 to vector<16xi32>
      %mul3A_344 = arith.muli %get3A_341, %mul3A_343 : vector<16xi32>
      %add3A_345 = vector.broadcast %arg0 : i32 to vector<16xi32>
      %add3A_346 = arith.addi %mul3A_344, %add3A_345 : vector<16xi32>
      %swap3A_347 = arith.index_cast %scan3A_325 : i32 to index
      %swap3A_348 = arith.constant 16 : index
      %swap3A_349 = tpu.vector_load %arg7[%swap3A_347, %swap3A_348] {strides = array<i32>} : memref<250x80xi32, #tpu.memory_space<vmem>>, vector<1x16xi32>,
      %swap3A_350 = vector.shape_cast %swap3A_349 : vector<1x16xi32> to vector<16xi32>
      %swap3A_351 = vector.shape_cast %add3A_346 : vector<16xi32> to vector<1x16xi32>
      tpu.vector_store %arg7[%swap3A_347, %swap3A_348], %swap3A_351 {strides = array<i32>} : memref<250x80xi32, #tpu.memory_space<vmem>>, vector<1x16xi32>,
      %get3A_352 = arith.index_cast %scan3A_325 : i32 to index
      %get3A_353 = arith.constant 32 : index
      %get3A_354 = tpu.vector_load %arg7[%get3A_352, %get3A_353] {strides = array<i32>} : memref<250x80xi32, #tpu.memory_space<vmem>>, vector<1x16xi32>,
      %get3A_355 = vector.shape_cast %get3A_354 : vector<1x16xi32> to vector<16xi32>
      %mul3A_356 = arith.constant 2 : i32
      %mul3A_357 = vector.broadcast %mul3A_356 : i32 to vector<16xi32>
      %mul3A_358 = arith.muli %get3A_355, %mul3A_357 : vector<16xi32>
      %add3A_359 = vector.broadcast %arg0 : i32 to vector<16xi32>
      %add3A_360 = arith.addi %mul3A_358, %add3A_359 : vector<16xi32>
      %swap3A_361 = arith.index_cast %scan3A_325 : i32 to index
      %swap3A_362 = arith.constant 32 : index
      %swap3A_363 = tpu.vector_load %arg7[%swap3A_361, %swap3A_362] {strides = array<i32>} : memref<250x80xi32, #tpu.memory_space<vmem>>, vector<1x16xi32>,
      %swap3A_364 = vector.shape_cast %swap3A_363 : vector<1x16xi32> to vector<16xi32>
      %swap3A_365 = vector.shape_cast %add3A_360 : vector<16xi32> to vector<1x16xi32>
      tpu.vector_store %arg7[%swap3A_361, %swap3A_362], %swap3A_365 {strides = array<i32>} : memref<250x80xi32, #tpu.memory_space<vmem>>, vector<1x16xi32>,
      %get3A_366 = arith.index_cast %scan3A_325 : i32 to index
      %get3A_367 = arith.constant 48 : index
      %get3A_368 = tpu.vector_load %arg7[%get3A_366, %get3A_367] {strides = array<i32>} : memref<250x80xi32, #tpu.memory_space<vmem>>, vector<1x16xi32>,
      %get3A_369 = vector.shape_cast %get3A_368 : vector<1x16xi32> to vector<16xi32>
      %mul3A_370 = arith.constant 2 : i32
      %mul3A_371 = vector.broadcast %mul3A_370 : i32 to vector<16xi32>
      %mul3A_372 = arith.muli %get3A_369, %mul3A_371 : vector<16xi32>
      %add3A_373 = vector.broadcast %arg0 : i32 to vector<16xi32>
      %add3A_374 = arith.addi %mul3A_372, %add3A_373 : vector<16xi32>
      %swap3A_375 = arith.index_cast %scan3A_325 : i32 to index
      %swap3A_376 = arith.constant 48 : index
      %swap3A_377 = tpu.vector_load %arg7[%swap3A_375, %swap3A_376] {strides = array<i32>} : memref<250x80xi32, #tpu.memory_space<vmem>>, vector<1x16xi32>,
      %swap3A_378 = vector.shape_cast %swap3A_377 : vector<1x16xi32> to vector<16xi32>
      %swap3A_379 = vector.shape_cast %add3A_374 : vector<16xi32> to vector<1x16xi32>
      tpu.vector_store %arg7[%swap3A_375, %swap3A_376], %swap3A_379 {strides = array<i32>} : memref<250x80xi32, #tpu.memory_space<vmem>>, vector<1x16xi32>,
      %get3A_380 = arith.index_cast %scan3A_325 : i32 to index
      %get3A_381 = arith.constant 64 : index
      %get3A_382 = tpu.vector_load %arg7[%get3A_380, %get3A_381] {strides = array<i32>} : memref<250x80xi32, #tpu.memory_space<vmem>>, vector<1x16xi32>,
      %get3A_383 = vector.shape_cast %get3A_382 : vector<1x16xi32> to vector<16xi32>
      %mul3A_384 = arith.constant 2 : i32
      %mul3A_385 = vector.broadcast %mul3A_384 : i32 to vector<16xi32>
      %mul3A_386 = arith.muli %get3A_383, %mul3A_385 : vector<16xi32>
      %add3A_387 = vector.broadcast %arg0 : i32 to vector<16xi32>
      %add3A_388 = arith.addi %mul3A_386, %add3A_387 : vector<16xi32>
      %swap3A_389 = arith.index_cast %scan3A_325 : i32 to index
      %swap3A_390 = arith.constant 64 : index
      %swap3A_391 = tpu.vector_load %arg7[%swap3A_389, %swap3A_390] {strides = array<i32>} : memref<250x80xi32, #tpu.memory_space<vmem>>, vector<1x16xi32>,
      %swap3A_392 = vector.shape_cast %swap3A_391 : vector<1x16xi32> to vector<16xi32>
      %swap3A_393 = vector.shape_cast %add3A_388 : vector<16xi32> to vector<1x16xi32>
      tpu.vector_store %arg7[%swap3A_389, %swap3A_390], %swap3A_393 {strides = array<i32>} : memref<250x80xi32, #tpu.memory_space<vmem>>, vector<1x16xi32>,
    }
    %scan3A_52 = arith.constant 250 : i32
    %mul3A_53 = arith.constant 125 : i32
    %mul3A_54 = arith.muli %arg0, %mul3A_53 : i32
    %add3A_55 = arith.constant 1 : i32
    %add3A_56 = arith.addi %arg0, %add3A_55 : i32
    %mul3A_57 = arith.constant 125 : i32
    %mul3A_58 = arith.muli %add3A_56, %mul3A_57 : i32
    %dma_start3A = arith.constant 0 : i32
    %dma_start3A_59 = arith.constant 0 : i32
    %dma_start3A_60 = tpu.memref_slice %arg7[%dma_start3A, %dma_start3A_59] : memref<250x80xi32, #tpu.memory_space<vmem>> -> memref<1x80xi32, #tpu.memory_space<vmem>>
    %dma_start3A_61 = tpu.memref_squeeze %dma_start3A_60 : memref<1x80xi32, #tpu.memory_space<vmem>> -> memref<80xi32, #tpu.memory_space<vmem>>
    %dma_start3A_62 = arith.constant 0 : i32
    %dma_start3A_63 = arith.constant 0 : i32
    %dma_start3A_64 = tpu.memref_slice %arg2[%dma_start3A_62, %dma_start3A_63] : memref<20000x64xf32, #tpu.memory_space<hbm>> -> memref<20000x64xf32, #tpu.memory_space<hbm>>
    tpu.enqueue_indirect_dma source(%dma_start3A_64 : memref<20000x64xf32, #tpu.memory_space<hbm>>) target(%arg9 : memref<80x64xf32, #tpu.memory_space<vmem>>) offsets(%dma_start3A_61 : memref<80xi32, #tpu.memory_space<vmem>>) semaphore(%arg15 : memref<!tpu.dma_semaphore, #tpu.memory_space<semaphore_mem>>)
    %dma_start3A_65 = arith.constant 1 : i32
    %dma_start3A_66 = arith.constant 0 : i32
    %dma_start3A_67 = tpu.memref_slice %arg7[%dma_start3A_65, %dma_start3A_66] : memref<250x80xi32, #tpu.memory_space<vmem>> -> memref<1x80xi32, #tpu.memory_space<vmem>>
    %dma_start3A_68 = tpu.memref_squeeze %dma_start3A_67 : memref<1x80xi32, #tpu.memory_space<vmem>> -> memref<80xi32, #tpu.memory_space<vmem>>
    %dma_start3A_69 = arith.constant 0 : i32
    %dma_start3A_70 = arith.constant 0 : i32
    %dma_start3A_71 = tpu.memref_slice %arg2[%dma_start3A_69, %dma_start3A_70] : memref<20000x64xf32, #tpu.memory_space<hbm>> -> memref<20000x64xf32, #tpu.memory_space<hbm>>
    tpu.enqueue_indirect_dma source(%dma_start3A_71 : memref<20000x64xf32, #tpu.memory_space<hbm>>) target(%arg10 : memref<80x64xf32, #tpu.memory_space<vmem>>) offsets(%dma_start3A_68 : memref<80xi32, #tpu.memory_space<vmem>>) semaphore(%arg16 : memref<!tpu.dma_semaphore, #tpu.memory_space<semaphore_mem>>)
    %dma_start3A_72 = arith.constant 2 : i32
    %dma_start3A_73 = arith.constant 0 : i32
    %dma_start3A_74 = tpu.memref_slice %arg7[%dma_start3A_72, %dma_start3A_73] : memref<250x80xi32, #tpu.memory_space<vmem>> -> memref<1x80xi32, #tpu.memory_space<vmem>>
    %dma_start3A_75 = tpu.memref_squeeze %dma_start3A_74 : memref<1x80xi32, #tpu.memory_space<vmem>> -> memref<80xi32, #tpu.memory_space<vmem>>
    %dma_start3A_76 = arith.constant 0 : i32
    %dma_start3A_77 = arith.constant 0 : i32
    %dma_start3A_78 = tpu.memref_slice %arg2[%dma_start3A_76, %dma_start3A_77] : memref<20000x64xf32, #tpu.memory_space<hbm>> -> memref<20000x64xf32, #tpu.memory_space<hbm>>
    tpu.enqueue_indirect_dma source(%dma_start3A_78 : memref<20000x64xf32, #tpu.memory_space<hbm>>) target(%arg11 : memref<80x64xf32, #tpu.memory_space<vmem>>) offsets(%dma_start3A_75 : memref<80xi32, #tpu.memory_space<vmem>>) semaphore(%arg17 : memref<!tpu.dma_semaphore, #tpu.memory_space<semaphore_mem>>)
    %dma_start3A_79 = arith.constant 3 : i32
    %dma_start3A_80 = arith.constant 0 : i32
    %dma_start3A_81 = tpu.memref_slice %arg7[%dma_start3A_79, %dma_start3A_80] : memref<250x80xi32, #tpu.memory_space<vmem>> -> memref<1x80xi32, #tpu.memory_space<vmem>>
    %dma_start3A_82 = tpu.memref_squeeze %dma_start3A_81 : memref<1x80xi32, #tpu.memory_space<vmem>> -> memref<80xi32, #tpu.memory_space<vmem>>
    %dma_start3A_83 = arith.constant 0 : i32
    %dma_start3A_84 = arith.constant 0 : i32
    %dma_start3A_85 = tpu.memref_slice %arg2[%dma_start3A_83, %dma_start3A_84] : memref<20000x64xf32, #tpu.memory_space<hbm>> -> memref<20000x64xf32, #tpu.memory_space<hbm>>
    tpu.enqueue_indirect_dma source(%dma_start3A_85 : memref<20000x64xf32, #tpu.memory_space<hbm>>) target(%arg12 : memref<80x64xf32, #tpu.memory_space<vmem>>) offsets(%dma_start3A_82 : memref<80xi32, #tpu.memory_space<vmem>>) semaphore(%arg18 : memref<!tpu.dma_semaphore, #tpu.memory_space<semaphore_mem>>)
    %scan3A_86 = arith.constant 0 : i32
    %scan3A_87 = arith.constant 0 : i32
    %scan3A_88 = arith.constant 41 : i32
    %scan3A_89 = arith.addi %scan3A_87, %scan3A_88 : i32
    %scan3A_90 = arith.constant 1 : i32
    scf.for %scan3A_325 = %scan3A_87 to %scan3A_89 step %scan3A_90  : i32 {
      %mul3A_326 = arith.constant 6 : i32
      %mul3A_327 = arith.muli %mul3A_326, %scan3A_325 : i32
      %add3A_328 = arith.constant 0 : i32
      %add3A_329 = arith.addi %mul3A_327, %add3A_328 : i32
      %add3A_330 = arith.constant 4 : i32
      %add3A_331 = arith.addi %add3A_329, %add3A_330 : i32
      %sub3A = arith.constant 6 : i32
      %sub3A_332 = arith.subi %add3A_331, %sub3A : i32
      %ge3A = arith.constant 0 : i32
      %ge3A_333 = arith.cmpi sge, %sub3A_332, %ge3A : i32
      %convert_element_type3A_334 = arith.extui %ge3A_333 : i1 to i32
      %cond3A_335 = arith.constant 0 : i32
      %cond3A_336 = arith.cmpi ne, %convert_element_type3A_334, %cond3A_335 : i32
      scf.if %cond3A_336 {
        %add3A_557 = arith.constant 4 : i32
        %add3A_558 = arith.addi %add3A_329, %add3A_557 : i32
        %sub3A_559 = arith.constant 6 : i32
        %sub3A_560 = arith.subi %add3A_558, %sub3A_559 : i32
        %dma_wait3A_561 = arith.constant 0 : i32
        %dma_wait3A_562 = tpu.memref_slice %arg8[%sub3A_560, %dma_wait3A_561] : memref<250x80xi32, #tpu.memory_space<vmem>> -> memref<1x80xi32, #tpu.memory_space<vmem>>
        %dma_wait3A_563 = tpu.memref_squeeze %dma_wait3A_562 : memref<1x80xi32, #tpu.memory_space<vmem>> -> memref<80xi32, #tpu.memory_space<vmem>>
        %dma_wait3A_564 = arith.constant 0 : i32
        %dma_wait3A_565 = arith.constant 0 : i32
        %dma_wait3A_566 = tpu.memref_slice %arg28[%dma_wait3A_564, %dma_wait3A_565] : memref<10240x64xf32, #tpu.memory_space<vmem_shared>> -> memref<10240x64xf32, #tpu.memory_space<vmem_shared>>
        tpu.wait_indirect_dma semaphore(%arg25 : memref<!tpu.dma_semaphore, #tpu.memory_space<semaphore_mem>>) src(%arg13 : memref<80x64xf32, #tpu.memory_space<vmem>>) dst(%dma_wait3A_566 : memref<10240x64xf32, #tpu.memory_space<vmem_shared>>)
      } else {
      }
      %add3A_337 = arith.constant 4 : i32
      %add3A_338 = arith.addi %add3A_329, %add3A_337 : i32
      %dma_start3A_339 = arith.constant 0 : i32
      %dma_start3A_340 = tpu.memref_slice %arg7[%add3A_338, %dma_start3A_339] : memref<250x80xi32, #tpu.memory_space<vmem>> -> memref<1x80xi32, #tpu.memory_space<vmem>>
      %dma_start3A_341 = tpu.memref_squeeze %dma_start3A_340 : memref<1x80xi32, #tpu.memory_space<vmem>> -> memref<80xi32, #tpu.memory_space<vmem>>
      %dma_start3A_342 = arith.constant 0 : i32
      %dma_start3A_343 = arith.constant 0 : i32
      %dma_start3A_344 = tpu.memref_slice %arg2[%dma_start3A_342, %dma_start3A_343] : memref<20000x64xf32, #tpu.memory_space<hbm>> -> memref<20000x64xf32, #tpu.memory_space<hbm>>
      tpu.enqueue_indirect_dma source(%dma_start3A_344 : memref<20000x64xf32, #tpu.memory_space<hbm>>) target(%arg13 : memref<80x64xf32, #tpu.memory_space<vmem>>) offsets(%dma_start3A_341 : memref<80xi32, #tpu.memory_space<vmem>>) semaphore(%arg19 : memref<!tpu.dma_semaphore, #tpu.memory_space<semaphore_mem>>)
      %dma_wait3A_345 = arith.constant 0 : i32
      %dma_wait3A_346 = tpu.memref_slice %arg7[%add3A_329, %dma_wait3A_345] : memref<250x80xi32, #tpu.memory_space<vmem>> -> memref<1x80xi32, #tpu.memory_space<vmem>>
      %dma_wait3A_347 = tpu.memref_squeeze %dma_wait3A_346 : memref<1x80xi32, #tpu.memory_space<vmem>> -> memref<80xi32, #tpu.memory_space<vmem>>
      %dma_wait3A_348 = arith.constant 0 : i32
      %dma_wait3A_349 = arith.constant 0 : i32
      %dma_wait3A_350 = tpu.memref_slice %arg2[%dma_wait3A_348, %dma_wait3A_349] : memref<20000x64xf32, #tpu.memory_space<hbm>> -> memref<20000x64xf32, #tpu.memory_space<hbm>>
      tpu.wait_indirect_dma semaphore(%arg15 : memref<!tpu.dma_semaphore, #tpu.memory_space<semaphore_mem>>) src(%dma_wait3A_350 : memref<20000x64xf32, #tpu.memory_space<hbm>>) dst(%arg9 : memref<80x64xf32, #tpu.memory_space<vmem>>)
      %dma_start3A_351 = arith.constant 0 : i32
      %dma_start3A_352 = tpu.memref_slice %arg8[%add3A_329, %dma_start3A_351] : memref<250x80xi32, #tpu.memory_space<vmem>> -> memref<1x80xi32, #tpu.memory_space<vmem>>
      %dma_start3A_353 = tpu.memref_squeeze %dma_start3A_352 : memref<1x80xi32, #tpu.memory_space<vmem>> -> memref<80xi32, #tpu.memory_space<vmem>>
      %dma_start3A_354 = arith.constant 0 : i32
      %dma_start3A_355 = arith.constant 0 : i32
      %dma_start3A_356 = tpu.memref_slice %arg28[%dma_start3A_354, %dma_start3A_355] : memref<10240x64xf32, #tpu.memory_space<vmem_shared>> -> memref<10240x64xf32, #tpu.memory_space<vmem_shared>>
      tpu.enqueue_indirect_dma source(%arg9 : memref<80x64xf32, #tpu.memory_space<vmem>>) target(%dma_start3A_356 : memref<10240x64xf32, #tpu.memory_space<vmem_shared>>) offsets(%dma_start3A_353 : memref<80xi32, #tpu.memory_space<vmem>>) semaphore(%arg21 : memref<!tpu.dma_semaphore, #tpu.memory_space<semaphore_mem>>) {add = true}
      %ge3A_357 = arith.cmpi sge, %add3A_329, %mul3A_54 : i32
      %lt3A = arith.cmpi slt, %add3A_329, %mul3A_58 : i32
      %and3A_358 = arith.andi %ge3A_357, %lt3A : i1
      %convert_element_type3A_359 = arith.extui %and3A_358 : i1 to i32
      %cond3A_360 = arith.constant 0 : i32
      %cond3A_361 = arith.cmpi ne, %convert_element_type3A_359, %cond3A_360 : i32
      scf.if %cond3A_361 {
        %dma_start3A_557 = arith.constant 0 : i32
        %dma_start3A_558 = tpu.memref_slice %arg8[%add3A_329, %dma_start3A_557] : memref<250x80xi32, #tpu.memory_space<vmem>> -> memref<1x80xi32, #tpu.memory_space<vmem>>
        %dma_start3A_559 = tpu.memref_squeeze %dma_start3A_558 : memref<1x80xi32, #tpu.memory_space<vmem>> -> memref<80xi32, #tpu.memory_space<vmem>>
        %dma_start3A_560 = arith.constant 0 : i32
        %dma_start3A_561 = arith.constant 0 : i32
        %dma_start3A_562 = tpu.memref_slice %arg32[%dma_start3A_560, %dma_start3A_561] : memref<10240x16xf32, #tpu.memory_space<vmem_shared>> -> memref<10240x16xf32, #tpu.memory_space<vmem_shared>>
        tpu.enqueue_indirect_dma source(%arg29 : memref<80x16xf32, #tpu.memory_space<vmem>>) target(%dma_start3A_562 : memref<10240x16xf32, #tpu.memory_space<vmem_shared>>) offsets(%dma_start3A_559 : memref<80xi32, #tpu.memory_space<vmem>>) semaphore(%arg33 : memref<!tpu.dma_semaphore, #tpu.memory_space<semaphore_mem>>) {add = true}
      } else {
      }
      %mul3A_362 = arith.constant 6 : i32
      %mul3A_363 = arith.muli %mul3A_362, %scan3A_325 : i32
      %add3A_364 = arith.constant 1 : i32
      %add3A_365 = arith.addi %mul3A_363, %add3A_364 : i32
      %add3A_366 = arith.constant 4 : i32
      %add3A_367 = arith.addi %add3A_365, %add3A_366 : i32
      %sub3A_368 = arith.constant 6 : i32
      %sub3A_369 = arith.subi %add3A_367, %sub3A_368 : i32
      %ge3A_370 = arith.constant 0 : i32
      %ge3A_371 = arith.cmpi sge, %sub3A_369, %ge3A_370 : i32
      %convert_element_type3A_372 = arith.extui %ge3A_371 : i1 to i32
      %cond3A_373 = arith.constant 0 : i32
      %cond3A_374 = arith.cmpi ne, %convert_element_type3A_372, %cond3A_373 : i32
      scf.if %cond3A_374 {
        %add3A_557 = arith.constant 4 : i32
        %add3A_558 = arith.addi %add3A_365, %add3A_557 : i32
        %sub3A_559 = arith.constant 6 : i32
        %sub3A_560 = arith.subi %add3A_558, %sub3A_559 : i32
        %dma_wait3A_561 = arith.constant 0 : i32
        %dma_wait3A_562 = tpu.memref_slice %arg8[%sub3A_560, %dma_wait3A_561] : memref<250x80xi32, #tpu.memory_space<vmem>> -> memref<1x80xi32, #tpu.memory_space<vmem>>
        %dma_wait3A_563 = tpu.memref_squeeze %dma_wait3A_562 : memref<1x80xi32, #tpu.memory_space<vmem>> -> memref<80xi32, #tpu.memory_space<vmem>>
        %dma_wait3A_564 = arith.constant 0 : i32
        %dma_wait3A_565 = arith.constant 0 : i32
        %dma_wait3A_566 = tpu.memref_slice %arg28[%dma_wait3A_564, %dma_wait3A_565] : memref<10240x64xf32, #tpu.memory_space<vmem_shared>> -> memref<10240x64xf32, #tpu.memory_space<vmem_shared>>
        tpu.wait_indirect_dma semaphore(%arg26 : memref<!tpu.dma_semaphore, #tpu.memory_space<semaphore_mem>>) src(%arg14 : memref<80x64xf32, #tpu.memory_space<vmem>>) dst(%dma_wait3A_566 : memref<10240x64xf32, #tpu.memory_space<vmem_shared>>)
      } else {
      }
      %add3A_375 = arith.constant 4 : i32
      %add3A_376 = arith.addi %add3A_365, %add3A_375 : i32
      %dma_start3A_377 = arith.constant 0 : i32
      %dma_start3A_378 = tpu.memref_slice %arg7[%add3A_376, %dma_start3A_377] : memref<250x80xi32, #tpu.memory_space<vmem>> -> memref<1x80xi32, #tpu.memory_space<vmem>>
      %dma_start3A_379 = tpu.memref_squeeze %dma_start3A_378 : memref<1x80xi32, #tpu.memory_space<vmem>> -> memref<80xi32, #tpu.memory_space<vmem>>
      %dma_start3A_380 = arith.constant 0 : i32
      %dma_start3A_381 = arith.constant 0 : i32
      %dma_start3A_382 = tpu.memref_slice %arg2[%dma_start3A_380, %dma_start3A_381] : memref<20000x64xf32, #tpu.memory_space<hbm>> -> memref<20000x64xf32, #tpu.memory_space<hbm>>
      tpu.enqueue_indirect_dma source(%dma_start3A_382 : memref<20000x64xf32, #tpu.memory_space<hbm>>) target(%arg14 : memref<80x64xf32, #tpu.memory_space<vmem>>) offsets(%dma_start3A_379 : memref<80xi32, #tpu.memory_space<vmem>>) semaphore(%arg20 : memref<!tpu.dma_semaphore, #tpu.memory_space<semaphore_mem>>)
      %dma_wait3A_383 = arith.constant 0 : i32
      %dma_wait3A_384 = tpu.memref_slice %arg7[%add3A_365, %dma_wait3A_383] : memref<250x80xi32, #tpu.memory_space<vmem>> -> memref<1x80xi32, #tpu.memory_space<vmem>>
      %dma_wait3A_385 = tpu.memref_squeeze %dma_wait3A_384 : memref<1x80xi32, #tpu.memory_space<vmem>> -> memref<80xi32, #tpu.memory_space<vmem>>
      %dma_wait3A_386 = arith.constant 0 : i32
      %dma_wait3A_387 = arith.constant 0 : i32
      %dma_wait3A_388 = tpu.memref_slice %arg2[%dma_wait3A_386, %dma_wait3A_387] : memref<20000x64xf32, #tpu.memory_space<hbm>> -> memref<20000x64xf32, #tpu.memory_space<hbm>>
      tpu.wait_indirect_dma semaphore(%arg16 : memref<!tpu.dma_semaphore, #tpu.memory_space<semaphore_mem>>) src(%dma_wait3A_388 : memref<20000x64xf32, #tpu.memory_space<hbm>>) dst(%arg10 : memref<80x64xf32, #tpu.memory_space<vmem>>)
      %dma_start3A_389 = arith.constant 0 : i32
      %dma_start3A_390 = tpu.memref_slice %arg8[%add3A_365, %dma_start3A_389] : memref<250x80xi32, #tpu.memory_space<vmem>> -> memref<1x80xi32, #tpu.memory_space<vmem>>
      %dma_start3A_391 = tpu.memref_squeeze %dma_start3A_390 : memref<1x80xi32, #tpu.memory_space<vmem>> -> memref<80xi32, #tpu.memory_space<vmem>>
      %dma_start3A_392 = arith.constant 0 : i32
      %dma_start3A_393 = arith.constant 0 : i32
      %dma_start3A_394 = tpu.memref_slice %arg28[%dma_start3A_392, %dma_start3A_393] : memref<10240x64xf32, #tpu.memory_space<vmem_shared>> -> memref<10240x64xf32, #tpu.memory_space<vmem_shared>>
      tpu.enqueue_indirect_dma source(%arg10 : memref<80x64xf32, #tpu.memory_space<vmem>>) target(%dma_start3A_394 : memref<10240x64xf32, #tpu.memory_space<vmem_shared>>) offsets(%dma_start3A_391 : memref<80xi32, #tpu.memory_space<vmem>>) semaphore(%arg22 : memref<!tpu.dma_semaphore, #tpu.memory_space<semaphore_mem>>) {add = true}
      %ge3A_395 = arith.cmpi sge, %add3A_365, %mul3A_54 : i32
      %lt3A_396 = arith.cmpi slt, %add3A_365, %mul3A_58 : i32
      %and3A_397 = arith.andi %ge3A_395, %lt3A_396 : i1
      %convert_element_type3A_398 = arith.extui %and3A_397 : i1 to i32
      %cond3A_399 = arith.constant 0 : i32
      %cond3A_400 = arith.cmpi ne, %convert_element_type3A_398, %cond3A_399 : i32
      scf.if %cond3A_400 {
        %dma_start3A_557 = arith.constant 0 : i32
        %dma_start3A_558 = tpu.memref_slice %arg8[%add3A_365, %dma_start3A_557] : memref<250x80xi32, #tpu.memory_space<vmem>> -> memref<1x80xi32, #tpu.memory_space<vmem>>
        %dma_start3A_559 = tpu.memref_squeeze %dma_start3A_558 : memref<1x80xi32, #tpu.memory_space<vmem>> -> memref<80xi32, #tpu.memory_space<vmem>>
        %dma_start3A_560 = arith.constant 0 : i32
        %dma_start3A_561 = arith.constant 0 : i32
        %dma_start3A_562 = tpu.memref_slice %arg32[%dma_start3A_560, %dma_start3A_561] : memref<10240x16xf32, #tpu.memory_space<vmem_shared>> -> memref<10240x16xf32, #tpu.memory_space<vmem_shared>>
        tpu.enqueue_indirect_dma source(%arg29 : memref<80x16xf32, #tpu.memory_space<vmem>>) target(%dma_start3A_562 : memref<10240x16xf32, #tpu.memory_space<vmem_shared>>) offsets(%dma_start3A_559 : memref<80xi32, #tpu.memory_space<vmem>>) semaphore(%arg33 : memref<!tpu.dma_semaphore, #tpu.memory_space<semaphore_mem>>) {add = true}
      } else {
      }
      %mul3A_401 = arith.constant 6 : i32
      %mul3A_402 = arith.muli %mul3A_401, %scan3A_325 : i32
      %add3A_403 = arith.constant 2 : i32
      %add3A_404 = arith.addi %mul3A_402, %add3A_403 : i32
      %add3A_405 = arith.constant 4 : i32
      %add3A_406 = arith.addi %add3A_404, %add3A_405 : i32
      %sub3A_407 = arith.constant 6 : i32
      %sub3A_408 = arith.subi %add3A_406, %sub3A_407 : i32
      %ge3A_409 = arith.constant 0 : i32
      %ge3A_410 = arith.cmpi sge, %sub3A_408, %ge3A_409 : i32
      %convert_element_type3A_411 = arith.extui %ge3A_410 : i1 to i32
      %cond3A_412 = arith.constant 0 : i32
      %cond3A_413 = arith.cmpi ne, %convert_element_type3A_411, %cond3A_412 : i32
      scf.if %cond3A_413 {
        %add3A_557 = arith.constant 4 : i32
        %add3A_558 = arith.addi %add3A_404, %add3A_557 : i32
        %sub3A_559 = arith.constant 6 : i32
        %sub3A_560 = arith.subi %add3A_558, %sub3A_559 : i32
        %dma_wait3A_561 = arith.constant 0 : i32
        %dma_wait3A_562 = tpu.memref_slice %arg8[%sub3A_560, %dma_wait3A_561] : memref<250x80xi32, #tpu.memory_space<vmem>> -> memref<1x80xi32, #tpu.memory_space<vmem>>
        %dma_wait3A_563 = tpu.memref_squeeze %dma_wait3A_562 : memref<1x80xi32, #tpu.memory_space<vmem>> -> memref<80xi32, #tpu.memory_space<vmem>>
        %dma_wait3A_564 = arith.constant 0 : i32
        %dma_wait3A_565 = arith.constant 0 : i32
        %dma_wait3A_566 = tpu.memref_slice %arg28[%dma_wait3A_564, %dma_wait3A_565] : memref<10240x64xf32, #tpu.memory_space<vmem_shared>> -> memref<10240x64xf32, #tpu.memory_space<vmem_shared>>
        tpu.wait_indirect_dma semaphore(%arg21 : memref<!tpu.dma_semaphore, #tpu.memory_space<semaphore_mem>>) src(%arg9 : memref<80x64xf32, #tpu.memory_space<vmem>>) dst(%dma_wait3A_566 : memref<10240x64xf32, #tpu.memory_space<vmem_shared>>)
      } else {
      }
      %add3A_414 = arith.constant 4 : i32
      %add3A_415 = arith.addi %add3A_404, %add3A_414 : i32
      %dma_start3A_416 = arith.constant 0 : i32
      %dma_start3A_417 = tpu.memref_slice %arg7[%add3A_415, %dma_start3A_416] : memref<250x80xi32, #tpu.memory_space<vmem>> -> memref<1x80xi32, #tpu.memory_space<vmem>>
      %dma_start3A_418 = tpu.memref_squeeze %dma_start3A_417 : memref<1x80xi32, #tpu.memory_space<vmem>> -> memref<80xi32, #tpu.memory_space<vmem>>
      %dma_start3A_419 = arith.constant 0 : i32
      %dma_start3A_420 = arith.constant 0 : i32
      %dma_start3A_421 = tpu.memref_slice %arg2[%dma_start3A_419, %dma_start3A_420] : memref<20000x64xf32, #tpu.memory_space<hbm>> -> memref<20000x64xf32, #tpu.memory_space<hbm>>
      tpu.enqueue_indirect_dma source(%dma_start3A_421 : memref<20000x64xf32, #tpu.memory_space<hbm>>) target(%arg9 : memref<80x64xf32, #tpu.memory_space<vmem>>) offsets(%dma_start3A_418 : memref<80xi32, #tpu.memory_space<vmem>>) semaphore(%arg15 : memref<!tpu.dma_semaphore, #tpu.memory_space<semaphore_mem>>)
      %dma_wait3A_422 = arith.constant 0 : i32
      %dma_wait3A_423 = tpu.memref_slice %arg7[%add3A_404, %dma_wait3A_422] : memref<250x80xi32, #tpu.memory_space<vmem>> -> memref<1x80xi32, #tpu.memory_space<vmem>>
      %dma_wait3A_424 = tpu.memref_squeeze %dma_wait3A_423 : memref<1x80xi32, #tpu.memory_space<vmem>> -> memref<80xi32, #tpu.memory_space<vmem>>
      %dma_wait3A_425 = arith.constant 0 : i32
      %dma_wait3A_426 = arith.constant 0 : i32
      %dma_wait3A_427 = tpu.memref_slice %arg2[%dma_wait3A_425, %dma_wait3A_426] : memref<20000x64xf32, #tpu.memory_space<hbm>> -> memref<20000x64xf32, #tpu.memory_space<hbm>>
      tpu.wait_indirect_dma semaphore(%arg17 : memref<!tpu.dma_semaphore, #tpu.memory_space<semaphore_mem>>) src(%dma_wait3A_427 : memref<20000x64xf32, #tpu.memory_space<hbm>>) dst(%arg11 : memref<80x64xf32, #tpu.memory_space<vmem>>)
      %dma_start3A_428 = arith.constant 0 : i32
      %dma_start3A_429 = tpu.memref_slice %arg8[%add3A_404, %dma_start3A_428] : memref<250x80xi32, #tpu.memory_space<vmem>> -> memref<1x80xi32, #tpu.memory_space<vmem>>
      %dma_start3A_430 = tpu.memref_squeeze %dma_start3A_429 : memref<1x80xi32, #tpu.memory_space<vmem>> -> memref<80xi32, #tpu.memory_space<vmem>>
      %dma_start3A_431 = arith.constant 0 : i32
      %dma_start3A_432 = arith.constant 0 : i32
      %dma_start3A_433 = tpu.memref_slice %arg28[%dma_start3A_431, %dma_start3A_432] : memref<10240x64xf32, #tpu.memory_space<vmem_shared>> -> memref<10240x64xf32, #tpu.memory_space<vmem_shared>>
      tpu.enqueue_indirect_dma source(%arg11 : memref<80x64xf32, #tpu.memory_space<vmem>>) target(%dma_start3A_433 : memref<10240x64xf32, #tpu.memory_space<vmem_shared>>) offsets(%dma_start3A_430 : memref<80xi32, #tpu.memory_space<vmem>>) semaphore(%arg23 : memref<!tpu.dma_semaphore, #tpu.memory_space<semaphore_mem>>) {add = true}
      %ge3A_434 = arith.cmpi sge, %add3A_404, %mul3A_54 : i32
      %lt3A_435 = arith.cmpi slt, %add3A_404, %mul3A_58 : i32
      %and3A_436 = arith.andi %ge3A_434, %lt3A_435 : i1
      %convert_element_type3A_437 = arith.extui %and3A_436 : i1 to i32
      %cond3A_438 = arith.constant 0 : i32
      %cond3A_439 = arith.cmpi ne, %convert_element_type3A_437, %cond3A_438 : i32
      scf.if %cond3A_439 {
        %dma_start3A_557 = arith.constant 0 : i32
        %dma_start3A_558 = tpu.memref_slice %arg8[%add3A_404, %dma_start3A_557] : memref<250x80xi32, #tpu.memory_space<vmem>> -> memref<1x80xi32, #tpu.memory_space<vmem>>
        %dma_start3A_559 = tpu.memref_squeeze %dma_start3A_558 : memref<1x80xi32, #tpu.memory_space<vmem>> -> memref<80xi32, #tpu.memory_space<vmem>>
        %dma_start3A_560 = arith.constant 0 : i32
        %dma_start3A_561 = arith.constant 0 : i32
        %dma_start3A_562 = tpu.memref_slice %arg32[%dma_start3A_560, %dma_start3A_561] : memref<10240x16xf32, #tpu.memory_space<vmem_shared>> -> memref<10240x16xf32, #tpu.memory_space<vmem_shared>>
        tpu.enqueue_indirect_dma source(%arg29 : memref<80x16xf32, #tpu.memory_space<vmem>>) target(%dma_start3A_562 : memref<10240x16xf32, #tpu.memory_space<vmem_shared>>) offsets(%dma_start3A_559 : memref<80xi32, #tpu.memory_space<vmem>>) semaphore(%arg33 : memref<!tpu.dma_semaphore, #tpu.memory_space<semaphore_mem>>) {add = true}
      } else {
      }
      %mul3A_440 = arith.constant 6 : i32
      %mul3A_441 = arith.muli %mul3A_440, %scan3A_325 : i32
      %add3A_442 = arith.constant 3 : i32
      %add3A_443 = arith.addi %mul3A_441, %add3A_442 : i32
      %add3A_444 = arith.constant 4 : i32
      %add3A_445 = arith.addi %add3A_443, %add3A_444 : i32
      %sub3A_446 = arith.constant 6 : i32
      %sub3A_447 = arith.subi %add3A_445, %sub3A_446 : i32
      %ge3A_448 = arith.constant 0 : i32
      %ge3A_449 = arith.cmpi sge, %sub3A_447, %ge3A_448 : i32
      %convert_element_type3A_450 = arith.extui %ge3A_449 : i1 to i32
      %cond3A_451 = arith.constant 0 : i32
      %cond3A_452 = arith.cmpi ne, %convert_element_type3A_450, %cond3A_451 : i32
      scf.if %cond3A_452 {
        %add3A_557 = arith.constant 4 : i32
        %add3A_558 = arith.addi %add3A_443, %add3A_557 : i32
        %sub3A_559 = arith.constant 6 : i32
        %sub3A_560 = arith.subi %add3A_558, %sub3A_559 : i32
        %dma_wait3A_561 = arith.constant 0 : i32
        %dma_wait3A_562 = tpu.memref_slice %arg8[%sub3A_560, %dma_wait3A_561] : memref<250x80xi32, #tpu.memory_space<vmem>> -> memref<1x80xi32, #tpu.memory_space<vmem>>
        %dma_wait3A_563 = tpu.memref_squeeze %dma_wait3A_562 : memref<1x80xi32, #tpu.memory_space<vmem>> -> memref<80xi32, #tpu.memory_space<vmem>>
        %dma_wait3A_564 = arith.constant 0 : i32
        %dma_wait3A_565 = arith.constant 0 : i32
        %dma_wait3A_566 = tpu.memref_slice %arg28[%dma_wait3A_564, %dma_wait3A_565] : memref<10240x64xf32, #tpu.memory_space<vmem_shared>> -> memref<10240x64xf32, #tpu.memory_space<vmem_shared>>
        tpu.wait_indirect_dma semaphore(%arg22 : memref<!tpu.dma_semaphore, #tpu.memory_space<semaphore_mem>>) src(%arg10 : memref<80x64xf32, #tpu.memory_space<vmem>>) dst(%dma_wait3A_566 : memref<10240x64xf32, #tpu.memory_space<vmem_shared>>)
      } else {
      }
      %add3A_453 = arith.constant 4 : i32
      %add3A_454 = arith.addi %add3A_443, %add3A_453 : i32
      %dma_start3A_455 = arith.constant 0 : i32
      %dma_start3A_456 = tpu.memref_slice %arg7[%add3A_454, %dma_start3A_455] : memref<250x80xi32, #tpu.memory_space<vmem>> -> memref<1x80xi32, #tpu.memory_space<vmem>>
      %dma_start3A_457 = tpu.memref_squeeze %dma_start3A_456 : memref<1x80xi32, #tpu.memory_space<vmem>> -> memref<80xi32, #tpu.memory_space<vmem>>
      %dma_start3A_458 = arith.constant 0 : i32
      %dma_start3A_459 = arith.constant 0 : i32
      %dma_start3A_460 = tpu.memref_slice %arg2[%dma_start3A_458, %dma_start3A_459] : memref<20000x64xf32, #tpu.memory_space<hbm>> -> memref<20000x64xf32, #tpu.memory_space<hbm>>
      tpu.enqueue_indirect_dma source(%dma_start3A_460 : memref<20000x64xf32, #tpu.memory_space<hbm>>) target(%arg10 : memref<80x64xf32, #tpu.memory_space<vmem>>) offsets(%dma_start3A_457 : memref<80xi32, #tpu.memory_space<vmem>>) semaphore(%arg16 : memref<!tpu.dma_semaphore, #tpu.memory_space<semaphore_mem>>)
      %dma_wait3A_461 = arith.constant 0 : i32
      %dma_wait3A_462 = tpu.memref_slice %arg7[%add3A_443, %dma_wait3A_461] : memref<250x80xi32, #tpu.memory_space<vmem>> -> memref<1x80xi32, #tpu.memory_space<vmem>>
      %dma_wait3A_463 = tpu.memref_squeeze %dma_wait3A_462 : memref<1x80xi32, #tpu.memory_space<vmem>> -> memref<80xi32, #tpu.memory_space<vmem>>
      %dma_wait3A_464 = arith.constant 0 : i32
      %dma_wait3A_465 = arith.constant 0 : i32
      %dma_wait3A_466 = tpu.memref_slice %arg2[%dma_wait3A_464, %dma_wait3A_465] : memref<20000x64xf32, #tpu.memory_space<hbm>> -> memref<20000x64xf32, #tpu.memory_space<hbm>>
      tpu.wait_indirect_dma semaphore(%arg18 : memref<!tpu.dma_semaphore, #tpu.memory_space<semaphore_mem>>) src(%dma_wait3A_466 : memref<20000x64xf32, #tpu.memory_space<hbm>>) dst(%arg12 : memref<80x64xf32, #tpu.memory_space<vmem>>)
      %dma_start3A_467 = arith.constant 0 : i32
      %dma_start3A_468 = tpu.memref_slice %arg8[%add3A_443, %dma_start3A_467] : memref<250x80xi32, #tpu.memory_space<vmem>> -> memref<1x80xi32, #tpu.memory_space<vmem>>
      %dma_start3A_469 = tpu.memref_squeeze %dma_start3A_468 : memref<1x80xi32, #tpu.memory_space<vmem>> -> memref<80xi32, #tpu.memory_space<vmem>>
      %dma_start3A_470 = arith.constant 0 : i32
      %dma_start3A_471 = arith.constant 0 : i32
      %dma_start3A_472 = tpu.memref_slice %arg28[%dma_start3A_470, %dma_start3A_471] : memref<10240x64xf32, #tpu.memory_space<vmem_shared>> -> memref<10240x64xf32, #tpu.memory_space<vmem_shared>>
      tpu.enqueue_indirect_dma source(%arg12 : memref<80x64xf32, #tpu.memory_space<vmem>>) target(%dma_start3A_472 : memref<10240x64xf32, #tpu.memory_space<vmem_shared>>) offsets(%dma_start3A_469 : memref<80xi32, #tpu.memory_space<vmem>>) semaphore(%arg24 : memref<!tpu.dma_semaphore, #tpu.memory_space<semaphore_mem>>) {add = true}
      %ge3A_473 = arith.cmpi sge, %add3A_443, %mul3A_54 : i32
      %lt3A_474 = arith.cmpi slt, %add3A_443, %mul3A_58 : i32
      %and3A_475 = arith.andi %ge3A_473, %lt3A_474 : i1
      %convert_element_type3A_476 = arith.extui %and3A_475 : i1 to i32
      %cond3A_477 = arith.constant 0 : i32
      %cond3A_478 = arith.cmpi ne, %convert_element_type3A_476, %cond3A_477 : i32
      scf.if %cond3A_478 {
        %dma_start3A_557 = arith.constant 0 : i32
        %dma_start3A_558 = tpu.memref_slice %arg8[%add3A_443, %dma_start3A_557] : memref<250x80xi32, #tpu.memory_space<vmem>> -> memref<1x80xi32, #tpu.memory_space<vmem>>
        %dma_start3A_559 = tpu.memref_squeeze %dma_start3A_558 : memref<1x80xi32, #tpu.memory_space<vmem>> -> memref<80xi32, #tpu.memory_space<vmem>>
        %dma_start3A_560 = arith.constant 0 : i32
        %dma_start3A_561 = arith.constant 0 : i32
        %dma_start3A_562 = tpu.memref_slice %arg32[%dma_start3A_560, %dma_start3A_561] : memref<10240x16xf32, #tpu.memory_space<vmem_shared>> -> memref<10240x16xf32, #tpu.memory_space<vmem_shared>>
        tpu.enqueue_indirect_dma source(%arg29 : memref<80x16xf32, #tpu.memory_space<vmem>>) target(%dma_start3A_562 : memref<10240x16xf32, #tpu.memory_space<vmem_shared>>) offsets(%dma_start3A_559 : memref<80xi32, #tpu.memory_space<vmem>>) semaphore(%arg33 : memref<!tpu.dma_semaphore, #tpu.memory_space<semaphore_mem>>) {add = true}
      } else {
      }
      %mul3A_479 = arith.constant 6 : i32
      %mul3A_480 = arith.muli %mul3A_479, %scan3A_325 : i32
      %add3A_481 = arith.constant 4 : i32
      %add3A_482 = arith.addi %mul3A_480, %add3A_481 : i32
      %add3A_483 = arith.constant 4 : i32
      %add3A_484 = arith.addi %add3A_482, %add3A_483 : i32
      %sub3A_485 = arith.constant 6 : i32
      %sub3A_486 = arith.subi %add3A_484, %sub3A_485 : i32
      %ge3A_487 = arith.constant 0 : i32
      %ge3A_488 = arith.cmpi sge, %sub3A_486, %ge3A_487 : i32
      %convert_element_type3A_489 = arith.extui %ge3A_488 : i1 to i32
      %cond3A_490 = arith.constant 0 : i32
      %cond3A_491 = arith.cmpi ne, %convert_element_type3A_489, %cond3A_490 : i32
      scf.if %cond3A_491 {
        %add3A_557 = arith.constant 4 : i32
        %add3A_558 = arith.addi %add3A_482, %add3A_557 : i32
        %sub3A_559 = arith.constant 6 : i32
        %sub3A_560 = arith.subi %add3A_558, %sub3A_559 : i32
        %dma_wait3A_561 = arith.constant 0 : i32
        %dma_wait3A_562 = tpu.memref_slice %arg8[%sub3A_560, %dma_wait3A_561] : memref<250x80xi32, #tpu.memory_space<vmem>> -> memref<1x80xi32, #tpu.memory_space<vmem>>
        %dma_wait3A_563 = tpu.memref_squeeze %dma_wait3A_562 : memref<1x80xi32, #tpu.memory_space<vmem>> -> memref<80xi32, #tpu.memory_space<vmem>>
        %dma_wait3A_564 = arith.constant 0 : i32
        %dma_wait3A_565 = arith.constant 0 : i32
        %dma_wait3A_566 = tpu.memref_slice %arg28[%dma_wait3A_564, %dma_wait3A_565] : memref<10240x64xf32, #tpu.memory_space<vmem_shared>> -> memref<10240x64xf32, #tpu.memory_space<vmem_shared>>
        tpu.wait_indirect_dma semaphore(%arg23 : memref<!tpu.dma_semaphore, #tpu.memory_space<semaphore_mem>>) src(%arg11 : memref<80x64xf32, #tpu.memory_space<vmem>>) dst(%dma_wait3A_566 : memref<10240x64xf32, #tpu.memory_space<vmem_shared>>)
      } else {
      }
      %add3A_492 = arith.constant 4 : i32
      %add3A_493 = arith.addi %add3A_482, %add3A_492 : i32
      %dma_start3A_494 = arith.constant 0 : i32
      %dma_start3A_495 = tpu.memref_slice %arg7[%add3A_493, %dma_start3A_494] : memref<250x80xi32, #tpu.memory_space<vmem>> -> memref<1x80xi32, #tpu.memory_space<vmem>>
      %dma_start3A_496 = tpu.memref_squeeze %dma_start3A_495 : memref<1x80xi32, #tpu.memory_space<vmem>> -> memref<80xi32, #tpu.memory_space<vmem>>
      %dma_start3A_497 = arith.constant 0 : i32
      %dma_start3A_498 = arith.constant 0 : i32
      %dma_start3A_499 = tpu.memref_slice %arg2[%dma_start3A_497, %dma_start3A_498] : memref<20000x64xf32, #tpu.memory_space<hbm>> -> memref<20000x64xf32, #tpu.memory_space<hbm>>
      tpu.enqueue_indirect_dma source(%dma_start3A_499 : memref<20000x64xf32, #tpu.memory_space<hbm>>) target(%arg11 : memref<80x64xf32, #tpu.memory_space<vmem>>) offsets(%dma_start3A_496 : memref<80xi32, #tpu.memory_space<vmem>>) semaphore(%arg17 : memref<!tpu.dma_semaphore, #tpu.memory_space<semaphore_mem>>)
      %dma_wait3A_500 = arith.constant 0 : i32
      %dma_wait3A_501 = tpu.memref_slice %arg7[%add3A_482, %dma_wait3A_500] : memref<250x80xi32, #tpu.memory_space<vmem>> -> memref<1x80xi32, #tpu.memory_space<vmem>>
      %dma_wait3A_502 = tpu.memref_squeeze %dma_wait3A_501 : memref<1x80xi32, #tpu.memory_space<vmem>> -> memref<80xi32, #tpu.memory_space<vmem>>
      %dma_wait3A_503 = arith.constant 0 : i32
      %dma_wait3A_504 = arith.constant 0 : i32
      %dma_wait3A_505 = tpu.memref_slice %arg2[%dma_wait3A_503, %dma_wait3A_504] : memref<20000x64xf32, #tpu.memory_space<hbm>> -> memref<20000x64xf32, #tpu.memory_space<hbm>>
      tpu.wait_indirect_dma semaphore(%arg19 : memref<!tpu.dma_semaphore, #tpu.memory_space<semaphore_mem>>) src(%dma_wait3A_505 : memref<20000x64xf32, #tpu.memory_space<hbm>>) dst(%arg13 : memref<80x64xf32, #tpu.memory_space<vmem>>)
      %dma_start3A_506 = arith.constant 0 : i32
      %dma_start3A_507 = tpu.memref_slice %arg8[%add3A_482, %dma_start3A_506] : memref<250x80xi32, #tpu.memory_space<vmem>> -> memref<1x80xi32, #tpu.memory_space<vmem>>
      %dma_start3A_508 = tpu.memref_squeeze %dma_start3A_507 : memref<1x80xi32, #tpu.memory_space<vmem>> -> memref<80xi32, #tpu.memory_space<vmem>>
      %dma_start3A_509 = arith.constant 0 : i32
      %dma_start3A_510 = arith.constant 0 : i32
      %dma_start3A_511 = tpu.memref_slice %arg28[%dma_start3A_509, %dma_start3A_510] : memref<10240x64xf32, #tpu.memory_space<vmem_shared>> -> memref<10240x64xf32, #tpu.memory_space<vmem_shared>>
      tpu.enqueue_indirect_dma source(%arg13 : memref<80x64xf32, #tpu.memory_space<vmem>>) target(%dma_start3A_511 : memref<10240x64xf32, #tpu.memory_space<vmem_shared>>) offsets(%dma_start3A_508 : memref<80xi32, #tpu.memory_space<vmem>>) semaphore(%arg25 : memref<!tpu.dma_semaphore, #tpu.memory_space<semaphore_mem>>) {add = true}
      %ge3A_512 = arith.cmpi sge, %add3A_482, %mul3A_54 : i32
      %lt3A_513 = arith.cmpi slt, %add3A_482, %mul3A_58 : i32
      %and3A_514 = arith.andi %ge3A_512, %lt3A_513 : i1
      %convert_element_type3A_515 = arith.extui %and3A_514 : i1 to i32
      %cond3A_516 = arith.constant 0 : i32
      %cond3A_517 = arith.cmpi ne, %convert_element_type3A_515, %cond3A_516 : i32
      scf.if %cond3A_517 {
        %dma_start3A_557 = arith.constant 0 : i32
        %dma_start3A_558 = tpu.memref_slice %arg8[%add3A_482, %dma_start3A_557] : memref<250x80xi32, #tpu.memory_space<vmem>> -> memref<1x80xi32, #tpu.memory_space<vmem>>
        %dma_start3A_559 = tpu.memref_squeeze %dma_start3A_558 : memref<1x80xi32, #tpu.memory_space<vmem>> -> memref<80xi32, #tpu.memory_space<vmem>>
        %dma_start3A_560 = arith.constant 0 : i32
        %dma_start3A_561 = arith.constant 0 : i32
        %dma_start3A_562 = tpu.memref_slice %arg32[%dma_start3A_560, %dma_start3A_561] : memref<10240x16xf32, #tpu.memory_space<vmem_shared>> -> memref<10240x16xf32, #tpu.memory_space<vmem_shared>>
        tpu.enqueue_indirect_dma source(%arg29 : memref<80x16xf32, #tpu.memory_space<vmem>>) target(%dma_start3A_562 : memref<10240x16xf32, #tpu.memory_space<vmem_shared>>) offsets(%dma_start3A_559 : memref<80xi32, #tpu.memory_space<vmem>>) semaphore(%arg33 : memref<!tpu.dma_semaphore, #tpu.memory_space<semaphore_mem>>) {add = true}
      } else {
      }
      %mul3A_518 = arith.constant 6 : i32
      %mul3A_519 = arith.muli %mul3A_518, %scan3A_325 : i32
      %add3A_520 = arith.constant 5 : i32
      %add3A_521 = arith.addi %mul3A_519, %add3A_520 : i32
      %add3A_522 = arith.constant 4 : i32
      %add3A_523 = arith.addi %add3A_521, %add3A_522 : i32
      %sub3A_524 = arith.constant 6 : i32
      %sub3A_525 = arith.subi %add3A_523, %sub3A_524 : i32
      %ge3A_526 = arith.constant 0 : i32
      %ge3A_527 = arith.cmpi sge, %sub3A_525, %ge3A_526 : i32
      %convert_element_type3A_528 = arith.extui %ge3A_527 : i1 to i32
      %cond3A_529 = arith.constant 0 : i32
      %cond3A_530 = arith.cmpi ne, %convert_element_type3A_528, %cond3A_529 : i32
      scf.if %cond3A_530 {
        %add3A_557 = arith.constant 4 : i32
        %add3A_558 = arith.addi %add3A_521, %add3A_557 : i32
        %sub3A_559 = arith.constant 6 : i32
        %sub3A_560 = arith.subi %add3A_558, %sub3A_559 : i32
        %dma_wait3A_561 = arith.constant 0 : i32
        %dma_wait3A_562 = tpu.memref_slice %arg8[%sub3A_560, %dma_wait3A_561] : memref<250x80xi32, #tpu.memory_space<vmem>> -> memref<1x80xi32, #tpu.memory_space<vmem>>
        %dma_wait3A_563 = tpu.memref_squeeze %dma_wait3A_562 : memref<1x80xi32, #tpu.memory_space<vmem>> -> memref<80xi32, #tpu.memory_space<vmem>>
        %dma_wait3A_564 = arith.constant 0 : i32
        %dma_wait3A_565 = arith.constant 0 : i32
        %dma_wait3A_566 = tpu.memref_slice %arg28[%dma_wait3A_564, %dma_wait3A_565] : memref<10240x64xf32, #tpu.memory_space<vmem_shared>> -> memref<10240x64xf32, #tpu.memory_space<vmem_shared>>
        tpu.wait_indirect_dma semaphore(%arg24 : memref<!tpu.dma_semaphore, #tpu.memory_space<semaphore_mem>>) src(%arg12 : memref<80x64xf32, #tpu.memory_space<vmem>>) dst(%dma_wait3A_566 : memref<10240x64xf32, #tpu.memory_space<vmem_shared>>)
      } else {
      }
      %add3A_531 = arith.constant 4 : i32
      %add3A_532 = arith.addi %add3A_521, %add3A_531 : i32
      %dma_start3A_533 = arith.constant 0 : i32
      %dma_start3A_534 = tpu.memref_slice %arg7[%add3A_532, %dma_start3A_533] : memref<250x80xi32, #tpu.memory_space<vmem>> -> memref<1x80xi32, #tpu.memory_space<vmem>>
      %dma_start3A_535 = tpu.memref_squeeze %dma_start3A_534 : memref<1x80xi32, #tpu.memory_space<vmem>> -> memref<80xi32, #tpu.memory_space<vmem>>
      %dma_start3A_536 = arith.constant 0 : i32
      %dma_start3A_537 = arith.constant 0 : i32
      %dma_start3A_538 = tpu.memref_slice %arg2[%dma_start3A_536, %dma_start3A_537] : memref<20000x64xf32, #tpu.memory_space<hbm>> -> memref<20000x64xf32, #tpu.memory_space<hbm>>
      tpu.enqueue_indirect_dma source(%dma_start3A_538 : memref<20000x64xf32, #tpu.memory_space<hbm>>) target(%arg12 : memref<80x64xf32, #tpu.memory_space<vmem>>) offsets(%dma_start3A_535 : memref<80xi32, #tpu.memory_space<vmem>>) semaphore(%arg18 : memref<!tpu.dma_semaphore, #tpu.memory_space<semaphore_mem>>)
      %dma_wait3A_539 = arith.constant 0 : i32
      %dma_wait3A_540 = tpu.memref_slice %arg7[%add3A_521, %dma_wait3A_539] : memref<250x80xi32, #tpu.memory_space<vmem>> -> memref<1x80xi32, #tpu.memory_space<vmem>>
      %dma_wait3A_541 = tpu.memref_squeeze %dma_wait3A_540 : memref<1x80xi32, #tpu.memory_space<vmem>> -> memref<80xi32, #tpu.memory_space<vmem>>
      %dma_wait3A_542 = arith.constant 0 : i32
      %dma_wait3A_543 = arith.constant 0 : i32
      %dma_wait3A_544 = tpu.memref_slice %arg2[%dma_wait3A_542, %dma_wait3A_543] : memref<20000x64xf32, #tpu.memory_space<hbm>> -> memref<20000x64xf32, #tpu.memory_space<hbm>>
      tpu.wait_indirect_dma semaphore(%arg20 : memref<!tpu.dma_semaphore, #tpu.memory_space<semaphore_mem>>) src(%dma_wait3A_544 : memref<20000x64xf32, #tpu.memory_space<hbm>>) dst(%arg14 : memref<80x64xf32, #tpu.memory_space<vmem>>)
      %dma_start3A_545 = arith.constant 0 : i32
      %dma_start3A_546 = tpu.memref_slice %arg8[%add3A_521, %dma_start3A_545] : memref<250x80xi32, #tpu.memory_space<vmem>> -> memref<1x80xi32, #tpu.memory_space<vmem>>
      %dma_start3A_547 = tpu.memref_squeeze %dma_start3A_546 : memref<1x80xi32, #tpu.memory_space<vmem>> -> memref<80xi32, #tpu.memory_space<vmem>>
      %dma_start3A_548 = arith.constant 0 : i32
      %dma_start3A_549 = arith.constant 0 : i32
      %dma_start3A_550 = tpu.memref_slice %arg28[%dma_start3A_548, %dma_start3A_549] : memref<10240x64xf32, #tpu.memory_space<vmem_shared>> -> memref<10240x64xf32, #tpu.memory_space<vmem_shared>>
      tpu.enqueue_indirect_dma source(%arg14 : memref<80x64xf32, #tpu.memory_space<vmem>>) target(%dma_start3A_550 : memref<10240x64xf32, #tpu.memory_space<vmem_shared>>) offsets(%dma_start3A_547 : memref<80xi32, #tpu.memory_space<vmem>>) semaphore(%arg26 : memref<!tpu.dma_semaphore, #tpu.memory_space<semaphore_mem>>) {add = true}
      %ge3A_551 = arith.cmpi sge, %add3A_521, %mul3A_54 : i32
      %lt3A_552 = arith.cmpi slt, %add3A_521, %mul3A_58 : i32
      %and3A_553 = arith.andi %ge3A_551, %lt3A_552 : i1
      %convert_element_type3A_554 = arith.extui %and3A_553 : i1 to i32
      %cond3A_555 = arith.constant 0 : i32
      %cond3A_556 = arith.cmpi ne, %convert_element_type3A_554, %cond3A_555 : i32
      scf.if %cond3A_556 {
        %dma_start3A_557 = arith.constant 0 : i32
        %dma_start3A_558 = tpu.memref_slice %arg8[%add3A_521, %dma_start3A_557] : memref<250x80xi32, #tpu.memory_space<vmem>> -> memref<1x80xi32, #tpu.memory_space<vmem>>
        %dma_start3A_559 = tpu.memref_squeeze %dma_start3A_558 : memref<1x80xi32, #tpu.memory_space<vmem>> -> memref<80xi32, #tpu.memory_space<vmem>>
        %dma_start3A_560 = arith.constant 0 : i32
        %dma_start3A_561 = arith.constant 0 : i32
        %dma_start3A_562 = tpu.memref_slice %arg32[%dma_start3A_560, %dma_start3A_561] : memref<10240x16xf32, #tpu.memory_space<vmem_shared>> -> memref<10240x16xf32, #tpu.memory_space<vmem_shared>>
        tpu.enqueue_indirect_dma source(%arg29 : memref<80x16xf32, #tpu.memory_space<vmem>>) target(%dma_start3A_562 : memref<10240x16xf32, #tpu.memory_space<vmem_shared>>) offsets(%dma_start3A_559 : memref<80xi32, #tpu.memory_space<vmem>>) semaphore(%arg33 : memref<!tpu.dma_semaphore, #tpu.memory_space<semaphore_mem>>) {add = true}
      } else {
      }
    }
    %scan3A_91 = arith.constant 41 : i32
    %dma_wait3A = arith.constant 246 : i32
    %dma_wait3A_92 = arith.constant 0 : i32
    %dma_wait3A_93 = tpu.memref_slice %arg7[%dma_wait3A, %dma_wait3A_92] : memref<250x80xi32, #tpu.memory_space<vmem>> -> memref<1x80xi32, #tpu.memory_space<vmem>>
    %dma_wait3A_94 = tpu.memref_squeeze %dma_wait3A_93 : memref<1x80xi32, #tpu.memory_space<vmem>> -> memref<80xi32, #tpu.memory_space<vmem>>
    %dma_wait3A_95 = arith.constant 0 : i32
    %dma_wait3A_96 = arith.constant 0 : i32
    %dma_wait3A_97 = tpu.memref_slice %arg2[%dma_wait3A_95, %dma_wait3A_96] : memref<20000x64xf32, #tpu.memory_space<hbm>> -> memref<20000x64xf32, #tpu.memory_space<hbm>>
    tpu.wait_indirect_dma semaphore(%arg15 : memref<!tpu.dma_semaphore, #tpu.memory_space<semaphore_mem>>) src(%dma_wait3A_97 : memref<20000x64xf32, #tpu.memory_space<hbm>>) dst(%arg9 : memref<80x64xf32, #tpu.memory_space<vmem>>)
    %dma_start3A_98 = arith.constant 246 : i32
    %dma_start3A_99 = arith.constant 0 : i32
    %dma_start3A_100 = tpu.memref_slice %arg8[%dma_start3A_98, %dma_start3A_99] : memref<250x80xi32, #tpu.memory_space<vmem>> -> memref<1x80xi32, #tpu.memory_space<vmem>>
    %dma_start3A_101 = tpu.memref_squeeze %dma_start3A_100 : memref<1x80xi32, #tpu.memory_space<vmem>> -> memref<80xi32, #tpu.memory_space<vmem>>
    %dma_start3A_102 = arith.constant 0 : i32
    %dma_start3A_103 = arith.constant 0 : i32
    %dma_start3A_104 = tpu.memref_slice %arg28[%dma_start3A_102, %dma_start3A_103] : memref<10240x64xf32, #tpu.memory_space<vmem_shared>> -> memref<10240x64xf32, #tpu.memory_space<vmem_shared>>
    tpu.enqueue_indirect_dma source(%arg9 : memref<80x64xf32, #tpu.memory_space<vmem>>) target(%dma_start3A_104 : memref<10240x64xf32, #tpu.memory_space<vmem_shared>>) offsets(%dma_start3A_101 : memref<80xi32, #tpu.memory_space<vmem>>) semaphore(%arg21 : memref<!tpu.dma_semaphore, #tpu.memory_space<semaphore_mem>>) {add = true}
    %le3A = arith.constant 246 : i32
    %le3A_105 = arith.cmpi sle, %mul3A_54, %le3A : i32
    %gt3A = arith.constant 246 : i32
    %gt3A_106 = arith.cmpi sgt, %mul3A_58, %gt3A : i32
    %and3A = arith.andi %le3A_105, %gt3A_106 : i1
    %convert_element_type3A = arith.extui %and3A : i1 to i32
    %cond3A = arith.constant 0 : i32
    %cond3A_107 = arith.cmpi ne, %convert_element_type3A, %cond3A : i32
    scf.if %cond3A_107 {
      %dma_start3A_325 = arith.constant 246 : i32
      %dma_start3A_326 = arith.constant 0 : i32
      %dma_start3A_327 = tpu.memref_slice %arg8[%dma_start3A_325, %dma_start3A_326] : memref<250x80xi32, #tpu.memory_space<vmem>> -> memref<1x80xi32, #tpu.memory_space<vmem>>
      %dma_start3A_328 = tpu.memref_squeeze %dma_start3A_327 : memref<1x80xi32, #tpu.memory_space<vmem>> -> memref<80xi32, #tpu.memory_space<vmem>>
      %dma_start3A_329 = arith.constant 0 : i32
      %dma_start3A_330 = arith.constant 0 : i32
      %dma_start3A_331 = tpu.memref_slice %arg32[%dma_start3A_329, %dma_start3A_330] : memref<10240x16xf32, #tpu.memory_space<vmem_shared>> -> memref<10240x16xf32, #tpu.memory_space<vmem_shared>>
      tpu.enqueue_indirect_dma source(%arg29 : memref<80x16xf32, #tpu.memory_space<vmem>>) target(%dma_start3A_331 : memref<10240x16xf32, #tpu.memory_space<vmem_shared>>) offsets(%dma_start3A_328 : memref<80xi32, #tpu.memory_space<vmem>>) semaphore(%arg33 : memref<!tpu.dma_semaphore, #tpu.memory_space<semaphore_mem>>) {add = true}
    } else {
    }
    %dma_wait3A_108 = arith.constant 247 : i32
    %dma_wait3A_109 = arith.constant 0 : i32
    %dma_wait3A_110 = tpu.memref_slice %arg7[%dma_wait3A_108, %dma_wait3A_109] : memref<250x80xi32, #tpu.memory_space<vmem>> -> memref<1x80xi32, #tpu.memory_space<vmem>>
    %dma_wait3A_111 = tpu.memref_squeeze %dma_wait3A_110 : memref<1x80xi32, #tpu.memory_space<vmem>> -> memref<80xi32, #tpu.memory_space<vmem>>
    %dma_wait3A_112 = arith.constant 0 : i32
    %dma_wait3A_113 = arith.constant 0 : i32
    %dma_wait3A_114 = tpu.memref_slice %arg2[%dma_wait3A_112, %dma_wait3A_113] : memref<20000x64xf32, #tpu.memory_space<hbm>> -> memref<20000x64xf32, #tpu.memory_space<hbm>>
    tpu.wait_indirect_dma semaphore(%arg16 : memref<!tpu.dma_semaphore, #tpu.memory_space<semaphore_mem>>) src(%dma_wait3A_114 : memref<20000x64xf32, #tpu.memory_space<hbm>>) dst(%arg10 : memref<80x64xf32, #tpu.memory_space<vmem>>)
    %dma_start3A_115 = arith.constant 247 : i32
    %dma_start3A_116 = arith.constant 0 : i32
    %dma_start3A_117 = tpu.memref_slice %arg8[%dma_start3A_115, %dma_start3A_116] : memref<250x80xi32, #tpu.memory_space<vmem>> -> memref<1x80xi32, #tpu.memory_space<vmem>>
    %dma_start3A_118 = tpu.memref_squeeze %dma_start3A_117 : memref<1x80xi32, #tpu.memory_space<vmem>> -> memref<80xi32, #tpu.memory_space<vmem>>
    %dma_start3A_119 = arith.constant 0 : i32
    %dma_start3A_120 = arith.constant 0 : i32
    %dma_start3A_121 = tpu.memref_slice %arg28[%dma_start3A_119, %dma_start3A_120] : memref<10240x64xf32, #tpu.memory_space<vmem_shared>> -> memref<10240x64xf32, #tpu.memory_space<vmem_shared>>
    tpu.enqueue_indirect_dma source(%arg10 : memref<80x64xf32, #tpu.memory_space<vmem>>) target(%dma_start3A_121 : memref<10240x64xf32, #tpu.memory_space<vmem_shared>>) offsets(%dma_start3A_118 : memref<80xi32, #tpu.memory_space<vmem>>) semaphore(%arg22 : memref<!tpu.dma_semaphore, #tpu.memory_space<semaphore_mem>>) {add = true}
    %le3A_122 = arith.constant 247 : i32
    %le3A_123 = arith.cmpi sle, %mul3A_54, %le3A_122 : i32
    %gt3A_124 = arith.constant 247 : i32
    %gt3A_125 = arith.cmpi sgt, %mul3A_58, %gt3A_124 : i32
    %and3A_126 = arith.andi %le3A_123, %gt3A_125 : i1
    %convert_element_type3A_127 = arith.extui %and3A_126 : i1 to i32
    %cond3A_128 = arith.constant 0 : i32
    %cond3A_129 = arith.cmpi ne, %convert_element_type3A_127, %cond3A_128 : i32
    scf.if %cond3A_129 {
      %dma_start3A_325 = arith.constant 247 : i32
      %dma_start3A_326 = arith.constant 0 : i32
      %dma_start3A_327 = tpu.memref_slice %arg8[%dma_start3A_325, %dma_start3A_326] : memref<250x80xi32, #tpu.memory_space<vmem>> -> memref<1x80xi32, #tpu.memory_space<vmem>>
      %dma_start3A_328 = tpu.memref_squeeze %dma_start3A_327 : memref<1x80xi32, #tpu.memory_space<vmem>> -> memref<80xi32, #tpu.memory_space<vmem>>
      %dma_start3A_329 = arith.constant 0 : i32
      %dma_start3A_330 = arith.constant 0 : i32
      %dma_start3A_331 = tpu.memref_slice %arg32[%dma_start3A_329, %dma_start3A_330] : memref<10240x16xf32, #tpu.memory_space<vmem_shared>> -> memref<10240x16xf32, #tpu.memory_space<vmem_shared>>
      tpu.enqueue_indirect_dma source(%arg29 : memref<80x16xf32, #tpu.memory_space<vmem>>) target(%dma_start3A_331 : memref<10240x16xf32, #tpu.memory_space<vmem_shared>>) offsets(%dma_start3A_328 : memref<80xi32, #tpu.memory_space<vmem>>) semaphore(%arg33 : memref<!tpu.dma_semaphore, #tpu.memory_space<semaphore_mem>>) {add = true}
    } else {
    }
    %dma_wait3A_130 = arith.constant 248 : i32
    %dma_wait3A_131 = arith.constant 0 : i32
    %dma_wait3A_132 = tpu.memref_slice %arg7[%dma_wait3A_130, %dma_wait3A_131] : memref<250x80xi32, #tpu.memory_space<vmem>> -> memref<1x80xi32, #tpu.memory_space<vmem>>
    %dma_wait3A_133 = tpu.memref_squeeze %dma_wait3A_132 : memref<1x80xi32, #tpu.memory_space<vmem>> -> memref<80xi32, #tpu.memory_space<vmem>>
    %dma_wait3A_134 = arith.constant 0 : i32
    %dma_wait3A_135 = arith.constant 0 : i32
    %dma_wait3A_136 = tpu.memref_slice %arg2[%dma_wait3A_134, %dma_wait3A_135] : memref<20000x64xf32, #tpu.memory_space<hbm>> -> memref<20000x64xf32, #tpu.memory_space<hbm>>
    tpu.wait_indirect_dma semaphore(%arg17 : memref<!tpu.dma_semaphore, #tpu.memory_space<semaphore_mem>>) src(%dma_wait3A_136 : memref<20000x64xf32, #tpu.memory_space<hbm>>) dst(%arg11 : memref<80x64xf32, #tpu.memory_space<vmem>>)
    %dma_start3A_137 = arith.constant 248 : i32
    %dma_start3A_138 = arith.constant 0 : i32
    %dma_start3A_139 = tpu.memref_slice %arg8[%dma_start3A_137, %dma_start3A_138] : memref<250x80xi32, #tpu.memory_space<vmem>> -> memref<1x80xi32, #tpu.memory_space<vmem>>
    %dma_start3A_140 = tpu.memref_squeeze %dma_start3A_139 : memref<1x80xi32, #tpu.memory_space<vmem>> -> memref<80xi32, #tpu.memory_space<vmem>>
    %dma_start3A_141 = arith.constant 0 : i32
    %dma_start3A_142 = arith.constant 0 : i32
    %dma_start3A_143 = tpu.memref_slice %arg28[%dma_start3A_141, %dma_start3A_142] : memref<10240x64xf32, #tpu.memory_space<vmem_shared>> -> memref<10240x64xf32, #tpu.memory_space<vmem_shared>>
    tpu.enqueue_indirect_dma source(%arg11 : memref<80x64xf32, #tpu.memory_space<vmem>>) target(%dma_start3A_143 : memref<10240x64xf32, #tpu.memory_space<vmem_shared>>) offsets(%dma_start3A_140 : memref<80xi32, #tpu.memory_space<vmem>>) semaphore(%arg23 : memref<!tpu.dma_semaphore, #tpu.memory_space<semaphore_mem>>) {add = true}
    %le3A_144 = arith.constant 248 : i32
    %le3A_145 = arith.cmpi sle, %mul3A_54, %le3A_144 : i32
    %gt3A_146 = arith.constant 248 : i32
    %gt3A_147 = arith.cmpi sgt, %mul3A_58, %gt3A_146 : i32
    %and3A_148 = arith.andi %le3A_145, %gt3A_147 : i1
    %convert_element_type3A_149 = arith.extui %and3A_148 : i1 to i32
    %cond3A_150 = arith.constant 0 : i32
    %cond3A_151 = arith.cmpi ne, %convert_element_type3A_149, %cond3A_150 : i32
    scf.if %cond3A_151 {
      %dma_start3A_325 = arith.constant 248 : i32
      %dma_start3A_326 = arith.constant 0 : i32
      %dma_start3A_327 = tpu.memref_slice %arg8[%dma_start3A_325, %dma_start3A_326] : memref<250x80xi32, #tpu.memory_space<vmem>> -> memref<1x80xi32, #tpu.memory_space<vmem>>
      %dma_start3A_328 = tpu.memref_squeeze %dma_start3A_327 : memref<1x80xi32, #tpu.memory_space<vmem>> -> memref<80xi32, #tpu.memory_space<vmem>>
      %dma_start3A_329 = arith.constant 0 : i32
      %dma_start3A_330 = arith.constant 0 : i32
      %dma_start3A_331 = tpu.memref_slice %arg32[%dma_start3A_329, %dma_start3A_330] : memref<10240x16xf32, #tpu.memory_space<vmem_shared>> -> memref<10240x16xf32, #tpu.memory_space<vmem_shared>>
      tpu.enqueue_indirect_dma source(%arg29 : memref<80x16xf32, #tpu.memory_space<vmem>>) target(%dma_start3A_331 : memref<10240x16xf32, #tpu.memory_space<vmem_shared>>) offsets(%dma_start3A_328 : memref<80xi32, #tpu.memory_space<vmem>>) semaphore(%arg33 : memref<!tpu.dma_semaphore, #tpu.memory_space<semaphore_mem>>) {add = true}
    } else {
    }
    %dma_wait3A_152 = arith.constant 249 : i32
    %dma_wait3A_153 = arith.constant 0 : i32
    %dma_wait3A_154 = tpu.memref_slice %arg7[%dma_wait3A_152, %dma_wait3A_153] : memref<250x80xi32, #tpu.memory_space<vmem>> -> memref<1x80xi32, #tpu.memory_space<vmem>>
    %dma_wait3A_155 = tpu.memref_squeeze %dma_wait3A_154 : memref<1x80xi32, #tpu.memory_space<vmem>> -> memref<80xi32, #tpu.memory_space<vmem>>
    %dma_wait3A_156 = arith.constant 0 : i32
    %dma_wait3A_157 = arith.constant 0 : i32
    %dma_wait3A_158 = tpu.memref_slice %arg2[%dma_wait3A_156, %dma_wait3A_157] : memref<20000x64xf32, #tpu.memory_space<hbm>> -> memref<20000x64xf32, #tpu.memory_space<hbm>>
    tpu.wait_indirect_dma semaphore(%arg18 : memref<!tpu.dma_semaphore, #tpu.memory_space<semaphore_mem>>) src(%dma_wait3A_158 : memref<20000x64xf32, #tpu.memory_space<hbm>>) dst(%arg12 : memref<80x64xf32, #tpu.memory_space<vmem>>)
    %dma_start3A_159 = arith.constant 249 : i32
    %dma_start3A_160 = arith.constant 0 : i32
    %dma_start3A_161 = tpu.memref_slice %arg8[%dma_start3A_159, %dma_start3A_160] : memref<250x80xi32, #tpu.memory_space<vmem>> -> memref<1x80xi32, #tpu.memory_space<vmem>>
    %dma_start3A_162 = tpu.memref_squeeze %dma_start3A_161 : memref<1x80xi32, #tpu.memory_space<vmem>> -> memref<80xi32, #tpu.memory_space<vmem>>
    %dma_start3A_163 = arith.constant 0 : i32
    %dma_start3A_164 = arith.constant 0 : i32
    %dma_start3A_165 = tpu.memref_slice %arg28[%dma_start3A_163, %dma_start3A_164] : memref<10240x64xf32, #tpu.memory_space<vmem_shared>> -> memref<10240x64xf32, #tpu.memory_space<vmem_shared>>
    tpu.enqueue_indirect_dma source(%arg12 : memref<80x64xf32, #tpu.memory_space<vmem>>) target(%dma_start3A_165 : memref<10240x64xf32, #tpu.memory_space<vmem_shared>>) offsets(%dma_start3A_162 : memref<80xi32, #tpu.memory_space<vmem>>) semaphore(%arg24 : memref<!tpu.dma_semaphore, #tpu.memory_space<semaphore_mem>>) {add = true}
    %le3A_166 = arith.constant 249 : i32
    %le3A_167 = arith.cmpi sle, %mul3A_54, %le3A_166 : i32
    %gt3A_168 = arith.constant 249 : i32
    %gt3A_169 = arith.cmpi sgt, %mul3A_58, %gt3A_168 : i32
    %and3A_170 = arith.andi %le3A_167, %gt3A_169 : i1
    %convert_element_type3A_171 = arith.extui %and3A_170 : i1 to i32
    %cond3A_172 = arith.constant 0 : i32
    %cond3A_173 = arith.cmpi ne, %convert_element_type3A_171, %cond3A_172 : i32
    scf.if %cond3A_173 {
      %dma_start3A_325 = arith.constant 249 : i32
      %dma_start3A_326 = arith.constant 0 : i32
      %dma_start3A_327 = tpu.memref_slice %arg8[%dma_start3A_325, %dma_start3A_326] : memref<250x80xi32, #tpu.memory_space<vmem>> -> memref<1x80xi32, #tpu.memory_space<vmem>>
      %dma_start3A_328 = tpu.memref_squeeze %dma_start3A_327 : memref<1x80xi32, #tpu.memory_space<vmem>> -> memref<80xi32, #tpu.memory_space<vmem>>
      %dma_start3A_329 = arith.constant 0 : i32
      %dma_start3A_330 = arith.constant 0 : i32
      %dma_start3A_331 = tpu.memref_slice %arg32[%dma_start3A_329, %dma_start3A_330] : memref<10240x16xf32, #tpu.memory_space<vmem_shared>> -> memref<10240x16xf32, #tpu.memory_space<vmem_shared>>
      tpu.enqueue_indirect_dma source(%arg29 : memref<80x16xf32, #tpu.memory_space<vmem>>) target(%dma_start3A_331 : memref<10240x16xf32, #tpu.memory_space<vmem_shared>>) offsets(%dma_start3A_328 : memref<80xi32, #tpu.memory_space<vmem>>) semaphore(%arg33 : memref<!tpu.dma_semaphore, #tpu.memory_space<semaphore_mem>>) {add = true}
    } else {
    }
    %dma_wait3A_174 = arith.constant 244 : i32
    %dma_wait3A_175 = arith.constant 0 : i32
    %dma_wait3A_176 = tpu.memref_slice %arg8[%dma_wait3A_174, %dma_wait3A_175] : memref<250x80xi32, #tpu.memory_space<vmem>> -> memref<1x80xi32, #tpu.memory_space<vmem>>
    %dma_wait3A_177 = tpu.memref_squeeze %dma_wait3A_176 : memref<1x80xi32, #tpu.memory_space<vmem>> -> memref<80xi32, #tpu.memory_space<vmem>>
    %dma_wait3A_178 = arith.constant 0 : i32
    %dma_wait3A_179 = arith.constant 0 : i32
    %dma_wait3A_180 = tpu.memref_slice %arg28[%dma_wait3A_178, %dma_wait3A_179] : memref<10240x64xf32, #tpu.memory_space<vmem_shared>> -> memref<10240x64xf32, #tpu.memory_space<vmem_shared>>
    tpu.wait_indirect_dma semaphore(%arg25 : memref<!tpu.dma_semaphore, #tpu.memory_space<semaphore_mem>>) src(%arg13 : memref<80x64xf32, #tpu.memory_space<vmem>>) dst(%dma_wait3A_180 : memref<10240x64xf32, #tpu.memory_space<vmem_shared>>)
    %dma_wait3A_181 = arith.constant 245 : i32
    %dma_wait3A_182 = arith.constant 0 : i32
    %dma_wait3A_183 = tpu.memref_slice %arg8[%dma_wait3A_181, %dma_wait3A_182] : memref<250x80xi32, #tpu.memory_space<vmem>> -> memref<1x80xi32, #tpu.memory_space<vmem>>
    %dma_wait3A_184 = tpu.memref_squeeze %dma_wait3A_183 : memref<1x80xi32, #tpu.memory_space<vmem>> -> memref<80xi32, #tpu.memory_space<vmem>>
    %dma_wait3A_185 = arith.constant 0 : i32
    %dma_wait3A_186 = arith.constant 0 : i32
    %dma_wait3A_187 = tpu.memref_slice %arg28[%dma_wait3A_185, %dma_wait3A_186] : memref<10240x64xf32, #tpu.memory_space<vmem_shared>> -> memref<10240x64xf32, #tpu.memory_space<vmem_shared>>
    tpu.wait_indirect_dma semaphore(%arg26 : memref<!tpu.dma_semaphore, #tpu.memory_space<semaphore_mem>>) src(%arg14 : memref<80x64xf32, #tpu.memory_space<vmem>>) dst(%dma_wait3A_187 : memref<10240x64xf32, #tpu.memory_space<vmem_shared>>)
    %dma_wait3A_188 = arith.constant 246 : i32
    %dma_wait3A_189 = arith.constant 0 : i32
    %dma_wait3A_190 = tpu.memref_slice %arg8[%dma_wait3A_188, %dma_wait3A_189] : memref<250x80xi32, #tpu.memory_space<vmem>> -> memref<1x80xi32, #tpu.memory_space<vmem>>
    %dma_wait3A_191 = tpu.memref_squeeze %dma_wait3A_190 : memref<1x80xi32, #tpu.memory_space<vmem>> -> memref<80xi32, #tpu.memory_space<vmem>>
    %dma_wait3A_192 = arith.constant 0 : i32
    %dma_wait3A_193 = arith.constant 0 : i32
    %dma_wait3A_194 = tpu.memref_slice %arg28[%dma_wait3A_192, %dma_wait3A_193] : memref<10240x64xf32, #tpu.memory_space<vmem_shared>> -> memref<10240x64xf32, #tpu.memory_space<vmem_shared>>
    tpu.wait_indirect_dma semaphore(%arg21 : memref<!tpu.dma_semaphore, #tpu.memory_space<semaphore_mem>>) src(%arg9 : memref<80x64xf32, #tpu.memory_space<vmem>>) dst(%dma_wait3A_194 : memref<10240x64xf32, #tpu.memory_space<vmem_shared>>)
    %dma_wait3A_195 = arith.constant 247 : i32
    %dma_wait3A_196 = arith.constant 0 : i32
    %dma_wait3A_197 = tpu.memref_slice %arg8[%dma_wait3A_195, %dma_wait3A_196] : memref<250x80xi32, #tpu.memory_space<vmem>> -> memref<1x80xi32, #tpu.memory_space<vmem>>
    %dma_wait3A_198 = tpu.memref_squeeze %dma_wait3A_197 : memref<1x80xi32, #tpu.memory_space<vmem>> -> memref<80xi32, #tpu.memory_space<vmem>>
    %dma_wait3A_199 = arith.constant 0 : i32
    %dma_wait3A_200 = arith.constant 0 : i32
    %dma_wait3A_201 = tpu.memref_slice %arg28[%dma_wait3A_199, %dma_wait3A_200] : memref<10240x64xf32, #tpu.memory_space<vmem_shared>> -> memref<10240x64xf32, #tpu.memory_space<vmem_shared>>
    tpu.wait_indirect_dma semaphore(%arg22 : memref<!tpu.dma_semaphore, #tpu.memory_space<semaphore_mem>>) src(%arg10 : memref<80x64xf32, #tpu.memory_space<vmem>>) dst(%dma_wait3A_201 : memref<10240x64xf32, #tpu.memory_space<vmem_shared>>)
    %dma_wait3A_202 = arith.constant 248 : i32
    %dma_wait3A_203 = arith.constant 0 : i32
    %dma_wait3A_204 = tpu.memref_slice %arg8[%dma_wait3A_202, %dma_wait3A_203] : memref<250x80xi32, #tpu.memory_space<vmem>> -> memref<1x80xi32, #tpu.memory_space<vmem>>
    %dma_wait3A_205 = tpu.memref_squeeze %dma_wait3A_204 : memref<1x80xi32, #tpu.memory_space<vmem>> -> memref<80xi32, #tpu.memory_space<vmem>>
    %dma_wait3A_206 = arith.constant 0 : i32
    %dma_wait3A_207 = arith.constant 0 : i32
    %dma_wait3A_208 = tpu.memref_slice %arg28[%dma_wait3A_206, %dma_wait3A_207] : memref<10240x64xf32, #tpu.memory_space<vmem_shared>> -> memref<10240x64xf32, #tpu.memory_space<vmem_shared>>
    tpu.wait_indirect_dma semaphore(%arg23 : memref<!tpu.dma_semaphore, #tpu.memory_space<semaphore_mem>>) src(%arg11 : memref<80x64xf32, #tpu.memory_space<vmem>>) dst(%dma_wait3A_208 : memref<10240x64xf32, #tpu.memory_space<vmem_shared>>)
    %dma_wait3A_209 = arith.constant 249 : i32
    %dma_wait3A_210 = arith.constant 0 : i32
    %dma_wait3A_211 = tpu.memref_slice %arg8[%dma_wait3A_209, %dma_wait3A_210] : memref<250x80xi32, #tpu.memory_space<vmem>> -> memref<1x80xi32, #tpu.memory_space<vmem>>
    %dma_wait3A_212 = tpu.memref_squeeze %dma_wait3A_211 : memref<1x80xi32, #tpu.memory_space<vmem>> -> memref<80xi32, #tpu.memory_space<vmem>>
    %dma_wait3A_213 = arith.constant 0 : i32
    %dma_wait3A_214 = arith.constant 0 : i32
    %dma_wait3A_215 = tpu.memref_slice %arg28[%dma_wait3A_213, %dma_wait3A_214] : memref<10240x64xf32, #tpu.memory_space<vmem_shared>> -> memref<10240x64xf32, #tpu.memory_space<vmem_shared>>
    tpu.wait_indirect_dma semaphore(%arg24 : memref<!tpu.dma_semaphore, #tpu.memory_space<semaphore_mem>>) src(%arg12 : memref<80x64xf32, #tpu.memory_space<vmem>>) dst(%dma_wait3A_215 : memref<10240x64xf32, #tpu.memory_space<vmem_shared>>)
    %while3A = arith.constant 0 : i32
    %while3A_216 = arith.subi %mul3A_58, %mul3A_54 : i32
    %while3A_217 = arith.addi %mul3A_54, %while3A_216 : i32
    %while3A_218 = arith.constant 1 : i32
    %while3A_219 = arith.divsi %while3A_216, %while3A_218 : i32
    %while3A_220 = arith.muli %while3A_219, %while3A_218 : i32
    %while3A_221 = arith.addi %mul3A_54, %while3A_220 : i32
    %while3A_222 = arith.constant 1 : i32
    scf.for %while3A_325 = %mul3A_54 to %while3A_221 step %while3A_222  : i32 {
      %dma_wait3A_326 = arith.constant 0 : i32
      %dma_wait3A_327 = tpu.memref_slice %arg8[%while3A_325, %dma_wait3A_326] : memref<250x80xi32, #tpu.memory_space<vmem>> -> memref<1x80xi32, #tpu.memory_space<vmem>>
      %dma_wait3A_328 = tpu.memref_squeeze %dma_wait3A_327 : memref<1x80xi32, #tpu.memory_space<vmem>> -> memref<80xi32, #tpu.memory_space<vmem>>
      %dma_wait3A_329 = arith.constant 0 : i32
      %dma_wait3A_330 = arith.constant 0 : i32
      %dma_wait3A_331 = tpu.memref_slice %arg32[%dma_wait3A_329, %dma_wait3A_330] : memref<10240x16xf32, #tpu.memory_space<vmem_shared>> -> memref<10240x16xf32, #tpu.memory_space<vmem_shared>>
      tpu.wait_indirect_dma semaphore(%arg33 : memref<!tpu.dma_semaphore, #tpu.memory_space<semaphore_mem>>) src(%arg29 : memref<80x16xf32, #tpu.memory_space<vmem>>) dst(%dma_wait3A_331 : memref<10240x16xf32, #tpu.memory_space<vmem_shared>>)
    }
    %while3A_223 = arith.constant 1 : i32
    scf.for %while3A_325 = %while3A_221 to %while3A_217 step %while3A_223  : i32 {
      %dma_wait3A_326 = arith.constant 0 : i32
      %dma_wait3A_327 = tpu.memref_slice %arg8[%while3A_325, %dma_wait3A_326] : memref<250x80xi32, #tpu.memory_space<vmem>> -> memref<1x80xi32, #tpu.memory_space<vmem>>
      %dma_wait3A_328 = tpu.memref_squeeze %dma_wait3A_327 : memref<1x80xi32, #tpu.memory_space<vmem>> -> memref<80xi32, #tpu.memory_space<vmem>>
      %dma_wait3A_329 = arith.constant 0 : i32
      %dma_wait3A_330 = arith.constant 0 : i32
      %dma_wait3A_331 = tpu.memref_slice %arg32[%dma_wait3A_329, %dma_wait3A_330] : memref<10240x16xf32, #tpu.memory_space<vmem_shared>> -> memref<10240x16xf32, #tpu.memory_space<vmem_shared>>
      tpu.wait_indirect_dma semaphore(%arg33 : memref<!tpu.dma_semaphore, #tpu.memory_space<semaphore_mem>>) src(%arg29 : memref<80x16xf32, #tpu.memory_space<vmem>>) dst(%dma_wait3A_331 : memref<10240x16xf32, #tpu.memory_space<vmem_shared>>)
    }
    %barrier3A_224 = arith.constant 0 : index
    tpu.barrier barrier_id(%barrier3A_224)
    %mul3A_225 = arith.constant 640 : i32
    %mul3A_226 = arith.muli %arg1, %mul3A_225 : i32
    %add3A_227 = arith.constant 0 : i32
    %add3A_228 = arith.addi %mul3A_226, %add3A_227 : i32
    "tpu.region"() ({
      %run_scoped3A_325 = tpu.sem_alloc : memref<!tpu.dma_semaphore, #tpu.memory_space<semaphore_mem>>
      %dma_start3A_326 = arith.constant 0 : i32
      %dma_start3A_327 = tpu.memref_slice %arg5[%arg0, %add3A_228, %dma_start3A_326] : memref<2x10240x64xf32, #tpu.memory_space<hbm>> -> memref<1x64x64xf32, #tpu.memory_space<hbm>>
      %dma_start3A_328 = tpu.memref_squeeze %dma_start3A_327 : memref<1x64x64xf32, #tpu.memory_space<hbm>> -> memref<64x64xf32, #tpu.memory_space<hbm>>
      %dma_start3A_329 = arith.constant 0 : i32
      %dma_start3A_330 = tpu.memref_slice %arg28[%add3A_228, %dma_start3A_329] : memref<10240x64xf32, #tpu.memory_space<vmem_shared>> -> memref<64x64xf32, #tpu.memory_space<vmem_shared>>
      tpu.enqueue_dma source(%dma_start3A_330 : memref<64x64xf32, #tpu.memory_space<vmem_shared>>) target(%dma_start3A_328 : memref<64x64xf32, #tpu.memory_space<hbm>>) target_semaphore(%run_scoped3A_325 : memref<!tpu.dma_semaphore, #tpu.memory_space<semaphore_mem>>)
      %dma_wait3A_331 = arith.constant 0 : i32
      %dma_wait3A_332 = tpu.memref_slice %arg5[%arg0, %add3A_228, %dma_wait3A_331] : memref<2x10240x64xf32, #tpu.memory_space<hbm>> -> memref<1x64x64xf32, #tpu.memory_space<hbm>>
      %dma_wait3A_333 = tpu.memref_squeeze %dma_wait3A_332 : memref<1x64x64xf32, #tpu.memory_space<hbm>> -> memref<64x64xf32, #tpu.memory_space<hbm>>
      %dma_wait3A_334 = arith.constant 0 : i32
      %dma_wait3A_335 = tpu.memref_slice %arg28[%add3A_228, %dma_wait3A_334] : memref<10240x64xf32, #tpu.memory_space<vmem_shared>> -> memref<64x64xf32, #tpu.memory_space<vmem_shared>>
      tpu.wait_dma2 semaphore(%run_scoped3A_325 : memref<!tpu.dma_semaphore, #tpu.memory_space<semaphore_mem>>) src(%dma_wait3A_335 : memref<64x64xf32, #tpu.memory_space<vmem_shared>>) dst(%dma_wait3A_333 : memref<64x64xf32, #tpu.memory_space<hbm>>)
      tpu.yield
    }) : () -> ()
    "tpu.region"() ({
      %run_scoped3A_325 = tpu.sem_alloc : memref<!tpu.dma_semaphore, #tpu.memory_space<semaphore_mem>>
      %dma_start3A_326 = arith.constant 0 : i32
      %dma_start3A_327 = tpu.memref_slice %arg32[%add3A_228, %dma_start3A_326] : memref<10240x16xf32, #tpu.memory_space<vmem_shared>> -> memref<64x16xf32, #tpu.memory_space<vmem_shared>>
      %dma_start3A_328 = arith.constant 0 : i32
      %dma_start3A_329 = tpu.memref_slice %arg32[%add3A_228, %dma_start3A_328] : memref<10240x16xf32, #tpu.memory_space<vmem_shared>> -> memref<64x16xf32, #tpu.memory_space<vmem_shared>>
      tpu.enqueue_dma source(%dma_start3A_329 : memref<64x16xf32, #tpu.memory_space<vmem_shared>>) target(%arg31 : memref<64x16xf32, #tpu.memory_space<vmem>>) target_semaphore(%run_scoped3A_325 : memref<!tpu.dma_semaphore, #tpu.memory_space<semaphore_mem>>)
      %dma_wait3A_330 = arith.constant 0 : i32
      %dma_wait3A_331 = tpu.memref_slice %arg32[%add3A_228, %dma_wait3A_330] : memref<10240x16xf32, #tpu.memory_space<vmem_shared>> -> memref<64x16xf32, #tpu.memory_space<vmem_shared>>
      %dma_wait3A_332 = arith.constant 0 : i32
      %dma_wait3A_333 = tpu.memref_slice %arg32[%add3A_228, %dma_wait3A_332] : memref<10240x16xf32, #tpu.memory_space<vmem_shared>> -> memref<64x16xf32, #tpu.memory_space<vmem_shared>>
      tpu.wait_dma2 semaphore(%run_scoped3A_325 : memref<!tpu.dma_semaphore, #tpu.memory_space<semaphore_mem>>) src(%dma_wait3A_333 : memref<64x16xf32, #tpu.memory_space<vmem_shared>>) dst(%arg31 : memref<64x16xf32, #tpu.memory_space<vmem>>)
      tpu.yield
    }) : () -> ()
    %scan3A_229 = arith.constant 0 : i32
    %scan3A_230 = arith.constant 0 : i32
    %scan3A_231 = arith.constant 64 : i32
    %scan3A_232 = arith.addi %scan3A_230, %scan3A_231 : i32
    %scan3A_233 = arith.constant 1 : i32
    scf.for %scan3A_325 = %scan3A_230 to %scan3A_232 step %scan3A_233  : i32 {
      %get3A = arith.index_cast %scan3A_325 : i32 to index
      %get3A_326 = arith.constant 0 : index
      %get3A_327 = tpu.vector_load %arg31[%get3A, %get3A_326] {strides = array<i32>} : memref<64x16xf32, #tpu.memory_space<vmem>>, vector<1x16xf32>,
      %get3A_328 = vector.shape_cast %get3A_327 : vector<1x16xf32> to vector<16xf32>
      %swap3A = arith.index_cast %scan3A_325 : i32 to index
      %swap3A_329 = arith.constant 0 : index
      %swap3A_330 = tpu.vector_load %arg27[%swap3A, %swap3A_329] {strides = array<i32>} : memref<64x64xf32, #tpu.memory_space<vmem>>, vector<1x16xf32>,
      %swap3A_331 = vector.shape_cast %swap3A_330 : vector<1x16xf32> to vector<16xf32>
      %swap3A_332 = vector.shape_cast %get3A_328 : vector<16xf32> to vector<1x16xf32>
      tpu.vector_store %arg27[%swap3A, %swap3A_329], %swap3A_332 {strides = array<i32>} : memref<64x64xf32, #tpu.memory_space<vmem>>, vector<1x16xf32>,
      %swap3A_333 = arith.index_cast %scan3A_325 : i32 to index
      %swap3A_334 = arith.constant 16 : index
      %swap3A_335 = tpu.vector_load %arg27[%swap3A_333, %swap3A_334] {strides = array<i32>} : memref<64x64xf32, #tpu.memory_space<vmem>>, vector<1x16xf32>,
      %swap3A_336 = vector.shape_cast %swap3A_335 : vector<1x16xf32> to vector<16xf32>
      %swap3A_337 = vector.shape_cast %get3A_328 : vector<16xf32> to vector<1x16xf32>
      tpu.vector_store %arg27[%swap3A_333, %swap3A_334], %swap3A_337 {strides = array<i32>} : memref<64x64xf32, #tpu.memory_space<vmem>>, vector<1x16xf32>,
      %swap3A_338 = arith.index_cast %scan3A_325 : i32 to index
      %swap3A_339 = arith.constant 32 : index
      %swap3A_340 = tpu.vector_load %arg27[%swap3A_338, %swap3A_339] {strides = array<i32>} : memref<64x64xf32, #tpu.memory_space<vmem>>, vector<1x16xf32>,
      %swap3A_341 = vector.shape_cast %swap3A_340 : vector<1x16xf32> to vector<16xf32>
      %swap3A_342 = vector.shape_cast %get3A_328 : vector<16xf32> to vector<1x16xf32>
      tpu.vector_store %arg27[%swap3A_338, %swap3A_339], %swap3A_342 {strides = array<i32>} : memref<64x64xf32, #tpu.memory_space<vmem>>, vector<1x16xf32>,
      %swap3A_343 = arith.index_cast %scan3A_325 : i32 to index
      %swap3A_344 = arith.constant 48 : index
      %swap3A_345 = tpu.vector_load %arg27[%swap3A_343, %swap3A_344] {strides = array<i32>} : memref<64x64xf32, #tpu.memory_space<vmem>>, vector<1x16xf32>,
      %swap3A_346 = vector.shape_cast %swap3A_345 : vector<1x16xf32> to vector<16xf32>
      %swap3A_347 = vector.shape_cast %get3A_328 : vector<16xf32> to vector<1x16xf32>
      tpu.vector_store %arg27[%swap3A_343, %swap3A_344], %swap3A_347 {strides = array<i32>} : memref<64x64xf32, #tpu.memory_space<vmem>>, vector<1x16xf32>,
    }
    %scan3A_234 = arith.constant 64 : i32
    "tpu.region"() ({
      %run_scoped3A_325 = tpu.sem_alloc : memref<!tpu.dma_semaphore, #tpu.memory_space<semaphore_mem>>
      %dma_start3A_326 = arith.constant 0 : i32
      %dma_start3A_327 = tpu.memref_slice %arg6[%arg0, %add3A_228, %dma_start3A_326] : memref<2x10240x64xf32, #tpu.memory_space<hbm>> -> memref<1x64x64xf32, #tpu.memory_space<hbm>>
      %dma_start3A_328 = tpu.memref_squeeze %dma_start3A_327 : memref<1x64x64xf32, #tpu.memory_space<hbm>> -> memref<64x64xf32, #tpu.memory_space<hbm>>
      %dma_start3A_329 = arith.constant 0 : i32
      %dma_start3A_330 = tpu.memref_slice %arg6[%arg0, %add3A_228, %dma_start3A_329] : memref<2x10240x64xf32, #tpu.memory_space<hbm>> -> memref<1x64x64xf32, #tpu.memory_space<hbm>>
      %dma_start3A_331 = tpu.memref_squeeze %dma_start3A_330 : memref<1x64x64xf32, #tpu.memory_space<hbm>> -> memref<64x64xf32, #tpu.memory_space<hbm>>
      tpu.enqueue_dma source(%arg27 : memref<64x64xf32, #tpu.memory_space<vmem>>) target(%dma_start3A_331 : memref<64x64xf32, #tpu.memory_space<hbm>>) target_semaphore(%run_scoped3A_325 : memref<!tpu.dma_semaphore, #tpu.memory_space<semaphore_mem>>)
      %dma_wait3A_332 = arith.constant 0 : i32
      %dma_wait3A_333 = tpu.memref_slice %arg6[%arg0, %add3A_228, %dma_wait3A_332] : memref<2x10240x64xf32, #tpu.memory_space<hbm>> -> memref<1x64x64xf32, #tpu.memory_space<hbm>>
      %dma_wait3A_334 = tpu.memref_squeeze %dma_wait3A_333 : memref<1x64x64xf32, #tpu.memory_space<hbm>> -> memref<64x64xf32, #tpu.memory_space<hbm>>
      %dma_wait3A_335 = arith.constant 0 : i32
      %dma_wait3A_336 = tpu.memref_slice %arg6[%arg0, %add3A_228, %dma_wait3A_335] : memref<2x10240x64xf32, #tpu.memory_space<hbm>> -> memref<1x64x64xf32, #tpu.memory_space<hbm>>
      %dma_wait3A_337 = tpu.memref_squeeze %dma_wait3A_336 : memref<1x64x64xf32, #tpu.memory_space<hbm>> -> memref<64x64xf32, #tpu.memory_space<hbm>>
      tpu.wait_dma2 semaphore(%run_scoped3A_325 : memref<!tpu.dma_semaphore, #tpu.memory_space<semaphore_mem>>) src(%arg27 : memref<64x64xf32, #tpu.memory_space<vmem>>) dst(%dma_wait3A_337 : memref<64x64xf32, #tpu.memory_space<hbm>>)
      tpu.yield
    }) : () -> ()
    %mul3A_235 = arith.constant 640 : i32
    %mul3A_236 = arith.muli %arg1, %mul3A_235 : i32
    %add3A_237 = arith.constant 64 : i32
    %add3A_238 = arith.addi %mul3A_236, %add3A_237 : i32
    "tpu.region"() ({
      %run_scoped3A_325 = tpu.sem_alloc : memref<!tpu.dma_semaphore, #tpu.memory_space<semaphore_mem>>
      %dma_start3A_326 = arith.constant 0 : i32
      %dma_start3A_327 = tpu.memref_slice %arg5[%arg0, %add3A_238, %dma_start3A_326] : memref<2x10240x64xf32, #tpu.memory_space<hbm>> -> memref<1x64x64xf32, #tpu.memory_space<hbm>>
      %dma_start3A_328 = tpu.memref_squeeze %dma_start3A_327 : memref<1x64x64xf32, #tpu.memory_space<hbm>> -> memref<64x64xf32, #tpu.memory_space<hbm>>
      %dma_start3A_329 = arith.constant 0 : i32
      %dma_start3A_330 = tpu.memref_slice %arg28[%add3A_238, %dma_start3A_329] : memref<10240x64xf32, #tpu.memory_space<vmem_shared>> -> memref<64x64xf32, #tpu.memory_space<vmem_shared>>
      tpu.enqueue_dma source(%dma_start3A_330 : memref<64x64xf32, #tpu.memory_space<vmem_shared>>) target(%dma_start3A_328 : memref<64x64xf32, #tpu.memory_space<hbm>>) target_semaphore(%run_scoped3A_325 : memref<!tpu.dma_semaphore, #tpu.memory_space<semaphore_mem>>)
      %dma_wait3A_331 = arith.constant 0 : i32
      %dma_wait3A_332 = tpu.memref_slice %arg5[%arg0, %add3A_238, %dma_wait3A_331] : memref<2x10240x64xf32, #tpu.memory_space<hbm>> -> memref<1x64x64xf32, #tpu.memory_space<hbm>>
      %dma_wait3A_333 = tpu.memref_squeeze %dma_wait3A_332 : memref<1x64x64xf32, #tpu.memory_space<hbm>> -> memref<64x64xf32, #tpu.memory_space<hbm>>
      %dma_wait3A_334 = arith.constant 0 : i32
      %dma_wait3A_335 = tpu.memref_slice %arg28[%add3A_238, %dma_wait3A_334] : memref<10240x64xf32, #tpu.memory_space<vmem_shared>> -> memref<64x64xf32, #tpu.memory_space<vmem_shared>>
      tpu.wait_dma2 semaphore(%run_scoped3A_325 : memref<!tpu.dma_semaphore, #tpu.memory_space<semaphore_mem>>) src(%dma_wait3A_335 : memref<64x64xf32, #tpu.memory_space<vmem_shared>>) dst(%dma_wait3A_333 : memref<64x64xf32, #tpu.memory_space<hbm>>)
      tpu.yield
    }) : () -> ()
    "tpu.region"() ({
      %run_scoped3A_325 = tpu.sem_alloc : memref<!tpu.dma_semaphore, #tpu.memory_space<semaphore_mem>>
      %dma_start3A_326 = arith.constant 0 : i32
      %dma_start3A_327 = tpu.memref_slice %arg32[%add3A_238, %dma_start3A_326] : memref<10240x16xf32, #tpu.memory_space<vmem_shared>> -> memref<64x16xf32, #tpu.memory_space<vmem_shared>>
      %dma_start3A_328 = arith.constant 0 : i32
      %dma_start3A_329 = tpu.memref_slice %arg32[%add3A_238, %dma_start3A_328] : memref<10240x16xf32, #tpu.memory_space<vmem_shared>> -> memref<64x16xf32, #tpu.memory_space<vmem_shared>>
      tpu.enqueue_dma source(%dma_start3A_329 : memref<64x16xf32, #tpu.memory_space<vmem_shared>>) target(%arg31 : memref<64x16xf32, #tpu.memory_space<vmem>>) target_semaphore(%run_scoped3A_325 : memref<!tpu.dma_semaphore, #tpu.memory_space<semaphore_mem>>)
      %dma_wait3A_330 = arith.constant 0 : i32
      %dma_wait3A_331 = tpu.memref_slice %arg32[%add3A_238, %dma_wait3A_330] : memref<10240x16xf32, #tpu.memory_space<vmem_shared>> -> memref<64x16xf32, #tpu.memory_space<vmem_shared>>
      %dma_wait3A_332 = arith.constant 0 : i32
      %dma_wait3A_333 = tpu.memref_slice %arg32[%add3A_238, %dma_wait3A_332] : memref<10240x16xf32, #tpu.memory_space<vmem_shared>> -> memref<64x16xf32, #tpu.memory_space<vmem_shared>>
      tpu.wait_dma2 semaphore(%run_scoped3A_325 : memref<!tpu.dma_semaphore, #tpu.memory_space<semaphore_mem>>) src(%dma_wait3A_333 : memref<64x16xf32, #tpu.memory_space<vmem_shared>>) dst(%arg31 : memref<64x16xf32, #tpu.memory_space<vmem>>)
      tpu.yield
    }) : () -> ()
    %scan3A_239 = arith.constant 0 : i32
    %scan3A_240 = arith.constant 0 : i32
    %scan3A_241 = arith.constant 64 : i32
    %scan3A_242 = arith.addi %scan3A_240, %scan3A_241 : i32
    %scan3A_243 = arith.constant 1 : i32
    scf.for %scan3A_325 = %scan3A_240 to %scan3A_242 step %scan3A_243  : i32 {
      %get3A = arith.index_cast %scan3A_325 : i32 to index
      %get3A_326 = arith.constant 0 : index
      %get3A_327 = tpu.vector_load %arg31[%get3A, %get3A_326] {strides = array<i32>} : memref<64x16xf32, #tpu.memory_space<vmem>>, vector<1x16xf32>,
      %get3A_328 = vector.shape_cast %get3A_327 : vector<1x16xf32> to vector<16xf32>
      %swap3A = arith.index_cast %scan3A_325 : i32 to index
      %swap3A_329 = arith.constant 0 : index
      %swap3A_330 = tpu.vector_load %arg27[%swap3A, %swap3A_329] {strides = array<i32>} : memref<64x64xf32, #tpu.memory_space<vmem>>, vector<1x16xf32>,
      %swap3A_331 = vector.shape_cast %swap3A_330 : vector<1x16xf32> to vector<16xf32>
      %swap3A_332 = vector.shape_cast %get3A_328 : vector<16xf32> to vector<1x16xf32>
      tpu.vector_store %arg27[%swap3A, %swap3A_329], %swap3A_332 {strides = array<i32>} : memref<64x64xf32, #tpu.memory_space<vmem>>, vector<1x16xf32>,
      %swap3A_333 = arith.index_cast %scan3A_325 : i32 to index
      %swap3A_334 = arith.constant 16 : index
      %swap3A_335 = tpu.vector_load %arg27[%swap3A_333, %swap3A_334] {strides = array<i32>} : memref<64x64xf32, #tpu.memory_space<vmem>>, vector<1x16xf32>,
      %swap3A_336 = vector.shape_cast %swap3A_335 : vector<1x16xf32> to vector<16xf32>
      %swap3A_337 = vector.shape_cast %get3A_328 : vector<16xf32> to vector<1x16xf32>
      tpu.vector_store %arg27[%swap3A_333, %swap3A_334], %swap3A_337 {strides = array<i32>} : memref<64x64xf32, #tpu.memory_space<vmem>>, vector<1x16xf32>,
      %swap3A_338 = arith.index_cast %scan3A_325 : i32 to index
      %swap3A_339 = arith.constant 32 : index
      %swap3A_340 = tpu.vector_load %arg27[%swap3A_338, %swap3A_339] {strides = array<i32>} : memref<64x64xf32, #tpu.memory_space<vmem>>, vector<1x16xf32>,
      %swap3A_341 = vector.shape_cast %swap3A_340 : vector<1x16xf32> to vector<16xf32>
      %swap3A_342 = vector.shape_cast %get3A_328 : vector<16xf32> to vector<1x16xf32>
      tpu.vector_store %arg27[%swap3A_338, %swap3A_339], %swap3A_342 {strides = array<i32>} : memref<64x64xf32, #tpu.memory_space<vmem>>, vector<1x16xf32>,
      %swap3A_343 = arith.index_cast %scan3A_325 : i32 to index
      %swap3A_344 = arith.constant 48 : index
      %swap3A_345 = tpu.vector_load %arg27[%swap3A_343, %swap3A_344] {strides = array<i32>} : memref<64x64xf32, #tpu.memory_space<vmem>>, vector<1x16xf32>,
      %swap3A_346 = vector.shape_cast %swap3A_345 : vector<1x16xf32> to vector<16xf32>
      %swap3A_347 = vector.shape_cast %get3A_328 : vector<16xf32> to vector<1x16xf32>
      tpu.vector_store %arg27[%swap3A_343, %swap3A_344], %swap3A_347 {strides = array<i32>} : memref<64x64xf32, #tpu.memory_space<vmem>>, vector<1x16xf32>,
    }
    %scan3A_244 = arith.constant 64 : i32
    "tpu.region"() ({
      %run_scoped3A_325 = tpu.sem_alloc : memref<!tpu.dma_semaphore, #tpu.memory_space<semaphore_mem>>
      %dma_start3A_326 = arith.constant 0 : i32
      %dma_start3A_327 = tpu.memref_slice %arg6[%arg0, %add3A_238, %dma_start3A_326] : memref<2x10240x64xf32, #tpu.memory_space<hbm>> -> memref<1x64x64xf32, #tpu.memory_space<hbm>>
      %dma_start3A_328 = tpu.memref_squeeze %dma_start3A_327 : memref<1x64x64xf32, #tpu.memory_space<hbm>> -> memref<64x64xf32, #tpu.memory_space<hbm>>
      %dma_start3A_329 = arith.constant 0 : i32
      %dma_start3A_330 = tpu.memref_slice %arg6[%arg0, %add3A_238, %dma_start3A_329] : memref<2x10240x64xf32, #tpu.memory_space<hbm>> -> memref<1x64x64xf32, #tpu.memory_space<hbm>>
      %dma_start3A_331 = tpu.memref_squeeze %dma_start3A_330 : memref<1x64x64xf32, #tpu.memory_space<hbm>> -> memref<64x64xf32, #tpu.memory_space<hbm>>
      tpu.enqueue_dma source(%arg27 : memref<64x64xf32, #tpu.memory_space<vmem>>) target(%dma_start3A_331 : memref<64x64xf32, #tpu.memory_space<hbm>>) target_semaphore(%run_scoped3A_325 : memref<!tpu.dma_semaphore, #tpu.memory_space<semaphore_mem>>)
      %dma_wait3A_332 = arith.constant 0 : i32
      %dma_wait3A_333 = tpu.memref_slice %arg6[%arg0, %add3A_238, %dma_wait3A_332] : memref<2x10240x64xf32, #tpu.memory_space<hbm>> -> memref<1x64x64xf32, #tpu.memory_space<hbm>>
      %dma_wait3A_334 = tpu.memref_squeeze %dma_wait3A_333 : memref<1x64x64xf32, #tpu.memory_space<hbm>> -> memref<64x64xf32, #tpu.memory_space<hbm>>
      %dma_wait3A_335 = arith.constant 0 : i32
      %dma_wait3A_336 = tpu.memref_slice %arg6[%arg0, %add3A_238, %dma_wait3A_335] : memref<2x10240x64xf32, #tpu.memory_space<hbm>> -> memref<1x64x64xf32, #tpu.memory_space<hbm>>
      %dma_wait3A_337 = tpu.memref_squeeze %dma_wait3A_336 : memref<1x64x64xf32, #tpu.memory_space<hbm>> -> memref<64x64xf32, #tpu.memory_space<hbm>>
      tpu.wait_dma2 semaphore(%run_scoped3A_325 : memref<!tpu.dma_semaphore, #tpu.memory_space<semaphore_mem>>) src(%arg27 : memref<64x64xf32, #tpu.memory_space<vmem>>) dst(%dma_wait3A_337 : memref<64x64xf32, #tpu.memory_space<hbm>>)
      tpu.yield
    }) : () -> ()
    %mul3A_245 = arith.constant 640 : i32
    %mul3A_246 = arith.muli %arg1, %mul3A_245 : i32
    %add3A_247 = arith.constant 128 : i32
    %add3A_248 = arith.addi %mul3A_246, %add3A_247 : i32
    "tpu.region"() ({
      %run_scoped3A_325 = tpu.sem_alloc : memref<!tpu.dma_semaphore, #tpu.memory_space<semaphore_mem>>
      %dma_start3A_326 = arith.constant 0 : i32
      %dma_start3A_327 = tpu.memref_slice %arg5[%arg0, %add3A_248, %dma_start3A_326] : memref<2x10240x64xf32, #tpu.memory_space<hbm>> -> memref<1x64x64xf32, #tpu.memory_space<hbm>>
      %dma_start3A_328 = tpu.memref_squeeze %dma_start3A_327 : memref<1x64x64xf32, #tpu.memory_space<hbm>> -> memref<64x64xf32, #tpu.memory_space<hbm>>
      %dma_start3A_329 = arith.constant 0 : i32
      %dma_start3A_330 = tpu.memref_slice %arg28[%add3A_248, %dma_start3A_329] : memref<10240x64xf32, #tpu.memory_space<vmem_shared>> -> memref<64x64xf32, #tpu.memory_space<vmem_shared>>
      tpu.enqueue_dma source(%dma_start3A_330 : memref<64x64xf32, #tpu.memory_space<vmem_shared>>) target(%dma_start3A_328 : memref<64x64xf32, #tpu.memory_space<hbm>>) target_semaphore(%run_scoped3A_325 : memref<!tpu.dma_semaphore, #tpu.memory_space<semaphore_mem>>)
      %dma_wait3A_331 = arith.constant 0 : i32
      %dma_wait3A_332 = tpu.memref_slice %arg5[%arg0, %add3A_248, %dma_wait3A_331] : memref<2x10240x64xf32, #tpu.memory_space<hbm>> -> memref<1x64x64xf32, #tpu.memory_space<hbm>>
      %dma_wait3A_333 = tpu.memref_squeeze %dma_wait3A_332 : memref<1x64x64xf32, #tpu.memory_space<hbm>> -> memref<64x64xf32, #tpu.memory_space<hbm>>
      %dma_wait3A_334 = arith.constant 0 : i32
      %dma_wait3A_335 = tpu.memref_slice %arg28[%add3A_248, %dma_wait3A_334] : memref<10240x64xf32, #tpu.memory_space<vmem_shared>> -> memref<64x64xf32, #tpu.memory_space<vmem_shared>>
      tpu.wait_dma2 semaphore(%run_scoped3A_325 : memref<!tpu.dma_semaphore, #tpu.memory_space<semaphore_mem>>) src(%dma_wait3A_335 : memref<64x64xf32, #tpu.memory_space<vmem_shared>>) dst(%dma_wait3A_333 : memref<64x64xf32, #tpu.memory_space<hbm>>)
      tpu.yield
    }) : () -> ()
    "tpu.region"() ({
      %run_scoped3A_325 = tpu.sem_alloc : memref<!tpu.dma_semaphore, #tpu.memory_space<semaphore_mem>>
      %dma_start3A_326 = arith.constant 0 : i32
      %dma_start3A_327 = tpu.memref_slice %arg32[%add3A_248, %dma_start3A_326] : memref<10240x16xf32, #tpu.memory_space<vmem_shared>> -> memref<64x16xf32, #tpu.memory_space<vmem_shared>>
      %dma_start3A_328 = arith.constant 0 : i32
      %dma_start3A_329 = tpu.memref_slice %arg32[%add3A_248, %dma_start3A_328] : memref<10240x16xf32, #tpu.memory_space<vmem_shared>> -> memref<64x16xf32, #tpu.memory_space<vmem_shared>>
      tpu.enqueue_dma source(%dma_start3A_329 : memref<64x16xf32, #tpu.memory_space<vmem_shared>>) target(%arg31 : memref<64x16xf32, #tpu.memory_space<vmem>>) target_semaphore(%run_scoped3A_325 : memref<!tpu.dma_semaphore, #tpu.memory_space<semaphore_mem>>)
      %dma_wait3A_330 = arith.constant 0 : i32
      %dma_wait3A_331 = tpu.memref_slice %arg32[%add3A_248, %dma_wait3A_330] : memref<10240x16xf32, #tpu.memory_space<vmem_shared>> -> memref<64x16xf32, #tpu.memory_space<vmem_shared>>
      %dma_wait3A_332 = arith.constant 0 : i32
      %dma_wait3A_333 = tpu.memref_slice %arg32[%add3A_248, %dma_wait3A_332] : memref<10240x16xf32, #tpu.memory_space<vmem_shared>> -> memref<64x16xf32, #tpu.memory_space<vmem_shared>>
      tpu.wait_dma2 semaphore(%run_scoped3A_325 : memref<!tpu.dma_semaphore, #tpu.memory_space<semaphore_mem>>) src(%dma_wait3A_333 : memref<64x16xf32, #tpu.memory_space<vmem_shared>>) dst(%arg31 : memref<64x16xf32, #tpu.memory_space<vmem>>)
      tpu.yield
    }) : () -> ()
    %scan3A_249 = arith.constant 0 : i32
    %scan3A_250 = arith.constant 0 : i32
    %scan3A_251 = arith.constant 64 : i32
    %scan3A_252 = arith.addi %scan3A_250, %scan3A_251 : i32
    %scan3A_253 = arith.constant 1 : i32
    scf.for %scan3A_325 = %scan3A_250 to %scan3A_252 step %scan3A_253  : i32 {
      %get3A = arith.index_cast %scan3A_325 : i32 to index
      %get3A_326 = arith.constant 0 : index
      %get3A_327 = tpu.vector_load %arg31[%get3A, %get3A_326] {strides = array<i32>} : memref<64x16xf32, #tpu.memory_space<vmem>>, vector<1x16xf32>,
      %get3A_328 = vector.shape_cast %get3A_327 : vector<1x16xf32> to vector<16xf32>
      %swap3A = arith.index_cast %scan3A_325 : i32 to index
      %swap3A_329 = arith.constant 0 : index
      %swap3A_330 = tpu.vector_load %arg27[%swap3A, %swap3A_329] {strides = array<i32>} : memref<64x64xf32, #tpu.memory_space<vmem>>, vector<1x16xf32>,
      %swap3A_331 = vector.shape_cast %swap3A_330 : vector<1x16xf32> to vector<16xf32>
      %swap3A_332 = vector.shape_cast %get3A_328 : vector<16xf32> to vector<1x16xf32>
      tpu.vector_store %arg27[%swap3A, %swap3A_329], %swap3A_332 {strides = array<i32>} : memref<64x64xf32, #tpu.memory_space<vmem>>, vector<1x16xf32>,
      %swap3A_333 = arith.index_cast %scan3A_325 : i32 to index
      %swap3A_334 = arith.constant 16 : index
      %swap3A_335 = tpu.vector_load %arg27[%swap3A_333, %swap3A_334] {strides = array<i32>} : memref<64x64xf32, #tpu.memory_space<vmem>>, vector<1x16xf32>,
      %swap3A_336 = vector.shape_cast %swap3A_335 : vector<1x16xf32> to vector<16xf32>
      %swap3A_337 = vector.shape_cast %get3A_328 : vector<16xf32> to vector<1x16xf32>
      tpu.vector_store %arg27[%swap3A_333, %swap3A_334], %swap3A_337 {strides = array<i32>} : memref<64x64xf32, #tpu.memory_space<vmem>>, vector<1x16xf32>,
      %swap3A_338 = arith.index_cast %scan3A_325 : i32 to index
      %swap3A_339 = arith.constant 32 : index
      %swap3A_340 = tpu.vector_load %arg27[%swap3A_338, %swap3A_339] {strides = array<i32>} : memref<64x64xf32, #tpu.memory_space<vmem>>, vector<1x16xf32>,
      %swap3A_341 = vector.shape_cast %swap3A_340 : vector<1x16xf32> to vector<16xf32>
      %swap3A_342 = vector.shape_cast %get3A_328 : vector<16xf32> to vector<1x16xf32>
      tpu.vector_store %arg27[%swap3A_338, %swap3A_339], %swap3A_342 {strides = array<i32>} : memref<64x64xf32, #tpu.memory_space<vmem>>, vector<1x16xf32>,
      %swap3A_343 = arith.index_cast %scan3A_325 : i32 to index
      %swap3A_344 = arith.constant 48 : index
      %swap3A_345 = tpu.vector_load %arg27[%swap3A_343, %swap3A_344] {strides = array<i32>} : memref<64x64xf32, #tpu.memory_space<vmem>>, vector<1x16xf32>,
      %swap3A_346 = vector.shape_cast %swap3A_345 : vector<1x16xf32> to vector<16xf32>
      %swap3A_347 = vector.shape_cast %get3A_328 : vector<16xf32> to vector<1x16xf32>
      tpu.vector_store %arg27[%swap3A_343, %swap3A_344], %swap3A_347 {strides = array<i32>} : memref<64x64xf32, #tpu.memory_space<vmem>>, vector<1x16xf32>,
    }
    %scan3A_254 = arith.constant 64 : i32
    "tpu.region"() ({
      %run_scoped3A_325 = tpu.sem_alloc : memref<!tpu.dma_semaphore, #tpu.memory_space<semaphore_mem>>
      %dma_start3A_326 = arith.constant 0 : i32
      %dma_start3A_327 = tpu.memref_slice %arg6[%arg0, %add3A_248, %dma_start3A_326] : memref<2x10240x64xf32, #tpu.memory_space<hbm>> -> memref<1x64x64xf32, #tpu.memory_space<hbm>>
      %dma_start3A_328 = tpu.memref_squeeze %dma_start3A_327 : memref<1x64x64xf32, #tpu.memory_space<hbm>> -> memref<64x64xf32, #tpu.memory_space<hbm>>
      %dma_start3A_329 = arith.constant 0 : i32
      %dma_start3A_330 = tpu.memref_slice %arg6[%arg0, %add3A_248, %dma_start3A_329] : memref<2x10240x64xf32, #tpu.memory_space<hbm>> -> memref<1x64x64xf32, #tpu.memory_space<hbm>>
      %dma_start3A_331 = tpu.memref_squeeze %dma_start3A_330 : memref<1x64x64xf32, #tpu.memory_space<hbm>> -> memref<64x64xf32, #tpu.memory_space<hbm>>
      tpu.enqueue_dma source(%arg27 : memref<64x64xf32, #tpu.memory_space<vmem>>) target(%dma_start3A_331 : memref<64x64xf32, #tpu.memory_space<hbm>>) target_semaphore(%run_scoped3A_325 : memref<!tpu.dma_semaphore, #tpu.memory_space<semaphore_mem>>)
      %dma_wait3A_332 = arith.constant 0 : i32
      %dma_wait3A_333 = tpu.memref_slice %arg6[%arg0, %add3A_248, %dma_wait3A_332] : memref<2x10240x64xf32, #tpu.memory_space<hbm>> -> memref<1x64x64xf32, #tpu.memory_space<hbm>>
      %dma_wait3A_334 = tpu.memref_squeeze %dma_wait3A_333 : memref<1x64x64xf32, #tpu.memory_space<hbm>> -> memref<64x64xf32, #tpu.memory_space<hbm>>
      %dma_wait3A_335 = arith.constant 0 : i32
      %dma_wait3A_336 = tpu.memref_slice %arg6[%arg0, %add3A_248, %dma_wait3A_335] : memref<2x10240x64xf32, #tpu.memory_space<hbm>> -> memref<1x64x64xf32, #tpu.memory_space<hbm>>
      %dma_wait3A_337 = tpu.memref_squeeze %dma_wait3A_336 : memref<1x64x64xf32, #tpu.memory_space<hbm>> -> memref<64x64xf32, #tpu.memory_space<hbm>>
      tpu.wait_dma2 semaphore(%run_scoped3A_325 : memref<!tpu.dma_semaphore, #tpu.memory_space<semaphore_mem>>) src(%arg27 : memref<64x64xf32, #tpu.memory_space<vmem>>) dst(%dma_wait3A_337 : memref<64x64xf32, #tpu.memory_space<hbm>>)
      tpu.yield
    }) : () -> ()
    %mul3A_255 = arith.constant 640 : i32
    %mul3A_256 = arith.muli %arg1, %mul3A_255 : i32
    %add3A_257 = arith.constant 192 : i32
    %add3A_258 = arith.addi %mul3A_256, %add3A_257 : i32
    "tpu.region"() ({
      %run_scoped3A_325 = tpu.sem_alloc : memref<!tpu.dma_semaphore, #tpu.memory_space<semaphore_mem>>
      %dma_start3A_326 = arith.constant 0 : i32
      %dma_start3A_327 = tpu.memref_slice %arg5[%arg0, %add3A_258, %dma_start3A_326] : memref<2x10240x64xf32, #tpu.memory_space<hbm>> -> memref<1x64x64xf32, #tpu.memory_space<hbm>>
      %dma_start3A_328 = tpu.memref_squeeze %dma_start3A_327 : memref<1x64x64xf32, #tpu.memory_space<hbm>> -> memref<64x64xf32, #tpu.memory_space<hbm>>
      %dma_start3A_329 = arith.constant 0 : i32
      %dma_start3A_330 = tpu.memref_slice %arg28[%add3A_258, %dma_start3A_329] : memref<10240x64xf32, #tpu.memory_space<vmem_shared>> -> memref<64x64xf32, #tpu.memory_space<vmem_shared>>
      tpu.enqueue_dma source(%dma_start3A_330 : memref<64x64xf32, #tpu.memory_space<vmem_shared>>) target(%dma_start3A_328 : memref<64x64xf32, #tpu.memory_space<hbm>>) target_semaphore(%run_scoped3A_325 : memref<!tpu.dma_semaphore, #tpu.memory_space<semaphore_mem>>)
      %dma_wait3A_331 = arith.constant 0 : i32
      %dma_wait3A_332 = tpu.memref_slice %arg5[%arg0, %add3A_258, %dma_wait3A_331] : memref<2x10240x64xf32, #tpu.memory_space<hbm>> -> memref<1x64x64xf32, #tpu.memory_space<hbm>>
      %dma_wait3A_333 = tpu.memref_squeeze %dma_wait3A_332 : memref<1x64x64xf32, #tpu.memory_space<hbm>> -> memref<64x64xf32, #tpu.memory_space<hbm>>
      %dma_wait3A_334 = arith.constant 0 : i32
      %dma_wait3A_335 = tpu.memref_slice %arg28[%add3A_258, %dma_wait3A_334] : memref<10240x64xf32, #tpu.memory_space<vmem_shared>> -> memref<64x64xf32, #tpu.memory_space<vmem_shared>>
      tpu.wait_dma2 semaphore(%run_scoped3A_325 : memref<!tpu.dma_semaphore, #tpu.memory_space<semaphore_mem>>) src(%dma_wait3A_335 : memref<64x64xf32, #tpu.memory_space<vmem_shared>>) dst(%dma_wait3A_333 : memref<64x64xf32, #tpu.memory_space<hbm>>)
      tpu.yield
    }) : () -> ()
    "tpu.region"() ({
      %run_scoped3A_325 = tpu.sem_alloc : memref<!tpu.dma_semaphore, #tpu.memory_space<semaphore_mem>>
      %dma_start3A_326 = arith.constant 0 : i32
      %dma_start3A_327 = tpu.memref_slice %arg32[%add3A_258, %dma_start3A_326] : memref<10240x16xf32, #tpu.memory_space<vmem_shared>> -> memref<64x16xf32, #tpu.memory_space<vmem_shared>>
      %dma_start3A_328 = arith.constant 0 : i32
      %dma_start3A_329 = tpu.memref_slice %arg32[%add3A_258, %dma_start3A_328] : memref<10240x16xf32, #tpu.memory_space<vmem_shared>> -> memref<64x16xf32, #tpu.memory_space<vmem_shared>>
      tpu.enqueue_dma source(%dma_start3A_329 : memref<64x16xf32, #tpu.memory_space<vmem_shared>>) target(%arg31 : memref<64x16xf32, #tpu.memory_space<vmem>>) target_semaphore(%run_scoped3A_325 : memref<!tpu.dma_semaphore, #tpu.memory_space<semaphore_mem>>)
      %dma_wait3A_330 = arith.constant 0 : i32
      %dma_wait3A_331 = tpu.memref_slice %arg32[%add3A_258, %dma_wait3A_330] : memref<10240x16xf32, #tpu.memory_space<vmem_shared>> -> memref<64x16xf32, #tpu.memory_space<vmem_shared>>
      %dma_wait3A_332 = arith.constant 0 : i32
      %dma_wait3A_333 = tpu.memref_slice %arg32[%add3A_258, %dma_wait3A_332] : memref<10240x16xf32, #tpu.memory_space<vmem_shared>> -> memref<64x16xf32, #tpu.memory_space<vmem_shared>>
      tpu.wait_dma2 semaphore(%run_scoped3A_325 : memref<!tpu.dma_semaphore, #tpu.memory_space<semaphore_mem>>) src(%dma_wait3A_333 : memref<64x16xf32, #tpu.memory_space<vmem_shared>>) dst(%arg31 : memref<64x16xf32, #tpu.memory_space<vmem>>)
      tpu.yield
    }) : () -> ()
    %scan3A_259 = arith.constant 0 : i32
    %scan3A_260 = arith.constant 0 : i32
    %scan3A_261 = arith.constant 64 : i32
    %scan3A_262 = arith.addi %scan3A_260, %scan3A_261 : i32
    %scan3A_263 = arith.constant 1 : i32
    scf.for %scan3A_325 = %scan3A_260 to %scan3A_262 step %scan3A_263  : i32 {
      %get3A = arith.index_cast %scan3A_325 : i32 to index
      %get3A_326 = arith.constant 0 : index
      %get3A_327 = tpu.vector_load %arg31[%get3A, %get3A_326] {strides = array<i32>} : memref<64x16xf32, #tpu.memory_space<vmem>>, vector<1x16xf32>,
      %get3A_328 = vector.shape_cast %get3A_327 : vector<1x16xf32> to vector<16xf32>
      %swap3A = arith.index_cast %scan3A_325 : i32 to index
      %swap3A_329 = arith.constant 0 : index
      %swap3A_330 = tpu.vector_load %arg27[%swap3A, %swap3A_329] {strides = array<i32>} : memref<64x64xf32, #tpu.memory_space<vmem>>, vector<1x16xf32>,
      %swap3A_331 = vector.shape_cast %swap3A_330 : vector<1x16xf32> to vector<16xf32>
      %swap3A_332 = vector.shape_cast %get3A_328 : vector<16xf32> to vector<1x16xf32>
      tpu.vector_store %arg27[%swap3A, %swap3A_329], %swap3A_332 {strides = array<i32>} : memref<64x64xf32, #tpu.memory_space<vmem>>, vector<1x16xf32>,
      %swap3A_333 = arith.index_cast %scan3A_325 : i32 to index
      %swap3A_334 = arith.constant 16 : index
      %swap3A_335 = tpu.vector_load %arg27[%swap3A_333, %swap3A_334] {strides = array<i32>} : memref<64x64xf32, #tpu.memory_space<vmem>>, vector<1x16xf32>,
      %swap3A_336 = vector.shape_cast %swap3A_335 : vector<1x16xf32> to vector<16xf32>
      %swap3A_337 = vector.shape_cast %get3A_328 : vector<16xf32> to vector<1x16xf32>
      tpu.vector_store %arg27[%swap3A_333, %swap3A_334], %swap3A_337 {strides = array<i32>} : memref<64x64xf32, #tpu.memory_space<vmem>>, vector<1x16xf32>,
      %swap3A_338 = arith.index_cast %scan3A_325 : i32 to index
      %swap3A_339 = arith.constant 32 : index
      %swap3A_340 = tpu.vector_load %arg27[%swap3A_338, %swap3A_339] {strides = array<i32>} : memref<64x64xf32, #tpu.memory_space<vmem>>, vector<1x16xf32>,
      %swap3A_341 = vector.shape_cast %swap3A_340 : vector<1x16xf32> to vector<16xf32>
      %swap3A_342 = vector.shape_cast %get3A_328 : vector<16xf32> to vector<1x16xf32>
      tpu.vector_store %arg27[%swap3A_338, %swap3A_339], %swap3A_342 {strides = array<i32>} : memref<64x64xf32, #tpu.memory_space<vmem>>, vector<1x16xf32>,
      %swap3A_343 = arith.index_cast %scan3A_325 : i32 to index
      %swap3A_344 = arith.constant 48 : index
      %swap3A_345 = tpu.vector_load %arg27[%swap3A_343, %swap3A_344] {strides = array<i32>} : memref<64x64xf32, #tpu.memory_space<vmem>>, vector<1x16xf32>,
      %swap3A_346 = vector.shape_cast %swap3A_345 : vector<1x16xf32> to vector<16xf32>
      %swap3A_347 = vector.shape_cast %get3A_328 : vector<16xf32> to vector<1x16xf32>
      tpu.vector_store %arg27[%swap3A_343, %swap3A_344], %swap3A_347 {strides = array<i32>} : memref<64x64xf32, #tpu.memory_space<vmem>>, vector<1x16xf32>,
    }
    %scan3A_264 = arith.constant 64 : i32
    "tpu.region"() ({
      %run_scoped3A_325 = tpu.sem_alloc : memref<!tpu.dma_semaphore, #tpu.memory_space<semaphore_mem>>
      %dma_start3A_326 = arith.constant 0 : i32
      %dma_start3A_327 = tpu.memref_slice %arg6[%arg0, %add3A_258, %dma_start3A_326] : memref<2x10240x64xf32, #tpu.memory_space<hbm>> -> memref<1x64x64xf32, #tpu.memory_space<hbm>>
      %dma_start3A_328 = tpu.memref_squeeze %dma_start3A_327 : memref<1x64x64xf32, #tpu.memory_space<hbm>> -> memref<64x64xf32, #tpu.memory_space<hbm>>
      %dma_start3A_329 = arith.constant 0 : i32
      %dma_start3A_330 = tpu.memref_slice %arg6[%arg0, %add3A_258, %dma_start3A_329] : memref<2x10240x64xf32, #tpu.memory_space<hbm>> -> memref<1x64x64xf32, #tpu.memory_space<hbm>>
      %dma_start3A_331 = tpu.memref_squeeze %dma_start3A_330 : memref<1x64x64xf32, #tpu.memory_space<hbm>> -> memref<64x64xf32, #tpu.memory_space<hbm>>
      tpu.enqueue_dma source(%arg27 : memref<64x64xf32, #tpu.memory_space<vmem>>) target(%dma_start3A_331 : memref<64x64xf32, #tpu.memory_space<hbm>>) target_semaphore(%run_scoped3A_325 : memref<!tpu.dma_semaphore, #tpu.memory_space<semaphore_mem>>)
      %dma_wait3A_332 = arith.constant 0 : i32
      %dma_wait3A_333 = tpu.memref_slice %arg6[%arg0, %add3A_258, %dma_wait3A_332] : memref<2x10240x64xf32, #tpu.memory_space<hbm>> -> memref<1x64x64xf32, #tpu.memory_space<hbm>>
      %dma_wait3A_334 = tpu.memref_squeeze %dma_wait3A_333 : memref<1x64x64xf32, #tpu.memory_space<hbm>> -> memref<64x64xf32, #tpu.memory_space<hbm>>
      %dma_wait3A_335 = arith.constant 0 : i32
      %dma_wait3A_336 = tpu.memref_slice %arg6[%arg0, %add3A_258, %dma_wait3A_335] : memref<2x10240x64xf32, #tpu.memory_space<hbm>> -> memref<1x64x64xf32, #tpu.memory_space<hbm>>
      %dma_wait3A_337 = tpu.memref_squeeze %dma_wait3A_336 : memref<1x64x64xf32, #tpu.memory_space<hbm>> -> memref<64x64xf32, #tpu.memory_space<hbm>>
      tpu.wait_dma2 semaphore(%run_scoped3A_325 : memref<!tpu.dma_semaphore, #tpu.memory_space<semaphore_mem>>) src(%arg27 : memref<64x64xf32, #tpu.memory_space<vmem>>) dst(%dma_wait3A_337 : memref<64x64xf32, #tpu.memory_space<hbm>>)
      tpu.yield
    }) : () -> ()
    %mul3A_265 = arith.constant 640 : i32
    %mul3A_266 = arith.muli %arg1, %mul3A_265 : i32
    %add3A_267 = arith.constant 256 : i32
    %add3A_268 = arith.addi %mul3A_266, %add3A_267 : i32
    "tpu.region"() ({
      %run_scoped3A_325 = tpu.sem_alloc : memref<!tpu.dma_semaphore, #tpu.memory_space<semaphore_mem>>
      %dma_start3A_326 = arith.constant 0 : i32
      %dma_start3A_327 = tpu.memref_slice %arg5[%arg0, %add3A_268, %dma_start3A_326] : memref<2x10240x64xf32, #tpu.memory_space<hbm>> -> memref<1x64x64xf32, #tpu.memory_space<hbm>>
      %dma_start3A_328 = tpu.memref_squeeze %dma_start3A_327 : memref<1x64x64xf32, #tpu.memory_space<hbm>> -> memref<64x64xf32, #tpu.memory_space<hbm>>
      %dma_start3A_329 = arith.constant 0 : i32
      %dma_start3A_330 = tpu.memref_slice %arg28[%add3A_268, %dma_start3A_329] : memref<10240x64xf32, #tpu.memory_space<vmem_shared>> -> memref<64x64xf32, #tpu.memory_space<vmem_shared>>
      tpu.enqueue_dma source(%dma_start3A_330 : memref<64x64xf32, #tpu.memory_space<vmem_shared>>) target(%dma_start3A_328 : memref<64x64xf32, #tpu.memory_space<hbm>>) target_semaphore(%run_scoped3A_325 : memref<!tpu.dma_semaphore, #tpu.memory_space<semaphore_mem>>)
      %dma_wait3A_331 = arith.constant 0 : i32
      %dma_wait3A_332 = tpu.memref_slice %arg5[%arg0, %add3A_268, %dma_wait3A_331] : memref<2x10240x64xf32, #tpu.memory_space<hbm>> -> memref<1x64x64xf32, #tpu.memory_space<hbm>>
      %dma_wait3A_333 = tpu.memref_squeeze %dma_wait3A_332 : memref<1x64x64xf32, #tpu.memory_space<hbm>> -> memref<64x64xf32, #tpu.memory_space<hbm>>
      %dma_wait3A_334 = arith.constant 0 : i32
      %dma_wait3A_335 = tpu.memref_slice %arg28[%add3A_268, %dma_wait3A_334] : memref<10240x64xf32, #tpu.memory_space<vmem_shared>> -> memref<64x64xf32, #tpu.memory_space<vmem_shared>>
      tpu.wait_dma2 semaphore(%run_scoped3A_325 : memref<!tpu.dma_semaphore, #tpu.memory_space<semaphore_mem>>) src(%dma_wait3A_335 : memref<64x64xf32, #tpu.memory_space<vmem_shared>>) dst(%dma_wait3A_333 : memref<64x64xf32, #tpu.memory_space<hbm>>)
      tpu.yield
    }) : () -> ()
    "tpu.region"() ({
      %run_scoped3A_325 = tpu.sem_alloc : memref<!tpu.dma_semaphore, #tpu.memory_space<semaphore_mem>>
      %dma_start3A_326 = arith.constant 0 : i32
      %dma_start3A_327 = tpu.memref_slice %arg32[%add3A_268, %dma_start3A_326] : memref<10240x16xf32, #tpu.memory_space<vmem_shared>> -> memref<64x16xf32, #tpu.memory_space<vmem_shared>>
      %dma_start3A_328 = arith.constant 0 : i32
      %dma_start3A_329 = tpu.memref_slice %arg32[%add3A_268, %dma_start3A_328] : memref<10240x16xf32, #tpu.memory_space<vmem_shared>> -> memref<64x16xf32, #tpu.memory_space<vmem_shared>>
      tpu.enqueue_dma source(%dma_start3A_329 : memref<64x16xf32, #tpu.memory_space<vmem_shared>>) target(%arg31 : memref<64x16xf32, #tpu.memory_space<vmem>>) target_semaphore(%run_scoped3A_325 : memref<!tpu.dma_semaphore, #tpu.memory_space<semaphore_mem>>)
      %dma_wait3A_330 = arith.constant 0 : i32
      %dma_wait3A_331 = tpu.memref_slice %arg32[%add3A_268, %dma_wait3A_330] : memref<10240x16xf32, #tpu.memory_space<vmem_shared>> -> memref<64x16xf32, #tpu.memory_space<vmem_shared>>
      %dma_wait3A_332 = arith.constant 0 : i32
      %dma_wait3A_333 = tpu.memref_slice %arg32[%add3A_268, %dma_wait3A_332] : memref<10240x16xf32, #tpu.memory_space<vmem_shared>> -> memref<64x16xf32, #tpu.memory_space<vmem_shared>>
      tpu.wait_dma2 semaphore(%run_scoped3A_325 : memref<!tpu.dma_semaphore, #tpu.memory_space<semaphore_mem>>) src(%dma_wait3A_333 : memref<64x16xf32, #tpu.memory_space<vmem_shared>>) dst(%arg31 : memref<64x16xf32, #tpu.memory_space<vmem>>)
      tpu.yield
    }) : () -> ()
    %scan3A_269 = arith.constant 0 : i32
    %scan3A_270 = arith.constant 0 : i32
    %scan3A_271 = arith.constant 64 : i32
    %scan3A_272 = arith.addi %scan3A_270, %scan3A_271 : i32
    %scan3A_273 = arith.constant 1 : i32
    scf.for %scan3A_325 = %scan3A_270 to %scan3A_272 step %scan3A_273  : i32 {
      %get3A = arith.index_cast %scan3A_325 : i32 to index
      %get3A_326 = arith.constant 0 : index
      %get3A_327 = tpu.vector_load %arg31[%get3A, %get3A_326] {strides = array<i32>} : memref<64x16xf32, #tpu.memory_space<vmem>>, vector<1x16xf32>,
      %get3A_328 = vector.shape_cast %get3A_327 : vector<1x16xf32> to vector<16xf32>
      %swap3A = arith.index_cast %scan3A_325 : i32 to index
      %swap3A_329 = arith.constant 0 : index
      %swap3A_330 = tpu.vector_load %arg27[%swap3A, %swap3A_329] {strides = array<i32>} : memref<64x64xf32, #tpu.memory_space<vmem>>, vector<1x16xf32>,
      %swap3A_331 = vector.shape_cast %swap3A_330 : vector<1x16xf32> to vector<16xf32>
      %swap3A_332 = vector.shape_cast %get3A_328 : vector<16xf32> to vector<1x16xf32>
      tpu.vector_store %arg27[%swap3A, %swap3A_329], %swap3A_332 {strides = array<i32>} : memref<64x64xf32, #tpu.memory_space<vmem>>, vector<1x16xf32>,
      %swap3A_333 = arith.index_cast %scan3A_325 : i32 to index
      %swap3A_334 = arith.constant 16 : index
      %swap3A_335 = tpu.vector_load %arg27[%swap3A_333, %swap3A_334] {strides = array<i32>} : memref<64x64xf32, #tpu.memory_space<vmem>>, vector<1x16xf32>,
      %swap3A_336 = vector.shape_cast %swap3A_335 : vector<1x16xf32> to vector<16xf32>
      %swap3A_337 = vector.shape_cast %get3A_328 : vector<16xf32> to vector<1x16xf32>
      tpu.vector_store %arg27[%swap3A_333, %swap3A_334], %swap3A_337 {strides = array<i32>} : memref<64x64xf32, #tpu.memory_space<vmem>>, vector<1x16xf32>,
      %swap3A_338 = arith.index_cast %scan3A_325 : i32 to index
      %swap3A_339 = arith.constant 32 : index
      %swap3A_340 = tpu.vector_load %arg27[%swap3A_338, %swap3A_339] {strides = array<i32>} : memref<64x64xf32, #tpu.memory_space<vmem>>, vector<1x16xf32>,
      %swap3A_341 = vector.shape_cast %swap3A_340 : vector<1x16xf32> to vector<16xf32>
      %swap3A_342 = vector.shape_cast %get3A_328 : vector<16xf32> to vector<1x16xf32>
      tpu.vector_store %arg27[%swap3A_338, %swap3A_339], %swap3A_342 {strides = array<i32>} : memref<64x64xf32, #tpu.memory_space<vmem>>, vector<1x16xf32>,
      %swap3A_343 = arith.index_cast %scan3A_325 : i32 to index
      %swap3A_344 = arith.constant 48 : index
      %swap3A_345 = tpu.vector_load %arg27[%swap3A_343, %swap3A_344] {strides = array<i32>} : memref<64x64xf32, #tpu.memory_space<vmem>>, vector<1x16xf32>,
      %swap3A_346 = vector.shape_cast %swap3A_345 : vector<1x16xf32> to vector<16xf32>
      %swap3A_347 = vector.shape_cast %get3A_328 : vector<16xf32> to vector<1x16xf32>
      tpu.vector_store %arg27[%swap3A_343, %swap3A_344], %swap3A_347 {strides = array<i32>} : memref<64x64xf32, #tpu.memory_space<vmem>>, vector<1x16xf32>,
    }
    %scan3A_274 = arith.constant 64 : i32
    "tpu.region"() ({
      %run_scoped3A_325 = tpu.sem_alloc : memref<!tpu.dma_semaphore, #tpu.memory_space<semaphore_mem>>
      %dma_start3A_326 = arith.constant 0 : i32
      %dma_start3A_327 = tpu.memref_slice %arg6[%arg0, %add3A_268, %dma_start3A_326] : memref<2x10240x64xf32, #tpu.memory_space<hbm>> -> memref<1x64x64xf32, #tpu.memory_space<hbm>>
      %dma_start3A_328 = tpu.memref_squeeze %dma_start3A_327 : memref<1x64x64xf32, #tpu.memory_space<hbm>> -> memref<64x64xf32, #tpu.memory_space<hbm>>
      %dma_start3A_329 = arith.constant 0 : i32
      %dma_start3A_330 = tpu.memref_slice %arg6[%arg0, %add3A_268, %dma_start3A_329] : memref<2x10240x64xf32, #tpu.memory_space<hbm>> -> memref<1x64x64xf32, #tpu.memory_space<hbm>>
      %dma_start3A_331 = tpu.memref_squeeze %dma_start3A_330 : memref<1x64x64xf32, #tpu.memory_space<hbm>> -> memref<64x64xf32, #tpu.memory_space<hbm>>
      tpu.enqueue_dma source(%arg27 : memref<64x64xf32, #tpu.memory_space<vmem>>) target(%dma_start3A_331 : memref<64x64xf32, #tpu.memory_space<hbm>>) target_semaphore(%run_scoped3A_325 : memref<!tpu.dma_semaphore, #tpu.memory_space<semaphore_mem>>)
      %dma_wait3A_332 = arith.constant 0 : i32
      %dma_wait3A_333 = tpu.memref_slice %arg6[%arg0, %add3A_268, %dma_wait3A_332] : memref<2x10240x64xf32, #tpu.memory_space<hbm>> -> memref<1x64x64xf32, #tpu.memory_space<hbm>>
      %dma_wait3A_334 = tpu.memref_squeeze %dma_wait3A_333 : memref<1x64x64xf32, #tpu.memory_space<hbm>> -> memref<64x64xf32, #tpu.memory_space<hbm>>
      %dma_wait3A_335 = arith.constant 0 : i32
      %dma_wait3A_336 = tpu.memref_slice %arg6[%arg0, %add3A_268, %dma_wait3A_335] : memref<2x10240x64xf32, #tpu.memory_space<hbm>> -> memref<1x64x64xf32, #tpu.memory_space<hbm>>
      %dma_wait3A_337 = tpu.memref_squeeze %dma_wait3A_336 : memref<1x64x64xf32, #tpu.memory_space<hbm>> -> memref<64x64xf32, #tpu.memory_space<hbm>>
      tpu.wait_dma2 semaphore(%run_scoped3A_325 : memref<!tpu.dma_semaphore, #tpu.memory_space<semaphore_mem>>) src(%arg27 : memref<64x64xf32, #tpu.memory_space<vmem>>) dst(%dma_wait3A_337 : memref<64x64xf32, #tpu.memory_space<hbm>>)
      tpu.yield
    }) : () -> ()
    %mul3A_275 = arith.constant 640 : i32
    %mul3A_276 = arith.muli %arg1, %mul3A_275 : i32
    %add3A_277 = arith.constant 320 : i32
    %add3A_278 = arith.addi %mul3A_276, %add3A_277 : i32
    "tpu.region"() ({
      %run_scoped3A_325 = tpu.sem_alloc : memref<!tpu.dma_semaphore, #tpu.memory_space<semaphore_mem>>
      %dma_start3A_326 = arith.constant 0 : i32
      %dma_start3A_327 = tpu.memref_slice %arg5[%arg0, %add3A_278, %dma_start3A_326] : memref<2x10240x64xf32, #tpu.memory_space<hbm>> -> memref<1x64x64xf32, #tpu.memory_space<hbm>>
      %dma_start3A_328 = tpu.memref_squeeze %dma_start3A_327 : memref<1x64x64xf32, #tpu.memory_space<hbm>> -> memref<64x64xf32, #tpu.memory_space<hbm>>
      %dma_start3A_329 = arith.constant 0 : i32
      %dma_start3A_330 = tpu.memref_slice %arg28[%add3A_278, %dma_start3A_329] : memref<10240x64xf32, #tpu.memory_space<vmem_shared>> -> memref<64x64xf32, #tpu.memory_space<vmem_shared>>
      tpu.enqueue_dma source(%dma_start3A_330 : memref<64x64xf32, #tpu.memory_space<vmem_shared>>) target(%dma_start3A_328 : memref<64x64xf32, #tpu.memory_space<hbm>>) target_semaphore(%run_scoped3A_325 : memref<!tpu.dma_semaphore, #tpu.memory_space<semaphore_mem>>)
      %dma_wait3A_331 = arith.constant 0 : i32
      %dma_wait3A_332 = tpu.memref_slice %arg5[%arg0, %add3A_278, %dma_wait3A_331] : memref<2x10240x64xf32, #tpu.memory_space<hbm>> -> memref<1x64x64xf32, #tpu.memory_space<hbm>>
      %dma_wait3A_333 = tpu.memref_squeeze %dma_wait3A_332 : memref<1x64x64xf32, #tpu.memory_space<hbm>> -> memref<64x64xf32, #tpu.memory_space<hbm>>
      %dma_wait3A_334 = arith.constant 0 : i32
      %dma_wait3A_335 = tpu.memref_slice %arg28[%add3A_278, %dma_wait3A_334] : memref<10240x64xf32, #tpu.memory_space<vmem_shared>> -> memref<64x64xf32, #tpu.memory_space<vmem_shared>>
      tpu.wait_dma2 semaphore(%run_scoped3A_325 : memref<!tpu.dma_semaphore, #tpu.memory_space<semaphore_mem>>) src(%dma_wait3A_335 : memref<64x64xf32, #tpu.memory_space<vmem_shared>>) dst(%dma_wait3A_333 : memref<64x64xf32, #tpu.memory_space<hbm>>)
      tpu.yield
    }) : () -> ()
    "tpu.region"() ({
      %run_scoped3A_325 = tpu.sem_alloc : memref<!tpu.dma_semaphore, #tpu.memory_space<semaphore_mem>>
      %dma_start3A_326 = arith.constant 0 : i32
      %dma_start3A_327 = tpu.memref_slice %arg32[%add3A_278, %dma_start3A_326] : memref<10240x16xf32, #tpu.memory_space<vmem_shared>> -> memref<64x16xf32, #tpu.memory_space<vmem_shared>>
      %dma_start3A_328 = arith.constant 0 : i32
      %dma_start3A_329 = tpu.memref_slice %arg32[%add3A_278, %dma_start3A_328] : memref<10240x16xf32, #tpu.memory_space<vmem_shared>> -> memref<64x16xf32, #tpu.memory_space<vmem_shared>>
      tpu.enqueue_dma source(%dma_start3A_329 : memref<64x16xf32, #tpu.memory_space<vmem_shared>>) target(%arg31 : memref<64x16xf32, #tpu.memory_space<vmem>>) target_semaphore(%run_scoped3A_325 : memref<!tpu.dma_semaphore, #tpu.memory_space<semaphore_mem>>)
      %dma_wait3A_330 = arith.constant 0 : i32
      %dma_wait3A_331 = tpu.memref_slice %arg32[%add3A_278, %dma_wait3A_330] : memref<10240x16xf32, #tpu.memory_space<vmem_shared>> -> memref<64x16xf32, #tpu.memory_space<vmem_shared>>
      %dma_wait3A_332 = arith.constant 0 : i32
      %dma_wait3A_333 = tpu.memref_slice %arg32[%add3A_278, %dma_wait3A_332] : memref<10240x16xf32, #tpu.memory_space<vmem_shared>> -> memref<64x16xf32, #tpu.memory_space<vmem_shared>>
      tpu.wait_dma2 semaphore(%run_scoped3A_325 : memref<!tpu.dma_semaphore, #tpu.memory_space<semaphore_mem>>) src(%dma_wait3A_333 : memref<64x16xf32, #tpu.memory_space<vmem_shared>>) dst(%arg31 : memref<64x16xf32, #tpu.memory_space<vmem>>)
      tpu.yield
    }) : () -> ()
    %scan3A_279 = arith.constant 0 : i32
    %scan3A_280 = arith.constant 0 : i32
    %scan3A_281 = arith.constant 64 : i32
    %scan3A_282 = arith.addi %scan3A_280, %scan3A_281 : i32
    %scan3A_283 = arith.constant 1 : i32
    scf.for %scan3A_325 = %scan3A_280 to %scan3A_282 step %scan3A_283  : i32 {
      %get3A = arith.index_cast %scan3A_325 : i32 to index
      %get3A_326 = arith.constant 0 : index
      %get3A_327 = tpu.vector_load %arg31[%get3A, %get3A_326] {strides = array<i32>} : memref<64x16xf32, #tpu.memory_space<vmem>>, vector<1x16xf32>,
      %get3A_328 = vector.shape_cast %get3A_327 : vector<1x16xf32> to vector<16xf32>
      %swap3A = arith.index_cast %scan3A_325 : i32 to index
      %swap3A_329 = arith.constant 0 : index
      %swap3A_330 = tpu.vector_load %arg27[%swap3A, %swap3A_329] {strides = array<i32>} : memref<64x64xf32, #tpu.memory_space<vmem>>, vector<1x16xf32>,
      %swap3A_331 = vector.shape_cast %swap3A_330 : vector<1x16xf32> to vector<16xf32>
      %swap3A_332 = vector.shape_cast %get3A_328 : vector<16xf32> to vector<1x16xf32>
      tpu.vector_store %arg27[%swap3A, %swap3A_329], %swap3A_332 {strides = array<i32>} : memref<64x64xf32, #tpu.memory_space<vmem>>, vector<1x16xf32>,
      %swap3A_333 = arith.index_cast %scan3A_325 : i32 to index
      %swap3A_334 = arith.constant 16 : index
      %swap3A_335 = tpu.vector_load %arg27[%swap3A_333, %swap3A_334] {strides = array<i32>} : memref<64x64xf32, #tpu.memory_space<vmem>>, vector<1x16xf32>,
      %swap3A_336 = vector.shape_cast %swap3A_335 : vector<1x16xf32> to vector<16xf32>
      %swap3A_337 = vector.shape_cast %get3A_328 : vector<16xf32> to vector<1x16xf32>
      tpu.vector_store %arg27[%swap3A_333, %swap3A_334], %swap3A_337 {strides = array<i32>} : memref<64x64xf32, #tpu.memory_space<vmem>>, vector<1x16xf32>,
      %swap3A_338 = arith.index_cast %scan3A_325 : i32 to index
      %swap3A_339 = arith.constant 32 : index
      %swap3A_340 = tpu.vector_load %arg27[%swap3A_338, %swap3A_339] {strides = array<i32>} : memref<64x64xf32, #tpu.memory_space<vmem>>, vector<1x16xf32>,
      %swap3A_341 = vector.shape_cast %swap3A_340 : vector<1x16xf32> to vector<16xf32>
      %swap3A_342 = vector.shape_cast %get3A_328 : vector<16xf32> to vector<1x16xf32>
      tpu.vector_store %arg27[%swap3A_338, %swap3A_339], %swap3A_342 {strides = array<i32>} : memref<64x64xf32, #tpu.memory_space<vmem>>, vector<1x16xf32>,
      %swap3A_343 = arith.index_cast %scan3A_325 : i32 to index
      %swap3A_344 = arith.constant 48 : index
      %swap3A_345 = tpu.vector_load %arg27[%swap3A_343, %swap3A_344] {strides = array<i32>} : memref<64x64xf32, #tpu.memory_space<vmem>>, vector<1x16xf32>,
      %swap3A_346 = vector.shape_cast %swap3A_345 : vector<1x16xf32> to vector<16xf32>
      %swap3A_347 = vector.shape_cast %get3A_328 : vector<16xf32> to vector<1x16xf32>
      tpu.vector_store %arg27[%swap3A_343, %swap3A_344], %swap3A_347 {strides = array<i32>} : memref<64x64xf32, #tpu.memory_space<vmem>>, vector<1x16xf32>,
    }
    %scan3A_284 = arith.constant 64 : i32
    "tpu.region"() ({
      %run_scoped3A_325 = tpu.sem_alloc : memref<!tpu.dma_semaphore, #tpu.memory_space<semaphore_mem>>
      %dma_start3A_326 = arith.constant 0 : i32
      %dma_start3A_327 = tpu.memref_slice %arg6[%arg0, %add3A_278, %dma_start3A_326] : memref<2x10240x64xf32, #tpu.memory_space<hbm>> -> memref<1x64x64xf32, #tpu.memory_space<hbm>>
      %dma_start3A_328 = tpu.memref_squeeze %dma_start3A_327 : memref<1x64x64xf32, #tpu.memory_space<hbm>> -> memref<64x64xf32, #tpu.memory_space<hbm>>
      %dma_start3A_329 = arith.constant 0 : i32
      %dma_start3A_330 = tpu.memref_slice %arg6[%arg0, %add3A_278, %dma_start3A_329] : memref<2x10240x64xf32, #tpu.memory_space<hbm>> -> memref<1x64x64xf32, #tpu.memory_space<hbm>>
      %dma_start3A_331 = tpu.memref_squeeze %dma_start3A_330 : memref<1x64x64xf32, #tpu.memory_space<hbm>> -> memref<64x64xf32, #tpu.memory_space<hbm>>
      tpu.enqueue_dma source(%arg27 : memref<64x64xf32, #tpu.memory_space<vmem>>) target(%dma_start3A_331 : memref<64x64xf32, #tpu.memory_space<hbm>>) target_semaphore(%run_scoped3A_325 : memref<!tpu.dma_semaphore, #tpu.memory_space<semaphore_mem>>)
      %dma_wait3A_332 = arith.constant 0 : i32
      %dma_wait3A_333 = tpu.memref_slice %arg6[%arg0, %add3A_278, %dma_wait3A_332] : memref<2x10240x64xf32, #tpu.memory_space<hbm>> -> memref<1x64x64xf32, #tpu.memory_space<hbm>>
      %dma_wait3A_334 = tpu.memref_squeeze %dma_wait3A_333 : memref<1x64x64xf32, #tpu.memory_space<hbm>> -> memref<64x64xf32, #tpu.memory_space<hbm>>
      %dma_wait3A_335 = arith.constant 0 : i32
      %dma_wait3A_336 = tpu.memref_slice %arg6[%arg0, %add3A_278, %dma_wait3A_335] : memref<2x10240x64xf32, #tpu.memory_space<hbm>> -> memref<1x64x64xf32, #tpu.memory_space<hbm>>
      %dma_wait3A_337 = tpu.memref_squeeze %dma_wait3A_336 : memref<1x64x64xf32, #tpu.memory_space<hbm>> -> memref<64x64xf32, #tpu.memory_space<hbm>>
      tpu.wait_dma2 semaphore(%run_scoped3A_325 : memref<!tpu.dma_semaphore, #tpu.memory_space<semaphore_mem>>) src(%arg27 : memref<64x64xf32, #tpu.memory_space<vmem>>) dst(%dma_wait3A_337 : memref<64x64xf32, #tpu.memory_space<hbm>>)
      tpu.yield
    }) : () -> ()
    %mul3A_285 = arith.constant 640 : i32
    %mul3A_286 = arith.muli %arg1, %mul3A_285 : i32
    %add3A_287 = arith.constant 384 : i32
    %add3A_288 = arith.addi %mul3A_286, %add3A_287 : i32
    "tpu.region"() ({
      %run_scoped3A_325 = tpu.sem_alloc : memref<!tpu.dma_semaphore, #tpu.memory_space<semaphore_mem>>
      %dma_start3A_326 = arith.constant 0 : i32
      %dma_start3A_327 = tpu.memref_slice %arg5[%arg0, %add3A_288, %dma_start3A_326] : memref<2x10240x64xf32, #tpu.memory_space<hbm>> -> memref<1x64x64xf32, #tpu.memory_space<hbm>>
      %dma_start3A_328 = tpu.memref_squeeze %dma_start3A_327 : memref<1x64x64xf32, #tpu.memory_space<hbm>> -> memref<64x64xf32, #tpu.memory_space<hbm>>
      %dma_start3A_329 = arith.constant 0 : i32
      %dma_start3A_330 = tpu.memref_slice %arg28[%add3A_288, %dma_start3A_329] : memref<10240x64xf32, #tpu.memory_space<vmem_shared>> -> memref<64x64xf32, #tpu.memory_space<vmem_shared>>
      tpu.enqueue_dma source(%dma_start3A_330 : memref<64x64xf32, #tpu.memory_space<vmem_shared>>) target(%dma_start3A_328 : memref<64x64xf32, #tpu.memory_space<hbm>>) target_semaphore(%run_scoped3A_325 : memref<!tpu.dma_semaphore, #tpu.memory_space<semaphore_mem>>)
      %dma_wait3A_331 = arith.constant 0 : i32
      %dma_wait3A_332 = tpu.memref_slice %arg5[%arg0, %add3A_288, %dma_wait3A_331] : memref<2x10240x64xf32, #tpu.memory_space<hbm>> -> memref<1x64x64xf32, #tpu.memory_space<hbm>>
      %dma_wait3A_333 = tpu.memref_squeeze %dma_wait3A_332 : memref<1x64x64xf32, #tpu.memory_space<hbm>> -> memref<64x64xf32, #tpu.memory_space<hbm>>
      %dma_wait3A_334 = arith.constant 0 : i32
      %dma_wait3A_335 = tpu.memref_slice %arg28[%add3A_288, %dma_wait3A_334] : memref<10240x64xf32, #tpu.memory_space<vmem_shared>> -> memref<64x64xf32, #tpu.memory_space<vmem_shared>>
      tpu.wait_dma2 semaphore(%run_scoped3A_325 : memref<!tpu.dma_semaphore, #tpu.memory_space<semaphore_mem>>) src(%dma_wait3A_335 : memref<64x64xf32, #tpu.memory_space<vmem_shared>>) dst(%dma_wait3A_333 : memref<64x64xf32, #tpu.memory_space<hbm>>)
      tpu.yield
    }) : () -> ()
    "tpu.region"() ({
      %run_scoped3A_325 = tpu.sem_alloc : memref<!tpu.dma_semaphore, #tpu.memory_space<semaphore_mem>>
      %dma_start3A_326 = arith.constant 0 : i32
      %dma_start3A_327 = tpu.memref_slice %arg32[%add3A_288, %dma_start3A_326] : memref<10240x16xf32, #tpu.memory_space<vmem_shared>> -> memref<64x16xf32, #tpu.memory_space<vmem_shared>>
      %dma_start3A_328 = arith.constant 0 : i32
      %dma_start3A_329 = tpu.memref_slice %arg32[%add3A_288, %dma_start3A_328] : memref<10240x16xf32, #tpu.memory_space<vmem_shared>> -> memref<64x16xf32, #tpu.memory_space<vmem_shared>>
      tpu.enqueue_dma source(%dma_start3A_329 : memref<64x16xf32, #tpu.memory_space<vmem_shared>>) target(%arg31 : memref<64x16xf32, #tpu.memory_space<vmem>>) target_semaphore(%run_scoped3A_325 : memref<!tpu.dma_semaphore, #tpu.memory_space<semaphore_mem>>)
      %dma_wait3A_330 = arith.constant 0 : i32
      %dma_wait3A_331 = tpu.memref_slice %arg32[%add3A_288, %dma_wait3A_330] : memref<10240x16xf32, #tpu.memory_space<vmem_shared>> -> memref<64x16xf32, #tpu.memory_space<vmem_shared>>
      %dma_wait3A_332 = arith.constant 0 : i32
      %dma_wait3A_333 = tpu.memref_slice %arg32[%add3A_288, %dma_wait3A_332] : memref<10240x16xf32, #tpu.memory_space<vmem_shared>> -> memref<64x16xf32, #tpu.memory_space<vmem_shared>>
      tpu.wait_dma2 semaphore(%run_scoped3A_325 : memref<!tpu.dma_semaphore, #tpu.memory_space<semaphore_mem>>) src(%dma_wait3A_333 : memref<64x16xf32, #tpu.memory_space<vmem_shared>>) dst(%arg31 : memref<64x16xf32, #tpu.memory_space<vmem>>)
      tpu.yield
    }) : () -> ()
    %scan3A_289 = arith.constant 0 : i32
    %scan3A_290 = arith.constant 0 : i32
    %scan3A_291 = arith.constant 64 : i32
    %scan3A_292 = arith.addi %scan3A_290, %scan3A_291 : i32
    %scan3A_293 = arith.constant 1 : i32
    scf.for %scan3A_325 = %scan3A_290 to %scan3A_292 step %scan3A_293  : i32 {
      %get3A = arith.index_cast %scan3A_325 : i32 to index
      %get3A_326 = arith.constant 0 : index
      %get3A_327 = tpu.vector_load %arg31[%get3A, %get3A_326] {strides = array<i32>} : memref<64x16xf32, #tpu.memory_space<vmem>>, vector<1x16xf32>,
      %get3A_328 = vector.shape_cast %get3A_327 : vector<1x16xf32> to vector<16xf32>
      %swap3A = arith.index_cast %scan3A_325 : i32 to index
      %swap3A_329 = arith.constant 0 : index
      %swap3A_330 = tpu.vector_load %arg27[%swap3A, %swap3A_329] {strides = array<i32>} : memref<64x64xf32, #tpu.memory_space<vmem>>, vector<1x16xf32>,
      %swap3A_331 = vector.shape_cast %swap3A_330 : vector<1x16xf32> to vector<16xf32>
      %swap3A_332 = vector.shape_cast %get3A_328 : vector<16xf32> to vector<1x16xf32>
      tpu.vector_store %arg27[%swap3A, %swap3A_329], %swap3A_332 {strides = array<i32>} : memref<64x64xf32, #tpu.memory_space<vmem>>, vector<1x16xf32>,
      %swap3A_333 = arith.index_cast %scan3A_325 : i32 to index
      %swap3A_334 = arith.constant 16 : index
      %swap3A_335 = tpu.vector_load %arg27[%swap3A_333, %swap3A_334] {strides = array<i32>} : memref<64x64xf32, #tpu.memory_space<vmem>>, vector<1x16xf32>,
      %swap3A_336 = vector.shape_cast %swap3A_335 : vector<1x16xf32> to vector<16xf32>
      %swap3A_337 = vector.shape_cast %get3A_328 : vector<16xf32> to vector<1x16xf32>
      tpu.vector_store %arg27[%swap3A_333, %swap3A_334], %swap3A_337 {strides = array<i32>} : memref<64x64xf32, #tpu.memory_space<vmem>>, vector<1x16xf32>,
      %swap3A_338 = arith.index_cast %scan3A_325 : i32 to index
      %swap3A_339 = arith.constant 32 : index
      %swap3A_340 = tpu.vector_load %arg27[%swap3A_338, %swap3A_339] {strides = array<i32>} : memref<64x64xf32, #tpu.memory_space<vmem>>, vector<1x16xf32>,
      %swap3A_341 = vector.shape_cast %swap3A_340 : vector<1x16xf32> to vector<16xf32>
      %swap3A_342 = vector.shape_cast %get3A_328 : vector<16xf32> to vector<1x16xf32>
      tpu.vector_store %arg27[%swap3A_338, %swap3A_339], %swap3A_342 {strides = array<i32>} : memref<64x64xf32, #tpu.memory_space<vmem>>, vector<1x16xf32>,
      %swap3A_343 = arith.index_cast %scan3A_325 : i32 to index
      %swap3A_344 = arith.constant 48 : index
      %swap3A_345 = tpu.vector_load %arg27[%swap3A_343, %swap3A_344] {strides = array<i32>} : memref<64x64xf32, #tpu.memory_space<vmem>>, vector<1x16xf32>,
      %swap3A_346 = vector.shape_cast %swap3A_345 : vector<1x16xf32> to vector<16xf32>
      %swap3A_347 = vector.shape_cast %get3A_328 : vector<16xf32> to vector<1x16xf32>
      tpu.vector_store %arg27[%swap3A_343, %swap3A_344], %swap3A_347 {strides = array<i32>} : memref<64x64xf32, #tpu.memory_space<vmem>>, vector<1x16xf32>,
    }
    %scan3A_294 = arith.constant 64 : i32
    "tpu.region"() ({
      %run_scoped3A_325 = tpu.sem_alloc : memref<!tpu.dma_semaphore, #tpu.memory_space<semaphore_mem>>
      %dma_start3A_326 = arith.constant 0 : i32
      %dma_start3A_327 = tpu.memref_slice %arg6[%arg0, %add3A_288, %dma_start3A_326] : memref<2x10240x64xf32, #tpu.memory_space<hbm>> -> memref<1x64x64xf32, #tpu.memory_space<hbm>>
      %dma_start3A_328 = tpu.memref_squeeze %dma_start3A_327 : memref<1x64x64xf32, #tpu.memory_space<hbm>> -> memref<64x64xf32, #tpu.memory_space<hbm>>
      %dma_start3A_329 = arith.constant 0 : i32
      %dma_start3A_330 = tpu.memref_slice %arg6[%arg0, %add3A_288, %dma_start3A_329] : memref<2x10240x64xf32, #tpu.memory_space<hbm>> -> memref<1x64x64xf32, #tpu.memory_space<hbm>>
      %dma_start3A_331 = tpu.memref_squeeze %dma_start3A_330 : memref<1x64x64xf32, #tpu.memory_space<hbm>> -> memref<64x64xf32, #tpu.memory_space<hbm>>
      tpu.enqueue_dma source(%arg27 : memref<64x64xf32, #tpu.memory_space<vmem>>) target(%dma_start3A_331 : memref<64x64xf32, #tpu.memory_space<hbm>>) target_semaphore(%run_scoped3A_325 : memref<!tpu.dma_semaphore, #tpu.memory_space<semaphore_mem>>)
      %dma_wait3A_332 = arith.constant 0 : i32
      %dma_wait3A_333 = tpu.memref_slice %arg6[%arg0, %add3A_288, %dma_wait3A_332] : memref<2x10240x64xf32, #tpu.memory_space<hbm>> -> memref<1x64x64xf32, #tpu.memory_space<hbm>>
      %dma_wait3A_334 = tpu.memref_squeeze %dma_wait3A_333 : memref<1x64x64xf32, #tpu.memory_space<hbm>> -> memref<64x64xf32, #tpu.memory_space<hbm>>
      %dma_wait3A_335 = arith.constant 0 : i32
      %dma_wait3A_336 = tpu.memref_slice %arg6[%arg0, %add3A_288, %dma_wait3A_335] : memref<2x10240x64xf32, #tpu.memory_space<hbm>> -> memref<1x64x64xf32, #tpu.memory_space<hbm>>
      %dma_wait3A_337 = tpu.memref_squeeze %dma_wait3A_336 : memref<1x64x64xf32, #tpu.memory_space<hbm>> -> memref<64x64xf32, #tpu.memory_space<hbm>>
      tpu.wait_dma2 semaphore(%run_scoped3A_325 : memref<!tpu.dma_semaphore, #tpu.memory_space<semaphore_mem>>) src(%arg27 : memref<64x64xf32, #tpu.memory_space<vmem>>) dst(%dma_wait3A_337 : memref<64x64xf32, #tpu.memory_space<hbm>>)
      tpu.yield
    }) : () -> ()
    %mul3A_295 = arith.constant 640 : i32
    %mul3A_296 = arith.muli %arg1, %mul3A_295 : i32
    %add3A_297 = arith.constant 448 : i32
    %add3A_298 = arith.addi %mul3A_296, %add3A_297 : i32
    "tpu.region"() ({
      %run_scoped3A_325 = tpu.sem_alloc : memref<!tpu.dma_semaphore, #tpu.memory_space<semaphore_mem>>
      %dma_start3A_326 = arith.constant 0 : i32
      %dma_start3A_327 = tpu.memref_slice %arg5[%arg0, %add3A_298, %dma_start3A_326] : memref<2x10240x64xf32, #tpu.memory_space<hbm>> -> memref<1x64x64xf32, #tpu.memory_space<hbm>>
      %dma_start3A_328 = tpu.memref_squeeze %dma_start3A_327 : memref<1x64x64xf32, #tpu.memory_space<hbm>> -> memref<64x64xf32, #tpu.memory_space<hbm>>
      %dma_start3A_329 = arith.constant 0 : i32
      %dma_start3A_330 = tpu.memref_slice %arg28[%add3A_298, %dma_start3A_329] : memref<10240x64xf32, #tpu.memory_space<vmem_shared>> -> memref<64x64xf32, #tpu.memory_space<vmem_shared>>
      tpu.enqueue_dma source(%dma_start3A_330 : memref<64x64xf32, #tpu.memory_space<vmem_shared>>) target(%dma_start3A_328 : memref<64x64xf32, #tpu.memory_space<hbm>>) target_semaphore(%run_scoped3A_325 : memref<!tpu.dma_semaphore, #tpu.memory_space<semaphore_mem>>)
      %dma_wait3A_331 = arith.constant 0 : i32
      %dma_wait3A_332 = tpu.memref_slice %arg5[%arg0, %add3A_298, %dma_wait3A_331] : memref<2x10240x64xf32, #tpu.memory_space<hbm>> -> memref<1x64x64xf32, #tpu.memory_space<hbm>>
      %dma_wait3A_333 = tpu.memref_squeeze %dma_wait3A_332 : memref<1x64x64xf32, #tpu.memory_space<hbm>> -> memref<64x64xf32, #tpu.memory_space<hbm>>
      %dma_wait3A_334 = arith.constant 0 : i32
      %dma_wait3A_335 = tpu.memref_slice %arg28[%add3A_298, %dma_wait3A_334] : memref<10240x64xf32, #tpu.memory_space<vmem_shared>> -> memref<64x64xf32, #tpu.memory_space<vmem_shared>>
      tpu.wait_dma2 semaphore(%run_scoped3A_325 : memref<!tpu.dma_semaphore, #tpu.memory_space<semaphore_mem>>) src(%dma_wait3A_335 : memref<64x64xf32, #tpu.memory_space<vmem_shared>>) dst(%dma_wait3A_333 : memref<64x64xf32, #tpu.memory_space<hbm>>)
      tpu.yield
    }) : () -> ()
    "tpu.region"() ({
      %run_scoped3A_325 = tpu.sem_alloc : memref<!tpu.dma_semaphore, #tpu.memory_space<semaphore_mem>>
      %dma_start3A_326 = arith.constant 0 : i32
      %dma_start3A_327 = tpu.memref_slice %arg32[%add3A_298, %dma_start3A_326] : memref<10240x16xf32, #tpu.memory_space<vmem_shared>> -> memref<64x16xf32, #tpu.memory_space<vmem_shared>>
      %dma_start3A_328 = arith.constant 0 : i32
      %dma_start3A_329 = tpu.memref_slice %arg32[%add3A_298, %dma_start3A_328] : memref<10240x16xf32, #tpu.memory_space<vmem_shared>> -> memref<64x16xf32, #tpu.memory_space<vmem_shared>>
      tpu.enqueue_dma source(%dma_start3A_329 : memref<64x16xf32, #tpu.memory_space<vmem_shared>>) target(%arg31 : memref<64x16xf32, #tpu.memory_space<vmem>>) target_semaphore(%run_scoped3A_325 : memref<!tpu.dma_semaphore, #tpu.memory_space<semaphore_mem>>)
      %dma_wait3A_330 = arith.constant 0 : i32
      %dma_wait3A_331 = tpu.memref_slice %arg32[%add3A_298, %dma_wait3A_330] : memref<10240x16xf32, #tpu.memory_space<vmem_shared>> -> memref<64x16xf32, #tpu.memory_space<vmem_shared>>
      %dma_wait3A_332 = arith.constant 0 : i32
      %dma_wait3A_333 = tpu.memref_slice %arg32[%add3A_298, %dma_wait3A_332] : memref<10240x16xf32, #tpu.memory_space<vmem_shared>> -> memref<64x16xf32, #tpu.memory_space<vmem_shared>>
      tpu.wait_dma2 semaphore(%run_scoped3A_325 : memref<!tpu.dma_semaphore, #tpu.memory_space<semaphore_mem>>) src(%dma_wait3A_333 : memref<64x16xf32, #tpu.memory_space<vmem_shared>>) dst(%arg31 : memref<64x16xf32, #tpu.memory_space<vmem>>)
      tpu.yield
    }) : () -> ()
    %scan3A_299 = arith.constant 0 : i32
    %scan3A_300 = arith.constant 0 : i32
    %scan3A_301 = arith.constant 64 : i32
    %scan3A_302 = arith.addi %scan3A_300, %scan3A_301 : i32
    %scan3A_303 = arith.constant 1 : i32
    scf.for %scan3A_325 = %scan3A_300 to %scan3A_302 step %scan3A_303  : i32 {
      %get3A = arith.index_cast %scan3A_325 : i32 to index
      %get3A_326 = arith.constant 0 : index
      %get3A_327 = tpu.vector_load %arg31[%get3A, %get3A_326] {strides = array<i32>} : memref<64x16xf32, #tpu.memory_space<vmem>>, vector<1x16xf32>,
      %get3A_328 = vector.shape_cast %get3A_327 : vector<1x16xf32> to vector<16xf32>
      %swap3A = arith.index_cast %scan3A_325 : i32 to index
      %swap3A_329 = arith.constant 0 : index
      %swap3A_330 = tpu.vector_load %arg27[%swap3A, %swap3A_329] {strides = array<i32>} : memref<64x64xf32, #tpu.memory_space<vmem>>, vector<1x16xf32>,
      %swap3A_331 = vector.shape_cast %swap3A_330 : vector<1x16xf32> to vector<16xf32>
      %swap3A_332 = vector.shape_cast %get3A_328 : vector<16xf32> to vector<1x16xf32>
      tpu.vector_store %arg27[%swap3A, %swap3A_329], %swap3A_332 {strides = array<i32>} : memref<64x64xf32, #tpu.memory_space<vmem>>, vector<1x16xf32>,
      %swap3A_333 = arith.index_cast %scan3A_325 : i32 to index
      %swap3A_334 = arith.constant 16 : index
      %swap3A_335 = tpu.vector_load %arg27[%swap3A_333, %swap3A_334] {strides = array<i32>} : memref<64x64xf32, #tpu.memory_space<vmem>>, vector<1x16xf32>,
      %swap3A_336 = vector.shape_cast %swap3A_335 : vector<1x16xf32> to vector<16xf32>
      %swap3A_337 = vector.shape_cast %get3A_328 : vector<16xf32> to vector<1x16xf32>
      tpu.vector_store %arg27[%swap3A_333, %swap3A_334], %swap3A_337 {strides = array<i32>} : memref<64x64xf32, #tpu.memory_space<vmem>>, vector<1x16xf32>,
      %swap3A_338 = arith.index_cast %scan3A_325 : i32 to index
      %swap3A_339 = arith.constant 32 : index
      %swap3A_340 = tpu.vector_load %arg27[%swap3A_338, %swap3A_339] {strides = array<i32>} : memref<64x64xf32, #tpu.memory_space<vmem>>, vector<1x16xf32>,
      %swap3A_341 = vector.shape_cast %swap3A_340 : vector<1x16xf32> to vector<16xf32>
      %swap3A_342 = vector.shape_cast %get3A_328 : vector<16xf32> to vector<1x16xf32>
      tpu.vector_store %arg27[%swap3A_338, %swap3A_339], %swap3A_342 {strides = array<i32>} : memref<64x64xf32, #tpu.memory_space<vmem>>, vector<1x16xf32>,
      %swap3A_343 = arith.index_cast %scan3A_325 : i32 to index
      %swap3A_344 = arith.constant 48 : index
      %swap3A_345 = tpu.vector_load %arg27[%swap3A_343, %swap3A_344] {strides = array<i32>} : memref<64x64xf32, #tpu.memory_space<vmem>>, vector<1x16xf32>,
      %swap3A_346 = vector.shape_cast %swap3A_345 : vector<1x16xf32> to vector<16xf32>
      %swap3A_347 = vector.shape_cast %get3A_328 : vector<16xf32> to vector<1x16xf32>
      tpu.vector_store %arg27[%swap3A_343, %swap3A_344], %swap3A_347 {strides = array<i32>} : memref<64x64xf32, #tpu.memory_space<vmem>>, vector<1x16xf32>,
    }
    %scan3A_304 = arith.constant 64 : i32
    "tpu.region"() ({
      %run_scoped3A_325 = tpu.sem_alloc : memref<!tpu.dma_semaphore, #tpu.memory_space<semaphore_mem>>
      %dma_start3A_326 = arith.constant 0 : i32
      %dma_start3A_327 = tpu.memref_slice %arg6[%arg0, %add3A_298, %dma_start3A_326] : memref<2x10240x64xf32, #tpu.memory_space<hbm>> -> memref<1x64x64xf32, #tpu.memory_space<hbm>>
      %dma_start3A_328 = tpu.memref_squeeze %dma_start3A_327 : memref<1x64x64xf32, #tpu.memory_space<hbm>> -> memref<64x64xf32, #tpu.memory_space<hbm>>
      %dma_start3A_329 = arith.constant 0 : i32
      %dma_start3A_330 = tpu.memref_slice %arg6[%arg0, %add3A_298, %dma_start3A_329] : memref<2x10240x64xf32, #tpu.memory_space<hbm>> -> memref<1x64x64xf32, #tpu.memory_space<hbm>>
      %dma_start3A_331 = tpu.memref_squeeze %dma_start3A_330 : memref<1x64x64xf32, #tpu.memory_space<hbm>> -> memref<64x64xf32, #tpu.memory_space<hbm>>
      tpu.enqueue_dma source(%arg27 : memref<64x64xf32, #tpu.memory_space<vmem>>) target(%dma_start3A_331 : memref<64x64xf32, #tpu.memory_space<hbm>>) target_semaphore(%run_scoped3A_325 : memref<!tpu.dma_semaphore, #tpu.memory_space<semaphore_mem>>)
      %dma_wait3A_332 = arith.constant 0 : i32
      %dma_wait3A_333 = tpu.memref_slice %arg6[%arg0, %add3A_298, %dma_wait3A_332] : memref<2x10240x64xf32, #tpu.memory_space<hbm>> -> memref<1x64x64xf32, #tpu.memory_space<hbm>>
      %dma_wait3A_334 = tpu.memref_squeeze %dma_wait3A_333 : memref<1x64x64xf32, #tpu.memory_space<hbm>> -> memref<64x64xf32, #tpu.memory_space<hbm>>
      %dma_wait3A_335 = arith.constant 0 : i32
      %dma_wait3A_336 = tpu.memref_slice %arg6[%arg0, %add3A_298, %dma_wait3A_335] : memref<2x10240x64xf32, #tpu.memory_space<hbm>> -> memref<1x64x64xf32, #tpu.memory_space<hbm>>
      %dma_wait3A_337 = tpu.memref_squeeze %dma_wait3A_336 : memref<1x64x64xf32, #tpu.memory_space<hbm>> -> memref<64x64xf32, #tpu.memory_space<hbm>>
      tpu.wait_dma2 semaphore(%run_scoped3A_325 : memref<!tpu.dma_semaphore, #tpu.memory_space<semaphore_mem>>) src(%arg27 : memref<64x64xf32, #tpu.memory_space<vmem>>) dst(%dma_wait3A_337 : memref<64x64xf32, #tpu.memory_space<hbm>>)
      tpu.yield
    }) : () -> ()
    %mul3A_305 = arith.constant 640 : i32
    %mul3A_306 = arith.muli %arg1, %mul3A_305 : i32
    %add3A_307 = arith.constant 512 : i32
    %add3A_308 = arith.addi %mul3A_306, %add3A_307 : i32
    "tpu.region"() ({
      %run_scoped3A_325 = tpu.sem_alloc : memref<!tpu.dma_semaphore, #tpu.memory_space<semaphore_mem>>
      %dma_start3A_326 = arith.constant 0 : i32
      %dma_start3A_327 = tpu.memref_slice %arg5[%arg0, %add3A_308, %dma_start3A_326] : memref<2x10240x64xf32, #tpu.memory_space<hbm>> -> memref<1x64x64xf32, #tpu.memory_space<hbm>>
      %dma_start3A_328 = tpu.memref_squeeze %dma_start3A_327 : memref<1x64x64xf32, #tpu.memory_space<hbm>> -> memref<64x64xf32, #tpu.memory_space<hbm>>
      %dma_start3A_329 = arith.constant 0 : i32
      %dma_start3A_330 = tpu.memref_slice %arg28[%add3A_308, %dma_start3A_329] : memref<10240x64xf32, #tpu.memory_space<vmem_shared>> -> memref<64x64xf32, #tpu.memory_space<vmem_shared>>
      tpu.enqueue_dma source(%dma_start3A_330 : memref<64x64xf32, #tpu.memory_space<vmem_shared>>) target(%dma_start3A_328 : memref<64x64xf32, #tpu.memory_space<hbm>>) target_semaphore(%run_scoped3A_325 : memref<!tpu.dma_semaphore, #tpu.memory_space<semaphore_mem>>)
      %dma_wait3A_331 = arith.constant 0 : i32
      %dma_wait3A_332 = tpu.memref_slice %arg5[%arg0, %add3A_308, %dma_wait3A_331] : memref<2x10240x64xf32, #tpu.memory_space<hbm>> -> memref<1x64x64xf32, #tpu.memory_space<hbm>>
      %dma_wait3A_333 = tpu.memref_squeeze %dma_wait3A_332 : memref<1x64x64xf32, #tpu.memory_space<hbm>> -> memref<64x64xf32, #tpu.memory_space<hbm>>
      %dma_wait3A_334 = arith.constant 0 : i32
      %dma_wait3A_335 = tpu.memref_slice %arg28[%add3A_308, %dma_wait3A_334] : memref<10240x64xf32, #tpu.memory_space<vmem_shared>> -> memref<64x64xf32, #tpu.memory_space<vmem_shared>>
      tpu.wait_dma2 semaphore(%run_scoped3A_325 : memref<!tpu.dma_semaphore, #tpu.memory_space<semaphore_mem>>) src(%dma_wait3A_335 : memref<64x64xf32, #tpu.memory_space<vmem_shared>>) dst(%dma_wait3A_333 : memref<64x64xf32, #tpu.memory_space<hbm>>)
      tpu.yield
    }) : () -> ()
    "tpu.region"() ({
      %run_scoped3A_325 = tpu.sem_alloc : memref<!tpu.dma_semaphore, #tpu.memory_space<semaphore_mem>>
      %dma_start3A_326 = arith.constant 0 : i32
      %dma_start3A_327 = tpu.memref_slice %arg32[%add3A_308, %dma_start3A_326] : memref<10240x16xf32, #tpu.memory_space<vmem_shared>> -> memref<64x16xf32, #tpu.memory_space<vmem_shared>>
      %dma_start3A_328 = arith.constant 0 : i32
      %dma_start3A_329 = tpu.memref_slice %arg32[%add3A_308, %dma_start3A_328] : memref<10240x16xf32, #tpu.memory_space<vmem_shared>> -> memref<64x16xf32, #tpu.memory_space<vmem_shared>>
      tpu.enqueue_dma source(%dma_start3A_329 : memref<64x16xf32, #tpu.memory_space<vmem_shared>>) target(%arg31 : memref<64x16xf32, #tpu.memory_space<vmem>>) target_semaphore(%run_scoped3A_325 : memref<!tpu.dma_semaphore, #tpu.memory_space<semaphore_mem>>)
      %dma_wait3A_330 = arith.constant 0 : i32
      %dma_wait3A_331 = tpu.memref_slice %arg32[%add3A_308, %dma_wait3A_330] : memref<10240x16xf32, #tpu.memory_space<vmem_shared>> -> memref<64x16xf32, #tpu.memory_space<vmem_shared>>
      %dma_wait3A_332 = arith.constant 0 : i32
      %dma_wait3A_333 = tpu.memref_slice %arg32[%add3A_308, %dma_wait3A_332] : memref<10240x16xf32, #tpu.memory_space<vmem_shared>> -> memref<64x16xf32, #tpu.memory_space<vmem_shared>>
      tpu.wait_dma2 semaphore(%run_scoped3A_325 : memref<!tpu.dma_semaphore, #tpu.memory_space<semaphore_mem>>) src(%dma_wait3A_333 : memref<64x16xf32, #tpu.memory_space<vmem_shared>>) dst(%arg31 : memref<64x16xf32, #tpu.memory_space<vmem>>)
      tpu.yield
    }) : () -> ()
    %scan3A_309 = arith.constant 0 : i32
    %scan3A_310 = arith.constant 0 : i32
    %scan3A_311 = arith.constant 64 : i32
    %scan3A_312 = arith.addi %scan3A_310, %scan3A_311 : i32
    %scan3A_313 = arith.constant 1 : i32
    scf.for %scan3A_325 = %scan3A_310 to %scan3A_312 step %scan3A_313  : i32 {
      %get3A = arith.index_cast %scan3A_325 : i32 to index
      %get3A_326 = arith.constant 0 : index
      %get3A_327 = tpu.vector_load %arg31[%get3A, %get3A_326] {strides = array<i32>} : memref<64x16xf32, #tpu.memory_space<vmem>>, vector<1x16xf32>,
      %get3A_328 = vector.shape_cast %get3A_327 : vector<1x16xf32> to vector<16xf32>
      %swap3A = arith.index_cast %scan3A_325 : i32 to index
      %swap3A_329 = arith.constant 0 : index
      %swap3A_330 = tpu.vector_load %arg27[%swap3A, %swap3A_329] {strides = array<i32>} : memref<64x64xf32, #tpu.memory_space<vmem>>, vector<1x16xf32>,
      %swap3A_331 = vector.shape_cast %swap3A_330 : vector<1x16xf32> to vector<16xf32>
      %swap3A_332 = vector.shape_cast %get3A_328 : vector<16xf32> to vector<1x16xf32>
      tpu.vector_store %arg27[%swap3A, %swap3A_329], %swap3A_332 {strides = array<i32>} : memref<64x64xf32, #tpu.memory_space<vmem>>, vector<1x16xf32>,
      %swap3A_333 = arith.index_cast %scan3A_325 : i32 to index
      %swap3A_334 = arith.constant 16 : index
      %swap3A_335 = tpu.vector_load %arg27[%swap3A_333, %swap3A_334] {strides = array<i32>} : memref<64x64xf32, #tpu.memory_space<vmem>>, vector<1x16xf32>,
      %swap3A_336 = vector.shape_cast %swap3A_335 : vector<1x16xf32> to vector<16xf32>
      %swap3A_337 = vector.shape_cast %get3A_328 : vector<16xf32> to vector<1x16xf32>
      tpu.vector_store %arg27[%swap3A_333, %swap3A_334], %swap3A_337 {strides = array<i32>} : memref<64x64xf32, #tpu.memory_space<vmem>>, vector<1x16xf32>,
      %swap3A_338 = arith.index_cast %scan3A_325 : i32 to index
      %swap3A_339 = arith.constant 32 : index
      %swap3A_340 = tpu.vector_load %arg27[%swap3A_338, %swap3A_339] {strides = array<i32>} : memref<64x64xf32, #tpu.memory_space<vmem>>, vector<1x16xf32>,
      %swap3A_341 = vector.shape_cast %swap3A_340 : vector<1x16xf32> to vector<16xf32>
      %swap3A_342 = vector.shape_cast %get3A_328 : vector<16xf32> to vector<1x16xf32>
      tpu.vector_store %arg27[%swap3A_338, %swap3A_339], %swap3A_342 {strides = array<i32>} : memref<64x64xf32, #tpu.memory_space<vmem>>, vector<1x16xf32>,
      %swap3A_343 = arith.index_cast %scan3A_325 : i32 to index
      %swap3A_344 = arith.constant 48 : index
      %swap3A_345 = tpu.vector_load %arg27[%swap3A_343, %swap3A_344] {strides = array<i32>} : memref<64x64xf32, #tpu.memory_space<vmem>>, vector<1x16xf32>,
      %swap3A_346 = vector.shape_cast %swap3A_345 : vector<1x16xf32> to vector<16xf32>
      %swap3A_347 = vector.shape_cast %get3A_328 : vector<16xf32> to vector<1x16xf32>
      tpu.vector_store %arg27[%swap3A_343, %swap3A_344], %swap3A_347 {strides = array<i32>} : memref<64x64xf32, #tpu.memory_space<vmem>>, vector<1x16xf32>,
    }
    %scan3A_314 = arith.constant 64 : i32
    "tpu.region"() ({
      %run_scoped3A_325 = tpu.sem_alloc : memref<!tpu.dma_semaphore, #tpu.memory_space<semaphore_mem>>
      %dma_start3A_326 = arith.constant 0 : i32
      %dma_start3A_327 = tpu.memref_slice %arg6[%arg0, %add3A_308, %dma_start3A_326] : memref<2x10240x64xf32, #tpu.memory_space<hbm>> -> memref<1x64x64xf32, #tpu.memory_space<hbm>>
      %dma_start3A_328 = tpu.memref_squeeze %dma_start3A_327 : memref<1x64x64xf32, #tpu.memory_space<hbm>> -> memref<64x64xf32, #tpu.memory_space<hbm>>
      %dma_start3A_329 = arith.constant 0 : i32
      %dma_start3A_330 = tpu.memref_slice %arg6[%arg0, %add3A_308, %dma_start3A_329] : memref<2x10240x64xf32, #tpu.memory_space<hbm>> -> memref<1x64x64xf32, #tpu.memory_space<hbm>>
      %dma_start3A_331 = tpu.memref_squeeze %dma_start3A_330 : memref<1x64x64xf32, #tpu.memory_space<hbm>> -> memref<64x64xf32, #tpu.memory_space<hbm>>
      tpu.enqueue_dma source(%arg27 : memref<64x64xf32, #tpu.memory_space<vmem>>) target(%dma_start3A_331 : memref<64x64xf32, #tpu.memory_space<hbm>>) target_semaphore(%run_scoped3A_325 : memref<!tpu.dma_semaphore, #tpu.memory_space<semaphore_mem>>)
      %dma_wait3A_332 = arith.constant 0 : i32
      %dma_wait3A_333 = tpu.memref_slice %arg6[%arg0, %add3A_308, %dma_wait3A_332] : memref<2x10240x64xf32, #tpu.memory_space<hbm>> -> memref<1x64x64xf32, #tpu.memory_space<hbm>>
      %dma_wait3A_334 = tpu.memref_squeeze %dma_wait3A_333 : memref<1x64x64xf32, #tpu.memory_space<hbm>> -> memref<64x64xf32, #tpu.memory_space<hbm>>
      %dma_wait3A_335 = arith.constant 0 : i32
      %dma_wait3A_336 = tpu.memref_slice %arg6[%arg0, %add3A_308, %dma_wait3A_335] : memref<2x10240x64xf32, #tpu.memory_space<hbm>> -> memref<1x64x64xf32, #tpu.memory_space<hbm>>
      %dma_wait3A_337 = tpu.memref_squeeze %dma_wait3A_336 : memref<1x64x64xf32, #tpu.memory_space<hbm>> -> memref<64x64xf32, #tpu.memory_space<hbm>>
      tpu.wait_dma2 semaphore(%run_scoped3A_325 : memref<!tpu.dma_semaphore, #tpu.memory_space<semaphore_mem>>) src(%arg27 : memref<64x64xf32, #tpu.memory_space<vmem>>) dst(%dma_wait3A_337 : memref<64x64xf32, #tpu.memory_space<hbm>>)
      tpu.yield
    }) : () -> ()
    %mul3A_315 = arith.constant 640 : i32
    %mul3A_316 = arith.muli %arg1, %mul3A_315 : i32
    %add3A_317 = arith.constant 576 : i32
    %add3A_318 = arith.addi %mul3A_316, %add3A_317 : i32
    "tpu.region"() ({
      %run_scoped3A_325 = tpu.sem_alloc : memref<!tpu.dma_semaphore, #tpu.memory_space<semaphore_mem>>
      %dma_start3A_326 = arith.constant 0 : i32
      %dma_start3A_327 = tpu.memref_slice %arg5[%arg0, %add3A_318, %dma_start3A_326] : memref<2x10240x64xf32, #tpu.memory_space<hbm>> -> memref<1x64x64xf32, #tpu.memory_space<hbm>>
      %dma_start3A_328 = tpu.memref_squeeze %dma_start3A_327 : memref<1x64x64xf32, #tpu.memory_space<hbm>> -> memref<64x64xf32, #tpu.memory_space<hbm>>
      %dma_start3A_329 = arith.constant 0 : i32
      %dma_start3A_330 = tpu.memref_slice %arg28[%add3A_318, %dma_start3A_329] : memref<10240x64xf32, #tpu.memory_space<vmem_shared>> -> memref<64x64xf32, #tpu.memory_space<vmem_shared>>
      tpu.enqueue_dma source(%dma_start3A_330 : memref<64x64xf32, #tpu.memory_space<vmem_shared>>) target(%dma_start3A_328 : memref<64x64xf32, #tpu.memory_space<hbm>>) target_semaphore(%run_scoped3A_325 : memref<!tpu.dma_semaphore, #tpu.memory_space<semaphore_mem>>)
      %dma_wait3A_331 = arith.constant 0 : i32
      %dma_wait3A_332 = tpu.memref_slice %arg5[%arg0, %add3A_318, %dma_wait3A_331] : memref<2x10240x64xf32, #tpu.memory_space<hbm>> -> memref<1x64x64xf32, #tpu.memory_space<hbm>>
      %dma_wait3A_333 = tpu.memref_squeeze %dma_wait3A_332 : memref<1x64x64xf32, #tpu.memory_space<hbm>> -> memref<64x64xf32, #tpu.memory_space<hbm>>
      %dma_wait3A_334 = arith.constant 0 : i32
      %dma_wait3A_335 = tpu.memref_slice %arg28[%add3A_318, %dma_wait3A_334] : memref<10240x64xf32, #tpu.memory_space<vmem_shared>> -> memref<64x64xf32, #tpu.memory_space<vmem_shared>>
      tpu.wait_dma2 semaphore(%run_scoped3A_325 : memref<!tpu.dma_semaphore, #tpu.memory_space<semaphore_mem>>) src(%dma_wait3A_335 : memref<64x64xf32, #tpu.memory_space<vmem_shared>>) dst(%dma_wait3A_333 : memref<64x64xf32, #tpu.memory_space<hbm>>)
      tpu.yield
    }) : () -> ()
    "tpu.region"() ({
      %run_scoped3A_325 = tpu.sem_alloc : memref<!tpu.dma_semaphore, #tpu.memory_space<semaphore_mem>>
      %dma_start3A_326 = arith.constant 0 : i32
      %dma_start3A_327 = tpu.memref_slice %arg32[%add3A_318, %dma_start3A_326] : memref<10240x16xf32, #tpu.memory_space<vmem_shared>> -> memref<64x16xf32, #tpu.memory_space<vmem_shared>>
      %dma_start3A_328 = arith.constant 0 : i32
      %dma_start3A_329 = tpu.memref_slice %arg32[%add3A_318, %dma_start3A_328] : memref<10240x16xf32, #tpu.memory_space<vmem_shared>> -> memref<64x16xf32, #tpu.memory_space<vmem_shared>>
      tpu.enqueue_dma source(%dma_start3A_329 : memref<64x16xf32, #tpu.memory_space<vmem_shared>>) target(%arg31 : memref<64x16xf32, #tpu.memory_space<vmem>>) target_semaphore(%run_scoped3A_325 : memref<!tpu.dma_semaphore, #tpu.memory_space<semaphore_mem>>)
      %dma_wait3A_330 = arith.constant 0 : i32
      %dma_wait3A_331 = tpu.memref_slice %arg32[%add3A_318, %dma_wait3A_330] : memref<10240x16xf32, #tpu.memory_space<vmem_shared>> -> memref<64x16xf32, #tpu.memory_space<vmem_shared>>
      %dma_wait3A_332 = arith.constant 0 : i32
      %dma_wait3A_333 = tpu.memref_slice %arg32[%add3A_318, %dma_wait3A_332] : memref<10240x16xf32, #tpu.memory_space<vmem_shared>> -> memref<64x16xf32, #tpu.memory_space<vmem_shared>>
      tpu.wait_dma2 semaphore(%run_scoped3A_325 : memref<!tpu.dma_semaphore, #tpu.memory_space<semaphore_mem>>) src(%dma_wait3A_333 : memref<64x16xf32, #tpu.memory_space<vmem_shared>>) dst(%arg31 : memref<64x16xf32, #tpu.memory_space<vmem>>)
      tpu.yield
    }) : () -> ()
    %scan3A_319 = arith.constant 0 : i32
    %scan3A_320 = arith.constant 0 : i32
    %scan3A_321 = arith.constant 64 : i32
    %scan3A_322 = arith.addi %scan3A_320, %scan3A_321 : i32
    %scan3A_323 = arith.constant 1 : i32
    scf.for %scan3A_325 = %scan3A_320 to %scan3A_322 step %scan3A_323  : i32 {
      %get3A = arith.index_cast %scan3A_325 : i32 to index
      %get3A_326 = arith.constant 0 : index
      %get3A_327 = tpu.vector_load %arg31[%get3A, %get3A_326] {strides = array<i32>} : memref<64x16xf32, #tpu.memory_space<vmem>>, vector<1x16xf32>,
      %get3A_328 = vector.shape_cast %get3A_327 : vector<1x16xf32> to vector<16xf32>
      %swap3A = arith.index_cast %scan3A_325 : i32 to index
      %swap3A_329 = arith.constant 0 : index
      %swap3A_330 = tpu.vector_load %arg27[%swap3A, %swap3A_329] {strides = array<i32>} : memref<64x64xf32, #tpu.memory_space<vmem>>, vector<1x16xf32>,
      %swap3A_331 = vector.shape_cast %swap3A_330 : vector<1x16xf32> to vector<16xf32>
      %swap3A_332 = vector.shape_cast %get3A_328 : vector<16xf32> to vector<1x16xf32>
      tpu.vector_store %arg27[%swap3A, %swap3A_329], %swap3A_332 {strides = array<i32>} : memref<64x64xf32, #tpu.memory_space<vmem>>, vector<1x16xf32>,
      %swap3A_333 = arith.index_cast %scan3A_325 : i32 to index
      %swap3A_334 = arith.constant 16 : index
      %swap3A_335 = tpu.vector_load %arg27[%swap3A_333, %swap3A_334] {strides = array<i32>} : memref<64x64xf32, #tpu.memory_space<vmem>>, vector<1x16xf32>,
      %swap3A_336 = vector.shape_cast %swap3A_335 : vector<1x16xf32> to vector<16xf32>
      %swap3A_337 = vector.shape_cast %get3A_328 : vector<16xf32> to vector<1x16xf32>
      tpu.vector_store %arg27[%swap3A_333, %swap3A_334], %swap3A_337 {strides = array<i32>} : memref<64x64xf32, #tpu.memory_space<vmem>>, vector<1x16xf32>,
      %swap3A_338 = arith.index_cast %scan3A_325 : i32 to index
      %swap3A_339 = arith.constant 32 : index
      %swap3A_340 = tpu.vector_load %arg27[%swap3A_338, %swap3A_339] {strides = array<i32>} : memref<64x64xf32, #tpu.memory_space<vmem>>, vector<1x16xf32>,
      %swap3A_341 = vector.shape_cast %swap3A_340 : vector<1x16xf32> to vector<16xf32>
      %swap3A_342 = vector.shape_cast %get3A_328 : vector<16xf32> to vector<1x16xf32>
      tpu.vector_store %arg27[%swap3A_338, %swap3A_339], %swap3A_342 {strides = array<i32>} : memref<64x64xf32, #tpu.memory_space<vmem>>, vector<1x16xf32>,
      %swap3A_343 = arith.index_cast %scan3A_325 : i32 to index
      %swap3A_344 = arith.constant 48 : index
      %swap3A_345 = tpu.vector_load %arg27[%swap3A_343, %swap3A_344] {strides = array<i32>} : memref<64x64xf32, #tpu.memory_space<vmem>>, vector<1x16xf32>,
      %swap3A_346 = vector.shape_cast %swap3A_345 : vector<1x16xf32> to vector<16xf32>
      %swap3A_347 = vector.shape_cast %get3A_328 : vector<16xf32> to vector<1x16xf32>
      tpu.vector_store %arg27[%swap3A_343, %swap3A_344], %swap3A_347 {strides = array<i32>} : memref<64x64xf32, #tpu.memory_space<vmem>>, vector<1x16xf32>,
    }
    %scan3A_324 = arith.constant 64 : i32
    "tpu.region"() ({
      %run_scoped3A_325 = tpu.sem_alloc : memref<!tpu.dma_semaphore, #tpu.memory_space<semaphore_mem>>
      %dma_start3A_326 = arith.constant 0 : i32
      %dma_start3A_327 = tpu.memref_slice %arg6[%arg0, %add3A_318, %dma_start3A_326] : memref<2x10240x64xf32, #tpu.memory_space<hbm>> -> memref<1x64x64xf32, #tpu.memory_space<hbm>>
      %dma_start3A_328 = tpu.memref_squeeze %dma_start3A_327 : memref<1x64x64xf32, #tpu.memory_space<hbm>> -> memref<64x64xf32, #tpu.memory_space<hbm>>
      %dma_start3A_329 = arith.constant 0 : i32
      %dma_start3A_330 = tpu.memref_slice %arg6[%arg0, %add3A_318, %dma_start3A_329] : memref<2x10240x64xf32, #tpu.memory_space<hbm>> -> memref<1x64x64xf32, #tpu.memory_space<hbm>>
      %dma_start3A_331 = tpu.memref_squeeze %dma_start3A_330 : memref<1x64x64xf32, #tpu.memory_space<hbm>> -> memref<64x64xf32, #tpu.memory_space<hbm>>
      tpu.enqueue_dma source(%arg27 : memref<64x64xf32, #tpu.memory_space<vmem>>) target(%dma_start3A_331 : memref<64x64xf32, #tpu.memory_space<hbm>>) target_semaphore(%run_scoped3A_325 : memref<!tpu.dma_semaphore, #tpu.memory_space<semaphore_mem>>)
      %dma_wait3A_332 = arith.constant 0 : i32
      %dma_wait3A_333 = tpu.memref_slice %arg6[%arg0, %add3A_318, %dma_wait3A_332] : memref<2x10240x64xf32, #tpu.memory_space<hbm>> -> memref<1x64x64xf32, #tpu.memory_space<hbm>>
      %dma_wait3A_334 = tpu.memref_squeeze %dma_wait3A_333 : memref<1x64x64xf32, #tpu.memory_space<hbm>> -> memref<64x64xf32, #tpu.memory_space<hbm>>
      %dma_wait3A_335 = arith.constant 0 : i32
      %dma_wait3A_336 = tpu.memref_slice %arg6[%arg0, %add3A_318, %dma_wait3A_335] : memref<2x10240x64xf32, #tpu.memory_space<hbm>> -> memref<1x64x64xf32, #tpu.memory_space<hbm>>
      %dma_wait3A_337 = tpu.memref_squeeze %dma_wait3A_336 : memref<1x64x64xf32, #tpu.memory_space<hbm>> -> memref<64x64xf32, #tpu.memory_space<hbm>>
      tpu.wait_dma2 semaphore(%run_scoped3A_325 : memref<!tpu.dma_semaphore, #tpu.memory_space<semaphore_mem>>) src(%arg27 : memref<64x64xf32, #tpu.memory_space<vmem>>) dst(%dma_wait3A_337 : memref<64x64xf32, #tpu.memory_space<hbm>>)
      tpu.yield
    }) : () -> ()
    return
  }
}

module attributes {stable_mosaic.version = 14 : i64} {
  func.func @_tc_pre(%arg0: i32, %arg1: memref<2000x128xf32, #tpu.memory_space<vmem>>, %arg2: memref<128x256xf32, #tpu.memory_space<vmem>>, %arg3: memref<1x128xf32, #tpu.memory_space<vmem>>, %arg4: memref<2000x128xf32, #tpu.memory_space<vmem>>, %arg5: memref<2000x128xf32, #tpu.memory_space<vmem>>) attributes {dimension_semantics = [#tpu.dimension_semantics<arbitrary>], iteration_bounds = array<i64: 5>, scalar_prefetch = 0 : i64, scratch_operands = 0 : i64, tpu.core_type = #tpu.core_type<tc>, window_params = [{transform_indices = @transform_0, window_bounds = array<i64: 2000, 128>}, {pipeline_mode = #tpu.pipeline_mode<synchronous>, transform_indices = @transform_1, window_bounds = array<i64: 128, 256>}, {pipeline_mode = #tpu.pipeline_mode<synchronous>, transform_indices = @transform_2, window_bounds = array<i64: 1, 128>}, {transform_indices = @transform_3, window_bounds = array<i64: 2000, 128>}, {transform_indices = @transform_4, window_bounds = array<i64: 2000, 128>}]} {
    %get3A = arith.constant 0 : index
    %get3A_0 = arith.constant 0 : index
    %get3A_1 = vector.load %arg1[%get3A, %get3A_0] : memref<2000x128xf32, #tpu.memory_space<vmem>>, vector<2000x128xf32>
    %get3A_2 = arith.constant 0 : index
    %get3A_3 = arith.constant 0 : index
    %get3A_4 = vector.load %arg2[%get3A_2, %get3A_3] : memref<128x256xf32, #tpu.memory_space<vmem>>, vector<128x256xf32>
    %dot_general3A = arith.constant dense<0.000000e+00> : vector<2000x256xf32>
    %dot_general3A_5 = tpu.matmul %get3A_1, %get3A_4, %dot_general3A {dimension_numbers = #tpu.dot_dimension_numbers<[1], [0], [0], [1], [0, 0, 1, 1], [], []>, transpose_lhs_hint = false} : vector<2000x128xf32>, vector<128x256xf32>, vector<2000x256xf32> -> vector<2000x256xf32>
    %slice3A = vector.extract_strided_slice %dot_general3A_5 {offsets = [0, 0], sizes = [2000, 128], strides = [1, 1]} : vector<2000x256xf32> to vector<2000x128xf32>
    %get3A_6 = arith.constant 0 : index
    %get3A_7 = arith.constant 0 : index
    %get3A_8 = vector.load %arg3[%get3A_6, %get3A_7] : memref<1x128xf32, #tpu.memory_space<vmem>>, vector<1x128xf32>
    %add3A = vector.broadcast %get3A_8 : vector<1x128xf32> to vector<2000x128xf32>
    %add3A_9 = arith.addf %slice3A, %add3A : vector<2000x128xf32>
    %swap3A = arith.constant 0 : index
    %swap3A_10 = arith.constant 0 : index
    %swap3A_11 = vector.load %arg4[%swap3A, %swap3A_10] : memref<2000x128xf32, #tpu.memory_space<vmem>>, vector<2000x128xf32>
    tpu.vector_store %arg4[%swap3A, %swap3A_10], %add3A_9 {strides = array<i32>} : memref<2000x128xf32, #tpu.memory_space<vmem>>, vector<2000x128xf32>,
    %slice3A_12 = vector.extract_strided_slice %dot_general3A_5 {offsets = [0, 128], sizes = [2000, 128], strides = [1, 1]} : vector<2000x256xf32> to vector<2000x128xf32>
    %swap3A_13 = arith.constant 0 : index
    %swap3A_14 = arith.constant 0 : index
    %swap3A_15 = vector.load %arg5[%swap3A_13, %swap3A_14] : memref<2000x128xf32, #tpu.memory_space<vmem>>, vector<2000x128xf32>
    tpu.vector_store %arg5[%swap3A_13, %swap3A_14], %slice3A_12 {strides = array<i32>} : memref<2000x128xf32, #tpu.memory_space<vmem>>, vector<2000x128xf32>,
    return
  }
  func.func @transform_0(%arg0: i32) -> (i32, i32) {
    %c0_i32 = arith.constant 0 : i32
    %c0_i32_0 = arith.constant 0 : i32
    return %arg0, %c0_i32 : i32, i32
  }
  func.func @transform_1(%arg0: i32) -> (i32, i32) {
    %c0_i32 = arith.constant 0 : i32
    %c0_i32_0 = arith.constant 0 : i32
    %c0_i32_1 = arith.constant 0 : i32
    return %c0_i32, %c0_i32_0 : i32, i32
  }
  func.func @transform_2(%arg0: i32) -> (i32, i32) {
    %c0_i32 = arith.constant 0 : i32
    %c0_i32_0 = arith.constant 0 : i32
    %c0_i32_1 = arith.constant 0 : i32
    return %c0_i32, %c0_i32_0 : i32, i32
  }
  func.func @transform_3(%arg0: i32) -> (i32, i32) {
    %c0_i32 = arith.constant 0 : i32
    %c0_i32_0 = arith.constant 0 : i32
    return %arg0, %c0_i32 : i32, i32
  }
  func.func @transform_4(%arg0: i32) -> (i32, i32) {
    %c0_i32 = arith.constant 0 : i32
    %c0_i32_0 = arith.constant 0 : i32
    return %arg0, %c0_i32 : i32, i32
  }
}

module attributes {stable_mosaic.version = 14 : i64} {
  func.func @_tc_mid(%arg0: i32, %arg1: memref<1000x256xf32, #tpu.memory_space<vmem>>, %arg2: memref<1x1000x128xf32, #tpu.memory_space<vmem>>, %arg3: memref<1x1000x128xf32, #tpu.memory_space<vmem>>, %arg4: memref<1x1000x128xf32, #tpu.memory_space<vmem>>, %arg5: memref<1x1000x128xf32, #tpu.memory_space<vmem>>, %arg6: memref<128x256xf32, #tpu.memory_space<vmem>>, %arg7: memref<1x256xf32, #tpu.memory_space<vmem>>, %arg8: memref<1000x256xf32, #tpu.memory_space<vmem>>, %arg9: memref<1000x256xf32, #tpu.memory_space<vmem>>) attributes {dimension_semantics = [#tpu.dimension_semantics<arbitrary>], iteration_bounds = array<i64: 5>, scalar_prefetch = 0 : i64, scratch_operands = 0 : i64, tpu.core_type = #tpu.core_type<tc>, window_params = [{transform_indices = @transform_0, window_bounds = array<i64: 1000, 256>}, {transform_indices = @transform_1, window_bounds = array<i64: 1, 1000, 128>}, {transform_indices = @transform_2, window_bounds = array<i64: 1, 1000, 128>}, {transform_indices = @transform_3, window_bounds = array<i64: 1, 1000, 128>}, {transform_indices = @transform_4, window_bounds = array<i64: 1, 1000, 128>}, {pipeline_mode = #tpu.pipeline_mode<synchronous>, transform_indices = @transform_5, window_bounds = array<i64: 128, 256>}, {pipeline_mode = #tpu.pipeline_mode<synchronous>, transform_indices = @transform_6, window_bounds = array<i64: 1, 256>}, {transform_indices = @transform_7, window_bounds = array<i64: 1000, 256>}, {transform_indices = @transform_8, window_bounds = array<i64: 1000, 256>}]} {
    %get3A = arith.constant 0 : index
    %get3A_0 = arith.constant 0 : index
    %get3A_1 = arith.constant 0 : index
    %get3A_2 = vector.load %arg2[%get3A, %get3A_0, %get3A_1] : memref<1x1000x128xf32, #tpu.memory_space<vmem>>, vector<1x1000x128xf32>
    %get3A_3 = vector.shape_cast %get3A_2 : vector<1x1000x128xf32> to vector<1000x128xf32>
    %get3A_4 = arith.constant 0 : index
    %get3A_5 = arith.constant 0 : index
    %get3A_6 = arith.constant 0 : index
    %get3A_7 = vector.load %arg3[%get3A_4, %get3A_5, %get3A_6] : memref<1x1000x128xf32, #tpu.memory_space<vmem>>, vector<1x1000x128xf32>
    %get3A_8 = vector.shape_cast %get3A_7 : vector<1x1000x128xf32> to vector<1000x128xf32>
    %get3A_9 = arith.constant 0 : index
    %get3A_10 = arith.constant 0 : index
    %get3A_11 = arith.constant 0 : index
    %get3A_12 = vector.load %arg4[%get3A_9, %get3A_10, %get3A_11] : memref<1x1000x128xf32, #tpu.memory_space<vmem>>, vector<1x1000x128xf32>
    %get3A_13 = vector.shape_cast %get3A_12 : vector<1x1000x128xf32> to vector<1000x128xf32>
    %get3A_14 = arith.constant 0 : index
    %get3A_15 = arith.constant 0 : index
    %get3A_16 = arith.constant 0 : index
    %get3A_17 = vector.load %arg5[%get3A_14, %get3A_15, %get3A_16] : memref<1x1000x128xf32, #tpu.memory_space<vmem>>, vector<1x1000x128xf32>
    %get3A_18 = vector.shape_cast %get3A_17 : vector<1x1000x128xf32> to vector<1000x128xf32>
    %add3A = arith.addf %get3A_13, %get3A_18 : vector<1000x128xf32>
    %max3A = arith.constant 1.000000e+00 : f32
    %max3A_19 = vector.broadcast %max3A : f32 to vector<1000x128xf32>
    %max3A_20 = arith.maximumf %add3A, %max3A_19 : vector<1000x128xf32>
    %div3A = arith.constant 1.000000e+00 : f32
    %div3A_21 = vector.broadcast %div3A : f32 to vector<1000x128xf32>
    %div3A_22 = arith.divf %div3A_21, %max3A_20 : vector<1000x128xf32>
    %slice3A = vector.extract_strided_slice %get3A_3 {offsets = [0, 0], sizes = [1000, 64], strides = [1, 1]} : vector<1000x128xf32> to vector<1000x64xf32>
    %slice3A_23 = vector.extract_strided_slice %get3A_8 {offsets = [0, 0], sizes = [1000, 64], strides = [1, 1]} : vector<1000x128xf32> to vector<1000x64xf32>
    %slice3A_24 = vector.extract_strided_slice %get3A_3 {offsets = [0, 64], sizes = [1000, 64], strides = [1, 1]} : vector<1000x128xf32> to vector<1000x64xf32>
    %slice3A_25 = vector.extract_strided_slice %get3A_8 {offsets = [0, 64], sizes = [1000, 64], strides = [1, 1]} : vector<1000x128xf32> to vector<1000x64xf32>
    %concatenate3A = tpu.concatenate %slice3A, %slice3A_23, %slice3A_24, %slice3A_25 in 1 : vector<1000x64xf32>, vector<1000x64xf32>, vector<1000x64xf32>, vector<1000x64xf32> -> vector<1000x256xf32>
    %slice3A_26 = vector.extract_strided_slice %div3A_22 {offsets = [0, 0], sizes = [1000, 64], strides = [1, 1]} : vector<1000x128xf32> to vector<1000x64xf32>
    %slice3A_27 = vector.extract_strided_slice %div3A_22 {offsets = [0, 0], sizes = [1000, 64], strides = [1, 1]} : vector<1000x128xf32> to vector<1000x64xf32>
    %slice3A_28 = vector.extract_strided_slice %div3A_22 {offsets = [0, 64], sizes = [1000, 64], strides = [1, 1]} : vector<1000x128xf32> to vector<1000x64xf32>
    %slice3A_29 = vector.extract_strided_slice %div3A_22 {offsets = [0, 64], sizes = [1000, 64], strides = [1, 1]} : vector<1000x128xf32> to vector<1000x64xf32>
    %concatenate3A_30 = tpu.concatenate %slice3A_26, %slice3A_27, %slice3A_28, %slice3A_29 in 1 : vector<1000x64xf32>, vector<1000x64xf32>, vector<1000x64xf32>, vector<1000x64xf32> -> vector<1000x256xf32>
    %get3A_31 = arith.constant 0 : index
    %get3A_32 = arith.constant 0 : index
    %get3A_33 = vector.load %arg1[%get3A_31, %get3A_32] : memref<1000x256xf32, #tpu.memory_space<vmem>>, vector<1000x256xf32>
    %mul3A = arith.mulf %concatenate3A, %concatenate3A_30 : vector<1000x256xf32>
    %add3A_34 = arith.addf %get3A_33, %mul3A : vector<1000x256xf32>
    %max3A_35 = arith.constant 0.000000e+00 : f32
    %max3A_36 = vector.broadcast %max3A_35 : f32 to vector<1000x256xf32>
    %max3A_37 = arith.maximumf %add3A_34, %max3A_36 : vector<1000x256xf32>
    %get3A_38 = arith.constant 0 : index
    %get3A_39 = arith.constant 0 : index
    %get3A_40 = vector.load %arg6[%get3A_38, %get3A_39] : memref<128x256xf32, #tpu.memory_space<vmem>>, vector<128x256xf32>
    %slice3A_41 = vector.extract_strided_slice %max3A_37 {offsets = [0, 0], sizes = [1000, 128], strides = [1, 1]} : vector<1000x256xf32> to vector<1000x128xf32>
    %dot_general3A = arith.constant dense<0.000000e+00> : vector<1000x256xf32>
    %dot_general3A_42 = tpu.matmul %slice3A_41, %get3A_40, %dot_general3A {dimension_numbers = #tpu.dot_dimension_numbers<[1], [0], [0], [1], [0, 0, 1, 1], [], []>, transpose_lhs_hint = false} : vector<1000x128xf32>, vector<128x256xf32>, vector<1000x256xf32> -> vector<1000x256xf32>
    %slice3A_43 = vector.extract_strided_slice %max3A_37 {offsets = [0, 128], sizes = [1000, 128], strides = [1, 1]} : vector<1000x256xf32> to vector<1000x128xf32>
    %dot_general3A_44 = arith.constant dense<0.000000e+00> : vector<1000x256xf32>
    %dot_general3A_45 = tpu.matmul %slice3A_43, %get3A_40, %dot_general3A_44 {dimension_numbers = #tpu.dot_dimension_numbers<[1], [0], [0], [1], [0, 0, 1, 1], [], []>, transpose_lhs_hint = false} : vector<1000x128xf32>, vector<128x256xf32>, vector<1000x256xf32> -> vector<1000x256xf32>
    %slice3A_46 = vector.extract_strided_slice %dot_general3A_42 {offsets = [0, 0], sizes = [1000, 128], strides = [1, 1]} : vector<1000x256xf32> to vector<1000x128xf32>
    %slice3A_47 = vector.extract_strided_slice %dot_general3A_45 {offsets = [0, 0], sizes = [1000, 128], strides = [1, 1]} : vector<1000x256xf32> to vector<1000x128xf32>
    %concatenate3A_48 = tpu.concatenate %slice3A_46, %slice3A_47 in 1 : vector<1000x128xf32>, vector<1000x128xf32> -> vector<1000x256xf32>
    %get3A_49 = arith.constant 0 : index
    %get3A_50 = arith.constant 0 : index
    %get3A_51 = vector.load %arg7[%get3A_49, %get3A_50] : memref<1x256xf32, #tpu.memory_space<vmem>>, vector<1x256xf32>
    %add3A_52 = vector.broadcast %get3A_51 : vector<1x256xf32> to vector<1000x256xf32>
    %add3A_53 = arith.addf %concatenate3A_48, %add3A_52 : vector<1000x256xf32>
    %swap3A = arith.constant 0 : index
    %swap3A_54 = arith.constant 0 : index
    %swap3A_55 = vector.load %arg8[%swap3A, %swap3A_54] : memref<1000x256xf32, #tpu.memory_space<vmem>>, vector<1000x256xf32>
    tpu.vector_store %arg8[%swap3A, %swap3A_54], %add3A_53 {strides = array<i32>} : memref<1000x256xf32, #tpu.memory_space<vmem>>, vector<1000x256xf32>,
    %slice3A_56 = vector.extract_strided_slice %dot_general3A_42 {offsets = [0, 128], sizes = [1000, 128], strides = [1, 1]} : vector<1000x256xf32> to vector<1000x128xf32>
    %slice3A_57 = vector.extract_strided_slice %dot_general3A_45 {offsets = [0, 128], sizes = [1000, 128], strides = [1, 1]} : vector<1000x256xf32> to vector<1000x128xf32>
    %concatenate3A_58 = tpu.concatenate %slice3A_56, %slice3A_57 in 1 : vector<1000x128xf32>, vector<1000x128xf32> -> vector<1000x256xf32>
    %swap3A_59 = arith.constant 0 : index
    %swap3A_60 = arith.constant 0 : index
    %swap3A_61 = vector.load %arg9[%swap3A_59, %swap3A_60] : memref<1000x256xf32, #tpu.memory_space<vmem>>, vector<1000x256xf32>
    tpu.vector_store %arg9[%swap3A_59, %swap3A_60], %concatenate3A_58 {strides = array<i32>} : memref<1000x256xf32, #tpu.memory_space<vmem>>, vector<1000x256xf32>,
    return
  }
  func.func @transform_0(%arg0: i32) -> (i32, i32) {
    %c0_i32 = arith.constant 0 : i32
    %c0_i32_0 = arith.constant 0 : i32
    return %arg0, %c0_i32 : i32, i32
  }
  func.func @transform_1(%arg0: i32) -> (i32, i32, i32) {
    %c0_i32 = arith.constant 0 : i32
    %c0_i32_0 = arith.constant 0 : i32
    %c0_i32_1 = arith.constant 0 : i32
    return %c0_i32, %arg0, %c0_i32_0 : i32, i32, i32
  }
  func.func @transform_2(%arg0: i32) -> (i32, i32, i32) {
    %c1_i32 = arith.constant 1 : i32
    %c0_i32 = arith.constant 0 : i32
    %c0_i32_0 = arith.constant 0 : i32
    return %c1_i32, %arg0, %c0_i32 : i32, i32, i32
  }
  func.func @transform_3(%arg0: i32) -> (i32, i32, i32) {
    %c0_i32 = arith.constant 0 : i32
    %c0_i32_0 = arith.constant 0 : i32
    %c0_i32_1 = arith.constant 0 : i32
    return %c0_i32, %arg0, %c0_i32_0 : i32, i32, i32
  }
  func.func @transform_4(%arg0: i32) -> (i32, i32, i32) {
    %c1_i32 = arith.constant 1 : i32
    %c0_i32 = arith.constant 0 : i32
    %c0_i32_0 = arith.constant 0 : i32
    return %c1_i32, %arg0, %c0_i32 : i32, i32, i32
  }
  func.func @transform_5(%arg0: i32) -> (i32, i32) {
    %c0_i32 = arith.constant 0 : i32
    %c0_i32_0 = arith.constant 0 : i32
    %c0_i32_1 = arith.constant 0 : i32
    return %c0_i32, %c0_i32_0 : i32, i32
  }
  func.func @transform_6(%arg0: i32) -> (i32, i32) {
    %c0_i32 = arith.constant 0 : i32
    %c0_i32_0 = arith.constant 0 : i32
    %c0_i32_1 = arith.constant 0 : i32
    return %c0_i32, %c0_i32_0 : i32, i32
  }
  func.func @transform_7(%arg0: i32) -> (i32, i32) {
    %c0_i32 = arith.constant 0 : i32
    %c0_i32_0 = arith.constant 0 : i32
    return %arg0, %c0_i32 : i32, i32
  }
  func.func @transform_8(%arg0: i32) -> (i32, i32) {
    %c0_i32 = arith.constant 0 : i32
    %c0_i32_0 = arith.constant 0 : i32
    return %arg0, %c0_i32 : i32, i32
  }
}

module attributes {stable_mosaic.version = 14 : i64} {
  func.func @_tc_post(%arg0: i32, %arg1: memref<1000x256xf32, #tpu.memory_space<vmem>>, %arg2: memref<1x1000x128xf32, #tpu.memory_space<vmem>>, %arg3: memref<1x1000x128xf32, #tpu.memory_space<vmem>>, %arg4: memref<1x1000x128xf32, #tpu.memory_space<vmem>>, %arg5: memref<1x1000x128xf32, #tpu.memory_space<vmem>>, %arg6: memref<1000x256xf32, #tpu.memory_space<vmem>>) attributes {dimension_semantics = [#tpu.dimension_semantics<arbitrary>], iteration_bounds = array<i64: 5>, scalar_prefetch = 0 : i64, scratch_operands = 0 : i64, tpu.core_type = #tpu.core_type<tc>, window_params = [{transform_indices = @transform_0, window_bounds = array<i64: 1000, 256>}, {transform_indices = @transform_1, window_bounds = array<i64: 1, 1000, 128>}, {transform_indices = @transform_2, window_bounds = array<i64: 1, 1000, 128>}, {transform_indices = @transform_3, window_bounds = array<i64: 1, 1000, 128>}, {transform_indices = @transform_4, window_bounds = array<i64: 1, 1000, 128>}, {transform_indices = @transform_5, window_bounds = array<i64: 1000, 256>}]} {
    %get3A = arith.constant 0 : index
    %get3A_0 = arith.constant 0 : index
    %get3A_1 = arith.constant 0 : index
    %get3A_2 = vector.load %arg2[%get3A, %get3A_0, %get3A_1] : memref<1x1000x128xf32, #tpu.memory_space<vmem>>, vector<1x1000x128xf32>
    %get3A_3 = vector.shape_cast %get3A_2 : vector<1x1000x128xf32> to vector<1000x128xf32>
    %get3A_4 = arith.constant 0 : index
    %get3A_5 = arith.constant 0 : index
    %get3A_6 = arith.constant 0 : index
    %get3A_7 = vector.load %arg3[%get3A_4, %get3A_5, %get3A_6] : memref<1x1000x128xf32, #tpu.memory_space<vmem>>, vector<1x1000x128xf32>
    %get3A_8 = vector.shape_cast %get3A_7 : vector<1x1000x128xf32> to vector<1000x128xf32>
    %get3A_9 = arith.constant 0 : index
    %get3A_10 = arith.constant 0 : index
    %get3A_11 = arith.constant 0 : index
    %get3A_12 = vector.load %arg4[%get3A_9, %get3A_10, %get3A_11] : memref<1x1000x128xf32, #tpu.memory_space<vmem>>, vector<1x1000x128xf32>
    %get3A_13 = vector.shape_cast %get3A_12 : vector<1x1000x128xf32> to vector<1000x128xf32>
    %get3A_14 = arith.constant 0 : index
    %get3A_15 = arith.constant 0 : index
    %get3A_16 = arith.constant 0 : index
    %get3A_17 = vector.load %arg5[%get3A_14, %get3A_15, %get3A_16] : memref<1x1000x128xf32, #tpu.memory_space<vmem>>, vector<1x1000x128xf32>
    %get3A_18 = vector.shape_cast %get3A_17 : vector<1x1000x128xf32> to vector<1000x128xf32>
    %add3A = arith.addf %get3A_13, %get3A_18 : vector<1000x128xf32>
    %max3A = arith.constant 1.000000e+00 : f32
    %max3A_19 = vector.broadcast %max3A : f32 to vector<1000x128xf32>
    %max3A_20 = arith.maximumf %add3A, %max3A_19 : vector<1000x128xf32>
    %div3A = arith.constant 1.000000e+00 : f32
    %div3A_21 = vector.broadcast %div3A : f32 to vector<1000x128xf32>
    %div3A_22 = arith.divf %div3A_21, %max3A_20 : vector<1000x128xf32>
    %slice3A = vector.extract_strided_slice %get3A_3 {offsets = [0, 0], sizes = [1000, 64], strides = [1, 1]} : vector<1000x128xf32> to vector<1000x64xf32>
    %slice3A_23 = vector.extract_strided_slice %get3A_8 {offsets = [0, 0], sizes = [1000, 64], strides = [1, 1]} : vector<1000x128xf32> to vector<1000x64xf32>
    %slice3A_24 = vector.extract_strided_slice %get3A_3 {offsets = [0, 64], sizes = [1000, 64], strides = [1, 1]} : vector<1000x128xf32> to vector<1000x64xf32>
    %slice3A_25 = vector.extract_strided_slice %get3A_8 {offsets = [0, 64], sizes = [1000, 64], strides = [1, 1]} : vector<1000x128xf32> to vector<1000x64xf32>
    %concatenate3A = tpu.concatenate %slice3A, %slice3A_23, %slice3A_24, %slice3A_25 in 1 : vector<1000x64xf32>, vector<1000x64xf32>, vector<1000x64xf32>, vector<1000x64xf32> -> vector<1000x256xf32>
    %slice3A_26 = vector.extract_strided_slice %div3A_22 {offsets = [0, 0], sizes = [1000, 64], strides = [1, 1]} : vector<1000x128xf32> to vector<1000x64xf32>
    %slice3A_27 = vector.extract_strided_slice %div3A_22 {offsets = [0, 0], sizes = [1000, 64], strides = [1, 1]} : vector<1000x128xf32> to vector<1000x64xf32>
    %slice3A_28 = vector.extract_strided_slice %div3A_22 {offsets = [0, 64], sizes = [1000, 64], strides = [1, 1]} : vector<1000x128xf32> to vector<1000x64xf32>
    %slice3A_29 = vector.extract_strided_slice %div3A_22 {offsets = [0, 64], sizes = [1000, 64], strides = [1, 1]} : vector<1000x128xf32> to vector<1000x64xf32>
    %concatenate3A_30 = tpu.concatenate %slice3A_26, %slice3A_27, %slice3A_28, %slice3A_29 in 1 : vector<1000x64xf32>, vector<1000x64xf32>, vector<1000x64xf32>, vector<1000x64xf32> -> vector<1000x256xf32>
    %get3A_31 = arith.constant 0 : index
    %get3A_32 = arith.constant 0 : index
    %get3A_33 = vector.load %arg1[%get3A_31, %get3A_32] : memref<1000x256xf32, #tpu.memory_space<vmem>>, vector<1000x256xf32>
    %mul3A = arith.mulf %concatenate3A, %concatenate3A_30 : vector<1000x256xf32>
    %add3A_34 = arith.addf %get3A_33, %mul3A : vector<1000x256xf32>
    %swap3A = arith.constant 0 : index
    %swap3A_35 = arith.constant 0 : index
    %swap3A_36 = vector.load %arg6[%swap3A, %swap3A_35] : memref<1000x256xf32, #tpu.memory_space<vmem>>, vector<1000x256xf32>
    tpu.vector_store %arg6[%swap3A, %swap3A_35], %add3A_34 {strides = array<i32>} : memref<1000x256xf32, #tpu.memory_space<vmem>>, vector<1000x256xf32>,
    return
  }
  func.func @transform_0(%arg0: i32) -> (i32, i32) {
    %c0_i32 = arith.constant 0 : i32
    %c0_i32_0 = arith.constant 0 : i32
    return %arg0, %c0_i32 : i32, i32
  }
  func.func @transform_1(%arg0: i32) -> (i32, i32, i32) {
    %c0_i32 = arith.constant 0 : i32
    %c0_i32_0 = arith.constant 0 : i32
    %c0_i32_1 = arith.constant 0 : i32
    return %c0_i32, %arg0, %c0_i32_0 : i32, i32, i32
  }
  func.func @transform_2(%arg0: i32) -> (i32, i32, i32) {
    %c1_i32 = arith.constant 1 : i32
    %c0_i32 = arith.constant 0 : i32
    %c0_i32_0 = arith.constant 0 : i32
    return %c1_i32, %arg0, %c0_i32 : i32, i32, i32
  }
  func.func @transform_3(%arg0: i32) -> (i32, i32, i32) {
    %c0_i32 = arith.constant 0 : i32
    %c0_i32_0 = arith.constant 0 : i32
    %c0_i32_1 = arith.constant 0 : i32
    return %c0_i32, %arg0, %c0_i32_0 : i32, i32, i32
  }
  func.func @transform_4(%arg0: i32) -> (i32, i32, i32) {
    %c1_i32 = arith.constant 1 : i32
    %c0_i32 = arith.constant 0 : i32
    %c0_i32_0 = arith.constant 0 : i32
    return %c1_i32, %arg0, %c0_i32 : i32, i32, i32
  }
  func.func @transform_5(%arg0: i32) -> (i32, i32) {
    %c0_i32 = arith.constant 0 : i32
    %c0_i32_0 = arith.constant 0 : i32
    return %arg0, %c0_i32 : i32, i32
  }
}

</mosaic_0001>

<sc_bundles>
// kernel: kernel.10.cloned.1.call-start
scs
__scs_entry_jumppad:
0x0: {  	(pc) =	sbr.rel $0x88, $3  }
0x1: {  	(tag) =	ssettag $0x0;
	lr =	simm.s32 $0x1  }
0x2: {  	[smem:$0x3F99] =	sst lr;
	_ =	strace $0xD0000000  }
0x3: {  	_ = 	snop  }
0x4: {  	_ = 	snop  }
0x5: {  	_ = 	snop  }
0x6: {  	_ = 	snop  }
0x7: {  	_ = 	snop  }
__scs_overlays_trampoline_lowered:
0x8: {  	[smem:$0x3FA8] =	sst s0  }
0x9: {  	[smem:$0x3FA9] =	sst s1  }
0xa: {  	[smem:$0x3FAA] =	sst s2  }
0xb: {  	[smem:$0x3FAB] =	sst s3  }
0xc: {  	[smem:$0x3FAC] =	sst s4  }
0xd: {  	[smem:$0x3FAD] =	sst s5  }
0xe: {  	[smem:$0x3FAE] =	sst s6  }
0xf: {  	[smem:$0x3FAF] =	sst s7  }
0x10: {  	[smem:$0x3FB0] =	sst s8  }
0x11: {  	[smem:$0x3FB1] =	sst s9;
	s0 =	simm.s32 @!p0 $0x0  }
0x12: {  	s1 =	sld [smem:$0x3F97];
	s0 =	simm.s32 @p0 $0x1  }
0x13: {  	[smem:$0x3FB2] =	sst s0;
	s0 =	simm.s32 @!p1 $0x0  }
0x14: {  	s2 =	sld [smem:$0x3F96];
	s0 =	simm.s32 @p1 $0x1  }
0x15: {  	[smem:$0x3FB3] =	sst s0;
	s0 =	simm.s32 @!p2 $0x0  }
0x16: {  	s3 =	sld [smem:$0x3FDB];
	s0 =	simm.s32 @p2 $0x1  }
0x17: {  	s4 =	simm.s32 $0x1BF5;
	[smem:$0x3FB5] =	sst s0  }
0x18: {  	s0 =	sld [smem:$0x3F98];
	_ =	swait.ge [sflag:s4], $0x0  }
0x19: {  	s7 =	sld [smem:$0x3F99]  }
0x1a: {  	s8 =	sadd.s32 $0xFFFFE003, lr  }
0x1b: {  	s9 =	sadd.s32 $0xFFFFFEF7, lr;
	s5 =	simm.s32 $0xFFFFFFFF;
	p2 =	slt.u32 s8, $0xFFFFF086  }
0x1c: {  	p1 =	slt.u32 s9, $0xF7A;
	s5 =	simm.s32 @!p2 $0x0  }
0x1d: {  	s5 =	simm.s32 @p1 $0x1;
	p0 =	seq.s32 s7, s2  }
0x1e: {  	s7 =	smul.u32 @!p0 $0xF7A, s2;
	p2 =	seq.s32 @!p0 s5, $0x0  }
0x1f: {  	s9 =	smul.u32 $0xF7A, s1;
	s8 =	simm.s32 @!p0 $0x1BF5;
	p2 =	por !p2, p0  }
0x20: {  	[sflag:s8] =	ssyncset.s32 @!p0 $0xFFFFF086;
	s6 =	sadd.s32 @!p0 s3, s7;
	s7 =	simm.s32 @!p0 $0x108  }
0x21: {  	s3 =	sadd.s32 s3, s9;
	s6 =	sadd.s32 @!p0 $0x88, s6;
	s7 =	simm.s32 @p2 $0x1082  }
0x22: {  	[simem:s7], [sflag:s8] =	dma.local @!p0 [hbm:s6], $0xF7A  }
0x23: {  	s9 =	sor.u32 $0xD0000000, s2;
	s6 =	simm.s32 $0x108;
	_ =	swait.ge @!p0 [sflag:s8], $0x0  }
0x24: {  	s3 =	sadd.s32 $0x88, s3;
	s6 =	simm.s32 @!p1 $0x1082;
	[sflag:s4] =	ssyncset.s32 $0xFFFFF086  }
0x25: {  	[simem:s6], [sflag:s4] =	dma.local [hbm:s3], $0xF7A  }
0x26: {  	[smem:$0x3F99] =	sst s1;
	(tag) =	ssettag s2;
	_ =	strace s9  }
0x27: {  	s1 =	sld [smem:$0x3FA9]  }
0x28: {  	s2 =	sld [smem:$0x3FAA]  }
0x29: {  	s4 =	sld [smem:$0x3FAC]  }
0x2a: {  	p0 =	seq.s32 s5, $0x0;
	s5 =	sld [smem:$0x3FAD]  }
0x2b: {  	s6 =	sld [smem:$0x3FAE]  }
0x2c: {  	s7 =	sld [smem:$0x3FAF]  }
0x2d: {  	s3 =	simm.s32 $0x108;
	s8 =	sld [smem:$0x3FB0]  }
0x2e: {  	s3 =	simm.s32 @!p0 $0x1082;
	s9 =	sld [smem:$0x3FB1]  }
0x2f: {  	lr =	sadd.s32 s0, s3;
	s0 =	sld [smem:$0x3FA8]  }
0x30: {  	s3 =	sld [smem:$0x3FAB]  }
0x31: {  	[smem:$0x3FB4] =	sst s10  }
0x32: {  	s10 =	sld [smem:$0x3FB2];
	_ =	sdelay $0x3  }
0x33: {  	p0 =	seq.s32 s10, $0x1;
	s10 =	sld [smem:$0x3FB4];
	_ =	sdelay $0x3  }
0x34: {  	[smem:$0x3FB4] =	sst s10  }
0x35: {  	s10 =	sld [smem:$0x3FB3];
	_ =	sdelay $0x3  }
0x36: {  	p1 =	seq.s32 s10, $0x1;
	s10 =	sld [smem:$0x3FB4];
	_ =	sdelay $0x3  }
0x37: {  	[smem:$0x3FB4] =	sst s10  }
0x38: {  	s10 =	sld [smem:$0x3FB5]  }
0x39: {  	_ = 	snop;
	(pc) =	sbr.ind lr, $3  }
0x3a: {  	_ = 	snop  }
0x3b: {  	_ = 	snop  }
0x3c: {  	p2 =	seq.s32 s10, $0x1;
	s10 =	sld [smem:$0x3FB4]  }
0x3d: {  	_ =	shalt  }
0x3e: {  	_ =	shalt  }
0x3f: {  	_ =	shalt  }
0x40: {  	_ =	shalt  }
0x41: {  	_ =	shalt  }
0x42: {  	_ =	shalt  }
0x43: {  	_ =	shalt  }
0x44: {  	_ =	shalt  }
0x45: {  	_ =	shalt  }
0x46: {  	_ =	shalt  }
0x47: {  	_ =	shalt  }
0x48: {  	_ =	shalt  }
0x49: {  	_ =	shalt  }
0x4a: {  	_ =	shalt  }
0x4b: {  	_ =	shalt  }
0x4c: {  	_ =	shalt  }
0x4d: {  	_ =	shalt  }
0x4e: {  	_ =	shalt  }
0x4f: {  	_ =	shalt  }
0x50: {  	_ =	shalt  }
0x51: {  	_ =	shalt  }
0x52: {  	_ =	shalt  }
0x53: {  	_ =	shalt  }
0x54: {  	_ =	shalt  }
0x55: {  	_ =	shalt  }
0x56: {  	_ =	shalt  }
0x57: {  	_ =	shalt  }
0x58: {  	_ =	shalt  }
0x59: {  	_ =	shalt  }
0x5a: {  	_ =	shalt  }
0x5b: {  	_ =	shalt  }
0x5c: {  	_ =	shalt  }
0x5d: {  	_ =	shalt  }
0x5e: {  	_ =	shalt  }
0x5f: {  	_ =	shalt  }
0x60: {  	_ =	shalt  }
0x61: {  	_ =	shalt  }
0x62: {  	_ =	shalt  }
0x63: {  	_ =	shalt  }
0x64: {  	_ =	shalt  }
0x65: {  	_ =	shalt  }
0x66: {  	_ =	shalt  }
0x67: {  	_ =	shalt  }
0x68: {  	_ =	shalt  }
0x69: {  	_ =	shalt  }
0x6a: {  	_ =	shalt  }
0x6b: {  	_ =	shalt  }
0x6c: {  	_ =	shalt  }
0x6d: {  	_ =	shalt  }
0x6e: {  	_ =	shalt  }
0x6f: {  	_ =	shalt  }
0x70: {  	_ =	shalt  }
0x71: {  	_ =	shalt  }
0x72: {  	_ =	shalt  }
0x73: {  	_ =	shalt  }
0x74: {  	_ =	shalt  }
0x75: {  	_ =	shalt  }
0x76: {  	_ =	shalt  }
0x77: {  	_ =	shalt  }
0x78: {  	_ =	shalt  }
0x79: {  	_ =	shalt  }
0x7a: {  	_ =	shalt  }
0x7b: {  	_ =	shalt  }
0x7c: {  	_ =	shalt  }
0x7d: {  	_ =	shalt  }
0x7e: {  	_ =	shalt  }
0x7f: {  	_ =	shalt  }
0x80: {  	_ =	shalt  }
0x81: {  	_ =	shalt  }
0x82: {  	_ =	shalt  }
0x83: {  	_ =	shalt  }
0x84: {  	_ =	shalt  }
0x85: {  	_ =	shalt  }
0x86: {  	_ =	shalt  }
0x87: {  	_ =	shalt  }
.Lfunc_end0:
.L_simem_size_0:
called_computation.1_lowered:
.L_overlay_start_0:
0x88: {  	s2 =	sld [smem:$0x3FD9]  }
0x89: {  	s3 =	sld [smem:$0x3FFE];
	_ =	sdelay $0x1  }
0x8a: {  	s1 =	srdreg.scid  }
0x8b: {  	s0 =	sand.u32 $0x1, s1  }
0x8c: {  	s17 =	sshll.u32 s0, $0xA;
	s2 =	sadd.s32 s3, s2  }
0x8d: {  	s2 =	sadd.s32 s2, s17  }
0x8e: {  	[smem:$0x3FC0] =	sst s2  }
0x8f: {  	_ = 	snop  }
0x90: {  	s2 =	sld [smem:$0x3FD0];
	(tm) =	ssettm $0x1  }
0x91: {  	s18 =	sld [smem:$0x3FFB];
	_ =	sdelay $0x3  }
0x92: {  	_ =	strace s18  }
0x93: {  	s3 =	sld [smem:$0x3FFC];
	_ =	sdelay $0x3  }
0x94: {  	_ =	strace s3  }
0x95: {  	s3 =	sld [smem:$0x3FFD];
	_ =	sdelay $0x3  }
0x96: {  	_ =	strace s3  }
0x97: {  	_ =	strace $0x8FFFFFFF  }
0x98: {  	s19 =	sld [smem:$0x3FDB];
	_ =	sdelay $0x1  }
0x99: {  	s4 =	simm.s32 $_scs_section_size  }
0x9a: {  	s5 =	simm.s32 $_size__tile_overlayer_lowered;
	s6 =	simm.s32 $_tile_overlayer_lowered  }
0x9b: {  	s22 =	simm.s32 $0x1BFF;
	s21 =	sshll.u32 s6, $0x1;
	s3 =	sadd.s32 s4, s19  }
0x9c: {  	s7 =	simm.s32 $0x0;
	s20 =	sshll.u32 s5, $0x1;
	s5 =	sadd.s32 s21, s3  }
0x9d: {  	[timem:s7], [sflag:s22] =	dma.local [hbm:s5], s20  }
0x9e: {  	_ =	swait.ge [sflag:s22], s20  }
0x9f: {  	s4 =	ssub.s32 $0x0, s20;
	[sflag:s22] =	ssyncset.done $0x0  }
0xa0: {  	[sflag:s22] =	ssyncadd.s32 s4;
	_ =	sdelay $0x1  }
0xa1: {  	s23 =	simm.s32 $0x1B8B  }
0xa2: {  	_ =	swait.ge [sflag:s23], $0x1  }
0xa3: {  	[sflag:s23] =	ssyncset.done $0x0  }
0xa4: {  	s25 =	simm.s32 $0x1B8E;
	s24 =	sld [smem:$0x3FFE];
	[sflag:s23] =	ssyncadd.s32 $0xFFFFFFFF  }
0xa5: {  	s26 =	simm.s32 $execute0_lowered;
	[smem:$0x3FD2] =	sst s25  }
0xa6: {  	s5 =	sshll.u32 s26, $0x1;
	_ =	strace $0x80000049;
	[dreg:$0x1] =	wrdreg $0xFFFFFFFF  }
0xa7: {  	s28 =	simm.s32 $_size_execute0_lowered;
	s3 =	sadd.s32 s3, s5;
	[dreg:$0x0] =	wrdreg $0x0  }
0xa8: {  	s5 =	sshll.u32 s28, $0x1;
	[dreg:$0x2] =	wrdreg s3  }
0xa9: {  	[dreg:$0x3] =	wrdreg s5  }
0xaa: {  	[dreg:$0x4] =	wrdreg $0xC0  }
0xab: {  	_ =	task [dreg:s7], $0x5FFFF  }
0xac: {  	[dreg:$0x1] =	wrdreg $0xFFFFFFFF  }
0xad: {  	[dreg:$0x0] =	wrdreg $0x60  }
0xae: {  	[dreg:$0x2] =	wrdreg s2  }
0xaf: {  	[dreg:$0x3] =	wrdreg s24  }
0xb0: {  	[dreg:$0x4] =	wrdreg $0x124400  }
0xb1: {  	[dreg:$0x5] =	wrdreg $0x9  }
0xb2: {  	_ =	task.clear_ibuf [dreg:s7], $0x6FFFF;
	_ =	strace $0x90000049  }
0xb3: {  	s29 =	simm.s32 $0x9;
	_ =	strace $0x8000004B  }
0xb4: {  	_ =	swait.ge [sflag:s29], $0x1  }
0xb5: {  	[sflag:s29] =	ssyncadd.s32 $0xFFFFFFFF  }
0xb6: {  	_ =	strace $0x9000004B  }
0xb7: {  	_ =	sfence  }
0xb8: {  	s30 =	sld [smem:$0x0];
	_ =	sdelay $0x2  }
0xb9: {  	s31 =	sshll.u32 s1, $0xD;
	s1 =	sshrl.u32 s1, $0x2  }
0xba: {  	s3 =	sand.u32 $0x4000, s31;
	s1 =	sadd.s32 s1, s30  }
0xbb: {  	s0 =	sor.u32 s3, s0;
	s1 =	sshll.u32 s1, $0x11  }
0xbc: {  	s0 =	sor.u32 s1, s0  }
0xbd: {  	s0 =	sadd.s32 $0x8F2B, s0  }
0xbe: {  	[sflag:s0] =	ssyncadd.remote.s32 $0x1  }
0xbf: {  	_ =	sfence.sel $0xFFFF  }
0xc0: {  	[dreg:$0x0] =	wrdreg $0xFFFFFFFF;
	(pc) =	sbr.abs _section_cstart, $3  }
0xc1: {  	[dreg:$0x1] =	wrdreg $0xFFFFFFFF  }
0xc2: {  	_ =	task.clear_ibuf [dreg:s7], $0x2FFFF;
	_ =	strace $0x9FFFFFFF  }
0xc3: {  	(tm) =	ssettm $0x7FFFFFFF  }
tec
execute0_lowered:
.L_overlay_start_1:
0x0: {  	(tag) =	ssettag $0x1  }
0x1: {  	s1 =	rddreg [dreg:$0x0]  }
0x2: {  	s0 =	rddreg [dreg:$0x1]  }
0x3: {  	s5 =	stileid.u32;
	s2 =	simm.s32 $0x0;
	s4 =	srdreg.scid  }
0x4: {  	s29 =	simm.s32 $0x11440;
	s30 =	simm.s32 $0xD;
	s31 =	simm.s32 $0x4  }
0x5: {  	s28 =	simm.s32 $0xA;
	s3 =	smul.u32 $0x4E20, s5;
	s18 =	sand.u32 $0x1, s4  }
0x6: {  	[smem:$0x7FF] =	sst s2;
	s5 =	smul.u32 $0xA000, s5;
	s4 =	ssub.s32 $0x2, s18  }
0x7: {  	s10 =	smul.u32 $0xA0000, s18;
	s3 =	sshrl.u32 s3, $0x3;
	s6 =	sshrl.u32 s4, $0x1  }
0x8: {  	s7 =	sadd.s32 $0x2000, s5;
	s8 =	sadd.s32 $0x3000, s5;
	s9 =	sadd.s32 $0x4000, s5  }
0x9: {  	s11 =	sadd.s32 $0x5000, s5;
	s13 =	sadd.s32 $0x6000, s5;
	s14 =	sadd.s32 $0x7000, s5  }
0xa: {  	s15 =	sadd.s32 $0x8000, s5;
	s17 =	sadd.s32 $0x9000, s5;
	s3 =	sadd.s32 s3, s0  }
0xb: {  	s0 =	sadd.s32 $0x16200, s0;
	s4 =	ssub.s32 s4, s6;
	s6 =	sor.u32 $0x1000, s5  }
0xc: {  	s12 =	sadd.s32 s5, s10;
	s23 =	sadd.s32 s10, s7;
	s24 =	sadd.s32 s10, s8  }
0xd: {  	s19 =	sadd.s32 s10, s9;
	s20 =	sadd.s32 s10, s13;
	s21 =	sadd.s32 s10, s14  }
0xe: {  	s16 =	sadd.s32 s10, s6;
	s12 =	sshrl.u32 s12, $0x3;
	s25 =	sshrl.u32 s24, $0x3  }
0xf: {  	s26 =	sshrl.u32 s19, $0x3;
	s16 =	sshrl.u32 s16, $0x3;
	s12 =	sadd.s32 s0, s12  }
0x10: {  	s19 =	sadd.s32 s10, s11;
	[dreg:$0x4] =	wrdreg s12;
	s22 =	sadd.s32 s0, s16  }
0x11: {  	s12 =	sshrl.u32 s23, $0x3;
	s16 =	sadd.s32 s0, s26;
	[dreg:$0x5] =	wrdreg s22  }
0x12: {  	s23 =	sshrl.u32 s21, $0x3;
	s12 =	sadd.s32 s0, s12;
	[dreg:$0x8] =	wrdreg s16  }
0x13: {  	s22 =	sshrl.u32 s20, $0x3;
	s24 =	sadd.s32 s0, s23;
	[dreg:$0x6] =	wrdreg s12  }
0x14: {  	s20 =	sadd.s32 $0x2800, s3;
	s12 =	sadd.s32 s0, s25;
	[dreg:$0xb] =	wrdreg s24  }
0x15: {  	s25 =	sadd.s32 s10, s15;
	[dreg:$0x7] =	wrdreg s12;
	s12 =	sshrl.u32 s19, $0x3  }
0x16: {  	s10 =	sadd.s32 s10, s17;
	s26 =	sshrl.u32 s25, $0x3;
	s12 =	sadd.s32 s0, s12  }
0x17: {  	s10 =	sshrl.u32 s10, $0x3;
	s16 =	sadd.s32 s0, s26;
	[dreg:$0x9] =	wrdreg s12  }
0x18: {  	s25 =	sadd.s32 $0xC440, s3;
	s12 =	sadd.s32 s0, s22;
	[dreg:$0xc] =	wrdreg s16  }
0x19: {  	s3 =	simm.s32 $0xB040;
	s0 =	sadd.s32 s0, s10;
	[dreg:$0xa] =	wrdreg s12  }
0x1a: {  	s26 =	smax.u32 s4, $0x1;
	s4 =	simm.s32 $0xC440;
	[dreg:$0xd] =	wrdreg s0  }
0x1b: {  	s12 =	rddreg [dreg:$0x2];
	s0 =	simm.s32 $0x9C40;
	_ =	strace $0x8000004A  }
0x1c: {  	s5 =	sadd.s32 s5, s12;
	s6 =	sadd.s32 s6, s12;
	s7 =	sadd.s32 s7, s12  }
0x1d: {  	s10 =	sadd.s32 s8, s12;
	s16 =	sadd.s32 s9, s12;
	[dreg:$0x14] =	wrdreg s20  }
0x1e: {  	s19 =	sadd.s32 s11, s12;
	s21 =	sadd.s32 s13, s12;
	[dreg:$0x15] =	wrdreg s25  }
0x1f: {  	s22 =	sadd.s32 s14, s12;
	s23 =	sadd.s32 s15, s12;
	[dreg:$0x16] =	wrdreg s26  }
0x20: {  	s24 =	sadd.s32 s17, s12;
	s11 =	simm.s32 $0x50;
	[dreg:$0xe] =	wrdreg s5  }
0x21: {  	s8 =	simm.s32 $0x10040;
	s9 =	simm.s32 $0x2;
	[dreg:$0xf] =	wrdreg s6  }
0x22: {  	s13 =	simm.s32 $0x3;
	s14 =	simm.s32 $0x8;
	[dreg:$0x10] =	wrdreg s7  }
0x23: {  	s25 =	simm.s32 $0x9;
	s26 =	simm.s32 $0x5;
	[dreg:$0x11] =	wrdreg s10  }
0x24: {  	s15 =	simm.s32 $0x6;
	s17 =	simm.s32 $0xC;
	[dreg:$0x12] =	wrdreg s16  }
0x25: {  	[dreg:$0x13] =	wrdreg s19;
	s5 =	simm.s32 $0xD840;
	s6 =	simm.s32 $0xEC40  }
0x26: {  	v1 =	vimm.f32 $0.0e+00;
	v0 =	vmov s18;
	s7 =	simm.s32 $0x1;
	s10 =	simm.s32 $0x7;
	s16 =	simm.s32 $0xB  }
.LBB2_1:
0x27: {  	s19 =	simm.s32 $0x100;
	s18 =	simm.s32 $0x0  }
.LBB2_2:
0x28: {  	p0 =	sne.s32 s19, $0x3F00;
	[tilespmem:s18+$0x11470] =	vst v1;
	s20 =	smov.u32 s19;
	s19 =	sadd.s32 $0x100, s19  }
.Ltmp0:
0x29: {  	[tilespmem:s18+$0x11460] =	vst v1;
	(pc) =	sbr.rel @p0 .LBB2_2-.Ltmp0, $3  }
0x2a: {  	[tilespmem:s18+$0x11440] =	vst v1  }
0x2b: {  	[tilespmem:s18+$0x11450] =	vst v1;
	_ =	sdelay $0x1  }
0x2c: {  	s18 =	sshra.s32 s20, $0x2  }
0x2d: {  	[tilespmem:s18+$0x11470] =	vst v1  }
0x2e: {  	[tilespmem:s18+$0x11460] =	vst v1  }
0x2f: {  	[tilespmem:s18+$0x11440] =	vst v1  }
0x30: {  	[tilespmem:s18+$0x11450] =	vst v1;
	s19 =	rddreg [dreg:$0xe]  }
0x31: {  	[spmem:s19] =	stream.linear.scatter [tilespmem:s29], [sflag:$0xD], $0x1000, $0x38;
	[tilespmem:$0x1C440] =	vst v63  }
0x32: {  	_ =	swait.ge [sflag:s30], $0x1000  }
0x33: {  	[sflag:s30] =	ssyncset.done $0x0  }
0x34: {  	s20 =	rddreg [dreg:$0xf];
	[sflag:s30] =	ssyncadd.s32 $0xFFFFF000  }
0x35: {  	[spmem:s20] =	stream.linear.scatter [tilespmem:s29], [sflag:$0xD], $0x1000, $0x38;
	[tilespmem:$0x1C440] =	vst v63  }
0x36: {  	_ =	swait.ge [sflag:s30], $0x1000  }
0x37: {  	[sflag:s30] =	ssyncset.done $0x0  }
0x38: {  	s19 =	rddreg [dreg:$0x10];
	[sflag:s30] =	ssyncadd.s32 $0xFFFFF000  }
0x39: {  	[spmem:s19] =	stream.linear.scatter [tilespmem:s29], [sflag:$0xD], $0x1000, $0x38;
	[tilespmem:$0x1C440] =	vst v63  }
0x3a: {  	_ =	swait.ge [sflag:s30], $0x1000  }
0x3b: {  	[sflag:s30] =	ssyncset.done $0x0  }
0x3c: {  	s20 =	rddreg [dreg:$0x11];
	[sflag:s30] =	ssyncadd.s32 $0xFFFFF000  }
0x3d: {  	[spmem:s20] =	stream.linear.scatter [tilespmem:s29], [sflag:$0xD], $0x1000, $0x38;
	[tilespmem:$0x1C440] =	vst v63  }
0x3e: {  	_ =	swait.ge [sflag:s30], $0x1000  }
0x3f: {  	[sflag:s30] =	ssyncset.done $0x0  }
0x40: {  	s19 =	rddreg [dreg:$0x12];
	[sflag:s30] =	ssyncadd.s32 $0xFFFFF000  }
0x41: {  	[spmem:s19] =	stream.linear.scatter [tilespmem:s29], [sflag:$0xD], $0x1000, $0x38;
	[tilespmem:$0x1C440] =	vst v63  }
0x42: {  	_ =	swait.ge [sflag:s30], $0x1000  }
0x43: {  	[sflag:s30] =	ssyncset.done $0x0  }
0x44: {  	s20 =	rddreg [dreg:$0x13];
	[sflag:s30] =	ssyncadd.s32 $0xFFFFF000  }
0x45: {  	[spmem:s20] =	stream.linear.scatter [tilespmem:s29], [sflag:$0xD], $0x1000, $0x38;
	[tilespmem:$0x1C440] =	vst v63  }
0x46: {  	_ =	swait.ge [sflag:s30], $0x1000  }
0x47: {  	[sflag:s30] =	ssyncset.done $0x0  }
0x48: {  	[sflag:s30] =	ssyncadd.s32 $0xFFFFF000  }
0x49: {  	[spmem:s21] =	stream.linear.scatter [tilespmem:s29], [sflag:$0xD], $0x1000, $0x38;
	[tilespmem:$0x1C440] =	vst v63  }
0x4a: {  	_ =	swait.ge [sflag:s30], $0x1000  }
0x4b: {  	[sflag:s30] =	ssyncset.done $0x0  }
0x4c: {  	[sflag:s30] =	ssyncadd.s32 $0xFFFFF000  }
0x4d: {  	[spmem:s22] =	stream.linear.scatter [tilespmem:s29], [sflag:$0xD], $0x1000, $0x38;
	[tilespmem:$0x1C440] =	vst v63  }
0x4e: {  	_ =	swait.ge [sflag:s30], $0x1000  }
0x4f: {  	[sflag:s30] =	ssyncset.done $0x0  }
0x50: {  	[sflag:s30] =	ssyncadd.s32 $0xFFFFF000  }
0x51: {  	[spmem:s23] =	stream.linear.scatter [tilespmem:s29], [sflag:$0xD], $0x1000, $0x38;
	[tilespmem:$0x1C440] =	vst v63  }
0x52: {  	_ =	swait.ge [sflag:s30], $0x1000  }
0x53: {  	[sflag:s30] =	ssyncset.done $0x0  }
0x54: {  	[sflag:s30] =	ssyncadd.s32 $0xFFFFF000  }
0x55: {  	[spmem:s24] =	stream.linear.scatter [tilespmem:s29], [sflag:$0xD], $0x1000, $0x38;
	[tilespmem:$0x1C440] =	vst v63  }
0x56: {  	_ =	swait.ge [sflag:s30], $0x1000  }
0x57: {  	[sflag:s30] =	ssyncset.done $0x0  }
0x58: {  	[sflag:s30] =	ssyncadd.s32 $0xFFFFF000  }
0x59: {  	[bflag:$0x0] =	sbarrier.arrive $0xFFFF  }
0x5a: {  	s18 =	simm.s32 $0x0;
	s19 =	rddreg [dreg:$0x14]  }
0x5b: {  	[tilespmem:s18], [sflag:$0xD] =	stream.linear.gather [hbm4b:s19+s18], $0x4E20, $0x38;
	[tilespmem:$0x1C440] =	vst v63  }
0x5c: {  	_ =	swait.ge [sflag:s30], $0x4E20  }
0x5d: {  	[sflag:s30] =	ssyncset.done $0x0  }
0x5e: {  	s20 =	simm.s32 $0x4E20;
	s19 =	rddreg [dreg:$0x15];
	[sflag:s30] =	ssyncadd.s32 $0xFFFFB1E0  }
0x5f: {  	[tilespmem:s20], [sflag:$0xD] =	stream.linear.gather [hbm4b:s19+s18], $0x4E20, $0x38;
	[tilespmem:$0x1C440] =	vst v63  }
0x60: {  	_ =	swait.ge [sflag:s30], $0x4E20  }
0x61: {  	[sflag:s30] =	ssyncset.done $0x0  }
0x62: {  	s18 =	simm.s32 $0x0;
	[sflag:s30] =	ssyncadd.s32 $0xFFFFB1E0  }
0x63: {  	v4 =	vld [tilespmem:s18+$0x0]  }
0x64: {  	v5 =	vld [tilespmem:s18+$0x10]  }
0x65: {  	v3 =	vld [tilespmem:s18+$0x20]  }
0x66: {  	s19 =	simm.s32 $0x140;
	v2 =	vld [tilespmem:s18+$0x30]  }
.LBB2_4:
0x67: {  	p0 =	sne.s32 s19, $0x13740;
	v6 =	vld [tilespmem:s18+$0x40]  }
0x68: {  	v4 =	vshll.u32 v4, $0x1  }
0x69: {  	v4 =	vor.u32 v0, v4;
	v5 =	vshll.u32 v5, $0x1  }
.Ltmp1:
0x6a: {  	s20 =	sshra.s32 s19, $0x2;
	[tilespmem:s18+$0x0] =	vst v4;
	v5 =	vor.u32 v0, v5;
	v3 =	vshll.u32 v3, $0x1;
	(pc) =	sbr.rel @p0 .LBB2_4-.Ltmp1, $4  }
0x6b: {  	v4 =	vld [tilespmem:s20+$0x0];
	[tilespmem:s18+$0x10] =	vst v5;
	v3 =	vor.u32 v0, v3;
	v2 =	vshll.u32 v2, $0x1  }
0x6c: {  	v5 =	vld [tilespmem:s20+$0x10];
	[tilespmem:s18+$0x20] =	vst v3;
	v2 =	vor.u32 v0, v2;
	v6 =	vshll.u32 v6, $0x1  }
0x6d: {  	v3 =	vld [tilespmem:s20+$0x20];
	[tilespmem:s18+$0x30] =	vst v2;
	v6 =	vor.u32 v0, v6  }
0x6e: {  	s19 =	sadd.s32 $0x140, s19;
	v2 =	vld [tilespmem:s20+$0x30];
	[tilespmem:s18+$0x40] =	vst v6;
	s18 =	smov.u32 s20  }
0x6f: {  	v6 =	vld [tilespmem:s18+$0x40]  }
0x70: {  	v4 =	vshll.u32 v4, $0x1  }
0x71: {  	v4 =	vor.u32 v0, v4;
	v5 =	vshll.u32 v5, $0x1  }
0x72: {  	[tilespmem:s18+$0x0] =	vst v4;
	v63 =	vor.u32 v0, v5;
	v3 =	vshll.u32 v3, $0x1  }
0x73: {  	[tilespmem:s18+$0x10] =	vst v63;
	v3 =	vor.u32 v0, v3;
	v2 =	vshll.u32 v2, $0x1  }
0x74: {  	[tilespmem:s18+$0x20] =	vst v3;
	v2 =	vor.u32 v0, v2;
	v3 =	vshll.u32 v6, $0x1  }
0x75: {  	[tilespmem:s18+$0x30] =	vst v2;
	v2 =	vor.u32 v0, v3  }
0x76: {  	s19 =	simm.s32 $0x0;
	[tilespmem:s18+$0x40] =	vst v2  }
0x77: {  	[tilespmem:s0], [sflag:$0x1] =	stream.indirect.gather [hbm4b:s1+s11], $0x40, s19, s11, $0xb8;
	[tilespmem:$0x1C440] =	vst v63  }
0x78: {  	_ = 	snop  }
0x79: {  	[tilespmem:s3], [sflag:$0x2] =	stream.indirect.gather [hbm4b:s1+s11], $0x40, s11, s11, $0xb8;
	[tilespmem:$0x1C440] =	vst v63  }
0x7a: {  	s20 =	simm.s32 $0xA0  }
0x7b: {  	[tilespmem:s4], [sflag:$0x3] =	stream.indirect.gather [hbm4b:s1+s11], $0x40, s20, s11, $0xb8;
	[tilespmem:$0x1C440] =	vst v63  }
0x7c: {  	s19 =	simm.s32 $0xF0  }
0x7d: {  	[tilespmem:s5], [sflag:$0x4] =	stream.indirect.gather [hbm4b:s1+s11], $0x40, s19, s11, $0xb8;
	[tilespmem:$0x1C440] =	vst v63  }
0x7e: {  	s20 =	simm.s32 $0x140  }
0x7f: {  	[tilespmem:s6], [sflag:$0x5] =	stream.indirect.gather [hbm4b:s1+s11], $0x40, s20, s11, $0xb8;
	[tilespmem:$0x1C440] =	vst v63  }
0x80: {  	_ =	swait.ge [sflag:s7], $0x1400  }
0x81: {  	[sflag:s7] =	ssyncset.done $0x0  }
0x82: {  	s19 =	simm.s32 $0x4E20;
	[sflag:s7] =	ssyncadd.s32 $0xFFFFEC00  }
0x83: {  	[spmem:s12] =	stream.indirect.scatter.add.f32 [tilespmem:s0], [sflag:$0x7], $0x40, s19, s11, $0xb8;
	[tilespmem:$0x1C440] =	vst v63  }
0x84: {  	s20 =	simm.s32 $0x190  }
0x85: {  	[tilespmem:s8], [sflag:$0x6] =	stream.indirect.gather [hbm4b:s1+s11], $0x40, s20, s11, $0xb8;
	[tilespmem:$0x1C440] =	vst v63  }
0x86: {  	_ =	swait.ge [sflag:s9], $0x1400  }
0x87: {  	[sflag:s9] =	ssyncset.done $0x0  }
0x88: {  	s19 =	simm.s32 $0x4E70;
	[sflag:s9] =	ssyncadd.s32 $0xFFFFEC00  }
0x89: {  	[spmem:s12] =	stream.indirect.scatter.add.f32 [tilespmem:s3], [sflag:$0x8], $0x40, s19, s11, $0xb8;
	[tilespmem:$0x1C440] =	vst v63  }
0x8a: {  	_ =	swait.ge [sflag:s10], $0x1400  }
0x8b: {  	[sflag:s10] =	ssyncset.done $0x0  }
0x8c: {  	s20 =	simm.s32 $0x1E0;
	[sflag:s10] =	ssyncadd.s32 $0xFFFFEC00  }
0x8d: {  	[tilespmem:s0], [sflag:$0x1] =	stream.indirect.gather [hbm4b:s1+s11], $0x40, s20, s11, $0xb8;
	[tilespmem:$0x1C440] =	vst v63  }
0x8e: {  	_ =	swait.ge [sflag:s13], $0x1400  }
0x8f: {  	[sflag:s13] =	ssyncset.done $0x0  }
0x90: {  	s19 =	simm.s32 $0x4EC0;
	[sflag:s13] =	ssyncadd.s32 $0xFFFFEC00  }
0x91: {  	[spmem:s12] =	stream.indirect.scatter.add.f32 [tilespmem:s4], [sflag:$0x9], $0x40, s19, s11, $0xb8;
	[tilespmem:$0x1C440] =	vst v63  }
0x92: {  	_ =	swait.ge [sflag:s14], $0x1400  }
0x93: {  	[sflag:s14] =	ssyncset.done $0x0  }
0x94: {  	s20 =	simm.s32 $0x230;
	[sflag:s14] =	ssyncadd.s32 $0xFFFFEC00  }
0x95: {  	[tilespmem:s3], [sflag:$0x2] =	stream.indirect.gather [hbm4b:s1+s11], $0x40, s20, s11, $0xb8;
	[tilespmem:$0x1C440] =	vst v63  }
0x96: {  	_ =	swait.ge [sflag:s31], $0x1400  }
0x97: {  	[sflag:s31] =	ssyncset.done $0x0  }
0x98: {  	s19 =	simm.s32 $0x4F10;
	[sflag:s31] =	ssyncadd.s32 $0xFFFFEC00  }
0x99: {  	[spmem:s12] =	stream.indirect.scatter.add.f32 [tilespmem:s5], [sflag:$0xA], $0x40, s19, s11, $0xb8;
	[tilespmem:$0x1C440] =	vst v63  }
0x9a: {  	_ =	swait.ge [sflag:s25], $0x1400  }
0x9b: {  	[sflag:s25] =	ssyncset.done $0x0  }
0x9c: {  	s20 =	simm.s32 $0x280;
	[sflag:s25] =	ssyncadd.s32 $0xFFFFEC00  }
0x9d: {  	[tilespmem:s4], [sflag:$0x3] =	stream.indirect.gather [hbm4b:s1+s11], $0x40, s20, s11, $0xb8;
	[tilespmem:$0x1C440] =	vst v63  }
0x9e: {  	_ =	swait.ge [sflag:s26], $0x1400  }
0x9f: {  	[sflag:s26] =	ssyncset.done $0x0  }
0xa0: {  	s19 =	simm.s32 $0x4F60;
	[sflag:s26] =	ssyncadd.s32 $0xFFFFEC00  }
0xa1: {  	[spmem:s12] =	stream.indirect.scatter.add.f32 [tilespmem:s6], [sflag:$0xB], $0x40, s19, s11, $0xb8;
	[tilespmem:$0x1C440] =	vst v63  }
0xa2: {  	_ =	swait.ge [sflag:s28], $0x1400  }
0xa3: {  	[sflag:s28] =	ssyncset.done $0x0  }
0xa4: {  	s20 =	simm.s32 $0x2D0;
	[sflag:s28] =	ssyncadd.s32 $0xFFFFEC00  }
0xa5: {  	[tilespmem:s5], [sflag:$0x4] =	stream.indirect.gather [hbm4b:s1+s11], $0x40, s20, s11, $0xb8;
	[tilespmem:$0x1C440] =	vst v63  }
0xa6: {  	_ =	swait.ge [sflag:s15], $0x1400  }
0xa7: {  	[sflag:s15] =	ssyncset.done $0x0  }
0xa8: {  	s19 =	simm.s32 $0x4FB0;
	[sflag:s15] =	ssyncadd.s32 $0xFFFFEC00  }
0xa9: {  	[spmem:s12] =	stream.indirect.scatter.add.f32 [tilespmem:s8], [sflag:$0xC], $0x40, s19, s11, $0xb8;
	[tilespmem:$0x1C440] =	vst v63  }
0xaa: {  	_ =	swait.ge [sflag:s16], $0x1400  }
0xab: {  	[sflag:s16] =	ssyncset.done $0x0  }
0xac: {  	s20 =	simm.s32 $0x320;
	[sflag:s16] =	ssyncadd.s32 $0xFFFFEC00  }
0xad: {  	[tilespmem:s6], [sflag:$0x5] =	stream.indirect.gather [hbm4b:s1+s11], $0x40, s20, s11, $0xb8;
	[tilespmem:$0x1C440] =	vst v63  }
0xae: {  	_ =	swait.ge [sflag:s7], $0x1400  }
0xaf: {  	[sflag:s7] =	ssyncset.done $0x0  }
0xb0: {  	s19 =	simm.s32 $0x5000;
	[sflag:s7] =	ssyncadd.s32 $0xFFFFEC00  }
0xb1: {  	[spmem:s12] =	stream.indirect.scatter.add.f32 [tilespmem:s0], [sflag:$0x7], $0x40, s19, s11, $0xb8;
	[tilespmem:$0x1C440] =	vst v63  }
0xb2: {  	_ =	swait.ge [sflag:s17], $0x1400  }
0xb3: {  	[sflag:s17] =	ssyncset.done $0x0  }
0xb4: {  	s20 =	simm.s32 $0x370;
	[sflag:s17] =	ssyncadd.s32 $0xFFFFEC00  }
0xb5: {  	[tilespmem:s8], [sflag:$0x6] =	stream.indirect.gather [hbm4b:s1+s11], $0x40, s20, s11, $0xb8;
	[tilespmem:$0x1C440] =	vst v63  }
0xb6: {  	_ =	swait.ge [sflag:s9], $0x1400  }
0xb7: {  	[sflag:s9] =	ssyncset.done $0x0  }
0xb8: {  	s19 =	simm.s32 $0x5050;
	[sflag:s9] =	ssyncadd.s32 $0xFFFFEC00  }
0xb9: {  	[spmem:s12] =	stream.indirect.scatter.add.f32 [tilespmem:s3], [sflag:$0x8], $0x40, s19, s11, $0xb8;
	[tilespmem:$0x1C440] =	vst v63  }
0xba: {  	_ =	swait.ge [sflag:s10], $0x1400  }
0xbb: {  	[sflag:s10] =	ssyncset.done $0x0  }
0xbc: {  	s20 =	simm.s32 $0x3C0;
	[sflag:s10] =	ssyncadd.s32 $0xFFFFEC00  }
0xbd: {  	[tilespmem:s0], [sflag:$0x1] =	stream.indirect.gather [hbm4b:s1+s11], $0x40, s20, s11, $0xb8;
	[tilespmem:$0x1C440] =	vst v63  }
0xbe: {  	_ =	swait.ge [sflag:s13], $0x1400  }
0xbf: {  	[sflag:s13] =	ssyncset.done $0x0  }
0xc0: {  	s19 =	simm.s32 $0x50A0;
	[sflag:s13] =	ssyncadd.s32 $0xFFFFEC00  }
0xc1: {  	[spmem:s12] =	stream.indirect.scatter.add.f32 [tilespmem:s4], [sflag:$0x9], $0x40, s19, s11, $0xb8;
	[tilespmem:$0x1C440] =	vst v63  }
0xc2: {  	_ =	swait.ge [sflag:s14], $0x1400  }
0xc3: {  	[sflag:s14] =	ssyncset.done $0x0  }
0xc4: {  	s20 =	simm.s32 $0x410;
	[sflag:s14] =	ssyncadd.s32 $0xFFFFEC00  }
0xc5: {  	[tilespmem:s3], [sflag:$0x2] =	stream.indirect.gather [hbm4b:s1+s11], $0x40, s20, s11, $0xb8;
	[tilespmem:$0x1C440] =	vst v63  }
0xc6: {  	_ =	swait.ge [sflag:s31], $0x1400  }
0xc7: {  	[sflag:s31] =	ssyncset.done $0x0  }
0xc8: {  	s19 =	simm.s32 $0x50F0;
	[sflag:s31] =	ssyncadd.s32 $0xFFFFEC00  }
0xc9: {  	[spmem:s12] =	stream.indirect.scatter.add.f32 [tilespmem:s5], [sflag:$0xA], $0x40, s19, s11, $0xb8;
	[tilespmem:$0x1C440] =	vst v63  }
0xca: {  	_ =	swait.ge [sflag:s25], $0x1400  }
0xcb: {  	[sflag:s25] =	ssyncset.done $0x0  }
0xcc: {  	s20 =	simm.s32 $0x460;
	[sflag:s25] =	ssyncadd.s32 $0xFFFFEC00  }
0xcd: {  	[tilespmem:s4], [sflag:$0x3] =	stream.indirect.gather [hbm4b:s1+s11], $0x40, s20, s11, $0xb8;
	[tilespmem:$0x1C440] =	vst v63  }
0xce: {  	_ =	swait.ge [sflag:s26], $0x1400  }
0xcf: {  	[sflag:s26] =	ssyncset.done $0x0  }
0xd0: {  	s19 =	simm.s32 $0x5140;
	[sflag:s26] =	ssyncadd.s32 $0xFFFFEC00  }
0xd1: {  	[spmem:s12] =	stream.indirect.scatter.add.f32 [tilespmem:s6], [sflag:$0xB], $0x40, s19, s11, $0xb8;
	[tilespmem:$0x1C440] =	vst v63  }
0xd2: {  	_ =	swait.ge [sflag:s28], $0x1400  }
0xd3: {  	[sflag:s28] =	ssyncset.done $0x0  }
0xd4: {  	s20 =	simm.s32 $0x4B0;
	[sflag:s28] =	ssyncadd.s32 $0xFFFFEC00  }
0xd5: {  	[tilespmem:s5], [sflag:$0x4] =	stream.indirect.gather [hbm4b:s1+s11], $0x40, s20, s11, $0xb8;
	[tilespmem:$0x1C440] =	vst v63  }
0xd6: {  	_ =	swait.ge [sflag:s15], $0x1400  }
0xd7: {  	[sflag:s15] =	ssyncset.done $0x0  }
0xd8: {  	s18 =	simm.s32 $0x780;
	s19 =	simm.s32 $0x5190;
	[sflag:s15] =	ssyncadd.s32 $0xFFFFEC00  }
.LBB2_6:
0xd9: {  	[spmem:s12] =	stream.indirect.scatter.add.f32 [tilespmem:s8], [sflag:$0xC], $0x40, s19, s11, $0xb8;
	[tilespmem:$0x1C440] =	vst v63  }
0xda: {  	s19 =	smov.u32 s18  }
0xdb: {  	p0 =	sne.s32 s18, $0x12480;
	s18 =	sadd.s32 $0x780, s18;
	_ =	swait.ge [sflag:s16], $0x1400  }
0xdc: {  	s19 =	sshra.s32 s19, $0x2;
	[sflag:s16] =	ssyncset.done $0x0  }
0xdd: {  	s20 =	sadd.s32 $0x320, s19;
	[sflag:s16] =	ssyncadd.s32 $0xFFFFEC00  }
0xde: {  	[tilespmem:s6], [sflag:$0x5] =	stream.indirect.gather [hbm4b:s1+s11], $0x40, s20, s11, $0xb8;
	[tilespmem:$0x1C440] =	vst v63  }
0xdf: {  	_ =	swait.ge [sflag:s7], $0x1400  }
0xe0: {  	[sflag:s7] =	ssyncset.done $0x0  }
0xe1: {  	s20 =	sadd.s32 $0x5000, s19;
	[sflag:s7] =	ssyncadd.s32 $0xFFFFEC00  }
0xe2: {  	[spmem:s12] =	stream.indirect.scatter.add.f32 [tilespmem:s0], [sflag:$0x7], $0x40, s20, s11, $0xb8;
	[tilespmem:$0x1C440] =	vst v63  }
0xe3: {  	_ =	swait.ge [sflag:s17], $0x1400  }
0xe4: {  	[sflag:s17] =	ssyncset.done $0x0  }
0xe5: {  	s20 =	sadd.s32 $0x370, s19;
	[sflag:s17] =	ssyncadd.s32 $0xFFFFEC00  }
0xe6: {  	[tilespmem:s8], [sflag:$0x6] =	stream.indirect.gather [hbm4b:s1+s11], $0x40, s20, s11, $0xb8;
	[tilespmem:$0x1C440] =	vst v63  }
0xe7: {  	_ =	swait.ge [sflag:s9], $0x1400  }
0xe8: {  	[sflag:s9] =	ssyncset.done $0x0  }
0xe9: {  	s20 =	sadd.s32 $0x5050, s19;
	[sflag:s9] =	ssyncadd.s32 $0xFFFFEC00  }
0xea: {  	[spmem:s12] =	stream.indirect.scatter.add.f32 [tilespmem:s3], [sflag:$0x8], $0x40, s20, s11, $0xb8;
	[tilespmem:$0x1C440] =	vst v63  }
0xeb: {  	_ =	swait.ge [sflag:s10], $0x1400  }
0xec: {  	[sflag:s10] =	ssyncset.done $0x0  }
0xed: {  	s20 =	sadd.s32 $0x3C0, s19;
	[sflag:s10] =	ssyncadd.s32 $0xFFFFEC00  }
0xee: {  	[tilespmem:s0], [sflag:$0x1] =	stream.indirect.gather [hbm4b:s1+s11], $0x40, s20, s11, $0xb8;
	[tilespmem:$0x1C440] =	vst v63  }
0xef: {  	_ =	swait.ge [sflag:s13], $0x1400  }
0xf0: {  	[sflag:s13] =	ssyncset.done $0x0  }
0xf1: {  	s20 =	sadd.s32 $0x50A0, s19;
	[sflag:s13] =	ssyncadd.s32 $0xFFFFEC00  }
0xf2: {  	[spmem:s12] =	stream.indirect.scatter.add.f32 [tilespmem:s4], [sflag:$0x9], $0x40, s20, s11, $0xb8;
	[tilespmem:$0x1C440] =	vst v63  }
0xf3: {  	_ =	swait.ge [sflag:s14], $0x1400  }
0xf4: {  	[sflag:s14] =	ssyncset.done $0x0  }
0xf5: {  	s20 =	sadd.s32 $0x410, s19;
	[sflag:s14] =	ssyncadd.s32 $0xFFFFEC00  }
0xf6: {  	[tilespmem:s3], [sflag:$0x2] =	stream.indirect.gather [hbm4b:s1+s11], $0x40, s20, s11, $0xb8;
	[tilespmem:$0x1C440] =	vst v63  }
0xf7: {  	_ =	swait.ge [sflag:s31], $0x1400  }
0xf8: {  	[sflag:s31] =	ssyncset.done $0x0  }
0xf9: {  	s20 =	sadd.s32 $0x50F0, s19;
	[sflag:s31] =	ssyncadd.s32 $0xFFFFEC00  }
0xfa: {  	[spmem:s12] =	stream.indirect.scatter.add.f32 [tilespmem:s5], [sflag:$0xA], $0x40, s20, s11, $0xb8;
	[tilespmem:$0x1C440] =	vst v63  }
0xfb: {  	_ =	swait.ge [sflag:s25], $0x1400  }
0xfc: {  	[sflag:s25] =	ssyncset.done $0x0  }
0xfd: {  	s20 =	sadd.s32 $0x460, s19;
	[sflag:s25] =	ssyncadd.s32 $0xFFFFEC00  }
0xfe: {  	[tilespmem:s4], [sflag:$0x3] =	stream.indirect.gather [hbm4b:s1+s11], $0x40, s20, s11, $0xb8;
	[tilespmem:$0x1C440] =	vst v63  }
0xff: {  	_ =	swait.ge [sflag:s26], $0x1400  }
0x100: {  	[sflag:s26] =	ssyncset.done $0x0  }
0x101: {  	s20 =	sadd.s32 $0x5140, s19;
	[sflag:s26] =	ssyncadd.s32 $0xFFFFEC00  }
0x102: {  	[spmem:s12] =	stream.indirect.scatter.add.f32 [tilespmem:s6], [sflag:$0xB], $0x40, s20, s11, $0xb8;
	[tilespmem:$0x1C440] =	vst v63  }
0x103: {  	_ =	swait.ge [sflag:s28], $0x1400  }
0x104: {  	[sflag:s28] =	ssyncset.done $0x0  }
.Ltmp2:
0x105: {  	s20 =	sadd.s32 $0x4B0, s19;
	[sflag:s28] =	ssyncadd.s32 $0xFFFFEC00;
	(pc) =	sbr.rel @p0 .LBB2_6-.Ltmp2, $4  }
0x106: {  	[tilespmem:s5], [sflag:$0x4] =	stream.indirect.gather [hbm4b:s1+s11], $0x40, s20, s11, $0xb8;
	[tilespmem:$0x1C440] =	vst v63  }
0x107: {  	_ =	swait.ge [sflag:s15], $0x1400  }
0x108: {  	[sflag:s15] =	ssyncset.done $0x0  }
0x109: {  	s19 =	sadd.s32 $0x5190, s19;
	[sflag:s15] =	ssyncadd.s32 $0xFFFFEC00  }
0x10a: {  	[spmem:s12] =	stream.indirect.scatter.add.f32 [tilespmem:s8], [sflag:$0xC], $0x40, s19, s11, $0xb8;
	[tilespmem:$0x1C440] =	vst v63  }
0x10b: {  	_ =	swait.ge [sflag:s7], $0x1400  }
0x10c: {  	[sflag:s7] =	ssyncset.done $0x0  }
0x10d: {  	s18 =	simm.s32 $0x9B00;
	[sflag:s7] =	ssyncadd.s32 $0xFFFFEC00  }
0x10e: {  	[spmem:s12] =	stream.indirect.scatter.add.f32 [tilespmem:s0], [sflag:$0x7], $0x40, s18, s11, $0xb8;
	[tilespmem:$0x1C440] =	vst v63  }
0x10f: {  	_ =	swait.ge [sflag:s9], $0x1400  }
0x110: {  	[sflag:s9] =	ssyncset.done $0x0  }
0x111: {  	s20 =	simm.s32 $0x9B50;
	[sflag:s9] =	ssyncadd.s32 $0xFFFFEC00  }
0x112: {  	[spmem:s12] =	stream.indirect.scatter.add.f32 [tilespmem:s3], [sflag:$0x8], $0x40, s20, s11, $0xb8;
	[tilespmem:$0x1C440] =	vst v63  }
0x113: {  	_ =	swait.ge [sflag:s13], $0x1400  }
0x114: {  	[sflag:s13] =	ssyncset.done $0x0  }
0x115: {  	s19 =	simm.s32 $0x9BA0;
	[sflag:s13] =	ssyncadd.s32 $0xFFFFEC00  }
0x116: {  	[spmem:s12] =	stream.indirect.scatter.add.f32 [tilespmem:s4], [sflag:$0x9], $0x40, s19, s11, $0xb8;
	[tilespmem:$0x1C440] =	vst v63  }
0x117: {  	_ =	swait.ge [sflag:s31], $0x1400  }
0x118: {  	[sflag:s31] =	ssyncset.done $0x0  }
0x119: {  	s20 =	simm.s32 $0x9BF0;
	[sflag:s31] =	ssyncadd.s32 $0xFFFFEC00  }
0x11a: {  	[spmem:s12] =	stream.indirect.scatter.add.f32 [tilespmem:s5], [sflag:$0xA], $0x40, s20, s11, $0xb8;
	[tilespmem:$0x1C440] =	vst v63  }
0x11b: {  	_ =	swait.ge [sflag:s16], $0x1400  }
0x11c: {  	[sflag:s16] =	ssyncset.done $0x0  }
0x11d: {  	[sflag:s16] =	ssyncadd.s32 $0xFFFFEC00  }
0x11e: {  	_ =	swait.ge [sflag:s17], $0x1400  }
0x11f: {  	[sflag:s17] =	ssyncset.done $0x0  }
0x120: {  	[sflag:s17] =	ssyncadd.s32 $0xFFFFEC00  }
0x121: {  	_ =	swait.ge [sflag:s10], $0x1400  }
0x122: {  	[sflag:s10] =	ssyncset.done $0x0  }
0x123: {  	[sflag:s10] =	ssyncadd.s32 $0xFFFFEC00  }
0x124: {  	_ =	swait.ge [sflag:s14], $0x1400  }
0x125: {  	[sflag:s14] =	ssyncset.done $0x0  }
0x126: {  	[sflag:s14] =	ssyncadd.s32 $0xFFFFEC00  }
0x127: {  	_ =	swait.ge [sflag:s25], $0x1400  }
0x128: {  	[sflag:s25] =	ssyncset.done $0x0  }
0x129: {  	[sflag:s25] =	ssyncadd.s32 $0xFFFFEC00  }
0x12a: {  	_ =	swait.ge [sflag:s28], $0x1400  }
0x12b: {  	[sflag:s28] =	ssyncset.done $0x0  }
0x12c: {  	[sflag:s28] =	ssyncadd.s32 $0xFFFFEC00  }
0x12d: {  	s19 =	stileid.u32;
	[bflag:$0x0] =	sbarrier.arrive $0xFFFF  }
0x12e: {  	s18 =	sshll.u32 s19, $0x6;
	s20 =	rddreg [dreg:$0xe]  }
0x12f: {  	s18 =	sor.u32 $0x1C0D, s18;
	s19 =	sshrl.u32 s20, $0x3;
	s20 =	rddreg [dreg:$0x4]  }
0x130: {  	[hbm:s20], [sflag:s18] =	dma.local [spmem:s19], $0x200  }
0x131: {  	_ =	swait.ge [sflag:s30], $0x200  }
0x132: {  	[sflag:s30] =	ssyncset.done $0x0;
	s20 =	rddreg [dreg:$0xf]  }
0x133: {  	[sflag:s30] =	ssyncadd.s32 $0xFFFFFE00;
	s19 =	sshrl.u32 s20, $0x3;
	s20 =	rddreg [dreg:$0x5]  }
0x134: {  	[hbm:s20], [sflag:s18] =	dma.local [spmem:s19], $0x200  }
0x135: {  	_ =	swait.ge [sflag:s30], $0x200  }
0x136: {  	[sflag:s30] =	ssyncset.done $0x0;
	s20 =	rddreg [dreg:$0x10]  }
0x137: {  	[sflag:s30] =	ssyncadd.s32 $0xFFFFFE00;
	s19 =	sshrl.u32 s20, $0x3;
	s20 =	rddreg [dreg:$0x6]  }
0x138: {  	[hbm:s20], [sflag:s18] =	dma.local [spmem:s19], $0x200  }
0x139: {  	_ =	swait.ge [sflag:s30], $0x200  }
0x13a: {  	[sflag:s30] =	ssyncset.done $0x0;
	s20 =	rddreg [dreg:$0x11]  }
0x13b: {  	[sflag:s30] =	ssyncadd.s32 $0xFFFFFE00;
	s19 =	sshrl.u32 s20, $0x3;
	s20 =	rddreg [dreg:$0x7]  }
0x13c: {  	[hbm:s20], [sflag:s18] =	dma.local [spmem:s19], $0x200  }
0x13d: {  	_ =	swait.ge [sflag:s30], $0x200  }
0x13e: {  	[sflag:s30] =	ssyncset.done $0x0;
	s20 =	rddreg [dreg:$0x12]  }
0x13f: {  	[sflag:s30] =	ssyncadd.s32 $0xFFFFFE00;
	s19 =	sshrl.u32 s20, $0x3;
	s20 =	rddreg [dreg:$0x8]  }
0x140: {  	[hbm:s20], [sflag:s18] =	dma.local [spmem:s19], $0x200  }
0x141: {  	_ =	swait.ge [sflag:s30], $0x200  }
0x142: {  	[sflag:s30] =	ssyncset.done $0x0;
	s20 =	rddreg [dreg:$0x13]  }
0x143: {  	[sflag:s30] =	ssyncadd.s32 $0xFFFFFE00;
	s19 =	sshrl.u32 s20, $0x3;
	s20 =	rddreg [dreg:$0x9]  }
0x144: {  	[hbm:s20], [sflag:s18] =	dma.local [spmem:s19], $0x200  }
0x145: {  	_ =	swait.ge [sflag:s30], $0x200  }
0x146: {  	[sflag:s30] =	ssyncset.done $0x0  }
0x147: {  	s19 =	sshrl.u32 s21, $0x3;
	s20 =	rddreg [dreg:$0xa];
	[sflag:s30] =	ssyncadd.s32 $0xFFFFFE00  }
0x148: {  	[hbm:s20], [sflag:s18] =	dma.local [spmem:s19], $0x200  }
0x149: {  	_ =	swait.ge [sflag:s30], $0x200  }
0x14a: {  	[sflag:s30] =	ssyncset.done $0x0  }
0x14b: {  	s19 =	sshrl.u32 s22, $0x3;
	s20 =	rddreg [dreg:$0xb];
	[sflag:s30] =	ssyncadd.s32 $0xFFFFFE00  }
0x14c: {  	[hbm:s20], [sflag:s18] =	dma.local [spmem:s19], $0x200  }
0x14d: {  	_ =	swait.ge [sflag:s30], $0x200  }
0x14e: {  	[sflag:s30] =	ssyncset.done $0x0  }
0x14f: {  	s19 =	sshrl.u32 s23, $0x3;
	s20 =	rddreg [dreg:$0xc];
	[sflag:s30] =	ssyncadd.s32 $0xFFFFFE00  }
0x150: {  	[hbm:s20], [sflag:s18] =	dma.local [spmem:s19], $0x200  }
0x151: {  	_ =	swait.ge [sflag:s30], $0x200  }
0x152: {  	[sflag:s30] =	ssyncset.done $0x0  }
0x153: {  	s19 =	sshrl.u32 s24, $0x3;
	s20 =	rddreg [dreg:$0xd];
	[sflag:s30] =	ssyncadd.s32 $0xFFFFFE00  }
0x154: {  	[hbm:s20], [sflag:s18] =	dma.local [spmem:s19], $0x200  }
0x155: {  	_ =	swait.ge [sflag:s30], $0x200  }
0x156: {  	s2 =	sadd.s32 $0x1, s2;
	s20 =	rddreg [dreg:$0x16]  }
0x157: {  	p0 =	sne.s32 s2, s20  }
.Ltmp3:
0x158: {  	_ = 	snop;
	(pc) =	sbr.rel @p0 .LBB2_1-.Ltmp3, $3  }
0x159: {  	_ =	sdelay $0x1  }
0x15a: {  	[sflag:s30] =	ssyncset.done $0x0  }
0x15b: {  	[sflag:s30] =	ssyncadd.s32 $0xFFFFFE00  }
0x15c: {  	_ =	sfence.sel $0x180000  }
0x15d: {  	[bflag:$0x0] =	sbarrier.arrive $0xFFFF  }
0x15e: {  	_ =	strace $0x9000004A  }
0x15f: {  	s0 =	stileid.u32;
	[bflag:$0x2] =	sbarrier.arrive $0xFFFF  }
0x160: {  	p0 =	sne.s32 s0, $0x0;
	s0 =	rddreg [dreg:$0x3]  }
0x161: {  	s0 =	sadd.s32 @!p0 $0x100000, s0  }
0x162: {  	[sflag:s0] =	ssyncadd.tile.s32 @!p0 $0x1;
	_ =	shalt  }
.Lfunc_end2:
_tile_overlayer_lowered:
.L_overlay_start_2:
0x163: {  	(tag) =	ssettag $0x2  }
0x164: {  	s0 =	rddreg [dreg:$0x0];
	s2 =	stileid.u32  }
0x165: {  	s1 =	rddreg [dreg:$0x1];
	p0 =	sne.s32 s2, $0x0  }
0x166: {  	s3 =	rddreg [dreg:$0x2];
	[bflag:$0x3] =	sbarrier.arrive $0xFFFF;
	s2 =	simm.s32 @!p0 $0x1C0D  }
0x167: {  	[timem:s3], [sflag:s2] =	dma.local @!p0 [hbm:s0], s1  }
0x168: {  	s0 =	simm.s32 @!p0 $0xD  }
0x169: {  	_ =	swait.ge @!p0 [sflag:s0], s1  }
0x16a: {  	s1 =	ssub.s32 @!p0 $0x0, s1;
	[sflag:s0] =	ssyncset.done @!p0 $0x0  }
0x16b: {  	[sflag:s0] =	ssyncadd.s32 @!p0 s1  }
0x16c: {  	[bflag:$0x3] =	sbarrier.arrive $0xFFFF  }
0x16d: {  	_ =	shalt  }

// kernel: kernel.7.cloned.1.call-start
scs
__scs_entry_jumppad:
0x0: {  	(pc) =	sbr.rel $0x88, $3  }
0x1: {  	(tag) =	ssettag $0x0;
	lr =	simm.s32 $0x1  }
0x2: {  	[smem:$0x3F99] =	sst lr;
	_ =	strace $0xD0000000  }
0x3: {  	_ = 	snop  }
0x4: {  	_ = 	snop  }
0x5: {  	_ = 	snop  }
0x6: {  	_ = 	snop  }
0x7: {  	_ = 	snop  }
__scs_overlays_trampoline_lowered:
0x8: {  	[smem:$0x3FA8] =	sst s0  }
0x9: {  	[smem:$0x3FA9] =	sst s1  }
0xa: {  	[smem:$0x3FAA] =	sst s2  }
0xb: {  	[smem:$0x3FAB] =	sst s3  }
0xc: {  	[smem:$0x3FAC] =	sst s4  }
0xd: {  	[smem:$0x3FAD] =	sst s5  }
0xe: {  	[smem:$0x3FAE] =	sst s6  }
0xf: {  	[smem:$0x3FAF] =	sst s7  }
0x10: {  	[smem:$0x3FB0] =	sst s8  }
0x11: {  	[smem:$0x3FB1] =	sst s9;
	s0 =	simm.s32 @!p0 $0x0  }
0x12: {  	s1 =	sld [smem:$0x3F97];
	s0 =	simm.s32 @p0 $0x1  }
0x13: {  	[smem:$0x3FB2] =	sst s0;
	s0 =	simm.s32 @!p1 $0x0  }
0x14: {  	s2 =	sld [smem:$0x3F96];
	s0 =	simm.s32 @p1 $0x1  }
0x15: {  	[smem:$0x3FB3] =	sst s0;
	s0 =	simm.s32 @!p2 $0x0  }
0x16: {  	s3 =	sld [smem:$0x3FDB];
	s0 =	simm.s32 @p2 $0x1  }
0x17: {  	s4 =	simm.s32 $0x1BF5;
	[smem:$0x3FB5] =	sst s0  }
0x18: {  	s0 =	sld [smem:$0x3F98];
	_ =	swait.ge [sflag:s4], $0x0  }
0x19: {  	s7 =	sld [smem:$0x3F99]  }
0x1a: {  	s8 =	sadd.s32 $0xFFFFE003, lr  }
0x1b: {  	s9 =	sadd.s32 $0xFFFFFEF7, lr;
	s5 =	simm.s32 $0xFFFFFFFF;
	p2 =	slt.u32 s8, $0xFFFFF086  }
0x1c: {  	p1 =	slt.u32 s9, $0xF7A;
	s5 =	simm.s32 @!p2 $0x0  }
0x1d: {  	s5 =	simm.s32 @p1 $0x1;
	p0 =	seq.s32 s7, s2  }
0x1e: {  	s7 =	smul.u32 @!p0 $0xF7A, s2;
	p2 =	seq.s32 @!p0 s5, $0x0  }
0x1f: {  	s9 =	smul.u32 $0xF7A, s1;
	s8 =	simm.s32 @!p0 $0x1BF5;
	p2 =	por !p2, p0  }
0x20: {  	[sflag:s8] =	ssyncset.s32 @!p0 $0xFFFFF086;
	s6 =	sadd.s32 @!p0 s3, s7;
	s7 =	simm.s32 @!p0 $0x108  }
0x21: {  	s3 =	sadd.s32 s3, s9;
	s6 =	sadd.s32 @!p0 $0x88, s6;
	s7 =	simm.s32 @p2 $0x1082  }
0x22: {  	[simem:s7], [sflag:s8] =	dma.local @!p0 [hbm:s6], $0xF7A  }
0x23: {  	s9 =	sor.u32 $0xD0000000, s2;
	s6 =	simm.s32 $0x108;
	_ =	swait.ge @!p0 [sflag:s8], $0x0  }
0x24: {  	s3 =	sadd.s32 $0x88, s3;
	s6 =	simm.s32 @!p1 $0x1082;
	[sflag:s4] =	ssyncset.s32 $0xFFFFF086  }
0x25: {  	[simem:s6], [sflag:s4] =	dma.local [hbm:s3], $0xF7A  }
0x26: {  	[smem:$0x3F99] =	sst s1;
	(tag) =	ssettag s2;
	_ =	strace s9  }
0x27: {  	s1 =	sld [smem:$0x3FA9]  }
0x28: {  	s2 =	sld [smem:$0x3FAA]  }
0x29: {  	s4 =	sld [smem:$0x3FAC]  }
0x2a: {  	p0 =	seq.s32 s5, $0x0;
	s5 =	sld [smem:$0x3FAD]  }
0x2b: {  	s6 =	sld [smem:$0x3FAE]  }
0x2c: {  	s7 =	sld [smem:$0x3FAF]  }
0x2d: {  	s3 =	simm.s32 $0x108;
	s8 =	sld [smem:$0x3FB0]  }
0x2e: {  	s3 =	simm.s32 @!p0 $0x1082;
	s9 =	sld [smem:$0x3FB1]  }
0x2f: {  	lr =	sadd.s32 s0, s3;
	s0 =	sld [smem:$0x3FA8]  }
0x30: {  	s3 =	sld [smem:$0x3FAB]  }
0x31: {  	[smem:$0x3FB4] =	sst s10  }
0x32: {  	s10 =	sld [smem:$0x3FB2];
	_ =	sdelay $0x3  }
0x33: {  	p0 =	seq.s32 s10, $0x1;
	s10 =	sld [smem:$0x3FB4];
	_ =	sdelay $0x3  }
0x34: {  	[smem:$0x3FB4] =	sst s10  }
0x35: {  	s10 =	sld [smem:$0x3FB3];
	_ =	sdelay $0x3  }
0x36: {  	p1 =	seq.s32 s10, $0x1;
	s10 =	sld [smem:$0x3FB4];
	_ =	sdelay $0x3  }
0x37: {  	[smem:$0x3FB4] =	sst s10  }
0x38: {  	s10 =	sld [smem:$0x3FB5]  }
0x39: {  	_ = 	snop;
	(pc) =	sbr.ind lr, $3  }
0x3a: {  	_ = 	snop  }
0x3b: {  	_ = 	snop  }
0x3c: {  	p2 =	seq.s32 s10, $0x1;
	s10 =	sld [smem:$0x3FB4]  }
0x3d: {  	_ =	shalt  }
0x3e: {  	_ =	shalt  }
0x3f: {  	_ =	shalt  }
0x40: {  	_ =	shalt  }
0x41: {  	_ =	shalt  }
0x42: {  	_ =	shalt  }
0x43: {  	_ =	shalt  }
0x44: {  	_ =	shalt  }
0x45: {  	_ =	shalt  }
0x46: {  	_ =	shalt  }
0x47: {  	_ =	shalt  }
0x48: {  	_ =	shalt  }
0x49: {  	_ =	shalt  }
0x4a: {  	_ =	shalt  }
0x4b: {  	_ =	shalt  }
0x4c: {  	_ =	shalt  }
0x4d: {  	_ =	shalt  }
0x4e: {  	_ =	shalt  }
0x4f: {  	_ =	shalt  }
0x50: {  	_ =	shalt  }
0x51: {  	_ =	shalt  }
0x52: {  	_ =	shalt  }
0x53: {  	_ =	shalt  }
0x54: {  	_ =	shalt  }
0x55: {  	_ =	shalt  }
0x56: {  	_ =	shalt  }
0x57: {  	_ =	shalt  }
0x58: {  	_ =	shalt  }
0x59: {  	_ =	shalt  }
0x5a: {  	_ =	shalt  }
0x5b: {  	_ =	shalt  }
0x5c: {  	_ =	shalt  }
0x5d: {  	_ =	shalt  }
0x5e: {  	_ =	shalt  }
0x5f: {  	_ =	shalt  }
0x60: {  	_ =	shalt  }
0x61: {  	_ =	shalt  }
0x62: {  	_ =	shalt  }
0x63: {  	_ =	shalt  }
0x64: {  	_ =	shalt  }
0x65: {  	_ =	shalt  }
0x66: {  	_ =	shalt  }
0x67: {  	_ =	shalt  }
0x68: {  	_ =	shalt  }
0x69: {  	_ =	shalt  }
0x6a: {  	_ =	shalt  }
0x6b: {  	_ =	shalt  }
0x6c: {  	_ =	shalt  }
0x6d: {  	_ =	shalt  }
0x6e: {  	_ =	shalt  }
0x6f: {  	_ =	shalt  }
0x70: {  	_ =	shalt  }
0x71: {  	_ =	shalt  }
0x72: {  	_ =	shalt  }
0x73: {  	_ =	shalt  }
0x74: {  	_ =	shalt  }
0x75: {  	_ =	shalt  }
0x76: {  	_ =	shalt  }
0x77: {  	_ =	shalt  }
0x78: {  	_ =	shalt  }
0x79: {  	_ =	shalt  }
0x7a: {  	_ =	shalt  }
0x7b: {  	_ =	shalt  }
0x7c: {  	_ =	shalt  }
0x7d: {  	_ =	shalt  }
0x7e: {  	_ =	shalt  }
0x7f: {  	_ =	shalt  }
0x80: {  	_ =	shalt  }
0x81: {  	_ =	shalt  }
0x82: {  	_ =	shalt  }
0x83: {  	_ =	shalt  }
0x84: {  	_ =	shalt  }
0x85: {  	_ =	shalt  }
0x86: {  	_ =	shalt  }
0x87: {  	_ =	shalt  }
.Lfunc_end0:
.L_simem_size_0:
called_computation_lowered:
.L_overlay_start_0:
0x88: {  	s2 =	sld [smem:$0x3FD9]  }
0x89: {  	s3 =	sld [smem:$0x3FFE];
	_ =	sdelay $0x1  }
0x8a: {  	s1 =	srdreg.scid  }
0x8b: {  	s0 =	sand.u32 $0x1, s1  }
0x8c: {  	s17 =	sshll.u32 s0, $0xA;
	s2 =	sadd.s32 s3, s2  }
0x8d: {  	s2 =	sadd.s32 s2, s17  }
0x8e: {  	[smem:$0x3FC0] =	sst s2  }
0x8f: {  	_ = 	snop  }
0x90: {  	s2 =	sld [smem:$0x3FD0];
	(tm) =	ssettm $0x1  }
0x91: {  	s18 =	sld [smem:$0x3FFB];
	_ =	sdelay $0x3  }
0x92: {  	_ =	strace s18  }
0x93: {  	s3 =	sld [smem:$0x3FFC];
	_ =	sdelay $0x3  }
0x94: {  	_ =	strace s3  }
0x95: {  	s3 =	sld [smem:$0x3FFD];
	_ =	sdelay $0x3  }
0x96: {  	_ =	strace s3  }
0x97: {  	_ =	strace $0x8FFFFFFF  }
0x98: {  	s19 =	sld [smem:$0x3FDB];
	_ =	sdelay $0x1  }
0x99: {  	s4 =	simm.s32 $_scs_section_size  }
0x9a: {  	s5 =	simm.s32 $_size__tile_overlayer_lowered;
	s6 =	simm.s32 $_tile_overlayer_lowered  }
0x9b: {  	s22 =	simm.s32 $0x1BFF;
	s21 =	sshll.u32 s6, $0x1;
	s3 =	sadd.s32 s4, s19  }
0x9c: {  	s7 =	simm.s32 $0x0;
	s20 =	sshll.u32 s5, $0x1;
	s5 =	sadd.s32 s21, s3  }
0x9d: {  	[timem:s7], [sflag:s22] =	dma.local [hbm:s5], s20  }
0x9e: {  	_ =	swait.ge [sflag:s22], s20  }
0x9f: {  	s4 =	ssub.s32 $0x0, s20;
	[sflag:s22] =	ssyncset.done $0x0  }
0xa0: {  	[sflag:s22] =	ssyncadd.s32 s4;
	_ =	sdelay $0x1  }
0xa1: {  	s23 =	simm.s32 $0x1B8B  }
0xa2: {  	_ =	swait.ge [sflag:s23], $0x1  }
0xa3: {  	[sflag:s23] =	ssyncset.done $0x0  }
0xa4: {  	s25 =	simm.s32 $0x1B8E;
	s24 =	sld [smem:$0x3FFE];
	[sflag:s23] =	ssyncadd.s32 $0xFFFFFFFF  }
0xa5: {  	s26 =	simm.s32 $execute0_lowered;
	[smem:$0x3FD2] =	sst s25  }
0xa6: {  	s5 =	sshll.u32 s26, $0x1;
	_ =	strace $0x80000046;
	[dreg:$0x1] =	wrdreg $0xFFFFFFFF  }
0xa7: {  	s28 =	simm.s32 $_size_execute0_lowered;
	s3 =	sadd.s32 s3, s5;
	[dreg:$0x0] =	wrdreg $0x0  }
0xa8: {  	s5 =	sshll.u32 s28, $0x1;
	[dreg:$0x2] =	wrdreg s3  }
0xa9: {  	[dreg:$0x3] =	wrdreg s5  }
0xaa: {  	[dreg:$0x4] =	wrdreg $0xC0  }
0xab: {  	_ =	task [dreg:s7], $0x5FFFF  }
0xac: {  	[dreg:$0x1] =	wrdreg $0xFFFFFFFF  }
0xad: {  	[dreg:$0x0] =	wrdreg $0x60  }
0xae: {  	[dreg:$0x2] =	wrdreg s2  }
0xaf: {  	[dreg:$0x3] =	wrdreg s24  }
0xb0: {  	[dreg:$0x4] =	wrdreg $0x124400  }
0xb1: {  	[dreg:$0x5] =	wrdreg $0x1D1400  }
0xb2: {  	[dreg:$0x6] =	wrdreg $0x9  }
0xb3: {  	_ =	task.clear_ibuf [dreg:s7], $0x7FFFF;
	_ =	strace $0x90000046  }
0xb4: {  	s29 =	simm.s32 $0x9;
	_ =	strace $0x80000048  }
0xb5: {  	_ =	swait.ge [sflag:s29], $0x1  }
0xb6: {  	[sflag:s29] =	ssyncadd.s32 $0xFFFFFFFF  }
0xb7: {  	_ =	strace $0x90000048  }
0xb8: {  	_ =	sfence  }
0xb9: {  	s30 =	sld [smem:$0x0];
	_ =	sdelay $0x2  }
0xba: {  	s31 =	sshll.u32 s1, $0xD;
	s1 =	sshrl.u32 s1, $0x2  }
0xbb: {  	s3 =	sand.u32 $0x4000, s31;
	s1 =	sadd.s32 s1, s30  }
0xbc: {  	s0 =	sor.u32 s3, s0;
	s1 =	sshll.u32 s1, $0x11  }
0xbd: {  	s0 =	sor.u32 s1, s0  }
0xbe: {  	s0 =	sadd.s32 $0x8F2B, s0  }
0xbf: {  	[sflag:s0] =	ssyncadd.remote.s32 $0x1  }
0xc0: {  	_ =	sfence.sel $0xFFFF  }
0xc1: {  	[dreg:$0x0] =	wrdreg $0xFFFFFFFF;
	(pc) =	sbr.abs _section_cstart, $3  }
0xc2: {  	[dreg:$0x1] =	wrdreg $0xFFFFFFFF  }
0xc3: {  	_ =	task.clear_ibuf [dreg:s7], $0x2FFFF;
	_ =	strace $0x9FFFFFFF  }
0xc4: {  	(tm) =	ssettm $0x7FFFFFFF  }
0xc5: {  	_ =	shalt  }
tec
execute0_lowered:
.L_overlay_start_1:
0x0: {  	(tag) =	ssettag $0x1  }
0x1: {  	s1 =	rddreg [dreg:$0x1]  }
0x2: {  	s3 =	stileid.u32;
	s4 =	simm.s32 $0x0;
	s2 =	srdreg.scid  }
0x3: {  	s0 =	smul.u32 $0x4E20, s3;
	[smem:$0x7FF] =	sst s4;
	s10 =	sand.u32 $0x1, s2  }
0x4: {  	s5 =	smul.u32 $0xA000, s3;
	s8 =	sadd.s32 $0x16200, s1;
	s11 =	sadd.s32 $0x3E200, s1  }
0x5: {  	s21 =	ssub.s32 $0x2, s10;
	s9 =	smul.u32 $0xA0000, s10;
	s7 =	sshrl.u32 s0, $0x3  }
0x6: {  	s22 =	sshrl.u32 s21, $0x1;
	s12 =	sor.u32 $0x1000, s5;
	s6 =	sadd.s32 $0x2000, s5  }
0x7: {  	s4 =	sadd.s32 $0x3000, s5;
	s2 =	sadd.s32 $0x4000, s5;
	s3 =	sadd.s32 s5, s9  }
0x8: {  	s0 =	ssub.s32 s21, s22;
	s14 =	sadd.s32 s9, s12;
	s13 =	sshrl.u32 s3, $0x3  }
0x9: {  	s24 =	sadd.s32 s9, s6;
	s25 =	sadd.s32 s9, s4;
	s15 =	sadd.s32 s8, s13  }
0xa: {  	s14 =	sshrl.u32 s14, $0x3;
	s13 =	sadd.s32 s11, s13;
	[dreg:$0x5] =	wrdreg s15  }
0xb: {  	s16 =	sadd.s32 s9, s2;
	s23 =	sadd.s32 s8, s14;
	[dreg:$0x6] =	wrdreg s13  }
0xc: {  	s18 =	sshrl.u32 s16, $0x3;
	s14 =	sadd.s32 s11, s14;
	[dreg:$0x7] =	wrdreg s23  }
0xd: {  	s3 =	sadd.s32 $0x5000, s5;
	s19 =	sadd.s32 s8, s18;
	[dreg:$0x8] =	wrdreg s14  }
0xe: {  	s20 =	sadd.s32 s9, s3;
	s13 =	sshrl.u32 s24, $0x3;
	[dreg:$0xd] =	wrdreg s19  }
0xf: {  	s21 =	sshrl.u32 s20, $0x3;
	s20 =	rddreg [dreg:$0x2];
	s26 =	sadd.s32 s8, s13  }
0x10: {  	s14 =	sshrl.u32 s25, $0x3;
	s13 =	sadd.s32 s11, s13;
	[dreg:$0x9] =	wrdreg s26  }
0x11: {  	s17 =	sadd.s32 s8, s14;
	[dreg:$0xa] =	wrdreg s13  }
0x12: {  	s14 =	sadd.s32 s11, s14;
	[dreg:$0xb] =	wrdreg s17  }
0x13: {  	s15 =	sadd.s32 $0x7000, s5;
	s16 =	sadd.s32 s8, s21;
	[dreg:$0xc] =	wrdreg s14  }
0x14: {  	s24 =	sadd.s32 s9, s15;
	s14 =	sadd.s32 $0x6000, s5;
	[dreg:$0xf] =	wrdreg s16  }
0x15: {  	s13 =	sadd.s32 s11, s18;
	s18 =	rddreg [dreg:$0x0];
	s22 =	sadd.s32 s9, s14  }
0x16: {  	[dreg:$0xe] =	wrdreg s13;
	s13 =	sadd.s32 s11, s21;
	s23 =	sshrl.u32 s22, $0x3  }
0x17: {  	s25 =	sshrl.u32 s24, $0x3;
	[dreg:$0x10] =	wrdreg s13;
	s13 =	sadd.s32 s11, s23  }
0x18: {  	s30 =	simm.s32 $0xC440;
	[dreg:$0x12] =	wrdreg s13;
	s13 =	sadd.s32 s11, s25  }
0x19: {  	s16 =	sadd.s32 s8, s25;
	[dreg:$0x14] =	wrdreg s13;
	s13 =	sadd.s32 $0x8000, s5  }
0x1a: {  	[dreg:$0x13] =	wrdreg s16;
	s17 =	sadd.s32 s8, s23;
	s26 =	sadd.s32 s9, s13  }
0x1b: {  	s16 =	sadd.s32 $0x9000, s5;
	[dreg:$0x11] =	wrdreg s17;
	s17 =	sshrl.u32 s26, $0x3  }
0x1c: {  	s21 =	rddreg [dreg:$0x3];
	s9 =	sadd.s32 s9, s16;
	s19 =	sadd.s32 s8, s17  }
0x1d: {  	s9 =	sshrl.u32 s9, $0x3;
	s17 =	sadd.s32 s11, s17;
	[dreg:$0x15] =	wrdreg s19  }
0x1e: {  	s7 =	sadd.s32 s7, s1;
	s8 =	sadd.s32 s8, s9;
	[dreg:$0x16] =	wrdreg s17  }
0x1f: {  	s24 =	sshrl.u32 s6, $0x2;
	s11 =	sadd.s32 s11, s9;
	[dreg:$0x17] =	wrdreg s8  }
0x20: {  	s23 =	sadd.s32 s5, s20;
	[dreg:$0x18] =	wrdreg s11;
	s17 =	sadd.s32 $0x2600, s1  }
0x21: {  	s1 =	sadd.s32 $0x26A0, s1;
	_ =	strace $0x80000047;
	[dreg:$0x19] =	wrdreg s17  }
0x22: {  	s25 =	sadd.s32 s6, s20;
	s19 =	sshrl.u32 s5, $0x2;
	[dreg:$0x1a] =	wrdreg s1  }
0x23: {  	s5 =	sshrl.u32 s4, $0x2;
	s4 =	sadd.s32 s4, s20;
	[dreg:$0x1f] =	wrdreg s25  }
0x24: {  	s6 =	sshrl.u32 s2, $0x2;
	s2 =	sadd.s32 s2, s20;
	[smem:$0x7ED] =	sst s4  }
0x25: {  	s22 =	sshrl.u32 s12, $0x2;
	s9 =	sadd.s32 s3, s20;
	[smem:$0x7EF] =	sst s2  }
0x26: {  	s26 =	sadd.s32 s12, s20;
	s12 =	sadd.s32 s14, s20;
	[smem:$0x7F1] =	sst s9  }
0x27: {  	s31 =	simm.s32 $0xD840;
	s0 =	smax.u32 s0, $0x1;
	[smem:$0x7F3] =	sst s12  }
0x28: {  	p0 =	seq.s32 s10, $0x0;
	s28 =	sadd.s32 s22, s21;
	[smem:$0x7FB] =	sst s0  }
0x29: {  	s22 =	sshrl.u32 s16, $0x2;
	s8 =	sshrl.u32 s3, $0x2;
	[dreg:$0x1b] =	wrdreg s23  }
0x2a: {  	s11 =	sshrl.u32 s14, $0x2;
	s14 =	sshrl.u32 s15, $0x2;
	[dreg:$0x1d] =	wrdreg s26  }
0x2b: {  	s15 =	sadd.s32 s15, s20;
	s3 =	simm.s32 $0x7;
	[dreg:$0x1e] =	wrdreg s28  }
0x2c: {  	s29 =	sadd.s32 s19, s21;
	s1 =	sadd.s32 s24, s21;
	[smem:$0x7FC] =	sst s15  }
0x2d: {  	s17 =	sshrl.u32 s13, $0x2;
	s19 =	sadd.s32 s13, s20;
	[smem:$0x7EC] =	sst s1  }
0x2e: {  	s24 =	sadd.s32 $0x2800, s7;
	s25 =	sadd.s32 $0xC440, s7;
	[smem:$0x7F6] =	sst s19  }
0x2f: {  	s4 =	simm.s32 $0x8;
	s9 =	simm.s32 $0x6;
	[smem:$0x7F9] =	sst s24  }
0x30: {  	s0 =	simm.s32 $0x0;
	s2 =	simm.s32 $0x2;
	[smem:$0x7FA] =	sst s25  }
0x31: {  	s7 =	simm.s32 $0x8;
	s1 =	sadd.s32 s5, s21;
	[dreg:$0x1c] =	wrdreg s29  }
0x32: {  	s19 =	simm.s32 $0x1;
	[smem:$0x7EE] =	sst s1;
	s1 =	sadd.s32 s6, s21  }
0x33: {  	s5 =	simm.s32 $0x3;
	[smem:$0x7F0] =	sst s1;
	s1 =	sadd.s32 s8, s21  }
0x34: {  	s6 =	simm.s32 $0x9;
	[smem:$0x7F2] =	sst s1;
	s1 =	sadd.s32 s11, s21  }
0x35: {  	s8 =	simm.s32 $0xA;
	[smem:$0x7F4] =	sst s1;
	s1 =	sadd.s32 s14, s21  }
0x36: {  	s14 =	sadd.s32 s16, s20;
	s16 =	smul.u32 $0x7D, s10;
	[smem:$0x7F5] =	sst s1  }
0x37: {  	v0 =	vmov s10;
	s10 =	simm.s32 $0xD;
	s1 =	sadd.s32 s17, s21;
	[smem:$0x7FD] =	sst s14  }
0x38: {  	s17 =	simm.s32 $0x50;
	[smem:$0x7F7] =	sst s1;
	s1 =	sadd.s32 s22, s21  }
0x39: {  	v1 =	vimm.f32 $0.0e+00;
	s24 =	sadd.s32 $0x7D, s16;
	[smem:$0x7F8] =	sst s1;
	s1 =	simm.s32 $0xEC40  }
.LBB2_1:
0x3a: {  	s12 =	simm.s32 $0x100;
	s11 =	simm.s32 $0x0  }
.LBB2_2:
0x3b: {  	p1 =	sne.s32 s12, $0x3F00;
	[tilespmem:s11+$0x11470] =	vst v1;
	s13 =	smov.u32 s12;
	s12 =	sadd.s32 $0x100, s12  }
.Ltmp0:
0x3c: {  	[tilespmem:s11+$0x11460] =	vst v1;
	(pc) =	sbr.rel @p1 .LBB2_2-.Ltmp0, $3  }
0x3d: {  	[tilespmem:s11+$0x11440] =	vst v1  }
0x3e: {  	[tilespmem:s11+$0x11450] =	vst v1;
	_ =	sdelay $0x1  }
0x3f: {  	s11 =	sshra.s32 s13, $0x2  }
0x40: {  	[tilespmem:s11+$0x11470] =	vst v1  }
0x41: {  	[tilespmem:s11+$0x11460] =	vst v1  }
0x42: {  	[tilespmem:s11+$0x11440] =	vst v1  }
0x43: {  	[tilespmem:s11+$0x11450] =	vst v1;
	s11 =	simm.s32 $0x0;
	s12 =	rddreg [dreg:$0x19];
	s13 =	simm.s32 $0x1C440  }
0x44: {  	[tilespmem:s13], [sflag:$0xE] =	stream.linear.gather [hbm4b:s12+s11], $0x500, $0x38;
	[tilespmem:$0x1F940] =	vst v63  }
0x45: {  	[smem:$0x7EB] =	sst s0;
	s13 =	simm.s32 $0xE  }
0x46: {  	_ =	swait.ge [sflag:s13], $0x500  }
0x47: {  	[sflag:s13] =	ssyncset.done $0x0  }
0x48: {  	s22 =	simm.s32 $0x1C940;
	s25 =	rddreg [dreg:$0x1a];
	[sflag:s13] =	ssyncadd.s32 $0xFFFFFB00  }
0x49: {  	[tilespmem:s22], [sflag:$0xE] =	stream.linear.gather [hbm4b:s25+s11], $0x400, $0x38;
	[tilespmem:$0x1F940] =	vst v63  }
0x4a: {  	_ =	swait.ge [sflag:s13], $0x400  }
0x4b: {  	[sflag:s13] =	ssyncset.done $0x0  }
0x4c: {  	s25 =	simm.s32 $0x11440;
	[sflag:s13] =	ssyncadd.s32 $0xFFFFFC00  }
0x4d: {  	[spmem:s23] =	stream.linear.scatter [tilespmem:s25], [sflag:$0xE], $0x1000, $0x38;
	[tilespmem:$0x1F940] =	vst v63  }
0x4e: {  	_ =	swait.ge [sflag:s13], $0x1000  }
0x4f: {  	[sflag:s13] =	ssyncset.done $0x0  }
0x50: {  	[sflag:s13] =	ssyncadd.s32 $0xFFFFF000  }
0x51: {  	[spmem:s29] =	stream.linear.scatter [tilespmem:s22], [sflag:$0xE], $0x400, $0x38;
	[tilespmem:$0x1F940] =	vst v63  }
0x52: {  	_ =	swait.ge [sflag:s13], $0x400  }
0x53: {  	[sflag:s13] =	ssyncset.done $0x0  }
0x54: {  	[sflag:s13] =	ssyncadd.s32 $0xFFFFFC00  }
0x55: {  	[spmem:s26] =	stream.linear.scatter [tilespmem:s25], [sflag:$0xE], $0x1000, $0x38;
	[tilespmem:$0x1F940] =	vst v63  }
0x56: {  	_ =	swait.ge [sflag:s13], $0x1000  }
0x57: {  	[sflag:s13] =	ssyncset.done $0x0  }
0x58: {  	[sflag:s13] =	ssyncadd.s32 $0xFFFFF000  }
0x59: {  	[spmem:s28] =	stream.linear.scatter [tilespmem:s22], [sflag:$0xE], $0x400, $0x38;
	[tilespmem:$0x1F940] =	vst v63  }
0x5a: {  	_ =	swait.ge [sflag:s13], $0x400  }
0x5b: {  	[sflag:s13] =	ssyncset.done $0x0  }
0x5c: {  	s0 =	rddreg [dreg:$0x1f];
	[sflag:s13] =	ssyncadd.s32 $0xFFFFFC00  }
0x5d: {  	[spmem:s0] =	stream.linear.scatter [tilespmem:s25], [sflag:$0xE], $0x1000, $0x38;
	[tilespmem:$0x1F940] =	vst v63  }
0x5e: {  	_ =	swait.ge [sflag:s13], $0x1000  }
0x5f: {  	s23 =	sld [smem:$0x7EC]  }
0x60: {  	[sflag:s13] =	ssyncset.done $0x0  }
0x61: {  	[sflag:s13] =	ssyncadd.s32 $0xFFFFF000  }
0x62: {  	[spmem:s23] =	stream.linear.scatter [tilespmem:s22], [sflag:$0xE], $0x400, $0x38;
	[tilespmem:$0x1F940] =	vst v63  }
0x63: {  	_ =	swait.ge [sflag:s13], $0x400  }
0x64: {  	s26 =	sld [smem:$0x7ED]  }
0x65: {  	[sflag:s13] =	ssyncset.done $0x0  }
0x66: {  	[sflag:s13] =	ssyncadd.s32 $0xFFFFFC00  }
0x67: {  	[spmem:s26] =	stream.linear.scatter [tilespmem:s25], [sflag:$0xE], $0x1000, $0x38;
	[tilespmem:$0x1F940] =	vst v63  }
0x68: {  	_ =	swait.ge [sflag:s13], $0x1000  }
0x69: {  	s28 =	sld [smem:$0x7EE]  }
0x6a: {  	[sflag:s13] =	ssyncset.done $0x0  }
0x6b: {  	[sflag:s13] =	ssyncadd.s32 $0xFFFFF000  }
0x6c: {  	[spmem:s28] =	stream.linear.scatter [tilespmem:s22], [sflag:$0xE], $0x400, $0x38;
	[tilespmem:$0x1F940] =	vst v63  }
0x6d: {  	_ =	swait.ge [sflag:s13], $0x400  }
0x6e: {  	s29 =	sld [smem:$0x7EF]  }
0x6f: {  	[sflag:s13] =	ssyncset.done $0x0  }
0x70: {  	[sflag:s13] =	ssyncadd.s32 $0xFFFFFC00  }
0x71: {  	[spmem:s29] =	stream.linear.scatter [tilespmem:s25], [sflag:$0xE], $0x1000, $0x38;
	[tilespmem:$0x1F940] =	vst v63  }
0x72: {  	_ =	swait.ge [sflag:s13], $0x1000  }
0x73: {  	s0 =	sld [smem:$0x7F0]  }
0x74: {  	[sflag:s13] =	ssyncset.done $0x0  }
0x75: {  	[sflag:s13] =	ssyncadd.s32 $0xFFFFF000  }
0x76: {  	[spmem:s0] =	stream.linear.scatter [tilespmem:s22], [sflag:$0xE], $0x400, $0x38;
	[tilespmem:$0x1F940] =	vst v63  }
0x77: {  	_ =	swait.ge [sflag:s13], $0x400  }
0x78: {  	s23 =	sld [smem:$0x7F1]  }
0x79: {  	[sflag:s13] =	ssyncset.done $0x0  }
0x7a: {  	[sflag:s13] =	ssyncadd.s32 $0xFFFFFC00  }
0x7b: {  	[spmem:s23] =	stream.linear.scatter [tilespmem:s25], [sflag:$0xE], $0x1000, $0x38;
	[tilespmem:$0x1F940] =	vst v63  }
0x7c: {  	_ =	swait.ge [sflag:s13], $0x1000  }
0x7d: {  	s26 =	sld [smem:$0x7F2]  }
0x7e: {  	[sflag:s13] =	ssyncset.done $0x0  }
0x7f: {  	[sflag:s13] =	ssyncadd.s32 $0xFFFFF000  }
0x80: {  	[spmem:s26] =	stream.linear.scatter [tilespmem:s22], [sflag:$0xE], $0x400, $0x38;
	[tilespmem:$0x1F940] =	vst v63  }
0x81: {  	_ =	swait.ge [sflag:s13], $0x400  }
0x82: {  	s28 =	sld [smem:$0x7F3]  }
0x83: {  	[sflag:s13] =	ssyncset.done $0x0  }
0x84: {  	[sflag:s13] =	ssyncadd.s32 $0xFFFFFC00  }
0x85: {  	[spmem:s28] =	stream.linear.scatter [tilespmem:s25], [sflag:$0xE], $0x1000, $0x38;
	[tilespmem:$0x1F940] =	vst v63  }
0x86: {  	_ =	swait.ge [sflag:s13], $0x1000  }
0x87: {  	s29 =	sld [smem:$0x7F4]  }
0x88: {  	[sflag:s13] =	ssyncset.done $0x0  }
0x89: {  	[sflag:s13] =	ssyncadd.s32 $0xFFFFF000  }
0x8a: {  	[spmem:s29] =	stream.linear.scatter [tilespmem:s22], [sflag:$0xE], $0x400, $0x38;
	[tilespmem:$0x1F940] =	vst v63  }
0x8b: {  	_ =	swait.ge [sflag:s13], $0x400  }
0x8c: {  	[sflag:s13] =	ssyncset.done $0x0  }
0x8d: {  	[sflag:s13] =	ssyncadd.s32 $0xFFFFFC00  }
0x8e: {  	[spmem:s15] =	stream.linear.scatter [tilespmem:s25], [sflag:$0xE], $0x1000, $0x38;
	[tilespmem:$0x1F940] =	vst v63  }
0x8f: {  	_ =	swait.ge [sflag:s13], $0x1000  }
0x90: {  	s0 =	sld [smem:$0x7F5]  }
0x91: {  	[sflag:s13] =	ssyncset.done $0x0  }
0x92: {  	[sflag:s13] =	ssyncadd.s32 $0xFFFFF000  }
0x93: {  	[spmem:s0] =	stream.linear.scatter [tilespmem:s22], [sflag:$0xE], $0x400, $0x38;
	[tilespmem:$0x1F940] =	vst v63  }
0x94: {  	_ =	swait.ge [sflag:s13], $0x400  }
0x95: {  	s15 =	sld [smem:$0x7F6]  }
0x96: {  	[sflag:s13] =	ssyncset.done $0x0  }
0x97: {  	[sflag:s13] =	ssyncadd.s32 $0xFFFFFC00  }
0x98: {  	[spmem:s15] =	stream.linear.scatter [tilespmem:s25], [sflag:$0xE], $0x1000, $0x38;
	[tilespmem:$0x1F940] =	vst v63  }
0x99: {  	_ =	swait.ge [sflag:s13], $0x1000  }
0x9a: {  	s23 =	sld [smem:$0x7F7]  }
0x9b: {  	[sflag:s13] =	ssyncset.done $0x0  }
0x9c: {  	[sflag:s13] =	ssyncadd.s32 $0xFFFFF000  }
0x9d: {  	[spmem:s23] =	stream.linear.scatter [tilespmem:s22], [sflag:$0xE], $0x400, $0x38;
	[tilespmem:$0x1F940] =	vst v63  }
0x9e: {  	_ =	swait.ge [sflag:s13], $0x400  }
0x9f: {  	[sflag:s13] =	ssyncset.done $0x0  }
0xa0: {  	[sflag:s13] =	ssyncadd.s32 $0xFFFFFC00  }
0xa1: {  	[spmem:s14] =	stream.linear.scatter [tilespmem:s25], [sflag:$0xE], $0x1000, $0x38;
	[tilespmem:$0x1F940] =	vst v63  }
0xa2: {  	_ =	swait.ge [sflag:s13], $0x1000  }
0xa3: {  	s25 =	sld [smem:$0x7F8]  }
0xa4: {  	[sflag:s13] =	ssyncset.done $0x0  }
0xa5: {  	[sflag:s13] =	ssyncadd.s32 $0xFFFFF000  }
0xa6: {  	[spmem:s25] =	stream.linear.scatter [tilespmem:s22], [sflag:$0xE], $0x400, $0x38;
	[tilespmem:$0x1F940] =	vst v63  }
0xa7: {  	_ =	swait.ge [sflag:s13], $0x400  }
0xa8: {  	[sflag:s13] =	ssyncset.done $0x0  }
0xa9: {  	[sflag:s13] =	ssyncadd.s32 $0xFFFFFC00  }
0xaa: {  	[bflag:$0x0] =	sbarrier.arrive $0xFFFF  }
0xab: {  	s26 =	sld [smem:$0x7F9];
	_ =	sdelay $0x2  }
0xac: {  	[tilespmem:s11], [sflag:$0xE] =	stream.linear.gather [hbm4b:s26+s11], $0x4E20, $0x38;
	[tilespmem:$0x1F940] =	vst v63  }
0xad: {  	_ =	swait.ge [sflag:s13], $0x4E20  }
0xae: {  	s28 =	sld [smem:$0x7FA]  }
0xaf: {  	[sflag:s13] =	ssyncset.done $0x0  }
0xb0: {  	s29 =	simm.s32 $0x4E20;
	[sflag:s13] =	ssyncadd.s32 $0xFFFFB1E0  }
0xb1: {  	[tilespmem:s29], [sflag:$0xE] =	stream.linear.gather [hbm4b:s28+s11], $0x4E20, $0x38;
	[tilespmem:$0x1F940] =	vst v63  }
0xb2: {  	_ =	swait.ge [sflag:s13], $0x4E20  }
0xb3: {  	[sflag:s13] =	ssyncset.done $0x0  }
0xb4: {  	s11 =	simm.s32 $0x0;
	[sflag:s13] =	ssyncadd.s32 $0xFFFFB1E0  }
0xb5: {  	v4 =	vld [tilespmem:s11+$0x0]  }
0xb6: {  	v5 =	vld [tilespmem:s11+$0x10]  }
0xb7: {  	v3 =	vld [tilespmem:s11+$0x20]  }
0xb8: {  	s13 =	simm.s32 $0x140;
	v2 =	vld [tilespmem:s11+$0x30]  }
.LBB2_4:
0xb9: {  	p1 =	sne.s32 s13, $0x13740;
	v6 =	vld [tilespmem:s11+$0x40]  }
0xba: {  	v4 =	vshll.u32 v4, $0x1  }
0xbb: {  	v4 =	vor.u32 v0, v4;
	v5 =	vshll.u32 v5, $0x1  }
.Ltmp1:
0xbc: {  	s12 =	sshra.s32 s13, $0x2;
	[tilespmem:s11+$0x0] =	vst v4;
	v5 =	vor.u32 v0, v5;
	v3 =	vshll.u32 v3, $0x1;
	(pc) =	sbr.rel @p1 .LBB2_4-.Ltmp1, $4  }
0xbd: {  	v4 =	vld [tilespmem:s12+$0x0];
	[tilespmem:s11+$0x10] =	vst v5;
	v3 =	vor.u32 v0, v3;
	v2 =	vshll.u32 v2, $0x1  }
0xbe: {  	v5 =	vld [tilespmem:s12+$0x10];
	[tilespmem:s11+$0x20] =	vst v3;
	v2 =	vor.u32 v0, v2;
	v6 =	vshll.u32 v6, $0x1  }
0xbf: {  	v3 =	vld [tilespmem:s12+$0x20];
	[tilespmem:s11+$0x30] =	vst v2;
	v6 =	vor.u32 v0, v6  }
0xc0: {  	s13 =	sadd.s32 $0x140, s13;
	v2 =	vld [tilespmem:s12+$0x30];
	[tilespmem:s11+$0x40] =	vst v6;
	s11 =	smov.u32 s12  }
0xc1: {  	v6 =	vld [tilespmem:s11+$0x40]  }
0xc2: {  	v4 =	vshll.u32 v4, $0x1  }
0xc3: {  	v4 =	vor.u32 v0, v4;
	v5 =	vshll.u32 v5, $0x1  }
0xc4: {  	[tilespmem:s11+$0x0] =	vst v4;
	v63 =	vor.u32 v0, v5;
	v3 =	vshll.u32 v3, $0x1  }
0xc5: {  	[tilespmem:s11+$0x10] =	vst v63;
	v3 =	vor.u32 v0, v3;
	v2 =	vshll.u32 v2, $0x1  }
0xc6: {  	[tilespmem:s11+$0x20] =	vst v3;
	v2 =	vor.u32 v0, v2;
	v3 =	vshll.u32 v6, $0x1  }
0xc7: {  	[tilespmem:s11+$0x30] =	vst v2;
	v2 =	vor.u32 v0, v3  }
0xc8: {  	s14 =	simm.s32 $0x0;
	s23 =	simm.s32 $0x9C40;
	[tilespmem:s11+$0x40] =	vst v2  }
0xc9: {  	[tilespmem:s23], [sflag:$0x1] =	stream.indirect.gather [hbm4b:s18+s17], $0x40, s14, s17, $0xb8;
	[tilespmem:$0x1F940] =	vst v63  }
0xca: {  	s29 =	simm.s32 $0xB040  }
0xcb: {  	[tilespmem:s29], [sflag:$0x2] =	stream.indirect.gather [hbm4b:s18+s17], $0x40, s17, s17, $0xb8;
	[tilespmem:$0x1F940] =	vst v63  }
0xcc: {  	s12 =	simm.s32 $0xA0;
	p1 =	por $0x1, $0x1  }
0xcd: {  	[tilespmem:s30], [sflag:$0x3] =	stream.indirect.gather [hbm4b:s18+s17], $0x40, s12, s17, $0xb8;
	[tilespmem:$0x1F940] =	vst v63  }
0xce: {  	s13 =	simm.s32 $0xF0;
	s11 =	simm.s32 @!p1 $0xB  }
0xcf: {  	[tilespmem:s31], [sflag:$0x4] =	stream.indirect.gather [hbm4b:s18+s17], $0x40, s13, s17, $0xb8;
	[tilespmem:$0x1F940] =	vst v63  }
0xd0: {  	_ =	swait.ge @!p1 [sflag:s11], $0x1400  }
0xd1: {  	[sflag:s11] =	ssyncset.done @!p1 $0x0  }
0xd2: {  	s12 =	simm.s32 $0x140;
	[sflag:s11] =	ssyncadd.s32 @!p1 $0xFFFFEC00  }
0xd3: {  	[tilespmem:s1], [sflag:$0x5] =	stream.indirect.gather [hbm4b:s18+s17], $0x40, s12, s17, $0xb8;
	[tilespmem:$0x1F940] =	vst v63  }
0xd4: {  	p2 =	sgt.u32 s16, $0x0;
	_ =	swait.ge [sflag:s19], $0x1400  }
0xd5: {  	p3 =	sle.u32 @!p2 s24, $0x0;
	[sflag:s19] =	ssyncset.done $0x0  }
0xd6: {  	p2 =	por p3, p2;
	s11 =	simm.s32 $0x4E20;
	[sflag:s19] =	ssyncadd.s32 $0xFFFFEC00  }
0xd7: {  	[spmem:s20] =	stream.indirect.scatter.add.f32 [tilespmem:s23], [sflag:$0x7], $0x40, s11, s17, $0xb8;
	[tilespmem:$0x1F940] =	vst v63  }
0xd8: {  	s15 =	simm.s32 @!p2 $0x1C440;
	s13 =	simm.s32 @!p2 $0x50;
	s12 =	simm.s32 @!p1 $0xC  }
0xd9: {  	[spmem:s21] =	stream.indirect.scatter.add.f32 @!p2 [tilespmem:s15], [sflag:$0xD], $0x10, s11, s13, $0xb8;
	[tilespmem:$0x1F940] =	vst v63  }
0xda: {  	_ =	swait.ge @!p1 [sflag:s12], $0x1400  }
0xdb: {  	[sflag:s12] =	ssyncset.done @!p1 $0x0  }
0xdc: {  	s19 =	simm.s32 $0x10040;
	s15 =	simm.s32 $0x190;
	[sflag:s12] =	ssyncadd.s32 @!p1 $0xFFFFEC00  }
0xdd: {  	[tilespmem:s19], [sflag:$0x6] =	stream.indirect.gather [hbm4b:s18+s17], $0x40, s15, s17, $0xb8;
	[tilespmem:$0x1F940] =	vst v63  }
0xde: {  	p1 =	sgt.u32 s16, $0x1;
	_ =	swait.ge [sflag:s2], $0x1400  }
0xdf: {  	p2 =	sle.u32 @!p1 s24, $0x1;
	[sflag:s2] =	ssyncset.done $0x0  }
0xe0: {  	s11 =	simm.s32 $0x4E70;
	p1 =	por p2, p1;
	[sflag:s2] =	ssyncadd.s32 $0xFFFFEC00  }
0xe1: {  	[spmem:s20] =	stream.indirect.scatter.add.f32 [tilespmem:s29], [sflag:$0x8], $0x40, s11, s17, $0xb8;
	[tilespmem:$0x1F940] =	vst v63  }
0xe2: {  	s12 =	simm.s32 @!p1 $0x50;
	s13 =	simm.s32 @!p1 $0x1C440  }
0xe3: {  	[spmem:s21] =	stream.indirect.scatter.add.f32 @!p1 [tilespmem:s13], [sflag:$0xD], $0x10, s11, s12, $0xb8;
	[tilespmem:$0x1F940] =	vst v63  }
0xe4: {  	_ =	swait.ge [sflag:s3], $0x1400  }
0xe5: {  	[sflag:s3] =	ssyncset.done $0x0  }
0xe6: {  	s22 =	simm.s32 $0x1E0;
	[sflag:s3] =	ssyncadd.s32 $0xFFFFEC00  }
0xe7: {  	[tilespmem:s23], [sflag:$0x1] =	stream.indirect.gather [hbm4b:s18+s17], $0x40, s22, s17, $0xb8;
	[tilespmem:$0x1F940] =	vst v63  }
0xe8: {  	p1 =	sgt.u32 s16, $0x2;
	_ =	swait.ge [sflag:s5], $0x1400  }
0xe9: {  	p2 =	sle.u32 @!p1 s24, $0x2;
	[sflag:s5] =	ssyncset.done $0x0  }
0xea: {  	s11 =	simm.s32 $0x4EC0;
	p1 =	por p2, p1;
	[sflag:s5] =	ssyncadd.s32 $0xFFFFEC00  }
0xeb: {  	[spmem:s20] =	stream.indirect.scatter.add.f32 [tilespmem:s30], [sflag:$0x9], $0x40, s11, s17, $0xb8;
	[tilespmem:$0x1F940] =	vst v63  }
0xec: {  	s12 =	simm.s32 @!p1 $0x50;
	s13 =	simm.s32 @!p1 $0x1C440  }
0xed: {  	[spmem:s21] =	stream.indirect.scatter.add.f32 @!p1 [tilespmem:s13], [sflag:$0xD], $0x10, s11, s12, $0xb8;
	[tilespmem:$0x1F940] =	vst v63  }
0xee: {  	_ =	swait.ge [sflag:s4], $0x1400  }
0xef: {  	[sflag:s4] =	ssyncset.done $0x0  }
0xf0: {  	s25 =	simm.s32 $0x230;
	[sflag:s4] =	ssyncadd.s32 $0xFFFFEC00;
	s4 =	simm.s32 $0x4  }
0xf1: {  	[tilespmem:s29], [sflag:$0x2] =	stream.indirect.gather [hbm4b:s18+s17], $0x40, s25, s17, $0xb8;
	[tilespmem:$0x1F940] =	vst v63  }
0xf2: {  	p1 =	sgt.u32 s16, $0x3;
	_ =	swait.ge [sflag:s4], $0x1400  }
0xf3: {  	p2 =	sle.u32 @!p1 s24, $0x3;
	[sflag:s4] =	ssyncset.done $0x0  }
0xf4: {  	s11 =	simm.s32 $0x4F10;
	p1 =	por p2, p1;
	[sflag:s4] =	ssyncadd.s32 $0xFFFFEC00  }
0xf5: {  	[spmem:s20] =	stream.indirect.scatter.add.f32 [tilespmem:s31], [sflag:$0xA], $0x40, s11, s17, $0xb8;
	[tilespmem:$0x1F940] =	vst v63  }
0xf6: {  	s12 =	simm.s32 @!p1 $0x50;
	s13 =	simm.s32 @!p1 $0x1C440  }
0xf7: {  	[spmem:s21] =	stream.indirect.scatter.add.f32 @!p1 [tilespmem:s13], [sflag:$0xD], $0x10, s11, s12, $0xb8;
	[tilespmem:$0x1F940] =	vst v63  }
0xf8: {  	s0 =	simm.s32 $0x1;
	_ =	swait.ge [sflag:s6], $0x1400  }
0xf9: {  	s26 =	simm.s32 $0x280;
	s28 =	simm.s32 $0x5;
	[sflag:s6] =	ssyncset.done $0x0  }
0xfa: {  	s15 =	simm.s32 $0x780;
	p1 =	sgt.u32 s16, $0x4;
	[sflag:s6] =	ssyncadd.s32 $0xFFFFEC00  }
0xfb: {  	[tilespmem:s30], [sflag:$0x3] =	stream.indirect.gather [hbm4b:s18+s17], $0x40, s26, s17, $0xb8;
	[tilespmem:$0x1F940] =	vst v63  }
0xfc: {  	s11 =	simm.s32 $0x0;
	s12 =	simm.s32 $0x4F60;
	_ =	swait.ge [sflag:s28], $0x1400  }
0xfd: {  	s13 =	simm.s32 $0x6;
	p2 =	sle.u32 @!p1 s24, $0x4;
	[sflag:s28] =	ssyncset.done $0x0  }
0xfe: {  	p2 =	por p2, p1;
	s26 =	simm.s32 $0xF00;
	[sflag:s28] =	ssyncadd.s32 $0xFFFFEC00  }
.LBB2_6:
0xff: {  	[spmem:s20] =	stream.indirect.scatter.add.f32 [tilespmem:s1], [sflag:$0xB], $0x40, s12, s17, $0xb8;
	[tilespmem:$0x1F940] =	vst v63  }
0x100: {  	s14 =	sadd.s32 $0x5, s14;
	s28 =	simm.s32 @!p2 $0x50;
	s25 =	simm.s32 @!p2 $0x1C440  }
0x101: {  	[spmem:s21] =	stream.indirect.scatter.add.f32 @!p2 [tilespmem:s25], [sflag:$0xD], $0x10, s12, s28, $0xb8;
	[tilespmem:$0x1F940] =	vst v63  }
0x102: {  	s12 =	smov.u32 s26;
	s26 =	sadd.s32 $0x780, s26;
	_ =	swait.ge [sflag:s8], $0x1400  }
0x103: {  	p2 =	slt.u32 s14, s16;
	p1 =	sne.s32 s26, $0x13380;
	[sflag:s8] =	ssyncset.done $0x0  }
0x104: {  	s25 =	sadd.s32 $0x2D0, s11;
	p3 =	sge.u32 @!p2 s14, s24;
	[sflag:s8] =	ssyncadd.s32 $0xFFFFEC00  }
0x105: {  	[tilespmem:s31], [sflag:$0x4] =	stream.indirect.gather [hbm4b:s18+s17], $0x40, s25, s17, $0xb8;
	[tilespmem:$0x1F940] =	vst v63  }
0x106: {  	s14 =	smov.u32 s13;
	p2 =	por p3, p2;
	_ =	swait.ge [sflag:s9], $0x1400  }
0x107: {  	s28 =	sadd.s32 $0x4FB0, s11;
	s25 =	sadd.s32 $0x1, s13;
	[sflag:s9] =	ssyncset.done $0x0  }
0x108: {  	p4 =	slt.u32 s13, s16;
	s11 =	sshra.s32 s15, $0x2;
	[sflag:s9] =	ssyncadd.s32 $0xFFFFEC00  }
0x109: {  	[spmem:s20] =	stream.indirect.scatter.add.f32 [tilespmem:s19], [sflag:$0xC], $0x40, s28, s17, $0xb8;
	[tilespmem:$0x1F940] =	vst v63  }
0x10a: {  	p3 =	seq.s32 s15, $0x0;
	s15 =	simm.s32 @!p2 $0x50;
	s22 =	simm.s32 @!p2 $0x1C440  }
0x10b: {  	[spmem:s21] =	stream.indirect.scatter.add.f32 @!p2 [tilespmem:s22], [sflag:$0xD], $0x10, s28, s15, $0xb8;
	[tilespmem:$0x1F940] =	vst v63  }
0x10c: {  	s22 =	simm.s32 @!p3 $0xB;
	s28 =	sadd.s32 $0x140, s11;
	p2 =	sge.u32 @!p4 s13, s24  }
0x10d: {  	p4 =	por p2, p4;
	p2 =	slt.u32 s25, s16;
	_ =	swait.ge @!p3 [sflag:s22], $0x1400  }
0x10e: {  	s15 =	smov.u32 s12;
	p5 =	sge.u32 @!p2 s25, s24;
	[sflag:s22] =	ssyncset.done @!p3 $0x0  }
0x10f: {  	p2 =	por p5, p2;
	[sflag:s22] =	ssyncadd.s32 @!p3 $0xFFFFEC00  }
0x110: {  	[tilespmem:s1], [sflag:$0x5] =	stream.indirect.gather [hbm4b:s18+s17], $0x40, s28, s17, $0xb8;
	[tilespmem:$0x1F940] =	vst v63  }
0x111: {  	_ =	swait.ge [sflag:s0], $0x1400  }
0x112: {  	s12 =	simm.s32 @!p3 $0xC;
	[sflag:s0] =	ssyncset.done $0x0  }
0x113: {  	s22 =	sadd.s32 $0x4E20, s11;
	[sflag:s0] =	ssyncadd.s32 $0xFFFFEC00  }
0x114: {  	[spmem:s20] =	stream.indirect.scatter.add.f32 [tilespmem:s23], [sflag:$0x7], $0x40, s22, s17, $0xb8;
	[tilespmem:$0x1F940] =	vst v63  }
0x115: {  	s25 =	simm.s32 @!p4 $0x50;
	s28 =	simm.s32 @!p4 $0x1C440  }
0x116: {  	[spmem:s21] =	stream.indirect.scatter.add.f32 @!p4 [tilespmem:s28], [sflag:$0xD], $0x10, s22, s25, $0xb8;
	[tilespmem:$0x1F940] =	vst v63  }
0x117: {  	_ =	swait.ge @!p3 [sflag:s12], $0x1400  }
0x118: {  	[sflag:s12] =	ssyncset.done @!p3 $0x0  }
0x119: {  	s22 =	sadd.s32 $0x2, s13;
	[sflag:s12] =	ssyncadd.s32 @!p3 $0xFFFFEC00;
	s12 =	sadd.s32 $0x190, s11  }
0x11a: {  	[tilespmem:s19], [sflag:$0x6] =	stream.indirect.gather [hbm4b:s18+s17], $0x40, s12, s17, $0xb8;
	[tilespmem:$0x1F940] =	vst v63  }
0x11b: {  	p3 =	slt.u32 s22, s16;
	s12 =	sadd.s32 $0x4E70, s11;
	_ =	swait.ge [sflag:s2], $0x1400  }
0x11c: {  	p4 =	sge.u32 @!p3 s22, s24;
	[sflag:s2] =	ssyncset.done $0x0  }
0x11d: {  	p3 =	por p4, p3;
	[sflag:s2] =	ssyncadd.s32 $0xFFFFEC00  }
0x11e: {  	[spmem:s20] =	stream.indirect.scatter.add.f32 [tilespmem:s29], [sflag:$0x8], $0x40, s12, s17, $0xb8;
	[tilespmem:$0x1F940] =	vst v63  }
0x11f: {  	s25 =	simm.s32 @!p2 $0x1C440;
	s22 =	simm.s32 @!p2 $0x50  }
0x120: {  	[spmem:s21] =	stream.indirect.scatter.add.f32 @!p2 [tilespmem:s25], [sflag:$0xD], $0x10, s12, s22, $0xb8;
	[tilespmem:$0x1F940] =	vst v63  }
0x121: {  	_ =	swait.ge [sflag:s3], $0x1400  }
0x122: {  	[sflag:s3] =	ssyncset.done $0x0  }
0x123: {  	s12 =	sadd.s32 $0x1E0, s11;
	[sflag:s3] =	ssyncadd.s32 $0xFFFFEC00  }
0x124: {  	[tilespmem:s23], [sflag:$0x1] =	stream.indirect.gather [hbm4b:s18+s17], $0x40, s12, s17, $0xb8;
	[tilespmem:$0x1F940] =	vst v63  }
0x125: {  	s12 =	sadd.s32 $0x3, s13;
	_ =	swait.ge [sflag:s5], $0x1400  }
0x126: {  	p2 =	slt.u32 s12, s16;
	[sflag:s5] =	ssyncset.done $0x0  }
0x127: {  	s22 =	sadd.s32 $0x4EC0, s11;
	p4 =	sge.u32 @!p2 s12, s24;
	[sflag:s5] =	ssyncadd.s32 $0xFFFFEC00  }
0x128: {  	[spmem:s20] =	stream.indirect.scatter.add.f32 [tilespmem:s30], [sflag:$0x9], $0x40, s22, s17, $0xb8;
	[tilespmem:$0x1F940] =	vst v63  }
0x129: {  	s25 =	simm.s32 @!p3 $0x1C440;
	s12 =	simm.s32 @!p3 $0x50;
	p2 =	por p4, p2  }
0x12a: {  	[spmem:s21] =	stream.indirect.scatter.add.f32 @!p3 [tilespmem:s25], [sflag:$0xD], $0x10, s22, s12, $0xb8;
	[tilespmem:$0x1F940] =	vst v63  }
0x12b: {  	_ =	swait.ge [sflag:s7], $0x1400  }
0x12c: {  	[sflag:s7] =	ssyncset.done $0x0  }
0x12d: {  	s12 =	sadd.s32 $0x230, s11;
	[sflag:s7] =	ssyncadd.s32 $0xFFFFEC00  }
0x12e: {  	[tilespmem:s29], [sflag:$0x2] =	stream.indirect.gather [hbm4b:s18+s17], $0x40, s12, s17, $0xb8;
	[tilespmem:$0x1F940] =	vst v63  }
0x12f: {  	s12 =	sadd.s32 $0x4F10, s11;
	_ =	swait.ge [sflag:s4], $0x1400  }
0x130: {  	s22 =	sadd.s32 $0x4, s13;
	[sflag:s4] =	ssyncset.done $0x0  }
0x131: {  	p3 =	slt.u32 s22, s16;
	[sflag:s4] =	ssyncadd.s32 $0xFFFFEC00  }
0x132: {  	[spmem:s20] =	stream.indirect.scatter.add.f32 [tilespmem:s31], [sflag:$0xA], $0x40, s12, s17, $0xb8;
	[tilespmem:$0x1F940] =	vst v63  }
0x133: {  	s28 =	simm.s32 @!p2 $0x1C440;
	s25 =	simm.s32 @!p2 $0x50;
	p4 =	sge.u32 @!p3 s22, s24  }
0x134: {  	[spmem:s21] =	stream.indirect.scatter.add.f32 @!p2 [tilespmem:s28], [sflag:$0xD], $0x10, s12, s25, $0xb8;
	[tilespmem:$0x1F940] =	vst v63  }
0x135: {  	s28 =	simm.s32 $0x5  }
0x136: {  	_ =	swait.ge [sflag:s6], $0x1400  }
0x137: {  	p2 =	por p4, p3;
	[sflag:s6] =	ssyncset.done $0x0  }
.Ltmp2:
0x138: {  	s12 =	sadd.s32 $0x280, s11;
	[sflag:s6] =	ssyncadd.s32 $0xFFFFEC00;
	(pc) =	sbr.rel @p1 .LBB2_6-.Ltmp2, $4  }
0x139: {  	[tilespmem:s30], [sflag:$0x3] =	stream.indirect.gather [hbm4b:s18+s17], $0x40, s12, s17, $0xb8;
	[tilespmem:$0x1F940] =	vst v63  }
0x13a: {  	s12 =	sadd.s32 $0x4F60, s11;
	_ =	swait.ge [sflag:s28], $0x1400  }
0x13b: {  	[sflag:s28] =	ssyncset.done $0x0  }
0x13c: {  	s13 =	sadd.s32 $0x6, s13;
	[sflag:s28] =	ssyncadd.s32 $0xFFFFEC00  }
0x13d: {  	[spmem:s20] =	stream.indirect.scatter.add.f32 [tilespmem:s1], [sflag:$0xB], $0x40, s12, s17, $0xb8;
	[tilespmem:$0x1F940] =	vst v63  }
0x13e: {  	s22 =	simm.s32 @!p2 $0x50;
	s25 =	simm.s32 @!p2 $0x1C440  }
0x13f: {  	[spmem:s21] =	stream.indirect.scatter.add.f32 @!p2 [tilespmem:s25], [sflag:$0xD], $0x10, s12, s22, $0xb8;
	[tilespmem:$0x1F940] =	vst v63  }
0x140: {  	_ =	swait.ge [sflag:s8], $0x1400  }
0x141: {  	[sflag:s8] =	ssyncset.done $0x0  }
0x142: {  	s26 =	sadd.s32 $0x2D0, s11;
	s12 =	sadd.s32 $0x5, s14;
	[sflag:s8] =	ssyncadd.s32 $0xFFFFEC00  }
0x143: {  	[tilespmem:s31], [sflag:$0x4] =	stream.indirect.gather [hbm4b:s18+s17], $0x40, s26, s17, $0xb8;
	[tilespmem:$0x1F940] =	vst v63  }
0x144: {  	p1 =	slt.u32 s12, s16;
	_ =	swait.ge [sflag:s9], $0x1400  }
0x145: {  	p2 =	sge.u32 @!p1 s12, s24;
	[sflag:s9] =	ssyncset.done $0x0  }
0x146: {  	s11 =	sadd.s32 $0x4FB0, s11;
	p2 =	por p2, p1;
	[sflag:s9] =	ssyncadd.s32 $0xFFFFEC00  }
0x147: {  	[spmem:s20] =	stream.indirect.scatter.add.f32 [tilespmem:s19], [sflag:$0xC], $0x40, s11, s17, $0xb8;
	[tilespmem:$0x1F940] =	vst v63  }
0x148: {  	p1 =	seq.s32 s15, $0x0;
	s12 =	simm.s32 @!p2 $0x50;
	s14 =	simm.s32 @!p2 $0x1C440  }
0x149: {  	[spmem:s21] =	stream.indirect.scatter.add.f32 @!p2 [tilespmem:s14], [sflag:$0xD], $0x10, s11, s12, $0xb8;
	[tilespmem:$0x1F940] =	vst v63  }
0x14a: {  	s12 =	simm.s32 @!p1 $0xB  }
0x14b: {  	_ =	swait.ge @!p1 [sflag:s12], $0x1400  }
0x14c: {  	s11 =	sshra.s32 s15, $0x2;
	[sflag:s12] =	ssyncset.done @!p1 $0x0  }
0x14d: {  	s15 =	sadd.s32 $0x140, s11;
	[sflag:s12] =	ssyncadd.s32 @!p1 $0xFFFFEC00  }
0x14e: {  	[tilespmem:s1], [sflag:$0x5] =	stream.indirect.gather [hbm4b:s18+s17], $0x40, s15, s17, $0xb8;
	[tilespmem:$0x1F940] =	vst v63  }
0x14f: {  	p2 =	slt.u32 s13, s16;
	_ =	swait.ge [sflag:s0], $0x1400  }
0x150: {  	p3 =	sge.u32 @!p2 s13, s24;
	[sflag:s0] =	ssyncset.done $0x0  }
0x151: {  	p2 =	por p3, p2;
	s12 =	sadd.s32 $0x4E20, s11;
	[sflag:s0] =	ssyncadd.s32 $0xFFFFEC00  }
0x152: {  	[spmem:s20] =	stream.indirect.scatter.add.f32 [tilespmem:s23], [sflag:$0x7], $0x40, s12, s17, $0xb8;
	[tilespmem:$0x1F940] =	vst v63  }
0x153: {  	s14 =	simm.s32 @!p2 $0x50;
	s15 =	simm.s32 @!p2 $0x1C440  }
0x154: {  	[spmem:s21] =	stream.indirect.scatter.add.f32 @!p2 [tilespmem:s15], [sflag:$0xD], $0x10, s12, s14, $0xb8;
	[tilespmem:$0x1F940] =	vst v63  }
0x155: {  	s12 =	simm.s32 @!p1 $0xC  }
0x156: {  	_ =	swait.ge @!p1 [sflag:s12], $0x1400  }
0x157: {  	[sflag:s12] =	ssyncset.done @!p1 $0x0  }
0x158: {  	s22 =	sadd.s32 $0x190, s11;
	s14 =	sadd.s32 $0x1, s13;
	[sflag:s12] =	ssyncadd.s32 @!p1 $0xFFFFEC00  }
0x159: {  	[tilespmem:s19], [sflag:$0x6] =	stream.indirect.gather [hbm4b:s18+s17], $0x40, s22, s17, $0xb8;
	[tilespmem:$0x1F940] =	vst v63  }
0x15a: {  	p1 =	slt.u32 s14, s16;
	_ =	swait.ge [sflag:s2], $0x1400  }
0x15b: {  	p2 =	sge.u32 @!p1 s14, s24;
	[sflag:s2] =	ssyncset.done $0x0  }
0x15c: {  	s12 =	sadd.s32 $0x4E70, s11;
	p1 =	por p2, p1;
	[sflag:s2] =	ssyncadd.s32 $0xFFFFEC00  }
0x15d: {  	[spmem:s20] =	stream.indirect.scatter.add.f32 [tilespmem:s29], [sflag:$0x8], $0x40, s12, s17, $0xb8;
	[tilespmem:$0x1F940] =	vst v63  }
0x15e: {  	s14 =	simm.s32 @!p1 $0x50;
	s15 =	simm.s32 @!p1 $0x1C440  }
0x15f: {  	[spmem:s21] =	stream.indirect.scatter.add.f32 @!p1 [tilespmem:s15], [sflag:$0xD], $0x10, s12, s14, $0xb8;
	[tilespmem:$0x1F940] =	vst v63  }
0x160: {  	_ =	swait.ge [sflag:s3], $0x1400  }
0x161: {  	[sflag:s3] =	ssyncset.done $0x0  }
0x162: {  	s25 =	sadd.s32 $0x1E0, s11;
	s12 =	sadd.s32 $0x2, s13;
	[sflag:s3] =	ssyncadd.s32 $0xFFFFEC00  }
0x163: {  	[tilespmem:s23], [sflag:$0x1] =	stream.indirect.gather [hbm4b:s18+s17], $0x40, s25, s17, $0xb8;
	[tilespmem:$0x1F940] =	vst v63  }
0x164: {  	p1 =	slt.u32 s12, s16;
	_ =	swait.ge [sflag:s5], $0x1400  }
0x165: {  	p2 =	sge.u32 @!p1 s12, s24;
	[sflag:s5] =	ssyncset.done $0x0  }
0x166: {  	s12 =	sadd.s32 $0x4EC0, s11;
	p1 =	por p2, p1;
	[sflag:s5] =	ssyncadd.s32 $0xFFFFEC00  }
0x167: {  	[spmem:s20] =	stream.indirect.scatter.add.f32 [tilespmem:s30], [sflag:$0x9], $0x40, s12, s17, $0xb8;
	[tilespmem:$0x1F940] =	vst v63  }
0x168: {  	s14 =	simm.s32 @!p1 $0x50;
	s15 =	simm.s32 @!p1 $0x1C440  }
0x169: {  	[spmem:s21] =	stream.indirect.scatter.add.f32 @!p1 [tilespmem:s15], [sflag:$0xD], $0x10, s12, s14, $0xb8;
	[tilespmem:$0x1F940] =	vst v63  }
0x16a: {  	_ =	swait.ge [sflag:s7], $0x1400  }
0x16b: {  	[sflag:s7] =	ssyncset.done $0x0  }
0x16c: {  	s26 =	sadd.s32 $0x230, s11;
	s12 =	sadd.s32 $0x3, s13;
	[sflag:s7] =	ssyncadd.s32 $0xFFFFEC00  }
0x16d: {  	[tilespmem:s29], [sflag:$0x2] =	stream.indirect.gather [hbm4b:s18+s17], $0x40, s26, s17, $0xb8;
	[tilespmem:$0x1F940] =	vst v63  }
0x16e: {  	p1 =	slt.u32 s12, s16;
	_ =	swait.ge [sflag:s4], $0x1400  }
0x16f: {  	p2 =	sge.u32 @!p1 s12, s24;
	[sflag:s4] =	ssyncset.done $0x0  }
0x170: {  	s12 =	sadd.s32 $0x4F10, s11;
	p1 =	por p2, p1;
	[sflag:s4] =	ssyncadd.s32 $0xFFFFEC00  }
0x171: {  	[spmem:s20] =	stream.indirect.scatter.add.f32 [tilespmem:s31], [sflag:$0xA], $0x40, s12, s17, $0xb8;
	[tilespmem:$0x1F940] =	vst v63  }
0x172: {  	s14 =	simm.s32 @!p1 $0x50;
	s15 =	simm.s32 @!p1 $0x1C440  }
0x173: {  	[spmem:s21] =	stream.indirect.scatter.add.f32 @!p1 [tilespmem:s15], [sflag:$0xD], $0x10, s12, s14, $0xb8;
	[tilespmem:$0x1F940] =	vst v63  }
0x174: {  	_ =	swait.ge [sflag:s6], $0x1400  }
0x175: {  	[sflag:s6] =	ssyncset.done $0x0  }
0x176: {  	s12 =	sadd.s32 $0x4, s13;
	s15 =	sadd.s32 $0x280, s11;
	[sflag:s6] =	ssyncadd.s32 $0xFFFFEC00  }
0x177: {  	[tilespmem:s30], [sflag:$0x3] =	stream.indirect.gather [hbm4b:s18+s17], $0x40, s15, s17, $0xb8;
	[tilespmem:$0x1F940] =	vst v63  }
0x178: {  	p1 =	slt.u32 s12, s16;
	_ =	swait.ge [sflag:s28], $0x1400  }
0x179: {  	p2 =	sge.u32 @!p1 s12, s24;
	[sflag:s28] =	ssyncset.done $0x0  }
0x17a: {  	s12 =	sadd.s32 $0x4F60, s11;
	p1 =	por p2, p1;
	[sflag:s28] =	ssyncadd.s32 $0xFFFFEC00  }
0x17b: {  	[spmem:s20] =	stream.indirect.scatter.add.f32 [tilespmem:s1], [sflag:$0xB], $0x40, s12, s17, $0xb8;
	[tilespmem:$0x1F940] =	vst v63  }
0x17c: {  	s14 =	simm.s32 @!p1 $0x50;
	s15 =	simm.s32 @!p1 $0x1C440  }
0x17d: {  	[spmem:s21] =	stream.indirect.scatter.add.f32 @!p1 [tilespmem:s15], [sflag:$0xD], $0x10, s12, s14, $0xb8;
	[tilespmem:$0x1F940] =	vst v63  }
0x17e: {  	_ =	swait.ge [sflag:s8], $0x1400  }
0x17f: {  	[sflag:s8] =	ssyncset.done $0x0  }
0x180: {  	s22 =	sadd.s32 $0x2D0, s11;
	s12 =	sadd.s32 $0x5, s13;
	[sflag:s8] =	ssyncadd.s32 $0xFFFFEC00  }
0x181: {  	[tilespmem:s31], [sflag:$0x4] =	stream.indirect.gather [hbm4b:s18+s17], $0x40, s22, s17, $0xb8;
	[tilespmem:$0x1F940] =	vst v63  }
0x182: {  	p1 =	slt.u32 s12, s16;
	_ =	swait.ge [sflag:s9], $0x1400  }
0x183: {  	p2 =	sge.u32 @!p1 s12, s24;
	[sflag:s9] =	ssyncset.done $0x0  }
0x184: {  	s11 =	sadd.s32 $0x4FB0, s11;
	p1 =	por p2, p1;
	[sflag:s9] =	ssyncadd.s32 $0xFFFFEC00  }
0x185: {  	[spmem:s20] =	stream.indirect.scatter.add.f32 [tilespmem:s19], [sflag:$0xC], $0x40, s11, s17, $0xb8;
	[tilespmem:$0x1F940] =	vst v63  }
0x186: {  	s12 =	simm.s32 @!p1 $0x50;
	s13 =	simm.s32 @!p1 $0x1C440  }
0x187: {  	[spmem:s21] =	stream.indirect.scatter.add.f32 @!p1 [tilespmem:s13], [sflag:$0xD], $0x10, s11, s12, $0xb8;
	[tilespmem:$0x1F940] =	vst v63  }
0x188: {  	_ =	swait.ge [sflag:s0], $0x1400  }
0x189: {  	[sflag:s0] =	ssyncset.done $0x0  }
0x18a: {  	s25 =	simm.s32 $0x9B00;
	s11 =	simm.s32 @p0 $0x2;
	[sflag:s0] =	ssyncadd.s32 $0xFFFFEC00  }
0x18b: {  	[spmem:s20] =	stream.indirect.scatter.add.f32 [tilespmem:s23], [sflag:$0x7], $0x40, s25, s17, $0xb8;
	[tilespmem:$0x1F940] =	vst v63  }
0x18c: {  	_ =	swait.ge @p0 [sflag:s11], $0x1400  }
0x18d: {  	s12 =	simm.s32 @p0 $0x9B50;
	[sflag:s11] =	ssyncset.done @p0 $0x0  }
0x18e: {  	s13 =	simm.s32 @p0 $0xB040;
	[sflag:s11] =	ssyncadd.s32 @p0 $0xFFFFEC00;
	s11 =	simm.s32 @p0 $0x50  }
0x18f: {  	[spmem:s20] =	stream.indirect.scatter.add.f32 @p0 [tilespmem:s13], [sflag:$0x8], $0x40, s12, s11, $0xb8;
	[tilespmem:$0x1F940] =	vst v63  }
0x190: {  	s14 =	simm.s32 @!p0 $0x1C440;
	s12 =	simm.s32 @!p0 $0x50;
	s13 =	simm.s32 @!p0 $0x9B00  }
0x191: {  	[spmem:s21] =	stream.indirect.scatter.add.f32 @!p0 [tilespmem:s14], [sflag:$0xD], $0x10, s13, s12, $0xb8;
	[tilespmem:$0x1F940] =	vst v63  }
0x192: {  	s13 =	simm.s32 @!p0 $0x2  }
0x193: {  	_ =	swait.ge @!p0 [sflag:s13], $0x1400  }
0x194: {  	[sflag:s13] =	ssyncset.done @!p0 $0x0  }
0x195: {  	s15 =	simm.s32 @!p0 $0xB040;
	[sflag:s13] =	ssyncadd.s32 @!p0 $0xFFFFEC00;
	s13 =	simm.s32 @!p0 $0x9B50  }
0x196: {  	[spmem:s20] =	stream.indirect.scatter.add.f32 @!p0 [tilespmem:s15], [sflag:$0x8], $0x40, s13, s12, $0xb8;
	[tilespmem:$0x1F940] =	vst v63  }
0x197: {  	_ = 	snop  }
0x198: {  	[spmem:s21] =	stream.indirect.scatter.add.f32 @!p0 [tilespmem:s14], [sflag:$0xD], $0x10, s13, s12, $0xb8;
	[tilespmem:$0x1F940] =	vst v63  }
0x199: {  	_ =	swait.ge [sflag:s5], $0x1400  }
0x19a: {  	[sflag:s5] =	ssyncset.done $0x0  }
0x19b: {  	s26 =	simm.s32 $0x9BA0;
	s13 =	simm.s32 @p0 $0x4;
	[sflag:s5] =	ssyncadd.s32 $0xFFFFEC00  }
0x19c: {  	[spmem:s20] =	stream.indirect.scatter.add.f32 [tilespmem:s30], [sflag:$0x9], $0x40, s26, s17, $0xb8;
	[tilespmem:$0x1F940] =	vst v63  }
0x19d: {  	_ =	swait.ge @p0 [sflag:s13], $0x1400  }
0x19e: {  	[sflag:s13] =	ssyncset.done @p0 $0x0  }
0x19f: {  	s15 =	simm.s32 @p0 $0xD840;
	[sflag:s13] =	ssyncadd.s32 @p0 $0xFFFFEC00;
	s13 =	simm.s32 @p0 $0x9BF0  }
0x1a0: {  	[spmem:s20] =	stream.indirect.scatter.add.f32 @p0 [tilespmem:s15], [sflag:$0xA], $0x40, s13, s11, $0xb8;
	[tilespmem:$0x1F940] =	vst v63  }
0x1a1: {  	s11 =	simm.s32 @!p0 $0x9BA0  }
0x1a2: {  	[spmem:s21] =	stream.indirect.scatter.add.f32 @!p0 [tilespmem:s14], [sflag:$0xD], $0x10, s11, s12, $0xb8;
	[tilespmem:$0x1F940] =	vst v63  }
0x1a3: {  	s11 =	simm.s32 @!p0 $0x4  }
0x1a4: {  	_ =	swait.ge @!p0 [sflag:s11], $0x1400  }
0x1a5: {  	[sflag:s11] =	ssyncset.done @!p0 $0x0  }
0x1a6: {  	s13 =	simm.s32 @!p0 $0xD840;
	[sflag:s11] =	ssyncadd.s32 @!p0 $0xFFFFEC00;
	s11 =	simm.s32 @!p0 $0x9BF0  }
0x1a7: {  	[spmem:s20] =	stream.indirect.scatter.add.f32 @!p0 [tilespmem:s13], [sflag:$0xA], $0x40, s11, s12, $0xb8;
	[tilespmem:$0x1F940] =	vst v63  }
0x1a8: {  	s28 =	simm.s32 $0xB  }
0x1a9: {  	[spmem:s21] =	stream.indirect.scatter.add.f32 @!p0 [tilespmem:s14], [sflag:$0xD], $0x10, s11, s12, $0xb8;
	[tilespmem:$0x1F940] =	vst v63  }
0x1aa: {  	_ =	swait.ge [sflag:s28], $0x1400  }
0x1ab: {  	[sflag:s28] =	ssyncset.done $0x0  }
0x1ac: {  	s29 =	simm.s32 $0xC;
	[sflag:s28] =	ssyncadd.s32 $0xFFFFEC00  }
0x1ad: {  	_ =	swait.ge [sflag:s29], $0x1400  }
0x1ae: {  	[sflag:s29] =	ssyncset.done $0x0  }
0x1af: {  	[sflag:s29] =	ssyncadd.s32 $0xFFFFEC00  }
0x1b0: {  	_ =	swait.ge [sflag:s3], $0x1400  }
0x1b1: {  	[sflag:s3] =	ssyncset.done $0x0  }
0x1b2: {  	[sflag:s3] =	ssyncadd.s32 $0xFFFFEC00  }
0x1b3: {  	_ =	swait.ge [sflag:s7], $0x1400  }
0x1b4: {  	[sflag:s7] =	ssyncset.done $0x0  }
0x1b5: {  	[sflag:s7] =	ssyncadd.s32 $0xFFFFEC00  }
0x1b6: {  	_ =	swait.ge [sflag:s6], $0x1400  }
0x1b7: {  	[sflag:s6] =	ssyncset.done $0x0  }
0x1b8: {  	[sflag:s6] =	ssyncadd.s32 $0xFFFFEC00  }
0x1b9: {  	_ =	swait.ge [sflag:s8], $0x1400  }
0x1ba: {  	[sflag:s8] =	ssyncset.done $0x0  }
0x1bb: {  	[sflag:s8] =	ssyncadd.s32 $0xFFFFEC00  }
0x1bc: {  	s4 =	simm.s32 $0x8;
	_ =	swait.ge [sflag:s10], $0x500  }
0x1bd: {  	s19 =	simm.s32 $0x1;
	s11 =	simm.s32 $0x7C;
	[sflag:s10] =	ssyncset.done $0x0  }
.LBB2_8:
0x1be: {  	p1 =	sne.s32 s11, $0x1;
	s11 =	sadd.s32 $0xFFFFFFFF, s11;
	[sflag:s10] =	ssyncadd.s32 $0xFFFFFB00  }
.Ltmp3:
0x1bf: {  	(pc) =	sbr.rel @p1 .LBB2_8-.Ltmp3, $3  }
0x1c0: {  	_ =	sdelay $0x1  }
0x1c1: {  	_ =	swait.ge [sflag:s10], $0x500  }
0x1c2: {  	[sflag:s10] =	ssyncset.done $0x0  }
0x1c3: {  	[sflag:s10] =	ssyncadd.s32 $0xFFFFFB00  }
0x1c4: {  	s11 =	stileid.u32;
	[bflag:$0x0] =	sbarrier.arrive $0xFFFF  }
0x1c5: {  	s25 =	simm.s32 $0xE;
	s11 =	sshll.u32 s11, $0x6;
	s23 =	rddreg [dreg:$0x1b]  }
0x1c6: {  	s13 =	sor.u32 $0x1C0E, s11;
	s12 =	rddreg [dreg:$0x5];
	s22 =	sshrl.u32 s23, $0x3  }
0x1c7: {  	[hbm:s12], [sflag:s13] =	dma.local [spmem:s22], $0x200  }
0x1c8: {  	_ =	swait.ge [sflag:s25], $0x200  }
0x1c9: {  	[sflag:s25] =	ssyncset.done $0x0  }
0x1ca: {  	s0 =	simm.s32 $0x1CD40;
	s29 =	rddreg [dreg:$0x1c];
	[sflag:s25] =	ssyncadd.s32 $0xFFFFFE00  }
0x1cb: {  	[tilespmem:s0], [sflag:$0xE] =	stream.linear.gather [spmem:s29], $0x400, $0x38;
	[tilespmem:$0x1F940] =	vst v63  }
0x1cc: {  	_ =	swait.ge [sflag:s25], $0x400  }
0x1cd: {  	[sflag:s25] =	ssyncset.done $0x0  }
0x1ce: {  	s26 =	simm.s32 $0x0;
	[sflag:s25] =	ssyncadd.s32 $0xFFFFFC00  }
0x1cf: {  	v2 =	vld [tilespmem:s26+$0x1CD40];
	_ =	sdelay $0x3  }
0x1d0: {  	s11 =	simm.s32 $0x11460  }
0x1d1: {  	[tilespmem:s11+$0xFFFFFFE0] =	vst v2  }
0x1d2: {  	s28 =	rddreg [dreg:$0x1e];
	[tilespmem:s11+$0xFFFFFFF0] =	vst v2  }
0x1d3: {  	s14 =	simm.s32 $0x10;
	s15 =	sld [smem:$0x7FC];
	[tilespmem:s11+$0x0] =	vst v2  }
0x1d4: {  	s12 =	simm.s32 $0x80;
	s22 =	simm.s32 $0x11440;
	s26 =	rddreg [dreg:$0x1d];
	[tilespmem:s11+$0x10] =	vst v2  }
.LBB2_10:
0x1d5: {  	p1 =	sne.s32 s12, $0xFC0;
	v2 =	vld [tilespmem:s14+$0x1CD40];
	_ =	sdelay $0x3  }
.Ltmp4:
0x1d6: {  	s11 =	sadd.s32 $0x40, s11;
	(pc) =	sbr.rel @p1 .LBB2_10-.Ltmp4, $4  }
0x1d7: {  	[tilespmem:s11+$0xFFFFFFE0] =	vst v2  }
0x1d8: {  	[tilespmem:s11+$0xFFFFFFF0] =	vst v2  }
0x1d9: {  	[tilespmem:s11+$0x0] =	vst v2  }
0x1da: {  	s14 =	sshra.s32 s12, $0x2;
	s12 =	sadd.s32 $0x40, s12;
	[tilespmem:s11+$0x10] =	vst v2  }
0x1db: {  	v2 =	vld [tilespmem:s14+$0x1CD40];
	_ =	sdelay $0x3  }
0x1dc: {  	s11 =	sadd.s32 $0x40, s11  }
0x1dd: {  	[tilespmem:s11+$0xFFFFFFE0] =	vst v2  }
0x1de: {  	[tilespmem:s11+$0xFFFFFFF0] =	vst v2  }
0x1df: {  	[tilespmem:s11+$0x0] =	vst v2  }
0x1e0: {  	s25 =	simm.s32 $0x0;
	s12 =	rddreg [dreg:$0x6];
	s14 =	simm.s32 $0xE;
	[tilespmem:s11+$0x10] =	vst v2  }
0x1e1: {  	[hbm4b:s12+s25] =	stream.linear.scatter [tilespmem:s22], [sflag:$0xE], $0x1000, $0x38;
	[tilespmem:$0x1F940] =	vst v63  }
0x1e2: {  	_ =	swait.ge [sflag:s14], $0x1000  }
0x1e3: {  	[sflag:s14] =	ssyncset.done $0x0  }
0x1e4: {  	s12 =	sshrl.u32 s26, $0x3;
	s25 =	rddreg [dreg:$0x7];
	[sflag:s14] =	ssyncadd.s32 $0xFFFFF000  }
0x1e5: {  	[hbm:s25], [sflag:s13] =	dma.local [spmem:s12], $0x200  }
0x1e6: {  	_ =	swait.ge [sflag:s14], $0x200  }
0x1e7: {  	[sflag:s14] =	ssyncset.done $0x0  }
0x1e8: {  	[sflag:s14] =	ssyncadd.s32 $0xFFFFFE00  }
0x1e9: {  	[tilespmem:s0], [sflag:$0xE] =	stream.linear.gather [spmem:s28], $0x400, $0x38;
	[tilespmem:$0x1F940] =	vst v63  }
0x1ea: {  	_ =	swait.ge [sflag:s14], $0x400  }
0x1eb: {  	[sflag:s14] =	ssyncset.done $0x0  }
0x1ec: {  	s25 =	simm.s32 $0x0;
	[sflag:s14] =	ssyncadd.s32 $0xFFFFFC00  }
0x1ed: {  	v2 =	vld [tilespmem:s25+$0x1CD40];
	_ =	sdelay $0x3  }
0x1ee: {  	s11 =	simm.s32 $0x11460  }
0x1ef: {  	[tilespmem:s11+$0xFFFFFFE0] =	vst v2  }
0x1f0: {  	[tilespmem:s11+$0xFFFFFFF0] =	vst v2  }
0x1f1: {  	[tilespmem:s11+$0x0] =	vst v2  }
0x1f2: {  	s12 =	simm.s32 $0x80;
	s14 =	simm.s32 $0x10;
	[tilespmem:s11+$0x10] =	vst v2  }
.LBB2_12:
0x1f3: {  	p1 =	sne.s32 s12, $0xFC0;
	v2 =	vld [tilespmem:s14+$0x1CD40];
	_ =	sdelay $0x3  }
.Ltmp5:
0x1f4: {  	s11 =	sadd.s32 $0x40, s11;
	(pc) =	sbr.rel @p1 .LBB2_12-.Ltmp5, $4  }
0x1f5: {  	[tilespmem:s11+$0xFFFFFFE0] =	vst v2  }
0x1f6: {  	[tilespmem:s11+$0xFFFFFFF0] =	vst v2  }
0x1f7: {  	[tilespmem:s11+$0x0] =	vst v2  }
0x1f8: {  	s14 =	sshra.s32 s12, $0x2;
	s12 =	sadd.s32 $0x40, s12;
	[tilespmem:s11+$0x10] =	vst v2  }
0x1f9: {  	v2 =	vld [tilespmem:s14+$0x1CD40];
	_ =	sdelay $0x3  }
0x1fa: {  	s11 =	sadd.s32 $0x40, s11  }
0x1fb: {  	[tilespmem:s11+$0xFFFFFFE0] =	vst v2  }
0x1fc: {  	[tilespmem:s11+$0xFFFFFFF0] =	vst v2  }
0x1fd: {  	[tilespmem:s11+$0x0] =	vst v2  }
0x1fe: {  	s25 =	simm.s32 $0x0;
	s12 =	rddreg [dreg:$0x8];
	s14 =	simm.s32 $0xE;
	[tilespmem:s11+$0x10] =	vst v2  }
0x1ff: {  	[hbm4b:s12+s25] =	stream.linear.scatter [tilespmem:s22], [sflag:$0xE], $0x1000, $0x38;
	[tilespmem:$0x1F940] =	vst v63  }
0x200: {  	_ =	swait.ge [sflag:s14], $0x1000  }
0x201: {  	[sflag:s14] =	ssyncset.done $0x0;
	s12 =	rddreg [dreg:$0x1f]  }
0x202: {  	s25 =	rddreg [dreg:$0x9];
	[sflag:s14] =	ssyncadd.s32 $0xFFFFF000;
	s11 =	sshrl.u32 s12, $0x3  }
0x203: {  	[hbm:s25], [sflag:s13] =	dma.local [spmem:s11], $0x200  }
0x204: {  	_ =	swait.ge [sflag:s14], $0x200  }
0x205: {  	s12 =	sld [smem:$0x7EC]  }
0x206: {  	[sflag:s14] =	ssyncset.done $0x0  }
0x207: {  	[sflag:s14] =	ssyncadd.s32 $0xFFFFFE00  }
0x208: {  	[tilespmem:s0], [sflag:$0xE] =	stream.linear.gather [spmem:s12], $0x400, $0x38;
	[tilespmem:$0x1F940] =	vst v63  }
0x209: {  	_ =	swait.ge [sflag:s14], $0x400  }
0x20a: {  	[sflag:s14] =	ssyncset.done $0x0  }
0x20b: {  	s25 =	simm.s32 $0x0;
	[sflag:s14] =	ssyncadd.s32 $0xFFFFFC00  }
0x20c: {  	v2 =	vld [tilespmem:s25+$0x1CD40];
	_ =	sdelay $0x3  }
0x20d: {  	s11 =	simm.s32 $0x11460  }
0x20e: {  	[tilespmem:s11+$0xFFFFFFE0] =	vst v2  }
0x20f: {  	[tilespmem:s11+$0xFFFFFFF0] =	vst v2  }
0x210: {  	[tilespmem:s11+$0x0] =	vst v2  }
0x211: {  	s12 =	simm.s32 $0x80;
	s14 =	simm.s32 $0x10;
	[tilespmem:s11+$0x10] =	vst v2  }
.LBB2_14:
0x212: {  	p1 =	sne.s32 s12, $0xFC0;
	v2 =	vld [tilespmem:s14+$0x1CD40];
	_ =	sdelay $0x3  }
.Ltmp6:
0x213: {  	s11 =	sadd.s32 $0x40, s11;
	(pc) =	sbr.rel @p1 .LBB2_14-.Ltmp6, $4  }
0x214: {  	[tilespmem:s11+$0xFFFFFFE0] =	vst v2  }
0x215: {  	[tilespmem:s11+$0xFFFFFFF0] =	vst v2  }
0x216: {  	[tilespmem:s11+$0x0] =	vst v2  }
0x217: {  	s14 =	sshra.s32 s12, $0x2;
	s12 =	sadd.s32 $0x40, s12;
	[tilespmem:s11+$0x10] =	vst v2  }
0x218: {  	v2 =	vld [tilespmem:s14+$0x1CD40];
	_ =	sdelay $0x3  }
0x219: {  	s11 =	sadd.s32 $0x40, s11  }
0x21a: {  	[tilespmem:s11+$0xFFFFFFE0] =	vst v2  }
0x21b: {  	[tilespmem:s11+$0xFFFFFFF0] =	vst v2  }
0x21c: {  	[tilespmem:s11+$0x0] =	vst v2  }
0x21d: {  	s25 =	simm.s32 $0x0;
	s12 =	rddreg [dreg:$0xa];
	s14 =	simm.s32 $0xE;
	[tilespmem:s11+$0x10] =	vst v2  }
0x21e: {  	[hbm4b:s12+s25] =	stream.linear.scatter [tilespmem:s22], [sflag:$0xE], $0x1000, $0x38;
	[tilespmem:$0x1F940] =	vst v63  }
0x21f: {  	_ =	swait.ge [sflag:s14], $0x1000  }
0x220: {  	s12 =	sld [smem:$0x7ED];
	_ =	sdelay $0x1  }
0x221: {  	[sflag:s14] =	ssyncset.done $0x0  }
0x222: {  	s25 =	rddreg [dreg:$0xb];
	[sflag:s14] =	ssyncadd.s32 $0xFFFFF000;
	s11 =	sshrl.u32 s12, $0x3  }
0x223: {  	[hbm:s25], [sflag:s13] =	dma.local [spmem:s11], $0x200  }
0x224: {  	_ =	swait.ge [sflag:s14], $0x200  }
0x225: {  	s12 =	sld [smem:$0x7EE]  }
0x226: {  	[sflag:s14] =	ssyncset.done $0x0  }
0x227: {  	[sflag:s14] =	ssyncadd.s32 $0xFFFFFE00  }
0x228: {  	[tilespmem:s0], [sflag:$0xE] =	stream.linear.gather [spmem:s12], $0x400, $0x38;
	[tilespmem:$0x1F940] =	vst v63  }
0x229: {  	_ =	swait.ge [sflag:s14], $0x400  }
0x22a: {  	[sflag:s14] =	ssyncset.done $0x0  }
0x22b: {  	s25 =	simm.s32 $0x0;
	[sflag:s14] =	ssyncadd.s32 $0xFFFFFC00  }
0x22c: {  	v2 =	vld [tilespmem:s25+$0x1CD40];
	_ =	sdelay $0x3  }
0x22d: {  	s11 =	simm.s32 $0x11460  }
0x22e: {  	[tilespmem:s11+$0xFFFFFFE0] =	vst v2  }
0x22f: {  	[tilespmem:s11+$0xFFFFFFF0] =	vst v2  }
0x230: {  	[tilespmem:s11+$0x0] =	vst v2  }
0x231: {  	s12 =	simm.s32 $0x80;
	s14 =	simm.s32 $0x10;
	[tilespmem:s11+$0x10] =	vst v2  }
.LBB2_16:
0x232: {  	p1 =	sne.s32 s12, $0xFC0;
	v2 =	vld [tilespmem:s14+$0x1CD40];
	_ =	sdelay $0x3  }
.Ltmp7:
0x233: {  	s11 =	sadd.s32 $0x40, s11;
	(pc) =	sbr.rel @p1 .LBB2_16-.Ltmp7, $4  }
0x234: {  	[tilespmem:s11+$0xFFFFFFE0] =	vst v2  }
0x235: {  	[tilespmem:s11+$0xFFFFFFF0] =	vst v2  }
0x236: {  	[tilespmem:s11+$0x0] =	vst v2  }
0x237: {  	s14 =	sshra.s32 s12, $0x2;
	s12 =	sadd.s32 $0x40, s12;
	[tilespmem:s11+$0x10] =	vst v2  }
0x238: {  	v2 =	vld [tilespmem:s14+$0x1CD40];
	_ =	sdelay $0x3  }
0x239: {  	s11 =	sadd.s32 $0x40, s11  }
0x23a: {  	[tilespmem:s11+$0xFFFFFFE0] =	vst v2  }
0x23b: {  	[tilespmem:s11+$0xFFFFFFF0] =	vst v2  }
0x23c: {  	[tilespmem:s11+$0x0] =	vst v2  }
0x23d: {  	s25 =	simm.s32 $0x0;
	s12 =	rddreg [dreg:$0xc];
	s14 =	simm.s32 $0xE;
	[tilespmem:s11+$0x10] =	vst v2  }
0x23e: {  	[hbm4b:s12+s25] =	stream.linear.scatter [tilespmem:s22], [sflag:$0xE], $0x1000, $0x38;
	[tilespmem:$0x1F940] =	vst v63  }
0x23f: {  	_ =	swait.ge [sflag:s14], $0x1000  }
0x240: {  	s12 =	sld [smem:$0x7EF];
	_ =	sdelay $0x1  }
0x241: {  	[sflag:s14] =	ssyncset.done $0x0  }
0x242: {  	s25 =	rddreg [dreg:$0xd];
	[sflag:s14] =	ssyncadd.s32 $0xFFFFF000;
	s11 =	sshrl.u32 s12, $0x3  }
0x243: {  	[hbm:s25], [sflag:s13] =	dma.local [spmem:s11], $0x200  }
0x244: {  	_ =	swait.ge [sflag:s14], $0x200  }
0x245: {  	s12 =	sld [smem:$0x7F0]  }
0x246: {  	[sflag:s14] =	ssyncset.done $0x0  }
0x247: {  	[sflag:s14] =	ssyncadd.s32 $0xFFFFFE00  }
0x248: {  	[tilespmem:s0], [sflag:$0xE] =	stream.linear.gather [spmem:s12], $0x400, $0x38;
	[tilespmem:$0x1F940] =	vst v63  }
0x249: {  	_ =	swait.ge [sflag:s14], $0x400  }
0x24a: {  	[sflag:s14] =	ssyncset.done $0x0  }
0x24b: {  	s25 =	simm.s32 $0x0;
	[sflag:s14] =	ssyncadd.s32 $0xFFFFFC00  }
0x24c: {  	v2 =	vld [tilespmem:s25+$0x1CD40];
	_ =	sdelay $0x3  }
0x24d: {  	s11 =	simm.s32 $0x11460  }
0x24e: {  	[tilespmem:s11+$0xFFFFFFE0] =	vst v2  }
0x24f: {  	[tilespmem:s11+$0xFFFFFFF0] =	vst v2  }
0x250: {  	[tilespmem:s11+$0x0] =	vst v2  }
0x251: {  	s12 =	simm.s32 $0x80;
	s14 =	simm.s32 $0x10;
	[tilespmem:s11+$0x10] =	vst v2  }
.LBB2_18:
0x252: {  	p1 =	sne.s32 s12, $0xFC0;
	v2 =	vld [tilespmem:s14+$0x1CD40];
	_ =	sdelay $0x3  }
.Ltmp8:
0x253: {  	s11 =	sadd.s32 $0x40, s11;
	(pc) =	sbr.rel @p1 .LBB2_18-.Ltmp8, $4  }
0x254: {  	[tilespmem:s11+$0xFFFFFFE0] =	vst v2  }
0x255: {  	[tilespmem:s11+$0xFFFFFFF0] =	vst v2  }
0x256: {  	[tilespmem:s11+$0x0] =	vst v2  }
0x257: {  	s14 =	sshra.s32 s12, $0x2;
	s12 =	sadd.s32 $0x40, s12;
	[tilespmem:s11+$0x10] =	vst v2  }
0x258: {  	v2 =	vld [tilespmem:s14+$0x1CD40];
	_ =	sdelay $0x3  }
0x259: {  	s11 =	sadd.s32 $0x40, s11  }
0x25a: {  	[tilespmem:s11+$0xFFFFFFE0] =	vst v2  }
0x25b: {  	[tilespmem:s11+$0xFFFFFFF0] =	vst v2  }
0x25c: {  	[tilespmem:s11+$0x0] =	vst v2  }
0x25d: {  	s25 =	simm.s32 $0x0;
	s12 =	rddreg [dreg:$0xe];
	s14 =	simm.s32 $0xE;
	[tilespmem:s11+$0x10] =	vst v2  }
0x25e: {  	[hbm4b:s12+s25] =	stream.linear.scatter [tilespmem:s22], [sflag:$0xE], $0x1000, $0x38;
	[tilespmem:$0x1F940] =	vst v63  }
0x25f: {  	_ =	swait.ge [sflag:s14], $0x1000  }
0x260: {  	s12 =	sld [smem:$0x7F1];
	_ =	sdelay $0x1  }
0x261: {  	[sflag:s14] =	ssyncset.done $0x0  }
0x262: {  	s25 =	rddreg [dreg:$0xf];
	[sflag:s14] =	ssyncadd.s32 $0xFFFFF000;
	s11 =	sshrl.u32 s12, $0x3  }
0x263: {  	[hbm:s25], [sflag:s13] =	dma.local [spmem:s11], $0x200  }
0x264: {  	_ =	swait.ge [sflag:s14], $0x200  }
0x265: {  	s12 =	sld [smem:$0x7F2]  }
0x266: {  	[sflag:s14] =	ssyncset.done $0x0  }
0x267: {  	[sflag:s14] =	ssyncadd.s32 $0xFFFFFE00  }
0x268: {  	[tilespmem:s0], [sflag:$0xE] =	stream.linear.gather [spmem:s12], $0x400, $0x38;
	[tilespmem:$0x1F940] =	vst v63  }
0x269: {  	_ =	swait.ge [sflag:s14], $0x400  }
0x26a: {  	[sflag:s14] =	ssyncset.done $0x0  }
0x26b: {  	s25 =	simm.s32 $0x0;
	[sflag:s14] =	ssyncadd.s32 $0xFFFFFC00  }
0x26c: {  	v2 =	vld [tilespmem:s25+$0x1CD40];
	_ =	sdelay $0x3  }
0x26d: {  	s11 =	simm.s32 $0x11460  }
0x26e: {  	[tilespmem:s11+$0xFFFFFFE0] =	vst v2  }
0x26f: {  	[tilespmem:s11+$0xFFFFFFF0] =	vst v2  }
0x270: {  	[tilespmem:s11+$0x0] =	vst v2  }
0x271: {  	s12 =	simm.s32 $0x80;
	s14 =	simm.s32 $0x10;
	[tilespmem:s11+$0x10] =	vst v2  }
.LBB2_20:
0x272: {  	p1 =	sne.s32 s12, $0xFC0;
	v2 =	vld [tilespmem:s14+$0x1CD40];
	_ =	sdelay $0x3  }
.Ltmp9:
0x273: {  	s11 =	sadd.s32 $0x40, s11;
	(pc) =	sbr.rel @p1 .LBB2_20-.Ltmp9, $4  }
0x274: {  	[tilespmem:s11+$0xFFFFFFE0] =	vst v2  }
0x275: {  	[tilespmem:s11+$0xFFFFFFF0] =	vst v2  }
0x276: {  	[tilespmem:s11+$0x0] =	vst v2  }
0x277: {  	s14 =	sshra.s32 s12, $0x2;
	s12 =	sadd.s32 $0x40, s12;
	[tilespmem:s11+$0x10] =	vst v2  }
0x278: {  	v2 =	vld [tilespmem:s14+$0x1CD40];
	_ =	sdelay $0x3  }
0x279: {  	s11 =	sadd.s32 $0x40, s11  }
0x27a: {  	[tilespmem:s11+$0xFFFFFFE0] =	vst v2  }
0x27b: {  	[tilespmem:s11+$0xFFFFFFF0] =	vst v2  }
0x27c: {  	[tilespmem:s11+$0x0] =	vst v2  }
0x27d: {  	s25 =	simm.s32 $0x0;
	s12 =	rddreg [dreg:$0x10];
	s14 =	simm.s32 $0xE;
	[tilespmem:s11+$0x10] =	vst v2  }
0x27e: {  	[hbm4b:s12+s25] =	stream.linear.scatter [tilespmem:s22], [sflag:$0xE], $0x1000, $0x38;
	[tilespmem:$0x1F940] =	vst v63  }
0x27f: {  	_ =	swait.ge [sflag:s14], $0x1000  }
0x280: {  	s12 =	sld [smem:$0x7F3];
	_ =	sdelay $0x1  }
0x281: {  	[sflag:s14] =	ssyncset.done $0x0  }
0x282: {  	s25 =	rddreg [dreg:$0x11];
	[sflag:s14] =	ssyncadd.s32 $0xFFFFF000;
	s11 =	sshrl.u32 s12, $0x3  }
0x283: {  	[hbm:s25], [sflag:s13] =	dma.local [spmem:s11], $0x200  }
0x284: {  	_ =	swait.ge [sflag:s14], $0x200  }
0x285: {  	s12 =	sld [smem:$0x7F4]  }
0x286: {  	[sflag:s14] =	ssyncset.done $0x0  }
0x287: {  	[sflag:s14] =	ssyncadd.s32 $0xFFFFFE00  }
0x288: {  	[tilespmem:s0], [sflag:$0xE] =	stream.linear.gather [spmem:s12], $0x400, $0x38;
	[tilespmem:$0x1F940] =	vst v63  }
0x289: {  	_ =	swait.ge [sflag:s14], $0x400  }
0x28a: {  	[sflag:s14] =	ssyncset.done $0x0  }
0x28b: {  	s25 =	simm.s32 $0x0;
	[sflag:s14] =	ssyncadd.s32 $0xFFFFFC00  }
0x28c: {  	v2 =	vld [tilespmem:s25+$0x1CD40];
	_ =	sdelay $0x3  }
0x28d: {  	s11 =	simm.s32 $0x11460  }
0x28e: {  	[tilespmem:s11+$0xFFFFFFE0] =	vst v2  }
0x28f: {  	[tilespmem:s11+$0xFFFFFFF0] =	vst v2  }
0x290: {  	[tilespmem:s11+$0x0] =	vst v2  }
0x291: {  	s12 =	simm.s32 $0x80;
	s14 =	simm.s32 $0x10;
	[tilespmem:s11+$0x10] =	vst v2  }
.LBB2_22:
0x292: {  	p1 =	sne.s32 s12, $0xFC0;
	v2 =	vld [tilespmem:s14+$0x1CD40];
	_ =	sdelay $0x3  }
.Ltmp10:
0x293: {  	s11 =	sadd.s32 $0x40, s11;
	(pc) =	sbr.rel @p1 .LBB2_22-.Ltmp10, $4  }
0x294: {  	[tilespmem:s11+$0xFFFFFFE0] =	vst v2  }
0x295: {  	[tilespmem:s11+$0xFFFFFFF0] =	vst v2  }
0x296: {  	[tilespmem:s11+$0x0] =	vst v2  }
0x297: {  	s14 =	sshra.s32 s12, $0x2;
	s12 =	sadd.s32 $0x40, s12;
	[tilespmem:s11+$0x10] =	vst v2  }
0x298: {  	v2 =	vld [tilespmem:s14+$0x1CD40];
	_ =	sdelay $0x3  }
0x299: {  	s11 =	sadd.s32 $0x40, s11  }
0x29a: {  	[tilespmem:s11+$0xFFFFFFE0] =	vst v2  }
0x29b: {  	[tilespmem:s11+$0xFFFFFFF0] =	vst v2  }
0x29c: {  	[tilespmem:s11+$0x0] =	vst v2  }
0x29d: {  	s25 =	simm.s32 $0x0;
	s12 =	rddreg [dreg:$0x12];
	s14 =	simm.s32 $0xE;
	[tilespmem:s11+$0x10] =	vst v2  }
0x29e: {  	[hbm4b:s12+s25] =	stream.linear.scatter [tilespmem:s22], [sflag:$0xE], $0x1000, $0x38;
	[tilespmem:$0x1F940] =	vst v63  }
0x29f: {  	_ =	swait.ge [sflag:s14], $0x1000  }
0x2a0: {  	[sflag:s14] =	ssyncset.done $0x0  }
0x2a1: {  	s12 =	sshrl.u32 s15, $0x3;
	s25 =	rddreg [dreg:$0x13];
	[sflag:s14] =	ssyncadd.s32 $0xFFFFF000  }
0x2a2: {  	[hbm:s25], [sflag:s13] =	dma.local [spmem:s12], $0x200  }
0x2a3: {  	_ =	swait.ge [sflag:s14], $0x200  }
0x2a4: {  	s12 =	sld [smem:$0x7F5]  }
0x2a5: {  	[sflag:s14] =	ssyncset.done $0x0  }
0x2a6: {  	[sflag:s14] =	ssyncadd.s32 $0xFFFFFE00  }
0x2a7: {  	[tilespmem:s0], [sflag:$0xE] =	stream.linear.gather [spmem:s12], $0x400, $0x38;
	[tilespmem:$0x1F940] =	vst v63  }
0x2a8: {  	_ =	swait.ge [sflag:s14], $0x400  }
0x2a9: {  	[sflag:s14] =	ssyncset.done $0x0  }
0x2aa: {  	s25 =	simm.s32 $0x0;
	[sflag:s14] =	ssyncadd.s32 $0xFFFFFC00  }
0x2ab: {  	v2 =	vld [tilespmem:s25+$0x1CD40];
	_ =	sdelay $0x3  }
0x2ac: {  	s11 =	simm.s32 $0x11460  }
0x2ad: {  	[tilespmem:s11+$0xFFFFFFE0] =	vst v2  }
0x2ae: {  	[tilespmem:s11+$0xFFFFFFF0] =	vst v2  }
0x2af: {  	[tilespmem:s11+$0x0] =	vst v2  }
0x2b0: {  	s12 =	simm.s32 $0x80;
	s14 =	simm.s32 $0x10;
	[tilespmem:s11+$0x10] =	vst v2  }
.LBB2_24:
0x2b1: {  	p1 =	sne.s32 s12, $0xFC0;
	v2 =	vld [tilespmem:s14+$0x1CD40];
	_ =	sdelay $0x3  }
.Ltmp11:
0x2b2: {  	s11 =	sadd.s32 $0x40, s11;
	(pc) =	sbr.rel @p1 .LBB2_24-.Ltmp11, $4  }
0x2b3: {  	[tilespmem:s11+$0xFFFFFFE0] =	vst v2  }
0x2b4: {  	[tilespmem:s11+$0xFFFFFFF0] =	vst v2  }
0x2b5: {  	[tilespmem:s11+$0x0] =	vst v2  }
0x2b6: {  	s14 =	sshra.s32 s12, $0x2;
	s12 =	sadd.s32 $0x40, s12;
	[tilespmem:s11+$0x10] =	vst v2  }
0x2b7: {  	v2 =	vld [tilespmem:s14+$0x1CD40];
	_ =	sdelay $0x3  }
0x2b8: {  	s11 =	sadd.s32 $0x40, s11  }
0x2b9: {  	[tilespmem:s11+$0xFFFFFFE0] =	vst v2  }
0x2ba: {  	[tilespmem:s11+$0xFFFFFFF0] =	vst v2  }
0x2bb: {  	[tilespmem:s11+$0x0] =	vst v2  }
0x2bc: {  	s25 =	simm.s32 $0x0;
	s12 =	rddreg [dreg:$0x14];
	s14 =	simm.s32 $0xE;
	[tilespmem:s11+$0x10] =	vst v2  }
0x2bd: {  	[hbm4b:s12+s25] =	stream.linear.scatter [tilespmem:s22], [sflag:$0xE], $0x1000, $0x38;
	[tilespmem:$0x1F940] =	vst v63  }
0x2be: {  	_ =	swait.ge [sflag:s14], $0x1000  }
0x2bf: {  	s12 =	sld [smem:$0x7F6];
	_ =	sdelay $0x1  }
0x2c0: {  	[sflag:s14] =	ssyncset.done $0x0  }
0x2c1: {  	s25 =	rddreg [dreg:$0x15];
	[sflag:s14] =	ssyncadd.s32 $0xFFFFF000;
	s11 =	sshrl.u32 s12, $0x3  }
0x2c2: {  	[hbm:s25], [sflag:s13] =	dma.local [spmem:s11], $0x200  }
0x2c3: {  	_ =	swait.ge [sflag:s14], $0x200  }
0x2c4: {  	s12 =	sld [smem:$0x7F7]  }
0x2c5: {  	[sflag:s14] =	ssyncset.done $0x0  }
0x2c6: {  	[sflag:s14] =	ssyncadd.s32 $0xFFFFFE00  }
0x2c7: {  	[tilespmem:s0], [sflag:$0xE] =	stream.linear.gather [spmem:s12], $0x400, $0x38;
	[tilespmem:$0x1F940] =	vst v63  }
0x2c8: {  	_ =	swait.ge [sflag:s14], $0x400  }
0x2c9: {  	[sflag:s14] =	ssyncset.done $0x0  }
0x2ca: {  	s25 =	simm.s32 $0x0;
	[sflag:s14] =	ssyncadd.s32 $0xFFFFFC00  }
0x2cb: {  	v2 =	vld [tilespmem:s25+$0x1CD40];
	_ =	sdelay $0x3  }
0x2cc: {  	s11 =	simm.s32 $0x11460  }
0x2cd: {  	[tilespmem:s11+$0xFFFFFFE0] =	vst v2  }
0x2ce: {  	[tilespmem:s11+$0xFFFFFFF0] =	vst v2  }
0x2cf: {  	[tilespmem:s11+$0x0] =	vst v2  }
0x2d0: {  	s12 =	simm.s32 $0x80;
	s14 =	simm.s32 $0x10;
	[tilespmem:s11+$0x10] =	vst v2  }
.LBB2_26:
0x2d1: {  	p1 =	sne.s32 s12, $0xFC0;
	v2 =	vld [tilespmem:s14+$0x1CD40];
	_ =	sdelay $0x3  }
.Ltmp12:
0x2d2: {  	s11 =	sadd.s32 $0x40, s11;
	(pc) =	sbr.rel @p1 .LBB2_26-.Ltmp12, $4  }
0x2d3: {  	[tilespmem:s11+$0xFFFFFFE0] =	vst v2  }
0x2d4: {  	[tilespmem:s11+$0xFFFFFFF0] =	vst v2  }
0x2d5: {  	[tilespmem:s11+$0x0] =	vst v2  }
0x2d6: {  	s14 =	sshra.s32 s12, $0x2;
	s12 =	sadd.s32 $0x40, s12;
	[tilespmem:s11+$0x10] =	vst v2  }
0x2d7: {  	v2 =	vld [tilespmem:s14+$0x1CD40];
	_ =	sdelay $0x3  }
0x2d8: {  	s11 =	sadd.s32 $0x40, s11  }
0x2d9: {  	[tilespmem:s11+$0xFFFFFFE0] =	vst v2  }
0x2da: {  	[tilespmem:s11+$0xFFFFFFF0] =	vst v2  }
0x2db: {  	[tilespmem:s11+$0x0] =	vst v2  }
0x2dc: {  	s25 =	simm.s32 $0x0;
	s12 =	rddreg [dreg:$0x16];
	[tilespmem:s11+$0x10] =	vst v2  }
0x2dd: {  	[hbm4b:s12+s25] =	stream.linear.scatter [tilespmem:s22], [sflag:$0xE], $0x1000, $0x38;
	[tilespmem:$0x1F940] =	vst v63  }
0x2de: {  	s22 =	simm.s32 $0xE  }
0x2df: {  	_ =	swait.ge [sflag:s22], $0x1000  }
0x2e0: {  	s14 =	sld [smem:$0x7FD];
	_ =	sdelay $0x1  }
0x2e1: {  	[sflag:s22] =	ssyncset.done $0x0  }
0x2e2: {  	s25 =	rddreg [dreg:$0x17];
	[sflag:s22] =	ssyncadd.s32 $0xFFFFF000;
	s12 =	sshrl.u32 s14, $0x3  }
0x2e3: {  	[hbm:s25], [sflag:s13] =	dma.local [spmem:s12], $0x200  }
0x2e4: {  	_ =	swait.ge [sflag:s22], $0x200  }
0x2e5: {  	s13 =	sld [smem:$0x7F8]  }
0x2e6: {  	[sflag:s22] =	ssyncset.done $0x0  }
0x2e7: {  	[sflag:s22] =	ssyncadd.s32 $0xFFFFFE00  }
0x2e8: {  	[tilespmem:s0], [sflag:$0xE] =	stream.linear.gather [spmem:s13], $0x400, $0x38;
	[tilespmem:$0x1F940] =	vst v63  }
0x2e9: {  	_ =	swait.ge [sflag:s22], $0x400  }
0x2ea: {  	[sflag:s22] =	ssyncset.done $0x0  }
0x2eb: {  	s25 =	simm.s32 $0x0;
	[sflag:s22] =	ssyncadd.s32 $0xFFFFFC00  }
0x2ec: {  	v2 =	vld [tilespmem:s25+$0x1CD40];
	_ =	sdelay $0x3  }
0x2ed: {  	s11 =	simm.s32 $0x11460  }
0x2ee: {  	[tilespmem:s11+$0xFFFFFFE0] =	vst v2  }
0x2ef: {  	[tilespmem:s11+$0xFFFFFFF0] =	vst v2  }
0x2f0: {  	[tilespmem:s11+$0x0] =	vst v2  }
0x2f1: {  	s12 =	simm.s32 $0x80;
	s13 =	simm.s32 $0x10;
	[tilespmem:s11+$0x10] =	vst v2  }
.LBB2_28:
0x2f2: {  	p1 =	sne.s32 s12, $0xFC0;
	v2 =	vld [tilespmem:s13+$0x1CD40];
	_ =	sdelay $0x3  }
.Ltmp13:
0x2f3: {  	s11 =	sadd.s32 $0x40, s11;
	(pc) =	sbr.rel @p1 .LBB2_28-.Ltmp13, $4  }
0x2f4: {  	[tilespmem:s11+$0xFFFFFFE0] =	vst v2  }
0x2f5: {  	[tilespmem:s11+$0xFFFFFFF0] =	vst v2  }
0x2f6: {  	[tilespmem:s11+$0x0] =	vst v2  }
0x2f7: {  	s13 =	sshra.s32 s12, $0x2;
	s12 =	sadd.s32 $0x40, s12;
	[tilespmem:s11+$0x10] =	vst v2  }
0x2f8: {  	v2 =	vld [tilespmem:s13+$0x1CD40];
	_ =	sdelay $0x3  }
0x2f9: {  	s11 =	sadd.s32 $0x40, s11  }
0x2fa: {  	[tilespmem:s11+$0xFFFFFFE0] =	vst v2  }
0x2fb: {  	[tilespmem:s11+$0xFFFFFFF0] =	vst v2  }
0x2fc: {  	s25 =	simm.s32 $0x0;
	[tilespmem:s11+$0x0] =	vst v2  }
0x2fd: {  	s12 =	rddreg [dreg:$0x18];
	s0 =	simm.s32 $0x11440;
	s22 =	simm.s32 $0xE;
	[tilespmem:s11+$0x10] =	vst v2  }
0x2fe: {  	[hbm4b:s12+s25] =	stream.linear.scatter [tilespmem:s0], [sflag:$0xE], $0x1000, $0x38;
	[tilespmem:$0x1F940] =	vst v63  }
0x2ff: {  	_ =	swait.ge [sflag:s22], $0x1000  }
0x300: {  	s0 =	sld [smem:$0x7EB]  }
0x301: {  	s25 =	sld [smem:$0x7FB];
	_ =	sdelay $0x1  }
0x302: {  	s0 =	sadd.s32 $0x1, s0  }
0x303: {  	p1 =	sne.s32 s0, s25  }
.Ltmp14:
0x304: {  	_ = 	snop;
	(pc) =	sbr.rel @p1 .LBB2_1-.Ltmp14, $3  }
0x305: {  	_ =	sdelay $0x1  }
0x306: {  	[sflag:s22] =	ssyncset.done $0x0  }
0x307: {  	[sflag:s22] =	ssyncadd.s32 $0xFFFFF000  }
0x308: {  	_ =	sfence.sel $0x180000  }
0x309: {  	[bflag:$0x0] =	sbarrier.arrive $0xFFFF  }
0x30a: {  	_ =	strace $0x90000047  }
0x30b: {  	s0 =	stileid.u32;
	[bflag:$0x2] =	sbarrier.arrive $0xFFFF  }
0x30c: {  	p0 =	sne.s32 s0, $0x0;
	s0 =	rddreg [dreg:$0x4]  }
0x30d: {  	s0 =	sadd.s32 @!p0 $0x100000, s0  }
0x30e: {  	[sflag:s0] =	ssyncadd.tile.s32 @!p0 $0x1;
	_ =	shalt  }
.Lfunc_end2:
_tile_overlayer_lowered:
.L_overlay_start_2:
0x30f: {  	(tag) =	ssettag $0x2  }
0x310: {  	s0 =	rddreg [dreg:$0x0];
	s2 =	stileid.u32  }
0x311: {  	s1 =	rddreg [dreg:$0x1];
	p0 =	sne.s32 s2, $0x0  }
0x312: {  	s3 =	rddreg [dreg:$0x2];
	[bflag:$0x3] =	sbarrier.arrive $0xFFFF;
	s2 =	simm.s32 @!p0 $0x1C0E  }
0x313: {  	[timem:s3], [sflag:s2] =	dma.local @!p0 [hbm:s0], s1  }
0x314: {  	s0 =	simm.s32 @!p0 $0xE  }
0x315: {  	_ =	swait.ge @!p0 [sflag:s0], s1  }
0x316: {  	s1 =	ssub.s32 @!p0 $0x0, s1;
	[sflag:s0] =	ssyncset.done @!p0 $0x0  }
0x317: {  	[sflag:s0] =	ssyncadd.s32 @!p0 s1  }
0x318: {  	[bflag:$0x3] =	sbarrier.arrive $0xFFFF  }
0x319: {  	_ =	shalt  }

</sc_bundles>
